<compile_context>
chip_gen: v7x
topology: tpu7x:2x2x1
jax: 0.10.2.dev20260603
libtpu: 0.0.44.dev20260713+nightly
codegen_flags: <defaults>
</compile_context>

<pallas_src>
import functools

import jax
import jax.numpy as jnp
from jax import lax
from jax.experimental import pallas as pl
from jax.experimental.pallas import tpu as pltpu
from jax.experimental.pallas import tpu_sc as plsc

N = 10000
NP = 10240
E = 320000
D = 128
H = 128
G = 16

NC = 2
NS = 16
NW = NC * NS
ROWS_PER_TILE = NP // NS
CH = 125
CPW = 80
NDB = 2
NIB = 4

RB = 1024
GRID = NP // RB



def _sc_segsum_body(h_hbm, idx_hbm, zeros_hbm, out_hbm,
                    i0, i1, i2, i3, r0, r1,
                    gs0, gs1, ss0, ss1, is0, is1, is2, is3, acc_sh):
    iring = (i0, i1, i2, i3)
    isem = (is0, is1, is2, is3)
    rows = (r0, r1)
    gsem = (gs0, gs1)
    ssem = (ss0, ss1)
    c = lax.axis_index("c")
    s = lax.axis_index("s")
    wid = c * NS + s
    own = pl.ds(s * ROWS_PER_TILE, ROWS_PER_TILE)
    pltpu.sync_copy(zeros_hbm, acc_sh.at[own])
    plsc.subcore_barrier()

    def fire_idx(k, j):
        pltpu.async_copy(idx_hbm.at[wid, j], iring[k], isem[k])

    def wait_idx(k, j):
        pltpu.make_async_copy(idx_hbm.at[wid, j], iring[k], isem[k]).wait()

    def fire_gather(b, k, j):
        pltpu.async_copy(h_hbm.at[iring[k].at[0]], rows[b], gsem[b])

    def wait_gather(b, k, j):
        pltpu.make_async_copy(h_hbm.at[iring[k].at[0]], rows[b],
                              gsem[b]).wait()

    def fire_scatter(b, k, j):
        pltpu.async_copy(rows[b], acc_sh.at[iring[k].at[1]], ssem[b],
                         add=True)

    def wait_scatter(b, k, j):
        pltpu.make_async_copy(rows[b], acc_sh.at[iring[k].at[1]],
                              ssem[b]).wait()

    for k in range(NIB):
        fire_idx(k, k)
    wait_idx(0, 0)
    fire_gather(0, 0, 0)
    wait_idx(1, 1)
    fire_gather(1, 1, 1)

    def group(g, carry):
        for b in range(4):
            j = 4 * g + b
            d = b & 1
            wait_gather(d, b, j)
            fire_scatter(d, b, j)

            @pl.when(j + 2 < CPW)
            def _():
                wait_scatter(d, b, j)
                @pl.when(j + NIB < CPW)
                def _():
                    fire_idx(b, j + NIB)

                wait_idx((b + 2) % NIB, j + 2)
                fire_gather(d, (b + 2) % NIB, j + 2)
        return carry

    lax.fori_loop(0, CPW // 4, group, 0)
    wait_scatter(0, 2, CPW - 2)
    wait_scatter(1, 3, CPW - 1)
    plsc.subcore_barrier()
    pltpu.sync_copy(acc_sh.at[own], out_hbm.at[c, own])


@functools.lru_cache(maxsize=1)
def _make_sc_segsum():
    return functools.partial(
        pl.kernel,
        out_type=jax.ShapeDtypeStruct((NC, NP, H), jnp.float32),
        mesh=plsc.VectorSubcoreMesh(core_axis_name="c", subcore_axis_name="s"),
        scratch_types=[pltpu.VMEM((2, CH), jnp.int32)] * NIB + [
            pltpu.VMEM((CH, H), jnp.float32),
            pltpu.VMEM((CH, H), jnp.float32),
        ] + [pltpu.SemaphoreType.DMA] * (2 * NDB + NIB)
        + [pltpu.VMEM_SHARED((NP, H), jnp.float32)],
    )(_sc_segsum_body)


def _sc_segsum(h, idx4, zeros):
    return _make_sc_segsum()(h, idx4, zeros)



def _row_mask(pid):
    rows = lax.broadcasted_iota(jnp.int32, (RB, 1), 0) + pid * RB
    return (rows < N).astype(jnp.float32)


def _mlp(z0, w1, b1, w2, b2):
    t = jnp.maximum(jnp.dot(z0, w1, preferred_element_type=jnp.float32) + b1, 0.0)
    return jnp.dot(t, w2, preferred_element_type=jnp.float32) + b2


def _store_stats(st_ref, z, pid):
    m = _row_mask(pid)
    zm = z * m
    s1 = jnp.sum(zm, axis=0, keepdims=True)
    s2 = jnp.sum(zm * z, axis=0, keepdims=True)
    st = jnp.concatenate([s1, s2, jnp.zeros((6, H), jnp.float32)], axis=0)

    @pl.when(pid == 0)
    def _():
        st_ref[...] = st

    @pl.when(pid != 0)
    def _():
        st_ref[...] = st_ref[...] + st


def _a0_body(p_ref, h_ref, w1_ref, b1_ref, w2_ref, b2_ref,
             gw1_ref, gb1_ref, gw2_ref, gb2_ref, eps_ref,
             z_ref, st_ref, g0_ref):
    pid = pl.program_id(0)
    z0 = p_ref[0] + p_ref[1] + h_ref[...]
    z = _mlp(z0, w1_ref[...], b1_ref[...], w2_ref[...], b2_ref[...])
    z_ref[...] = z
    _store_stats(st_ref, z, pid)
    sg = z0[:, 0:1] + eps_ref[:, 0:1] * h_ref[:, 0:1]
    tg = jnp.maximum(sg * gw1_ref[...] + gb1_ref[...], 0.0)
    g0_ref[...] = jnp.dot(tg, gw2_ref[...], preferred_element_type=jnp.float32) + gb2_ref[...]


def _a_body(p_ref, h_ref, w1_ref, b1_ref, w2_ref, b2_ref, z_ref, st_ref):
    pid = pl.program_id(0)
    z0 = p_ref[0] + p_ref[1] + h_ref[...]
    z = _mlp(z0, w1_ref[...], b1_ref[...], w2_ref[...], b2_ref[...])
    z_ref[...] = z
    _store_stats(st_ref, z, pid)


def _b_body(z_ref, st_ref, g_ref, b_ref, h_ref):
    mu = st_ref[0:1, :] * (1.0 / N)
    ex2 = st_ref[1:2, :] * (1.0 / N)
    var = ex2 - mu * mu
    scale = g_ref[...] * lax.rsqrt(var + 1e-5)
    h_ref[...] = z_ref[...] * scale + (b_ref[...] - mu * scale)


def _g1_body(p_ref, g_ref, w1_ref, b1_ref, w2_ref, b2_ref, eps_ref, o_ref):
    z0 = p_ref[0] + p_ref[1] + (1.0 + eps_ref[...]) * g_ref[...]
    o_ref[...] = _mlp(z0, w1_ref[...], b1_ref[...], w2_ref[...], b2_ref[...])


def _pool_body(h1_ref, h2_ref, h3_ref, g0_ref, g1_ref, bf_ref,
               pw1_ref, pb1_ref, pw2_ref, pb2_ref, out_ref, accf, accc):
    pid = pl.program_id(0)
    feat = jnp.concatenate([h1_ref[...], h2_ref[...], h3_ref[...],
                            g0_ref[...], g1_ref[...]], axis=1)
    ids = lax.broadcasted_iota(jnp.int32, (1, G), 1).astype(jnp.float32)
    oh = (bf_ref[...] == ids).astype(jnp.float32)
    dn = (((0,), (0,)), ((), ()))
    pf = lax.dot_general(oh, feat, dn, preferred_element_type=jnp.float32)
    pc = lax.dot_general(oh, jnp.ones((RB, H), jnp.float32), dn,
                         preferred_element_type=jnp.float32)

    @pl.when(pid == 0)
    def _():
        accf[...] = pf
        accc[...] = pc

    @pl.when(pid != 0)
    def _():
        accf[...] = accf[...] + pf
        accc[...] = accc[...] + pc

    @pl.when(pid == GRID - 1)
    def _():
        cnt = jnp.maximum(accc[...][:, 0:1], 1.0)
        pooled = accf[...] / cnt
        hdn = jnp.maximum(
            jnp.dot(pooled, pw1_ref[...], preferred_element_type=jnp.float32)
            + pb1_ref[...], 0.0)
        out_ref[...] = (jnp.dot(hdn, pw2_ref[...], preferred_element_type=jnp.float32)
                        + pb2_ref[...])


def _rows(shape):
    nd = len(shape)
    blk = (RB,) + shape[1:]
    return pl.BlockSpec(blk, lambda i: (i,) + (0,) * (nd - 1))


def _rows3(shape):
    blk = (shape[0], RB) + shape[2:]
    return pl.BlockSpec(blk, lambda i: (0, i) + (0,) * (len(shape) - 2))


def _full(shape):
    nd = len(shape)
    return pl.BlockSpec(shape, lambda i: (0,) * nd)


def _tc_call(body, in_specs, out_specs, out_shapes, scratch_shapes=()):
    return pl.pallas_call(
        body,
        grid=(GRID,),
        in_specs=in_specs,
        out_specs=out_specs,
        out_shape=out_shapes,
        scratch_shapes=list(scratch_shapes),
    )


_NPH = jax.ShapeDtypeStruct((NP, H), jnp.float32)
_ST = jax.ShapeDtypeStruct((8, H), jnp.float32)

_tc_a0 = _tc_call(
    _a0_body,
    [_rows3((NC, NP, H)), _rows((NP, H)), _full((H, H)), _full((1, H)),
     _full((H, H)), _full((1, H)), _full((1, H)), _full((1, H)),
     _full((H, H)), _full((1, H)), _full((1, H))],
    [_rows((NP, H)), _full((8, H)), _rows((NP, H))],
    [_NPH, _ST, _NPH],
)

_tc_a = _tc_call(
    _a_body,
    [_rows3((NC, NP, H)), _rows((NP, H)), _full((H, H)), _full((1, H)),
     _full((H, H)), _full((1, H))],
    [_rows((NP, H)), _full((8, H))],
    [_NPH, _ST],
)

_tc_b = _tc_call(
    _b_body,
    [_rows((NP, H)), _full((8, H)), _full((1, H)), _full((1, H))],
    _rows((NP, H)),
    _NPH,
)

_tc_g1 = _tc_call(
    _g1_body,
    [_rows3((NC, NP, H)), _rows((NP, H)), _full((H, H)), _full((1, H)),
     _full((H, H)), _full((1, H)), _full((1, H))],
    _rows((NP, H)),
    _NPH,
)

_PIN = 5 * H
_PH = 2 * H

_tc_pool = _tc_call(
    _pool_body,
    [_rows((NP, H))] * 5 + [_rows((NP, 1)), _full((_PIN, _PH)), _full((1, _PH)),
                            _full((_PH, D)), _full((1, D))],
    _full((G, D)),
    jax.ShapeDtypeStruct((G, D), jnp.float32),
    scratch_shapes=[pltpu.VMEM((G, _PIN), jnp.float32),
                    pltpu.VMEM((G, H), jnp.float32)],
)


def kernel(x, edge_index, batch, bW1, bb1, bW2, bb2, bng, bnb,
           g0W1, g0b1, g0W2, g0b2, g0eps,
           g1W1, g1b1, g1W2, g1b2, g1eps,
           pW1, pb1, pW2, pb2):
    xp = jnp.pad(x, ((0, NP - N), (0, 0)))
    idx4 = jnp.stack([edge_index[0].reshape(NW, CPW, CH),
                      edge_index[1].reshape(NW, CPW, CH)], axis=2)
    zeros = jnp.zeros((ROWS_PER_TILE, H), jnp.float32)
    bfp = jnp.pad(batch.astype(jnp.float32).reshape(N, 1),
                  ((0, NP - N), (0, 0)), constant_values=float(G))
    e0 = jnp.broadcast_to(jnp.reshape(g0eps, (1, 1)), (1, H))
    e1 = jnp.broadcast_to(jnp.reshape(g1eps, (1, 1)), (1, H))

    pX = _sc_segsum(xp, idx4, zeros)
    z0, st0, gout0 = _tc_a0(pX, xp, bW1[0], bb1[0][None], bW2[0], bb2[0][None],
                            g0W1, g0b1[None], g0W2, g0b2[None], e0)
    h1 = _tc_b(z0, st0, bng[0][None], bnb[0][None])
    pg = _sc_segsum(gout0, idx4, zeros)
    p1 = _sc_segsum(h1, idx4, zeros)
    gout1 = _tc_g1(pg, gout0, g1W1, g1b1[None], g1W2, g1b2[None], e1)
    z1, st1 = _tc_a(p1, h1, bW1[1], bb1[1][None], bW2[1], bb2[1][None])
    h2 = _tc_b(z1, st1, bng[1][None], bnb[1][None])
    p2 = _sc_segsum(h2, idx4, zeros)
    z2, st2 = _tc_a(p2, h2, bW1[2], bb1[2][None], bW2[2], bb2[2][None])
    h3 = _tc_b(z2, st2, bng[2][None], bnb[2][None])
    out = _tc_pool(h1, h2, h3, gout0, gout1, bfp,
                   pW1, pb1[None], pW2, pb2[None])
    return out

# --- scband reference (transcript-rebuilt; emitter-appended) ---
"""Pipeline reference for scband-gpnn-21449066676829 (READ-ONLY COPY).

The authoritative reference and input builder live on the scoring server;
editing this copy changes nothing except your own understanding.
"""

import jax, jax.numpy as jnp
import numpy as np

N = 10000
E = 320000
D = 128
H = 128
NUM_GRAPHS = 16


def setup_inputs(seed: int = 0):
    key = jax.random.key(seed)
    ks = jax.random.split(key, 16)
    s = 0.05
    inp = {}
    inp['x'] = jax.random.normal(ks[0], (N, D), dtype=jnp.float32)
    inp['edge_index'] = jax.random.randint(ks[1], (2, E), 0, N, dtype=jnp.int32)
    inp['batch'] = jnp.sort(jax.random.randint(ks[2], (N,), 0, NUM_GRAPHS, dtype=jnp.int32))
    inp['bW1'] = jax.random.normal(ks[3], (3, D, H), dtype=jnp.float32) * s
    inp['bb1'] = jnp.zeros((3, H), dtype=jnp.float32)
    inp['bW2'] = jax.random.normal(ks[4], (3, H, H), dtype=jnp.float32) * s
    inp['bb2'] = jnp.zeros((3, H), dtype=jnp.float32)
    inp['bng'] = jnp.ones((3, H), dtype=jnp.float32)
    inp['bnb'] = jnp.zeros((3, H), dtype=jnp.float32)
    inp['g0W1'] = jax.random.normal(ks[5], (1, H), dtype=jnp.float32) * s
    inp['g0b1'] = jnp.zeros((H,), dtype=jnp.float32)
    inp['g0W2'] = jax.random.normal(ks[6], (H, H), dtype=jnp.float32) * s
    inp['g0b2'] = jnp.zeros((H,), dtype=jnp.float32)
    inp['g0eps'] = jnp.zeros((), dtype=jnp.float32)
    inp['g1W1'] = jax.random.normal(ks[7], (H, H), dtype=jnp.float32) * s
    inp['g1b1'] = jnp.zeros((H,), dtype=jnp.float32)
    inp['g1W2'] = jax.random.normal(ks[8], (H, H), dtype=jnp.float32) * s
    inp['g1b2'] = jnp.zeros((H,), dtype=jnp.float32)
    inp['g1eps'] = jnp.zeros((), dtype=jnp.float32)
    pin = 3 * H + 2 * H
    ph = H + H
    inp['pW1'] = jax.random.normal(ks[9], (pin, ph), dtype=jnp.float32) * s
    inp['pb1'] = jnp.zeros((ph,), dtype=jnp.float32)
    inp['pW2'] = jax.random.normal(ks[10], (ph, D), dtype=jnp.float32) * s
    inp['pb2'] = jnp.zeros((D,), dtype=jnp.float32)
    return inp


def reference(x, edge_index, batch, bW1, bb1, bW2, bb2, bng, bnb,
              g0W1, g0b1, g0W2, g0b2, g0eps,
              g1W1, g1b1, g1W2, g1b2, g1eps,
              pW1, pb1, pW2, pb2):
    n = x.shape[0]
    src = edge_index[0]
    dst = edge_index[1]
    # base GNN: stack of GIN convs (eps=0, train_eps=False) + batch norm
    h = x
    base_outs = []
    for l in range(3):
        agg = jax.ops.segment_sum(h[src], dst, num_segments=n)
        z = agg + h
        z = jnp.maximum(z @ bW1[l] + bb1[l], 0.0)
        z = z @ bW2[l] + bb2[l]
        mu = jnp.mean(z, axis=0)
        var = jnp.var(z, axis=0)
        z = (z - mu) / jnp.sqrt(var + 1e-5) * bng[l] + bnb[l]
        h = z
        base_outs.append(h)
    # GPNN vertex convs over gamma = x[:, 0] (GIN with learnable eps)
    g = x[:, 0:1]
    agg = jax.ops.segment_sum(g[src], dst, num_segments=n)
    z = agg + (1.0 + g0eps) * g
    z = jnp.maximum(z @ g0W1 + g0b1, 0.0)
    g = z @ g0W2 + g0b2
    gout0 = g
    agg = jax.ops.segment_sum(g[src], dst, num_segments=n)
    z = agg + (1.0 + g1eps) * g
    z = jnp.maximum(z @ g1W1 + g1b1, 0.0)
    g = z @ g1W2 + g1b2
    gout1 = g
    # jumping-knowledge concat + per-graph mean pool + pool MLP
    feat = jnp.concatenate(base_outs + [gout0, gout1], axis=1)
    sums = jax.ops.segment_sum(feat, batch, num_segments=NUM_GRAPHS)
    cnt = jax.ops.segment_sum(jnp.ones((n,), dtype=feat.dtype), batch, num_segments=NUM_GRAPHS)
    pooled = sums / jnp.clip(cnt, 1.0)[:, None]
    hdn = jnp.maximum(pooled @ pW1 + pb1, 0.0)
    out = hdn @ pW2 + pb2
    return out

if __name__ == "__main__":
    import jax
    _d = setup_inputs()
    print(jax.jit(kernel)(*tuple(_d.values())))

</pallas_src>

<mosaic_0001>
#map = affine_map<(d0, d1) -> (0, 0)>
#map1 = affine_map<(d0, d1) -> (0, 0, 0, 0)>
#map2 = affine_map<(d0, d1) -> (0, 0, 0)>
module attributes {stable_mosaic.version = 14 : i64} {
  func.func @_sc_segsum_body(%arg0: i32, %arg1: i32, %arg2: memref<10240x128xf32, #tpu.memory_space<hbm>>, %arg3: memref<32x80x2x125xi32, #tpu.memory_space<hbm>>, %arg4: memref<640x128xf32, #tpu.memory_space<hbm>>, %arg5: memref<2x10240x128xf32, #tpu.memory_space<hbm>>, %arg6: memref<2x125xi32, #tpu.memory_space<vmem>>, %arg7: memref<2x125xi32, #tpu.memory_space<vmem>>, %arg8: memref<2x125xi32, #tpu.memory_space<vmem>>, %arg9: memref<2x125xi32, #tpu.memory_space<vmem>>, %arg10: memref<125x128xf32, #tpu.memory_space<vmem>>, %arg11: memref<125x128xf32, #tpu.memory_space<vmem>>, %arg12: memref<!tpu.dma_semaphore, #tpu.memory_space<semaphore_mem>>, %arg13: memref<!tpu.dma_semaphore, #tpu.memory_space<semaphore_mem>>, %arg14: memref<!tpu.dma_semaphore, #tpu.memory_space<semaphore_mem>>, %arg15: memref<!tpu.dma_semaphore, #tpu.memory_space<semaphore_mem>>, %arg16: memref<!tpu.dma_semaphore, #tpu.memory_space<semaphore_mem>>, %arg17: memref<!tpu.dma_semaphore, #tpu.memory_space<semaphore_mem>>, %arg18: memref<!tpu.dma_semaphore, #tpu.memory_space<semaphore_mem>>, %arg19: memref<!tpu.dma_semaphore, #tpu.memory_space<semaphore_mem>>, %arg20: memref<10240x128xf32, #tpu.memory_space<vmem_shared>>) attributes {dimension_semantics = [#tpu.dimension_semantics<core_parallel>, #tpu.dimension_semantics<subcore_parallel>], iteration_bounds = array<i64: 2, 16>, scalar_prefetch = 0 : i64, scratch_operands = 15 : i64, tpu.core_type = #tpu.core_type<sc_vector_subcore>, window_params = [{transform_indices = #map}, {transform_indices = #map1}, {transform_indices = #map}, {transform_indices = #map2}]} {
    %mul3A = arith.constant 16 : i32
    %mul3A_0 = arith.muli %arg0, %mul3A : i32
    %add3A = arith.addi %mul3A_0, %arg1 : i32
    %mul3A_1 = arith.constant 640 : i32
    %mul3A_2 = arith.muli %arg1, %mul3A_1 : i32
    "tpu.region"() ({
      %run_scoped3A = tpu.sem_alloc : memref<!tpu.dma_semaphore, #tpu.memory_space<semaphore_mem>>
      %dma_start3A_89 = arith.constant 0 : i32
      %dma_start3A_90 = tpu.memref_slice %arg20[%mul3A_2, %dma_start3A_89] : memref<10240x128xf32, #tpu.memory_space<vmem_shared>> -> memref<640x128xf32, #tpu.memory_space<vmem_shared>>
      tpu.enqueue_dma source(%arg4 : memref<640x128xf32, #tpu.memory_space<hbm>>) target(%dma_start3A_90 : memref<640x128xf32, #tpu.memory_space<vmem_shared>>) target_semaphore(%run_scoped3A : memref<!tpu.dma_semaphore, #tpu.memory_space<semaphore_mem>>)
      %dma_wait3A_91 = arith.constant 0 : i32
      %dma_wait3A_92 = tpu.memref_slice %arg20[%mul3A_2, %dma_wait3A_91] : memref<10240x128xf32, #tpu.memory_space<vmem_shared>> -> memref<640x128xf32, #tpu.memory_space<vmem_shared>>
      tpu.wait_dma2 semaphore(%run_scoped3A : memref<!tpu.dma_semaphore, #tpu.memory_space<semaphore_mem>>) src(%arg4 : memref<640x128xf32, #tpu.memory_space<hbm>>) dst(%dma_wait3A_92 : memref<640x128xf32, #tpu.memory_space<vmem_shared>>)
      tpu.yield
    }) : () -> ()
    %barrier3A = arith.constant 0 : index
    tpu.barrier barrier_id(%barrier3A)
    %dma_start3A = arith.constant 0 : i32
    %dma_start3A_3 = arith.constant 0 : i32
    %dma_start3A_4 = arith.constant 0 : i32
    %dma_start3A_5 = tpu.memref_slice %arg3[%add3A, %dma_start3A, %dma_start3A_3, %dma_start3A_4] : memref<32x80x2x125xi32, #tpu.memory_space<hbm>> -> memref<1x1x2x125xi32, #tpu.memory_space<hbm>>
    %dma_start3A_6 = tpu.memref_squeeze %dma_start3A_5 : memref<1x1x2x125xi32, #tpu.memory_space<hbm>> -> memref<2x125xi32, #tpu.memory_space<hbm>>
    %dma_start3A_7 = arith.constant 0 : i32
    %dma_start3A_8 = arith.constant 0 : i32
    %dma_start3A_9 = tpu.memref_slice %arg3[%add3A, %dma_start3A, %dma_start3A_7, %dma_start3A_8] : memref<32x80x2x125xi32, #tpu.memory_space<hbm>> -> memref<1x1x2x125xi32, #tpu.memory_space<hbm>>
    %dma_start3A_10 = tpu.memref_squeeze %dma_start3A_9 : memref<1x1x2x125xi32, #tpu.memory_space<hbm>> -> memref<2x125xi32, #tpu.memory_space<hbm>>
    tpu.enqueue_dma source(%dma_start3A_10 : memref<2x125xi32, #tpu.memory_space<hbm>>) target(%arg6 : memref<2x125xi32, #tpu.memory_space<vmem>>) target_semaphore(%arg16 : memref<!tpu.dma_semaphore, #tpu.memory_space<semaphore_mem>>)
    %dma_start3A_11 = arith.constant 1 : i32
    %dma_start3A_12 = arith.constant 0 : i32
    %dma_start3A_13 = arith.constant 0 : i32
    %dma_start3A_14 = tpu.memref_slice %arg3[%add3A, %dma_start3A_11, %dma_start3A_12, %dma_start3A_13] : memref<32x80x2x125xi32, #tpu.memory_space<hbm>> -> memref<1x1x2x125xi32, #tpu.memory_space<hbm>>
    %dma_start3A_15 = tpu.memref_squeeze %dma_start3A_14 : memref<1x1x2x125xi32, #tpu.memory_space<hbm>> -> memref<2x125xi32, #tpu.memory_space<hbm>>
    %dma_start3A_16 = arith.constant 0 : i32
    %dma_start3A_17 = arith.constant 0 : i32
    %dma_start3A_18 = tpu.memref_slice %arg3[%add3A, %dma_start3A_11, %dma_start3A_16, %dma_start3A_17] : memref<32x80x2x125xi32, #tpu.memory_space<hbm>> -> memref<1x1x2x125xi32, #tpu.memory_space<hbm>>
    %dma_start3A_19 = tpu.memref_squeeze %dma_start3A_18 : memref<1x1x2x125xi32, #tpu.memory_space<hbm>> -> memref<2x125xi32, #tpu.memory_space<hbm>>
    tpu.enqueue_dma source(%dma_start3A_19 : memref<2x125xi32, #tpu.memory_space<hbm>>) target(%arg7 : memref<2x125xi32, #tpu.memory_space<vmem>>) target_semaphore(%arg17 : memref<!tpu.dma_semaphore, #tpu.memory_space<semaphore_mem>>)
    %dma_start3A_20 = arith.constant 2 : i32
    %dma_start3A_21 = arith.constant 0 : i32
    %dma_start3A_22 = arith.constant 0 : i32
    %dma_start3A_23 = tpu.memref_slice %arg3[%add3A, %dma_start3A_20, %dma_start3A_21, %dma_start3A_22] : memref<32x80x2x125xi32, #tpu.memory_space<hbm>> -> memref<1x1x2x125xi32, #tpu.memory_space<hbm>>
    %dma_start3A_24 = tpu.memref_squeeze %dma_start3A_23 : memref<1x1x2x125xi32, #tpu.memory_space<hbm>> -> memref<2x125xi32, #tpu.memory_space<hbm>>
    %dma_start3A_25 = arith.constant 0 : i32
    %dma_start3A_26 = arith.constant 0 : i32
    %dma_start3A_27 = tpu.memref_slice %arg3[%add3A, %dma_start3A_20, %dma_start3A_25, %dma_start3A_26] : memref<32x80x2x125xi32, #tpu.memory_space<hbm>> -> memref<1x1x2x125xi32, #tpu.memory_space<hbm>>
    %dma_start3A_28 = tpu.memref_squeeze %dma_start3A_27 : memref<1x1x2x125xi32, #tpu.memory_space<hbm>> -> memref<2x125xi32, #tpu.memory_space<hbm>>
    tpu.enqueue_dma source(%dma_start3A_28 : memref<2x125xi32, #tpu.memory_space<hbm>>) target(%arg8 : memref<2x125xi32, #tpu.memory_space<vmem>>) target_semaphore(%arg18 : memref<!tpu.dma_semaphore, #tpu.memory_space<semaphore_mem>>)
    %dma_start3A_29 = arith.constant 3 : i32
    %dma_start3A_30 = arith.constant 0 : i32
    %dma_start3A_31 = arith.constant 0 : i32
    %dma_start3A_32 = tpu.memref_slice %arg3[%add3A, %dma_start3A_29, %dma_start3A_30, %dma_start3A_31] : memref<32x80x2x125xi32, #tpu.memory_space<hbm>> -> memref<1x1x2x125xi32, #tpu.memory_space<hbm>>
    %dma_start3A_33 = tpu.memref_squeeze %dma_start3A_32 : memref<1x1x2x125xi32, #tpu.memory_space<hbm>> -> memref<2x125xi32, #tpu.memory_space<hbm>>
    %dma_start3A_34 = arith.constant 0 : i32
    %dma_start3A_35 = arith.constant 0 : i32
    %dma_start3A_36 = tpu.memref_slice %arg3[%add3A, %dma_start3A_29, %dma_start3A_34, %dma_start3A_35] : memref<32x80x2x125xi32, #tpu.memory_space<hbm>> -> memref<1x1x2x125xi32, #tpu.memory_space<hbm>>
    %dma_start3A_37 = tpu.memref_squeeze %dma_start3A_36 : memref<1x1x2x125xi32, #tpu.memory_space<hbm>> -> memref<2x125xi32, #tpu.memory_space<hbm>>
    tpu.enqueue_dma source(%dma_start3A_37 : memref<2x125xi32, #tpu.memory_space<hbm>>) target(%arg9 : memref<2x125xi32, #tpu.memory_space<vmem>>) target_semaphore(%arg19 : memref<!tpu.dma_semaphore, #tpu.memory_space<semaphore_mem>>)
    %dma_wait3A = arith.constant 0 : i32
    %dma_wait3A_38 = arith.constant 0 : i32
    %dma_wait3A_39 = arith.constant 0 : i32
    %dma_wait3A_40 = tpu.memref_slice %arg3[%add3A, %dma_wait3A, %dma_wait3A_38, %dma_wait3A_39] : memref<32x80x2x125xi32, #tpu.memory_space<hbm>> -> memref<1x1x2x125xi32, #tpu.memory_space<hbm>>
    %dma_wait3A_41 = tpu.memref_squeeze %dma_wait3A_40 : memref<1x1x2x125xi32, #tpu.memory_space<hbm>> -> memref<2x125xi32, #tpu.memory_space<hbm>>
    %dma_wait3A_42 = arith.constant 0 : i32
    %dma_wait3A_43 = arith.constant 0 : i32
    %dma_wait3A_44 = tpu.memref_slice %arg3[%add3A, %dma_wait3A, %dma_wait3A_42, %dma_wait3A_43] : memref<32x80x2x125xi32, #tpu.memory_space<hbm>> -> memref<1x1x2x125xi32, #tpu.memory_space<hbm>>
    %dma_wait3A_45 = tpu.memref_squeeze %dma_wait3A_44 : memref<1x1x2x125xi32, #tpu.memory_space<hbm>> -> memref<2x125xi32, #tpu.memory_space<hbm>>
    tpu.wait_dma2 semaphore(%arg16 : memref<!tpu.dma_semaphore, #tpu.memory_space<semaphore_mem>>) src(%dma_wait3A_45 : memref<2x125xi32, #tpu.memory_space<hbm>>) dst(%arg6 : memref<2x125xi32, #tpu.memory_space<vmem>>)
    %dma_start3A_46 = arith.constant 0 : i32
    %dma_start3A_47 = arith.constant 0 : i32
    %dma_start3A_48 = tpu.memref_slice %arg6[%dma_start3A_46, %dma_start3A_47] : memref<2x125xi32, #tpu.memory_space<vmem>> -> memref<1x125xi32, #tpu.memory_space<vmem>>
    %dma_start3A_49 = tpu.memref_squeeze %dma_start3A_48 : memref<1x125xi32, #tpu.memory_space<vmem>> -> memref<125xi32, #tpu.memory_space<vmem>>
    %dma_start3A_50 = arith.constant 0 : i32
    %dma_start3A_51 = arith.constant 0 : i32
    %dma_start3A_52 = tpu.memref_slice %arg2[%dma_start3A_50, %dma_start3A_51] : memref<10240x128xf32, #tpu.memory_space<hbm>> -> memref<10240x128xf32, #tpu.memory_space<hbm>>
    tpu.enqueue_indirect_dma source(%dma_start3A_52 : memref<10240x128xf32, #tpu.memory_space<hbm>>) target(%arg10 : memref<125x128xf32, #tpu.memory_space<vmem>>) offsets(%dma_start3A_49 : memref<125xi32, #tpu.memory_space<vmem>>) semaphore(%arg12 : memref<!tpu.dma_semaphore, #tpu.memory_space<semaphore_mem>>)
    %dma_wait3A_53 = arith.constant 1 : i32
    %dma_wait3A_54 = arith.constant 0 : i32
    %dma_wait3A_55 = arith.constant 0 : i32
    %dma_wait3A_56 = tpu.memref_slice %arg3[%add3A, %dma_wait3A_53, %dma_wait3A_54, %dma_wait3A_55] : memref<32x80x2x125xi32, #tpu.memory_space<hbm>> -> memref<1x1x2x125xi32, #tpu.memory_space<hbm>>
    %dma_wait3A_57 = tpu.memref_squeeze %dma_wait3A_56 : memref<1x1x2x125xi32, #tpu.memory_space<hbm>> -> memref<2x125xi32, #tpu.memory_space<hbm>>
    %dma_wait3A_58 = arith.constant 0 : i32
    %dma_wait3A_59 = arith.constant 0 : i32
    %dma_wait3A_60 = tpu.memref_slice %arg3[%add3A, %dma_wait3A_53, %dma_wait3A_58, %dma_wait3A_59] : memref<32x80x2x125xi32, #tpu.memory_space<hbm>> -> memref<1x1x2x125xi32, #tpu.memory_space<hbm>>
    %dma_wait3A_61 = tpu.memref_squeeze %dma_wait3A_60 : memref<1x1x2x125xi32, #tpu.memory_space<hbm>> -> memref<2x125xi32, #tpu.memory_space<hbm>>
    tpu.wait_dma2 semaphore(%arg17 : memref<!tpu.dma_semaphore, #tpu.memory_space<semaphore_mem>>) src(%dma_wait3A_61 : memref<2x125xi32, #tpu.memory_space<hbm>>) dst(%arg7 : memref<2x125xi32, #tpu.memory_space<vmem>>)
    %dma_start3A_62 = arith.constant 0 : i32
    %dma_start3A_63 = arith.constant 0 : i32
    %dma_start3A_64 = tpu.memref_slice %arg7[%dma_start3A_62, %dma_start3A_63] : memref<2x125xi32, #tpu.memory_space<vmem>> -> memref<1x125xi32, #tpu.memory_space<vmem>>
    %dma_start3A_65 = tpu.memref_squeeze %dma_start3A_64 : memref<1x125xi32, #tpu.memory_space<vmem>> -> memref<125xi32, #tpu.memory_space<vmem>>
    %dma_start3A_66 = arith.constant 0 : i32
    %dma_start3A_67 = arith.constant 0 : i32
    %dma_start3A_68 = tpu.memref_slice %arg2[%dma_start3A_66, %dma_start3A_67] : memref<10240x128xf32, #tpu.memory_space<hbm>> -> memref<10240x128xf32, #tpu.memory_space<hbm>>
    tpu.enqueue_indirect_dma source(%dma_start3A_68 : memref<10240x128xf32, #tpu.memory_space<hbm>>) target(%arg11 : memref<125x128xf32, #tpu.memory_space<vmem>>) offsets(%dma_start3A_65 : memref<125xi32, #tpu.memory_space<vmem>>) semaphore(%arg13 : memref<!tpu.dma_semaphore, #tpu.memory_space<semaphore_mem>>)
    %scan3A = arith.constant 0 : i32
    %scan3A_69 = arith.constant 0 : i32
    %scan3A_70 = arith.constant 20 : i32
    %scan3A_71 = arith.addi %scan3A_69, %scan3A_70 : i32
    %scan3A_72 = arith.constant 1 : i32
    scf.for %scan3A_89 = %scan3A_69 to %scan3A_71 step %scan3A_72  : i32 {
      %mul3A_90 = arith.constant 4 : i32
      %mul3A_91 = arith.muli %mul3A_90, %scan3A_89 : i32
      %add3A_92 = arith.constant 0 : i32
      %add3A_93 = arith.addi %mul3A_91, %add3A_92 : i32
      %dma_wait3A_94 = arith.constant 0 : i32
      %dma_wait3A_95 = arith.constant 0 : i32
      %dma_wait3A_96 = tpu.memref_slice %arg6[%dma_wait3A_94, %dma_wait3A_95] : memref<2x125xi32, #tpu.memory_space<vmem>> -> memref<1x125xi32, #tpu.memory_space<vmem>>
      %dma_wait3A_97 = tpu.memref_squeeze %dma_wait3A_96 : memref<1x125xi32, #tpu.memory_space<vmem>> -> memref<125xi32, #tpu.memory_space<vmem>>
      %dma_wait3A_98 = arith.constant 0 : i32
      %dma_wait3A_99 = arith.constant 0 : i32
      %dma_wait3A_100 = tpu.memref_slice %arg2[%dma_wait3A_98, %dma_wait3A_99] : memref<10240x128xf32, #tpu.memory_space<hbm>> -> memref<10240x128xf32, #tpu.memory_space<hbm>>
      tpu.wait_indirect_dma semaphore(%arg12 : memref<!tpu.dma_semaphore, #tpu.memory_space<semaphore_mem>>) src(%dma_wait3A_100 : memref<10240x128xf32, #tpu.memory_space<hbm>>) dst(%arg10 : memref<125x128xf32, #tpu.memory_space<vmem>>)
      %dma_start3A_101 = arith.constant 1 : i32
      %dma_start3A_102 = arith.constant 0 : i32
      %dma_start3A_103 = tpu.memref_slice %arg6[%dma_start3A_101, %dma_start3A_102] : memref<2x125xi32, #tpu.memory_space<vmem>> -> memref<1x125xi32, #tpu.memory_space<vmem>>
      %dma_start3A_104 = tpu.memref_squeeze %dma_start3A_103 : memref<1x125xi32, #tpu.memory_space<vmem>> -> memref<125xi32, #tpu.memory_space<vmem>>
      %dma_start3A_105 = arith.constant 0 : i32
      %dma_start3A_106 = arith.constant 0 : i32
      %dma_start3A_107 = tpu.memref_slice %arg20[%dma_start3A_105, %dma_start3A_106] : memref<10240x128xf32, #tpu.memory_space<vmem_shared>> -> memref<10240x128xf32, #tpu.memory_space<vmem_shared>>
      tpu.enqueue_indirect_dma source(%arg10 : memref<125x128xf32, #tpu.memory_space<vmem>>) target(%dma_start3A_107 : memref<10240x128xf32, #tpu.memory_space<vmem_shared>>) offsets(%dma_start3A_104 : memref<125xi32, #tpu.memory_space<vmem>>) semaphore(%arg14 : memref<!tpu.dma_semaphore, #tpu.memory_space<semaphore_mem>>) {add = true}
      %add3A_108 = arith.constant 2 : i32
      %add3A_109 = arith.addi %add3A_93, %add3A_108 : i32
      %lt3A = arith.constant 80 : i32
      %lt3A_110 = arith.cmpi slt, %add3A_109, %lt3A : i32
      %convert_element_type3A = arith.extui %lt3A_110 : i1 to i32
      %cond3A = arith.constant 0 : i32
      %cond3A_111 = arith.cmpi ne, %convert_element_type3A, %cond3A : i32
      scf.if %cond3A_111 {
        %dma_wait3A_187 = arith.constant 1 : i32
        %dma_wait3A_188 = arith.constant 0 : i32
        %dma_wait3A_189 = tpu.memref_slice %arg6[%dma_wait3A_187, %dma_wait3A_188] : memref<2x125xi32, #tpu.memory_space<vmem>> -> memref<1x125xi32, #tpu.memory_space<vmem>>
        %dma_wait3A_190 = tpu.memref_squeeze %dma_wait3A_189 : memref<1x125xi32, #tpu.memory_space<vmem>> -> memref<125xi32, #tpu.memory_space<vmem>>
        %dma_wait3A_191 = arith.constant 0 : i32
        %dma_wait3A_192 = arith.constant 0 : i32
        %dma_wait3A_193 = tpu.memref_slice %arg20[%dma_wait3A_191, %dma_wait3A_192] : memref<10240x128xf32, #tpu.memory_space<vmem_shared>> -> memref<10240x128xf32, #tpu.memory_space<vmem_shared>>
        tpu.wait_indirect_dma semaphore(%arg14 : memref<!tpu.dma_semaphore, #tpu.memory_space<semaphore_mem>>) src(%arg10 : memref<125x128xf32, #tpu.memory_space<vmem>>) dst(%dma_wait3A_193 : memref<10240x128xf32, #tpu.memory_space<vmem_shared>>)
        %add3A_194 = arith.constant 4 : i32
        %add3A_195 = arith.addi %add3A_93, %add3A_194 : i32
        %lt3A_196 = arith.constant 80 : i32
        %lt3A_197 = arith.cmpi slt, %add3A_195, %lt3A_196 : i32
        %convert_element_type3A_198 = arith.extui %lt3A_197 : i1 to i32
        %cond3A_199 = arith.constant 0 : i32
        %cond3A_200 = arith.cmpi ne, %convert_element_type3A_198, %cond3A_199 : i32
        scf.if %cond3A_200 {
          %add3A_220 = arith.constant 4 : i32
          %add3A_221 = arith.addi %add3A_93, %add3A_220 : i32
          %dma_start3A_222 = arith.constant 0 : i32
          %dma_start3A_223 = arith.constant 0 : i32
          %dma_start3A_224 = tpu.memref_slice %arg3[%add3A, %add3A_221, %dma_start3A_222, %dma_start3A_223] : memref<32x80x2x125xi32, #tpu.memory_space<hbm>> -> memref<1x1x2x125xi32, #tpu.memory_space<hbm>>
          %dma_start3A_225 = tpu.memref_squeeze %dma_start3A_224 : memref<1x1x2x125xi32, #tpu.memory_space<hbm>> -> memref<2x125xi32, #tpu.memory_space<hbm>>
          %dma_start3A_226 = arith.constant 0 : i32
          %dma_start3A_227 = arith.constant 0 : i32
          %dma_start3A_228 = tpu.memref_slice %arg3[%add3A, %add3A_221, %dma_start3A_226, %dma_start3A_227] : memref<32x80x2x125xi32, #tpu.memory_space<hbm>> -> memref<1x1x2x125xi32, #tpu.memory_space<hbm>>
          %dma_start3A_229 = tpu.memref_squeeze %dma_start3A_228 : memref<1x1x2x125xi32, #tpu.memory_space<hbm>> -> memref<2x125xi32, #tpu.memory_space<hbm>>
          tpu.enqueue_dma source(%dma_start3A_229 : memref<2x125xi32, #tpu.memory_space<hbm>>) target(%arg6 : memref<2x125xi32, #tpu.memory_space<vmem>>) target_semaphore(%arg16 : memref<!tpu.dma_semaphore, #tpu.memory_space<semaphore_mem>>)
        } else {
        }
        %add3A_201 = arith.constant 2 : i32
        %add3A_202 = arith.addi %add3A_93, %add3A_201 : i32
        %dma_wait3A_203 = arith.constant 0 : i32
        %dma_wait3A_204 = arith.constant 0 : i32
        %dma_wait3A_205 = tpu.memref_slice %arg3[%add3A, %add3A_202, %dma_wait3A_203, %dma_wait3A_204] : memref<32x80x2x125xi32, #tpu.memory_space<hbm>> -> memref<1x1x2x125xi32, #tpu.memory_space<hbm>>
        %dma_wait3A_206 = tpu.memref_squeeze %dma_wait3A_205 : memref<1x1x2x125xi32, #tpu.memory_space<hbm>> -> memref<2x125xi32, #tpu.memory_space<hbm>>
        %dma_wait3A_207 = arith.constant 0 : i32
        %dma_wait3A_208 = arith.constant 0 : i32
        %dma_wait3A_209 = tpu.memref_slice %arg3[%add3A, %add3A_202, %dma_wait3A_207, %dma_wait3A_208] : memref<32x80x2x125xi32, #tpu.memory_space<hbm>> -> memref<1x1x2x125xi32, #tpu.memory_space<hbm>>
        %dma_wait3A_210 = tpu.memref_squeeze %dma_wait3A_209 : memref<1x1x2x125xi32, #tpu.memory_space<hbm>> -> memref<2x125xi32, #tpu.memory_space<hbm>>
        tpu.wait_dma2 semaphore(%arg18 : memref<!tpu.dma_semaphore, #tpu.memory_space<semaphore_mem>>) src(%dma_wait3A_210 : memref<2x125xi32, #tpu.memory_space<hbm>>) dst(%arg8 : memref<2x125xi32, #tpu.memory_space<vmem>>)
        %add3A_211 = arith.constant 2 : i32
        %add3A_212 = arith.addi %add3A_93, %add3A_211 : i32
        %dma_start3A_213 = arith.constant 0 : i32
        %dma_start3A_214 = arith.constant 0 : i32
        %dma_start3A_215 = tpu.memref_slice %arg8[%dma_start3A_213, %dma_start3A_214] : memref<2x125xi32, #tpu.memory_space<vmem>> -> memref<1x125xi32, #tpu.memory_space<vmem>>
        %dma_start3A_216 = tpu.memref_squeeze %dma_start3A_215 : memref<1x125xi32, #tpu.memory_space<vmem>> -> memref<125xi32, #tpu.memory_space<vmem>>
        %dma_start3A_217 = arith.constant 0 : i32
        %dma_start3A_218 = arith.constant 0 : i32
        %dma_start3A_219 = tpu.memref_slice %arg2[%dma_start3A_217, %dma_start3A_218] : memref<10240x128xf32, #tpu.memory_space<hbm>> -> memref<10240x128xf32, #tpu.memory_space<hbm>>
        tpu.enqueue_indirect_dma source(%dma_start3A_219 : memref<10240x128xf32, #tpu.memory_space<hbm>>) target(%arg10 : memref<125x128xf32, #tpu.memory_space<vmem>>) offsets(%dma_start3A_216 : memref<125xi32, #tpu.memory_space<vmem>>) semaphore(%arg12 : memref<!tpu.dma_semaphore, #tpu.memory_space<semaphore_mem>>)
      } else {
      }
      %mul3A_112 = arith.constant 4 : i32
      %mul3A_113 = arith.muli %mul3A_112, %scan3A_89 : i32
      %add3A_114 = arith.constant 1 : i32
      %add3A_115 = arith.addi %mul3A_113, %add3A_114 : i32
      %dma_wait3A_116 = arith.constant 0 : i32
      %dma_wait3A_117 = arith.constant 0 : i32
      %dma_wait3A_118 = tpu.memref_slice %arg7[%dma_wait3A_116, %dma_wait3A_117] : memref<2x125xi32, #tpu.memory_space<vmem>> -> memref<1x125xi32, #tpu.memory_space<vmem>>
      %dma_wait3A_119 = tpu.memref_squeeze %dma_wait3A_118 : memref<1x125xi32, #tpu.memory_space<vmem>> -> memref<125xi32, #tpu.memory_space<vmem>>
      %dma_wait3A_120 = arith.constant 0 : i32
      %dma_wait3A_121 = arith.constant 0 : i32
      %dma_wait3A_122 = tpu.memref_slice %arg2[%dma_wait3A_120, %dma_wait3A_121] : memref<10240x128xf32, #tpu.memory_space<hbm>> -> memref<10240x128xf32, #tpu.memory_space<hbm>>
      tpu.wait_indirect_dma semaphore(%arg13 : memref<!tpu.dma_semaphore, #tpu.memory_space<semaphore_mem>>) src(%dma_wait3A_122 : memref<10240x128xf32, #tpu.memory_space<hbm>>) dst(%arg11 : memref<125x128xf32, #tpu.memory_space<vmem>>)
      %dma_start3A_123 = arith.constant 1 : i32
      %dma_start3A_124 = arith.constant 0 : i32
      %dma_start3A_125 = tpu.memref_slice %arg7[%dma_start3A_123, %dma_start3A_124] : memref<2x125xi32, #tpu.memory_space<vmem>> -> memref<1x125xi32, #tpu.memory_space<vmem>>
      %dma_start3A_126 = tpu.memref_squeeze %dma_start3A_125 : memref<1x125xi32, #tpu.memory_space<vmem>> -> memref<125xi32, #tpu.memory_space<vmem>>
      %dma_start3A_127 = arith.constant 0 : i32
      %dma_start3A_128 = arith.constant 0 : i32
      %dma_start3A_129 = tpu.memref_slice %arg20[%dma_start3A_127, %dma_start3A_128] : memref<10240x128xf32, #tpu.memory_space<vmem_shared>> -> memref<10240x128xf32, #tpu.memory_space<vmem_shared>>
      tpu.enqueue_indirect_dma source(%arg11 : memref<125x128xf32, #tpu.memory_space<vmem>>) target(%dma_start3A_129 : memref<10240x128xf32, #tpu.memory_space<vmem_shared>>) offsets(%dma_start3A_126 : memref<125xi32, #tpu.memory_space<vmem>>) semaphore(%arg15 : memref<!tpu.dma_semaphore, #tpu.memory_space<semaphore_mem>>) {add = true}
      %add3A_130 = arith.constant 2 : i32
      %add3A_131 = arith.addi %add3A_115, %add3A_130 : i32
      %lt3A_132 = arith.constant 80 : i32
      %lt3A_133 = arith.cmpi slt, %add3A_131, %lt3A_132 : i32
      %convert_element_type3A_134 = arith.extui %lt3A_133 : i1 to i32
      %cond3A_135 = arith.constant 0 : i32
      %cond3A_136 = arith.cmpi ne, %convert_element_type3A_134, %cond3A_135 : i32
      scf.if %cond3A_136 {
        %dma_wait3A_187 = arith.constant 1 : i32
        %dma_wait3A_188 = arith.constant 0 : i32
        %dma_wait3A_189 = tpu.memref_slice %arg7[%dma_wait3A_187, %dma_wait3A_188] : memref<2x125xi32, #tpu.memory_space<vmem>> -> memref<1x125xi32, #tpu.memory_space<vmem>>
        %dma_wait3A_190 = tpu.memref_squeeze %dma_wait3A_189 : memref<1x125xi32, #tpu.memory_space<vmem>> -> memref<125xi32, #tpu.memory_space<vmem>>
        %dma_wait3A_191 = arith.constant 0 : i32
        %dma_wait3A_192 = arith.constant 0 : i32
        %dma_wait3A_193 = tpu.memref_slice %arg20[%dma_wait3A_191, %dma_wait3A_192] : memref<10240x128xf32, #tpu.memory_space<vmem_shared>> -> memref<10240x128xf32, #tpu.memory_space<vmem_shared>>
        tpu.wait_indirect_dma semaphore(%arg15 : memref<!tpu.dma_semaphore, #tpu.memory_space<semaphore_mem>>) src(%arg11 : memref<125x128xf32, #tpu.memory_space<vmem>>) dst(%dma_wait3A_193 : memref<10240x128xf32, #tpu.memory_space<vmem_shared>>)
        %add3A_194 = arith.constant 4 : i32
        %add3A_195 = arith.addi %add3A_115, %add3A_194 : i32
        %lt3A_196 = arith.constant 80 : i32
        %lt3A_197 = arith.cmpi slt, %add3A_195, %lt3A_196 : i32
        %convert_element_type3A_198 = arith.extui %lt3A_197 : i1 to i32
        %cond3A_199 = arith.constant 0 : i32
        %cond3A_200 = arith.cmpi ne, %convert_element_type3A_198, %cond3A_199 : i32
        scf.if %cond3A_200 {
          %add3A_220 = arith.constant 4 : i32
          %add3A_221 = arith.addi %add3A_115, %add3A_220 : i32
          %dma_start3A_222 = arith.constant 0 : i32
          %dma_start3A_223 = arith.constant 0 : i32
          %dma_start3A_224 = tpu.memref_slice %arg3[%add3A, %add3A_221, %dma_start3A_222, %dma_start3A_223] : memref<32x80x2x125xi32, #tpu.memory_space<hbm>> -> memref<1x1x2x125xi32, #tpu.memory_space<hbm>>
          %dma_start3A_225 = tpu.memref_squeeze %dma_start3A_224 : memref<1x1x2x125xi32, #tpu.memory_space<hbm>> -> memref<2x125xi32, #tpu.memory_space<hbm>>
          %dma_start3A_226 = arith.constant 0 : i32
          %dma_start3A_227 = arith.constant 0 : i32
          %dma_start3A_228 = tpu.memref_slice %arg3[%add3A, %add3A_221, %dma_start3A_226, %dma_start3A_227] : memref<32x80x2x125xi32, #tpu.memory_space<hbm>> -> memref<1x1x2x125xi32, #tpu.memory_space<hbm>>
          %dma_start3A_229 = tpu.memref_squeeze %dma_start3A_228 : memref<1x1x2x125xi32, #tpu.memory_space<hbm>> -> memref<2x125xi32, #tpu.memory_space<hbm>>
          tpu.enqueue_dma source(%dma_start3A_229 : memref<2x125xi32, #tpu.memory_space<hbm>>) target(%arg7 : memref<2x125xi32, #tpu.memory_space<vmem>>) target_semaphore(%arg17 : memref<!tpu.dma_semaphore, #tpu.memory_space<semaphore_mem>>)
        } else {
        }
        %add3A_201 = arith.constant 2 : i32
        %add3A_202 = arith.addi %add3A_115, %add3A_201 : i32
        %dma_wait3A_203 = arith.constant 0 : i32
        %dma_wait3A_204 = arith.constant 0 : i32
        %dma_wait3A_205 = tpu.memref_slice %arg3[%add3A, %add3A_202, %dma_wait3A_203, %dma_wait3A_204] : memref<32x80x2x125xi32, #tpu.memory_space<hbm>> -> memref<1x1x2x125xi32, #tpu.memory_space<hbm>>
        %dma_wait3A_206 = tpu.memref_squeeze %dma_wait3A_205 : memref<1x1x2x125xi32, #tpu.memory_space<hbm>> -> memref<2x125xi32, #tpu.memory_space<hbm>>
        %dma_wait3A_207 = arith.constant 0 : i32
        %dma_wait3A_208 = arith.constant 0 : i32
        %dma_wait3A_209 = tpu.memref_slice %arg3[%add3A, %add3A_202, %dma_wait3A_207, %dma_wait3A_208] : memref<32x80x2x125xi32, #tpu.memory_space<hbm>> -> memref<1x1x2x125xi32, #tpu.memory_space<hbm>>
        %dma_wait3A_210 = tpu.memref_squeeze %dma_wait3A_209 : memref<1x1x2x125xi32, #tpu.memory_space<hbm>> -> memref<2x125xi32, #tpu.memory_space<hbm>>
        tpu.wait_dma2 semaphore(%arg19 : memref<!tpu.dma_semaphore, #tpu.memory_space<semaphore_mem>>) src(%dma_wait3A_210 : memref<2x125xi32, #tpu.memory_space<hbm>>) dst(%arg9 : memref<2x125xi32, #tpu.memory_space<vmem>>)
        %add3A_211 = arith.constant 2 : i32
        %add3A_212 = arith.addi %add3A_115, %add3A_211 : i32
        %dma_start3A_213 = arith.constant 0 : i32
        %dma_start3A_214 = arith.constant 0 : i32
        %dma_start3A_215 = tpu.memref_slice %arg9[%dma_start3A_213, %dma_start3A_214] : memref<2x125xi32, #tpu.memory_space<vmem>> -> memref<1x125xi32, #tpu.memory_space<vmem>>
        %dma_start3A_216 = tpu.memref_squeeze %dma_start3A_215 : memref<1x125xi32, #tpu.memory_space<vmem>> -> memref<125xi32, #tpu.memory_space<vmem>>
        %dma_start3A_217 = arith.constant 0 : i32
        %dma_start3A_218 = arith.constant 0 : i32
        %dma_start3A_219 = tpu.memref_slice %arg2[%dma_start3A_217, %dma_start3A_218] : memref<10240x128xf32, #tpu.memory_space<hbm>> -> memref<10240x128xf32, #tpu.memory_space<hbm>>
        tpu.enqueue_indirect_dma source(%dma_start3A_219 : memref<10240x128xf32, #tpu.memory_space<hbm>>) target(%arg11 : memref<125x128xf32, #tpu.memory_space<vmem>>) offsets(%dma_start3A_216 : memref<125xi32, #tpu.memory_space<vmem>>) semaphore(%arg13 : memref<!tpu.dma_semaphore, #tpu.memory_space<semaphore_mem>>)
      } else {
      }
      %mul3A_137 = arith.constant 4 : i32
      %mul3A_138 = arith.muli %mul3A_137, %scan3A_89 : i32
      %add3A_139 = arith.constant 2 : i32
      %add3A_140 = arith.addi %mul3A_138, %add3A_139 : i32
      %dma_wait3A_141 = arith.constant 0 : i32
      %dma_wait3A_142 = arith.constant 0 : i32
      %dma_wait3A_143 = tpu.memref_slice %arg8[%dma_wait3A_141, %dma_wait3A_142] : memref<2x125xi32, #tpu.memory_space<vmem>> -> memref<1x125xi32, #tpu.memory_space<vmem>>
      %dma_wait3A_144 = tpu.memref_squeeze %dma_wait3A_143 : memref<1x125xi32, #tpu.memory_space<vmem>> -> memref<125xi32, #tpu.memory_space<vmem>>
      %dma_wait3A_145 = arith.constant 0 : i32
      %dma_wait3A_146 = arith.constant 0 : i32
      %dma_wait3A_147 = tpu.memref_slice %arg2[%dma_wait3A_145, %dma_wait3A_146] : memref<10240x128xf32, #tpu.memory_space<hbm>> -> memref<10240x128xf32, #tpu.memory_space<hbm>>
      tpu.wait_indirect_dma semaphore(%arg12 : memref<!tpu.dma_semaphore, #tpu.memory_space<semaphore_mem>>) src(%dma_wait3A_147 : memref<10240x128xf32, #tpu.memory_space<hbm>>) dst(%arg10 : memref<125x128xf32, #tpu.memory_space<vmem>>)
      %dma_start3A_148 = arith.constant 1 : i32
      %dma_start3A_149 = arith.constant 0 : i32
      %dma_start3A_150 = tpu.memref_slice %arg8[%dma_start3A_148, %dma_start3A_149] : memref<2x125xi32, #tpu.memory_space<vmem>> -> memref<1x125xi32, #tpu.memory_space<vmem>>
      %dma_start3A_151 = tpu.memref_squeeze %dma_start3A_150 : memref<1x125xi32, #tpu.memory_space<vmem>> -> memref<125xi32, #tpu.memory_space<vmem>>
      %dma_start3A_152 = arith.constant 0 : i32
      %dma_start3A_153 = arith.constant 0 : i32
      %dma_start3A_154 = tpu.memref_slice %arg20[%dma_start3A_152, %dma_start3A_153] : memref<10240x128xf32, #tpu.memory_space<vmem_shared>> -> memref<10240x128xf32, #tpu.memory_space<vmem_shared>>
      tpu.enqueue_indirect_dma source(%arg10 : memref<125x128xf32, #tpu.memory_space<vmem>>) target(%dma_start3A_154 : memref<10240x128xf32, #tpu.memory_space<vmem_shared>>) offsets(%dma_start3A_151 : memref<125xi32, #tpu.memory_space<vmem>>) semaphore(%arg14 : memref<!tpu.dma_semaphore, #tpu.memory_space<semaphore_mem>>) {add = true}
      %add3A_155 = arith.constant 2 : i32
      %add3A_156 = arith.addi %add3A_140, %add3A_155 : i32
      %lt3A_157 = arith.constant 80 : i32
      %lt3A_158 = arith.cmpi slt, %add3A_156, %lt3A_157 : i32
      %convert_element_type3A_159 = arith.extui %lt3A_158 : i1 to i32
      %cond3A_160 = arith.constant 0 : i32
      %cond3A_161 = arith.cmpi ne, %convert_element_type3A_159, %cond3A_160 : i32
      scf.if %cond3A_161 {
        %dma_wait3A_187 = arith.constant 1 : i32
        %dma_wait3A_188 = arith.constant 0 : i32
        %dma_wait3A_189 = tpu.memref_slice %arg8[%dma_wait3A_187, %dma_wait3A_188] : memref<2x125xi32, #tpu.memory_space<vmem>> -> memref<1x125xi32, #tpu.memory_space<vmem>>
        %dma_wait3A_190 = tpu.memref_squeeze %dma_wait3A_189 : memref<1x125xi32, #tpu.memory_space<vmem>> -> memref<125xi32, #tpu.memory_space<vmem>>
        %dma_wait3A_191 = arith.constant 0 : i32
        %dma_wait3A_192 = arith.constant 0 : i32
        %dma_wait3A_193 = tpu.memref_slice %arg20[%dma_wait3A_191, %dma_wait3A_192] : memref<10240x128xf32, #tpu.memory_space<vmem_shared>> -> memref<10240x128xf32, #tpu.memory_space<vmem_shared>>
        tpu.wait_indirect_dma semaphore(%arg14 : memref<!tpu.dma_semaphore, #tpu.memory_space<semaphore_mem>>) src(%arg10 : memref<125x128xf32, #tpu.memory_space<vmem>>) dst(%dma_wait3A_193 : memref<10240x128xf32, #tpu.memory_space<vmem_shared>>)
        %add3A_194 = arith.constant 4 : i32
        %add3A_195 = arith.addi %add3A_140, %add3A_194 : i32
        %lt3A_196 = arith.constant 80 : i32
        %lt3A_197 = arith.cmpi slt, %add3A_195, %lt3A_196 : i32
        %convert_element_type3A_198 = arith.extui %lt3A_197 : i1 to i32
        %cond3A_199 = arith.constant 0 : i32
        %cond3A_200 = arith.cmpi ne, %convert_element_type3A_198, %cond3A_199 : i32
        scf.if %cond3A_200 {
          %add3A_220 = arith.constant 4 : i32
          %add3A_221 = arith.addi %add3A_140, %add3A_220 : i32
          %dma_start3A_222 = arith.constant 0 : i32
          %dma_start3A_223 = arith.constant 0 : i32
          %dma_start3A_224 = tpu.memref_slice %arg3[%add3A, %add3A_221, %dma_start3A_222, %dma_start3A_223] : memref<32x80x2x125xi32, #tpu.memory_space<hbm>> -> memref<1x1x2x125xi32, #tpu.memory_space<hbm>>
          %dma_start3A_225 = tpu.memref_squeeze %dma_start3A_224 : memref<1x1x2x125xi32, #tpu.memory_space<hbm>> -> memref<2x125xi32, #tpu.memory_space<hbm>>
          %dma_start3A_226 = arith.constant 0 : i32
          %dma_start3A_227 = arith.constant 0 : i32
          %dma_start3A_228 = tpu.memref_slice %arg3[%add3A, %add3A_221, %dma_start3A_226, %dma_start3A_227] : memref<32x80x2x125xi32, #tpu.memory_space<hbm>> -> memref<1x1x2x125xi32, #tpu.memory_space<hbm>>
          %dma_start3A_229 = tpu.memref_squeeze %dma_start3A_228 : memref<1x1x2x125xi32, #tpu.memory_space<hbm>> -> memref<2x125xi32, #tpu.memory_space<hbm>>
          tpu.enqueue_dma source(%dma_start3A_229 : memref<2x125xi32, #tpu.memory_space<hbm>>) target(%arg8 : memref<2x125xi32, #tpu.memory_space<vmem>>) target_semaphore(%arg18 : memref<!tpu.dma_semaphore, #tpu.memory_space<semaphore_mem>>)
        } else {
        }
        %add3A_201 = arith.constant 2 : i32
        %add3A_202 = arith.addi %add3A_140, %add3A_201 : i32
        %dma_wait3A_203 = arith.constant 0 : i32
        %dma_wait3A_204 = arith.constant 0 : i32
        %dma_wait3A_205 = tpu.memref_slice %arg3[%add3A, %add3A_202, %dma_wait3A_203, %dma_wait3A_204] : memref<32x80x2x125xi32, #tpu.memory_space<hbm>> -> memref<1x1x2x125xi32, #tpu.memory_space<hbm>>
        %dma_wait3A_206 = tpu.memref_squeeze %dma_wait3A_205 : memref<1x1x2x125xi32, #tpu.memory_space<hbm>> -> memref<2x125xi32, #tpu.memory_space<hbm>>
        %dma_wait3A_207 = arith.constant 0 : i32
        %dma_wait3A_208 = arith.constant 0 : i32
        %dma_wait3A_209 = tpu.memref_slice %arg3[%add3A, %add3A_202, %dma_wait3A_207, %dma_wait3A_208] : memref<32x80x2x125xi32, #tpu.memory_space<hbm>> -> memref<1x1x2x125xi32, #tpu.memory_space<hbm>>
        %dma_wait3A_210 = tpu.memref_squeeze %dma_wait3A_209 : memref<1x1x2x125xi32, #tpu.memory_space<hbm>> -> memref<2x125xi32, #tpu.memory_space<hbm>>
        tpu.wait_dma2 semaphore(%arg16 : memref<!tpu.dma_semaphore, #tpu.memory_space<semaphore_mem>>) src(%dma_wait3A_210 : memref<2x125xi32, #tpu.memory_space<hbm>>) dst(%arg6 : memref<2x125xi32, #tpu.memory_space<vmem>>)
        %add3A_211 = arith.constant 2 : i32
        %add3A_212 = arith.addi %add3A_140, %add3A_211 : i32
        %dma_start3A_213 = arith.constant 0 : i32
        %dma_start3A_214 = arith.constant 0 : i32
        %dma_start3A_215 = tpu.memref_slice %arg6[%dma_start3A_213, %dma_start3A_214] : memref<2x125xi32, #tpu.memory_space<vmem>> -> memref<1x125xi32, #tpu.memory_space<vmem>>
        %dma_start3A_216 = tpu.memref_squeeze %dma_start3A_215 : memref<1x125xi32, #tpu.memory_space<vmem>> -> memref<125xi32, #tpu.memory_space<vmem>>
        %dma_start3A_217 = arith.constant 0 : i32
        %dma_start3A_218 = arith.constant 0 : i32
        %dma_start3A_219 = tpu.memref_slice %arg2[%dma_start3A_217, %dma_start3A_218] : memref<10240x128xf32, #tpu.memory_space<hbm>> -> memref<10240x128xf32, #tpu.memory_space<hbm>>
        tpu.enqueue_indirect_dma source(%dma_start3A_219 : memref<10240x128xf32, #tpu.memory_space<hbm>>) target(%arg10 : memref<125x128xf32, #tpu.memory_space<vmem>>) offsets(%dma_start3A_216 : memref<125xi32, #tpu.memory_space<vmem>>) semaphore(%arg12 : memref<!tpu.dma_semaphore, #tpu.memory_space<semaphore_mem>>)
      } else {
      }
      %mul3A_162 = arith.constant 4 : i32
      %mul3A_163 = arith.muli %mul3A_162, %scan3A_89 : i32
      %add3A_164 = arith.constant 3 : i32
      %add3A_165 = arith.addi %mul3A_163, %add3A_164 : i32
      %dma_wait3A_166 = arith.constant 0 : i32
      %dma_wait3A_167 = arith.constant 0 : i32
      %dma_wait3A_168 = tpu.memref_slice %arg9[%dma_wait3A_166, %dma_wait3A_167] : memref<2x125xi32, #tpu.memory_space<vmem>> -> memref<1x125xi32, #tpu.memory_space<vmem>>
      %dma_wait3A_169 = tpu.memref_squeeze %dma_wait3A_168 : memref<1x125xi32, #tpu.memory_space<vmem>> -> memref<125xi32, #tpu.memory_space<vmem>>
      %dma_wait3A_170 = arith.constant 0 : i32
      %dma_wait3A_171 = arith.constant 0 : i32
      %dma_wait3A_172 = tpu.memref_slice %arg2[%dma_wait3A_170, %dma_wait3A_171] : memref<10240x128xf32, #tpu.memory_space<hbm>> -> memref<10240x128xf32, #tpu.memory_space<hbm>>
      tpu.wait_indirect_dma semaphore(%arg13 : memref<!tpu.dma_semaphore, #tpu.memory_space<semaphore_mem>>) src(%dma_wait3A_172 : memref<10240x128xf32, #tpu.memory_space<hbm>>) dst(%arg11 : memref<125x128xf32, #tpu.memory_space<vmem>>)
      %dma_start3A_173 = arith.constant 1 : i32
      %dma_start3A_174 = arith.constant 0 : i32
      %dma_start3A_175 = tpu.memref_slice %arg9[%dma_start3A_173, %dma_start3A_174] : memref<2x125xi32, #tpu.memory_space<vmem>> -> memref<1x125xi32, #tpu.memory_space<vmem>>
      %dma_start3A_176 = tpu.memref_squeeze %dma_start3A_175 : memref<1x125xi32, #tpu.memory_space<vmem>> -> memref<125xi32, #tpu.memory_space<vmem>>
      %dma_start3A_177 = arith.constant 0 : i32
      %dma_start3A_178 = arith.constant 0 : i32
      %dma_start3A_179 = tpu.memref_slice %arg20[%dma_start3A_177, %dma_start3A_178] : memref<10240x128xf32, #tpu.memory_space<vmem_shared>> -> memref<10240x128xf32, #tpu.memory_space<vmem_shared>>
      tpu.enqueue_indirect_dma source(%arg11 : memref<125x128xf32, #tpu.memory_space<vmem>>) target(%dma_start3A_179 : memref<10240x128xf32, #tpu.memory_space<vmem_shared>>) offsets(%dma_start3A_176 : memref<125xi32, #tpu.memory_space<vmem>>) semaphore(%arg15 : memref<!tpu.dma_semaphore, #tpu.memory_space<semaphore_mem>>) {add = true}
      %add3A_180 = arith.constant 2 : i32
      %add3A_181 = arith.addi %add3A_165, %add3A_180 : i32
      %lt3A_182 = arith.constant 80 : i32
      %lt3A_183 = arith.cmpi slt, %add3A_181, %lt3A_182 : i32
      %convert_element_type3A_184 = arith.extui %lt3A_183 : i1 to i32
      %cond3A_185 = arith.constant 0 : i32
      %cond3A_186 = arith.cmpi ne, %convert_element_type3A_184, %cond3A_185 : i32
      scf.if %cond3A_186 {
        %dma_wait3A_187 = arith.constant 1 : i32
        %dma_wait3A_188 = arith.constant 0 : i32
        %dma_wait3A_189 = tpu.memref_slice %arg9[%dma_wait3A_187, %dma_wait3A_188] : memref<2x125xi32, #tpu.memory_space<vmem>> -> memref<1x125xi32, #tpu.memory_space<vmem>>
        %dma_wait3A_190 = tpu.memref_squeeze %dma_wait3A_189 : memref<1x125xi32, #tpu.memory_space<vmem>> -> memref<125xi32, #tpu.memory_space<vmem>>
        %dma_wait3A_191 = arith.constant 0 : i32
        %dma_wait3A_192 = arith.constant 0 : i32
        %dma_wait3A_193 = tpu.memref_slice %arg20[%dma_wait3A_191, %dma_wait3A_192] : memref<10240x128xf32, #tpu.memory_space<vmem_shared>> -> memref<10240x128xf32, #tpu.memory_space<vmem_shared>>
        tpu.wait_indirect_dma semaphore(%arg15 : memref<!tpu.dma_semaphore, #tpu.memory_space<semaphore_mem>>) src(%arg11 : memref<125x128xf32, #tpu.memory_space<vmem>>) dst(%dma_wait3A_193 : memref<10240x128xf32, #tpu.memory_space<vmem_shared>>)
        %add3A_194 = arith.constant 4 : i32
        %add3A_195 = arith.addi %add3A_165, %add3A_194 : i32
        %lt3A_196 = arith.constant 80 : i32
        %lt3A_197 = arith.cmpi slt, %add3A_195, %lt3A_196 : i32
        %convert_element_type3A_198 = arith.extui %lt3A_197 : i1 to i32
        %cond3A_199 = arith.constant 0 : i32
        %cond3A_200 = arith.cmpi ne, %convert_element_type3A_198, %cond3A_199 : i32
        scf.if %cond3A_200 {
          %add3A_220 = arith.constant 4 : i32
          %add3A_221 = arith.addi %add3A_165, %add3A_220 : i32
          %dma_start3A_222 = arith.constant 0 : i32
          %dma_start3A_223 = arith.constant 0 : i32
          %dma_start3A_224 = tpu.memref_slice %arg3[%add3A, %add3A_221, %dma_start3A_222, %dma_start3A_223] : memref<32x80x2x125xi32, #tpu.memory_space<hbm>> -> memref<1x1x2x125xi32, #tpu.memory_space<hbm>>
          %dma_start3A_225 = tpu.memref_squeeze %dma_start3A_224 : memref<1x1x2x125xi32, #tpu.memory_space<hbm>> -> memref<2x125xi32, #tpu.memory_space<hbm>>
          %dma_start3A_226 = arith.constant 0 : i32
          %dma_start3A_227 = arith.constant 0 : i32
          %dma_start3A_228 = tpu.memref_slice %arg3[%add3A, %add3A_221, %dma_start3A_226, %dma_start3A_227] : memref<32x80x2x125xi32, #tpu.memory_space<hbm>> -> memref<1x1x2x125xi32, #tpu.memory_space<hbm>>
          %dma_start3A_229 = tpu.memref_squeeze %dma_start3A_228 : memref<1x1x2x125xi32, #tpu.memory_space<hbm>> -> memref<2x125xi32, #tpu.memory_space<hbm>>
          tpu.enqueue_dma source(%dma_start3A_229 : memref<2x125xi32, #tpu.memory_space<hbm>>) target(%arg9 : memref<2x125xi32, #tpu.memory_space<vmem>>) target_semaphore(%arg19 : memref<!tpu.dma_semaphore, #tpu.memory_space<semaphore_mem>>)
        } else {
        }
        %add3A_201 = arith.constant 2 : i32
        %add3A_202 = arith.addi %add3A_165, %add3A_201 : i32
        %dma_wait3A_203 = arith.constant 0 : i32
        %dma_wait3A_204 = arith.constant 0 : i32
        %dma_wait3A_205 = tpu.memref_slice %arg3[%add3A, %add3A_202, %dma_wait3A_203, %dma_wait3A_204] : memref<32x80x2x125xi32, #tpu.memory_space<hbm>> -> memref<1x1x2x125xi32, #tpu.memory_space<hbm>>
        %dma_wait3A_206 = tpu.memref_squeeze %dma_wait3A_205 : memref<1x1x2x125xi32, #tpu.memory_space<hbm>> -> memref<2x125xi32, #tpu.memory_space<hbm>>
        %dma_wait3A_207 = arith.constant 0 : i32
        %dma_wait3A_208 = arith.constant 0 : i32
        %dma_wait3A_209 = tpu.memref_slice %arg3[%add3A, %add3A_202, %dma_wait3A_207, %dma_wait3A_208] : memref<32x80x2x125xi32, #tpu.memory_space<hbm>> -> memref<1x1x2x125xi32, #tpu.memory_space<hbm>>
        %dma_wait3A_210 = tpu.memref_squeeze %dma_wait3A_209 : memref<1x1x2x125xi32, #tpu.memory_space<hbm>> -> memref<2x125xi32, #tpu.memory_space<hbm>>
        tpu.wait_dma2 semaphore(%arg17 : memref<!tpu.dma_semaphore, #tpu.memory_space<semaphore_mem>>) src(%dma_wait3A_210 : memref<2x125xi32, #tpu.memory_space<hbm>>) dst(%arg7 : memref<2x125xi32, #tpu.memory_space<vmem>>)
        %add3A_211 = arith.constant 2 : i32
        %add3A_212 = arith.addi %add3A_165, %add3A_211 : i32
        %dma_start3A_213 = arith.constant 0 : i32
        %dma_start3A_214 = arith.constant 0 : i32
        %dma_start3A_215 = tpu.memref_slice %arg7[%dma_start3A_213, %dma_start3A_214] : memref<2x125xi32, #tpu.memory_space<vmem>> -> memref<1x125xi32, #tpu.memory_space<vmem>>
        %dma_start3A_216 = tpu.memref_squeeze %dma_start3A_215 : memref<1x125xi32, #tpu.memory_space<vmem>> -> memref<125xi32, #tpu.memory_space<vmem>>
        %dma_start3A_217 = arith.constant 0 : i32
        %dma_start3A_218 = arith.constant 0 : i32
        %dma_start3A_219 = tpu.memref_slice %arg2[%dma_start3A_217, %dma_start3A_218] : memref<10240x128xf32, #tpu.memory_space<hbm>> -> memref<10240x128xf32, #tpu.memory_space<hbm>>
        tpu.enqueue_indirect_dma source(%dma_start3A_219 : memref<10240x128xf32, #tpu.memory_space<hbm>>) target(%arg11 : memref<125x128xf32, #tpu.memory_space<vmem>>) offsets(%dma_start3A_216 : memref<125xi32, #tpu.memory_space<vmem>>) semaphore(%arg13 : memref<!tpu.dma_semaphore, #tpu.memory_space<semaphore_mem>>)
      } else {
      }
    }
    %scan3A_73 = arith.constant 20 : i32
    %dma_wait3A_74 = arith.constant 1 : i32
    %dma_wait3A_75 = arith.constant 0 : i32
    %dma_wait3A_76 = tpu.memref_slice %arg8[%dma_wait3A_74, %dma_wait3A_75] : memref<2x125xi32, #tpu.memory_space<vmem>> -> memref<1x125xi32, #tpu.memory_space<vmem>>
    %dma_wait3A_77 = tpu.memref_squeeze %dma_wait3A_76 : memref<1x125xi32, #tpu.memory_space<vmem>> -> memref<125xi32, #tpu.memory_space<vmem>>
    %dma_wait3A_78 = arith.constant 0 : i32
    %dma_wait3A_79 = arith.constant 0 : i32
    %dma_wait3A_80 = tpu.memref_slice %arg20[%dma_wait3A_78, %dma_wait3A_79] : memref<10240x128xf32, #tpu.memory_space<vmem_shared>> -> memref<10240x128xf32, #tpu.memory_space<vmem_shared>>
    tpu.wait_indirect_dma semaphore(%arg14 : memref<!tpu.dma_semaphore, #tpu.memory_space<semaphore_mem>>) src(%arg10 : memref<125x128xf32, #tpu.memory_space<vmem>>) dst(%dma_wait3A_80 : memref<10240x128xf32, #tpu.memory_space<vmem_shared>>)
    %dma_wait3A_81 = arith.constant 1 : i32
    %dma_wait3A_82 = arith.constant 0 : i32
    %dma_wait3A_83 = tpu.memref_slice %arg9[%dma_wait3A_81, %dma_wait3A_82] : memref<2x125xi32, #tpu.memory_space<vmem>> -> memref<1x125xi32, #tpu.memory_space<vmem>>
    %dma_wait3A_84 = tpu.memref_squeeze %dma_wait3A_83 : memref<1x125xi32, #tpu.memory_space<vmem>> -> memref<125xi32, #tpu.memory_space<vmem>>
    %dma_wait3A_85 = arith.constant 0 : i32
    %dma_wait3A_86 = arith.constant 0 : i32
    %dma_wait3A_87 = tpu.memref_slice %arg20[%dma_wait3A_85, %dma_wait3A_86] : memref<10240x128xf32, #tpu.memory_space<vmem_shared>> -> memref<10240x128xf32, #tpu.memory_space<vmem_shared>>
    tpu.wait_indirect_dma semaphore(%arg15 : memref<!tpu.dma_semaphore, #tpu.memory_space<semaphore_mem>>) src(%arg11 : memref<125x128xf32, #tpu.memory_space<vmem>>) dst(%dma_wait3A_87 : memref<10240x128xf32, #tpu.memory_space<vmem_shared>>)
    %barrier3A_88 = arith.constant 0 : index
    tpu.barrier barrier_id(%barrier3A_88)
    "tpu.region"() ({
      %run_scoped3A = tpu.sem_alloc : memref<!tpu.dma_semaphore, #tpu.memory_space<semaphore_mem>>
      %dma_start3A_89 = arith.constant 0 : i32
      %dma_start3A_90 = tpu.memref_slice %arg5[%arg0, %mul3A_2, %dma_start3A_89] : memref<2x10240x128xf32, #tpu.memory_space<hbm>> -> memref<1x640x128xf32, #tpu.memory_space<hbm>>
      %dma_start3A_91 = tpu.memref_squeeze %dma_start3A_90 : memref<1x640x128xf32, #tpu.memory_space<hbm>> -> memref<640x128xf32, #tpu.memory_space<hbm>>
      %dma_start3A_92 = arith.constant 0 : i32
      %dma_start3A_93 = tpu.memref_slice %arg20[%mul3A_2, %dma_start3A_92] : memref<10240x128xf32, #tpu.memory_space<vmem_shared>> -> memref<640x128xf32, #tpu.memory_space<vmem_shared>>
      tpu.enqueue_dma source(%dma_start3A_93 : memref<640x128xf32, #tpu.memory_space<vmem_shared>>) target(%dma_start3A_91 : memref<640x128xf32, #tpu.memory_space<hbm>>) target_semaphore(%run_scoped3A : memref<!tpu.dma_semaphore, #tpu.memory_space<semaphore_mem>>)
      %dma_wait3A_94 = arith.constant 0 : i32
      %dma_wait3A_95 = tpu.memref_slice %arg5[%arg0, %mul3A_2, %dma_wait3A_94] : memref<2x10240x128xf32, #tpu.memory_space<hbm>> -> memref<1x640x128xf32, #tpu.memory_space<hbm>>
      %dma_wait3A_96 = tpu.memref_squeeze %dma_wait3A_95 : memref<1x640x128xf32, #tpu.memory_space<hbm>> -> memref<640x128xf32, #tpu.memory_space<hbm>>
      %dma_wait3A_97 = arith.constant 0 : i32
      %dma_wait3A_98 = tpu.memref_slice %arg20[%mul3A_2, %dma_wait3A_97] : memref<10240x128xf32, #tpu.memory_space<vmem_shared>> -> memref<640x128xf32, #tpu.memory_space<vmem_shared>>
      tpu.wait_dma2 semaphore(%run_scoped3A : memref<!tpu.dma_semaphore, #tpu.memory_space<semaphore_mem>>) src(%dma_wait3A_98 : memref<640x128xf32, #tpu.memory_space<vmem_shared>>) dst(%dma_wait3A_96 : memref<640x128xf32, #tpu.memory_space<hbm>>)
      tpu.yield
    }) : () -> ()
    return
  }
}

#map = affine_map<(d0, d1) -> (0, 0)>
#map1 = affine_map<(d0, d1) -> (0, 0, 0, 0)>
#map2 = affine_map<(d0, d1) -> (0, 0, 0)>
module attributes {stable_mosaic.version = 14 : i64} {
  func.func @_sc_segsum_body(%arg0: i32, %arg1: i32, %arg2: memref<10240x128xf32, #tpu.memory_space<hbm>>, %arg3: memref<32x80x2x125xi32, #tpu.memory_space<hbm>>, %arg4: memref<640x128xf32, #tpu.memory_space<hbm>>, %arg5: memref<2x10240x128xf32, #tpu.memory_space<hbm>>, %arg6: memref<2x125xi32, #tpu.memory_space<vmem>>, %arg7: memref<2x125xi32, #tpu.memory_space<vmem>>, %arg8: memref<2x125xi32, #tpu.memory_space<vmem>>, %arg9: memref<2x125xi32, #tpu.memory_space<vmem>>, %arg10: memref<125x128xf32, #tpu.memory_space<vmem>>, %arg11: memref<125x128xf32, #tpu.memory_space<vmem>>, %arg12: memref<!tpu.dma_semaphore, #tpu.memory_space<semaphore_mem>>, %arg13: memref<!tpu.dma_semaphore, #tpu.memory_space<semaphore_mem>>, %arg14: memref<!tpu.dma_semaphore, #tpu.memory_space<semaphore_mem>>, %arg15: memref<!tpu.dma_semaphore, #tpu.memory_space<semaphore_mem>>, %arg16: memref<!tpu.dma_semaphore, #tpu.memory_space<semaphore_mem>>, %arg17: memref<!tpu.dma_semaphore, #tpu.memory_space<semaphore_mem>>, %arg18: memref<!tpu.dma_semaphore, #tpu.memory_space<semaphore_mem>>, %arg19: memref<!tpu.dma_semaphore, #tpu.memory_space<semaphore_mem>>, %arg20: memref<10240x128xf32, #tpu.memory_space<vmem_shared>>) attributes {dimension_semantics = [#tpu.dimension_semantics<core_parallel>, #tpu.dimension_semantics<subcore_parallel>], iteration_bounds = array<i64: 2, 16>, scalar_prefetch = 0 : i64, scratch_operands = 15 : i64, tpu.core_type = #tpu.core_type<sc_vector_subcore>, window_params = [{transform_indices = #map}, {transform_indices = #map1}, {transform_indices = #map}, {transform_indices = #map2}]} {
    %mul3A = arith.constant 16 : i32
    %mul3A_0 = arith.muli %arg0, %mul3A : i32
    %add3A = arith.addi %mul3A_0, %arg1 : i32
    %mul3A_1 = arith.constant 640 : i32
    %mul3A_2 = arith.muli %arg1, %mul3A_1 : i32
    "tpu.region"() ({
      %run_scoped3A = tpu.sem_alloc : memref<!tpu.dma_semaphore, #tpu.memory_space<semaphore_mem>>
      %dma_start3A_89 = arith.constant 0 : i32
      %dma_start3A_90 = tpu.memref_slice %arg20[%mul3A_2, %dma_start3A_89] : memref<10240x128xf32, #tpu.memory_space<vmem_shared>> -> memref<640x128xf32, #tpu.memory_space<vmem_shared>>
      tpu.enqueue_dma source(%arg4 : memref<640x128xf32, #tpu.memory_space<hbm>>) target(%dma_start3A_90 : memref<640x128xf32, #tpu.memory_space<vmem_shared>>) target_semaphore(%run_scoped3A : memref<!tpu.dma_semaphore, #tpu.memory_space<semaphore_mem>>)
      %dma_wait3A_91 = arith.constant 0 : i32
      %dma_wait3A_92 = tpu.memref_slice %arg20[%mul3A_2, %dma_wait3A_91] : memref<10240x128xf32, #tpu.memory_space<vmem_shared>> -> memref<640x128xf32, #tpu.memory_space<vmem_shared>>
      tpu.wait_dma2 semaphore(%run_scoped3A : memref<!tpu.dma_semaphore, #tpu.memory_space<semaphore_mem>>) src(%arg4 : memref<640x128xf32, #tpu.memory_space<hbm>>) dst(%dma_wait3A_92 : memref<640x128xf32, #tpu.memory_space<vmem_shared>>)
      tpu.yield
    }) : () -> ()
    %barrier3A = arith.constant 0 : index
    tpu.barrier barrier_id(%barrier3A)
    %dma_start3A = arith.constant 0 : i32
    %dma_start3A_3 = arith.constant 0 : i32
    %dma_start3A_4 = arith.constant 0 : i32
    %dma_start3A_5 = tpu.memref_slice %arg3[%add3A, %dma_start3A, %dma_start3A_3, %dma_start3A_4] : memref<32x80x2x125xi32, #tpu.memory_space<hbm>> -> memref<1x1x2x125xi32, #tpu.memory_space<hbm>>
    %dma_start3A_6 = tpu.memref_squeeze %dma_start3A_5 : memref<1x1x2x125xi32, #tpu.memory_space<hbm>> -> memref<2x125xi32, #tpu.memory_space<hbm>>
    %dma_start3A_7 = arith.constant 0 : i32
    %dma_start3A_8 = arith.constant 0 : i32
    %dma_start3A_9 = tpu.memref_slice %arg3[%add3A, %dma_start3A, %dma_start3A_7, %dma_start3A_8] : memref<32x80x2x125xi32, #tpu.memory_space<hbm>> -> memref<1x1x2x125xi32, #tpu.memory_space<hbm>>
    %dma_start3A_10 = tpu.memref_squeeze %dma_start3A_9 : memref<1x1x2x125xi32, #tpu.memory_space<hbm>> -> memref<2x125xi32, #tpu.memory_space<hbm>>
    tpu.enqueue_dma source(%dma_start3A_10 : memref<2x125xi32, #tpu.memory_space<hbm>>) target(%arg6 : memref<2x125xi32, #tpu.memory_space<vmem>>) target_semaphore(%arg16 : memref<!tpu.dma_semaphore, #tpu.memory_space<semaphore_mem>>)
    %dma_start3A_11 = arith.constant 1 : i32
    %dma_start3A_12 = arith.constant 0 : i32
    %dma_start3A_13 = arith.constant 0 : i32
    %dma_start3A_14 = tpu.memref_slice %arg3[%add3A, %dma_start3A_11, %dma_start3A_12, %dma_start3A_13] : memref<32x80x2x125xi32, #tpu.memory_space<hbm>> -> memref<1x1x2x125xi32, #tpu.memory_space<hbm>>
    %dma_start3A_15 = tpu.memref_squeeze %dma_start3A_14 : memref<1x1x2x125xi32, #tpu.memory_space<hbm>> -> memref<2x125xi32, #tpu.memory_space<hbm>>
    %dma_start3A_16 = arith.constant 0 : i32
    %dma_start3A_17 = arith.constant 0 : i32
    %dma_start3A_18 = tpu.memref_slice %arg3[%add3A, %dma_start3A_11, %dma_start3A_16, %dma_start3A_17] : memref<32x80x2x125xi32, #tpu.memory_space<hbm>> -> memref<1x1x2x125xi32, #tpu.memory_space<hbm>>
    %dma_start3A_19 = tpu.memref_squeeze %dma_start3A_18 : memref<1x1x2x125xi32, #tpu.memory_space<hbm>> -> memref<2x125xi32, #tpu.memory_space<hbm>>
    tpu.enqueue_dma source(%dma_start3A_19 : memref<2x125xi32, #tpu.memory_space<hbm>>) target(%arg7 : memref<2x125xi32, #tpu.memory_space<vmem>>) target_semaphore(%arg17 : memref<!tpu.dma_semaphore, #tpu.memory_space<semaphore_mem>>)
    %dma_start3A_20 = arith.constant 2 : i32
    %dma_start3A_21 = arith.constant 0 : i32
    %dma_start3A_22 = arith.constant 0 : i32
    %dma_start3A_23 = tpu.memref_slice %arg3[%add3A, %dma_start3A_20, %dma_start3A_21, %dma_start3A_22] : memref<32x80x2x125xi32, #tpu.memory_space<hbm>> -> memref<1x1x2x125xi32, #tpu.memory_space<hbm>>
    %dma_start3A_24 = tpu.memref_squeeze %dma_start3A_23 : memref<1x1x2x125xi32, #tpu.memory_space<hbm>> -> memref<2x125xi32, #tpu.memory_space<hbm>>
    %dma_start3A_25 = arith.constant 0 : i32
    %dma_start3A_26 = arith.constant 0 : i32
    %dma_start3A_27 = tpu.memref_slice %arg3[%add3A, %dma_start3A_20, %dma_start3A_25, %dma_start3A_26] : memref<32x80x2x125xi32, #tpu.memory_space<hbm>> -> memref<1x1x2x125xi32, #tpu.memory_space<hbm>>
    %dma_start3A_28 = tpu.memref_squeeze %dma_start3A_27 : memref<1x1x2x125xi32, #tpu.memory_space<hbm>> -> memref<2x125xi32, #tpu.memory_space<hbm>>
    tpu.enqueue_dma source(%dma_start3A_28 : memref<2x125xi32, #tpu.memory_space<hbm>>) target(%arg8 : memref<2x125xi32, #tpu.memory_space<vmem>>) target_semaphore(%arg18 : memref<!tpu.dma_semaphore, #tpu.memory_space<semaphore_mem>>)
    %dma_start3A_29 = arith.constant 3 : i32
    %dma_start3A_30 = arith.constant 0 : i32
    %dma_start3A_31 = arith.constant 0 : i32
    %dma_start3A_32 = tpu.memref_slice %arg3[%add3A, %dma_start3A_29, %dma_start3A_30, %dma_start3A_31] : memref<32x80x2x125xi32, #tpu.memory_space<hbm>> -> memref<1x1x2x125xi32, #tpu.memory_space<hbm>>
    %dma_start3A_33 = tpu.memref_squeeze %dma_start3A_32 : memref<1x1x2x125xi32, #tpu.memory_space<hbm>> -> memref<2x125xi32, #tpu.memory_space<hbm>>
    %dma_start3A_34 = arith.constant 0 : i32
    %dma_start3A_35 = arith.constant 0 : i32
    %dma_start3A_36 = tpu.memref_slice %arg3[%add3A, %dma_start3A_29, %dma_start3A_34, %dma_start3A_35] : memref<32x80x2x125xi32, #tpu.memory_space<hbm>> -> memref<1x1x2x125xi32, #tpu.memory_space<hbm>>
    %dma_start3A_37 = tpu.memref_squeeze %dma_start3A_36 : memref<1x1x2x125xi32, #tpu.memory_space<hbm>> -> memref<2x125xi32, #tpu.memory_space<hbm>>
    tpu.enqueue_dma source(%dma_start3A_37 : memref<2x125xi32, #tpu.memory_space<hbm>>) target(%arg9 : memref<2x125xi32, #tpu.memory_space<vmem>>) target_semaphore(%arg19 : memref<!tpu.dma_semaphore, #tpu.memory_space<semaphore_mem>>)
    %dma_wait3A = arith.constant 0 : i32
    %dma_wait3A_38 = arith.constant 0 : i32
    %dma_wait3A_39 = arith.constant 0 : i32
    %dma_wait3A_40 = tpu.memref_slice %arg3[%add3A, %dma_wait3A, %dma_wait3A_38, %dma_wait3A_39] : memref<32x80x2x125xi32, #tpu.memory_space<hbm>> -> memref<1x1x2x125xi32, #tpu.memory_space<hbm>>
    %dma_wait3A_41 = tpu.memref_squeeze %dma_wait3A_40 : memref<1x1x2x125xi32, #tpu.memory_space<hbm>> -> memref<2x125xi32, #tpu.memory_space<hbm>>
    %dma_wait3A_42 = arith.constant 0 : i32
    %dma_wait3A_43 = arith.constant 0 : i32
    %dma_wait3A_44 = tpu.memref_slice %arg3[%add3A, %dma_wait3A, %dma_wait3A_42, %dma_wait3A_43] : memref<32x80x2x125xi32, #tpu.memory_space<hbm>> -> memref<1x1x2x125xi32, #tpu.memory_space<hbm>>
    %dma_wait3A_45 = tpu.memref_squeeze %dma_wait3A_44 : memref<1x1x2x125xi32, #tpu.memory_space<hbm>> -> memref<2x125xi32, #tpu.memory_space<hbm>>
    tpu.wait_dma2 semaphore(%arg16 : memref<!tpu.dma_semaphore, #tpu.memory_space<semaphore_mem>>) src(%dma_wait3A_45 : memref<2x125xi32, #tpu.memory_space<hbm>>) dst(%arg6 : memref<2x125xi32, #tpu.memory_space<vmem>>)
    %dma_start3A_46 = arith.constant 0 : i32
    %dma_start3A_47 = arith.constant 0 : i32
    %dma_start3A_48 = tpu.memref_slice %arg6[%dma_start3A_46, %dma_start3A_47] : memref<2x125xi32, #tpu.memory_space<vmem>> -> memref<1x125xi32, #tpu.memory_space<vmem>>
    %dma_start3A_49 = tpu.memref_squeeze %dma_start3A_48 : memref<1x125xi32, #tpu.memory_space<vmem>> -> memref<125xi32, #tpu.memory_space<vmem>>
    %dma_start3A_50 = arith.constant 0 : i32
    %dma_start3A_51 = arith.constant 0 : i32
    %dma_start3A_52 = tpu.memref_slice %arg2[%dma_start3A_50, %dma_start3A_51] : memref<10240x128xf32, #tpu.memory_space<hbm>> -> memref<10240x128xf32, #tpu.memory_space<hbm>>
    tpu.enqueue_indirect_dma source(%dma_start3A_52 : memref<10240x128xf32, #tpu.memory_space<hbm>>) target(%arg10 : memref<125x128xf32, #tpu.memory_space<vmem>>) offsets(%dma_start3A_49 : memref<125xi32, #tpu.memory_space<vmem>>) semaphore(%arg12 : memref<!tpu.dma_semaphore, #tpu.memory_space<semaphore_mem>>)
    %dma_wait3A_53 = arith.constant 1 : i32
    %dma_wait3A_54 = arith.constant 0 : i32
    %dma_wait3A_55 = arith.constant 0 : i32
    %dma_wait3A_56 = tpu.memref_slice %arg3[%add3A, %dma_wait3A_53, %dma_wait3A_54, %dma_wait3A_55] : memref<32x80x2x125xi32, #tpu.memory_space<hbm>> -> memref<1x1x2x125xi32, #tpu.memory_space<hbm>>
    %dma_wait3A_57 = tpu.memref_squeeze %dma_wait3A_56 : memref<1x1x2x125xi32, #tpu.memory_space<hbm>> -> memref<2x125xi32, #tpu.memory_space<hbm>>
    %dma_wait3A_58 = arith.constant 0 : i32
    %dma_wait3A_59 = arith.constant 0 : i32
    %dma_wait3A_60 = tpu.memref_slice %arg3[%add3A, %dma_wait3A_53, %dma_wait3A_58, %dma_wait3A_59] : memref<32x80x2x125xi32, #tpu.memory_space<hbm>> -> memref<1x1x2x125xi32, #tpu.memory_space<hbm>>
    %dma_wait3A_61 = tpu.memref_squeeze %dma_wait3A_60 : memref<1x1x2x125xi32, #tpu.memory_space<hbm>> -> memref<2x125xi32, #tpu.memory_space<hbm>>
    tpu.wait_dma2 semaphore(%arg17 : memref<!tpu.dma_semaphore, #tpu.memory_space<semaphore_mem>>) src(%dma_wait3A_61 : memref<2x125xi32, #tpu.memory_space<hbm>>) dst(%arg7 : memref<2x125xi32, #tpu.memory_space<vmem>>)
    %dma_start3A_62 = arith.constant 0 : i32
    %dma_start3A_63 = arith.constant 0 : i32
    %dma_start3A_64 = tpu.memref_slice %arg7[%dma_start3A_62, %dma_start3A_63] : memref<2x125xi32, #tpu.memory_space<vmem>> -> memref<1x125xi32, #tpu.memory_space<vmem>>
    %dma_start3A_65 = tpu.memref_squeeze %dma_start3A_64 : memref<1x125xi32, #tpu.memory_space<vmem>> -> memref<125xi32, #tpu.memory_space<vmem>>
    %dma_start3A_66 = arith.constant 0 : i32
    %dma_start3A_67 = arith.constant 0 : i32
    %dma_start3A_68 = tpu.memref_slice %arg2[%dma_start3A_66, %dma_start3A_67] : memref<10240x128xf32, #tpu.memory_space<hbm>> -> memref<10240x128xf32, #tpu.memory_space<hbm>>
    tpu.enqueue_indirect_dma source(%dma_start3A_68 : memref<10240x128xf32, #tpu.memory_space<hbm>>) target(%arg11 : memref<125x128xf32, #tpu.memory_space<vmem>>) offsets(%dma_start3A_65 : memref<125xi32, #tpu.memory_space<vmem>>) semaphore(%arg13 : memref<!tpu.dma_semaphore, #tpu.memory_space<semaphore_mem>>)
    %scan3A = arith.constant 0 : i32
    %scan3A_69 = arith.constant 0 : i32
    %scan3A_70 = arith.constant 20 : i32
    %scan3A_71 = arith.addi %scan3A_69, %scan3A_70 : i32
    %scan3A_72 = arith.constant 1 : i32
    scf.for %scan3A_89 = %scan3A_69 to %scan3A_71 step %scan3A_72  : i32 {
      %mul3A_90 = arith.constant 4 : i32
      %mul3A_91 = arith.muli %mul3A_90, %scan3A_89 : i32
      %add3A_92 = arith.constant 0 : i32
      %add3A_93 = arith.addi %mul3A_91, %add3A_92 : i32
      %dma_wait3A_94 = arith.constant 0 : i32
      %dma_wait3A_95 = arith.constant 0 : i32
      %dma_wait3A_96 = tpu.memref_slice %arg6[%dma_wait3A_94, %dma_wait3A_95] : memref<2x125xi32, #tpu.memory_space<vmem>> -> memref<1x125xi32, #tpu.memory_space<vmem>>
      %dma_wait3A_97 = tpu.memref_squeeze %dma_wait3A_96 : memref<1x125xi32, #tpu.memory_space<vmem>> -> memref<125xi32, #tpu.memory_space<vmem>>
      %dma_wait3A_98 = arith.constant 0 : i32
      %dma_wait3A_99 = arith.constant 0 : i32
      %dma_wait3A_100 = tpu.memref_slice %arg2[%dma_wait3A_98, %dma_wait3A_99] : memref<10240x128xf32, #tpu.memory_space<hbm>> -> memref<10240x128xf32, #tpu.memory_space<hbm>>
      tpu.wait_indirect_dma semaphore(%arg12 : memref<!tpu.dma_semaphore, #tpu.memory_space<semaphore_mem>>) src(%dma_wait3A_100 : memref<10240x128xf32, #tpu.memory_space<hbm>>) dst(%arg10 : memref<125x128xf32, #tpu.memory_space<vmem>>)
      %dma_start3A_101 = arith.constant 1 : i32
      %dma_start3A_102 = arith.constant 0 : i32
      %dma_start3A_103 = tpu.memref_slice %arg6[%dma_start3A_101, %dma_start3A_102] : memref<2x125xi32, #tpu.memory_space<vmem>> -> memref<1x125xi32, #tpu.memory_space<vmem>>
      %dma_start3A_104 = tpu.memref_squeeze %dma_start3A_103 : memref<1x125xi32, #tpu.memory_space<vmem>> -> memref<125xi32, #tpu.memory_space<vmem>>
      %dma_start3A_105 = arith.constant 0 : i32
      %dma_start3A_106 = arith.constant 0 : i32
      %dma_start3A_107 = tpu.memref_slice %arg20[%dma_start3A_105, %dma_start3A_106] : memref<10240x128xf32, #tpu.memory_space<vmem_shared>> -> memref<10240x128xf32, #tpu.memory_space<vmem_shared>>
      tpu.enqueue_indirect_dma source(%arg10 : memref<125x128xf32, #tpu.memory_space<vmem>>) target(%dma_start3A_107 : memref<10240x128xf32, #tpu.memory_space<vmem_shared>>) offsets(%dma_start3A_104 : memref<125xi32, #tpu.memory_space<vmem>>) semaphore(%arg14 : memref<!tpu.dma_semaphore, #tpu.memory_space<semaphore_mem>>) {add = true}
      %add3A_108 = arith.constant 2 : i32
      %add3A_109 = arith.addi %add3A_93, %add3A_108 : i32
      %lt3A = arith.constant 80 : i32
      %lt3A_110 = arith.cmpi slt, %add3A_109, %lt3A : i32
      %convert_element_type3A = arith.extui %lt3A_110 : i1 to i32
      %cond3A = arith.constant 0 : i32
      %cond3A_111 = arith.cmpi ne, %convert_element_type3A, %cond3A : i32
      scf.if %cond3A_111 {
        %dma_wait3A_187 = arith.constant 1 : i32
        %dma_wait3A_188 = arith.constant 0 : i32
        %dma_wait3A_189 = tpu.memref_slice %arg6[%dma_wait3A_187, %dma_wait3A_188] : memref<2x125xi32, #tpu.memory_space<vmem>> -> memref<1x125xi32, #tpu.memory_space<vmem>>
        %dma_wait3A_190 = tpu.memref_squeeze %dma_wait3A_189 : memref<1x125xi32, #tpu.memory_space<vmem>> -> memref<125xi32, #tpu.memory_space<vmem>>
        %dma_wait3A_191 = arith.constant 0 : i32
        %dma_wait3A_192 = arith.constant 0 : i32
        %dma_wait3A_193 = tpu.memref_slice %arg20[%dma_wait3A_191, %dma_wait3A_192] : memref<10240x128xf32, #tpu.memory_space<vmem_shared>> -> memref<10240x128xf32, #tpu.memory_space<vmem_shared>>
        tpu.wait_indirect_dma semaphore(%arg14 : memref<!tpu.dma_semaphore, #tpu.memory_space<semaphore_mem>>) src(%arg10 : memref<125x128xf32, #tpu.memory_space<vmem>>) dst(%dma_wait3A_193 : memref<10240x128xf32, #tpu.memory_space<vmem_shared>>)
        %add3A_194 = arith.constant 4 : i32
        %add3A_195 = arith.addi %add3A_93, %add3A_194 : i32
        %lt3A_196 = arith.constant 80 : i32
        %lt3A_197 = arith.cmpi slt, %add3A_195, %lt3A_196 : i32
        %convert_element_type3A_198 = arith.extui %lt3A_197 : i1 to i32
        %cond3A_199 = arith.constant 0 : i32
        %cond3A_200 = arith.cmpi ne, %convert_element_type3A_198, %cond3A_199 : i32
        scf.if %cond3A_200 {
          %add3A_220 = arith.constant 4 : i32
          %add3A_221 = arith.addi %add3A_93, %add3A_220 : i32
          %dma_start3A_222 = arith.constant 0 : i32
          %dma_start3A_223 = arith.constant 0 : i32
          %dma_start3A_224 = tpu.memref_slice %arg3[%add3A, %add3A_221, %dma_start3A_222, %dma_start3A_223] : memref<32x80x2x125xi32, #tpu.memory_space<hbm>> -> memref<1x1x2x125xi32, #tpu.memory_space<hbm>>
          %dma_start3A_225 = tpu.memref_squeeze %dma_start3A_224 : memref<1x1x2x125xi32, #tpu.memory_space<hbm>> -> memref<2x125xi32, #tpu.memory_space<hbm>>
          %dma_start3A_226 = arith.constant 0 : i32
          %dma_start3A_227 = arith.constant 0 : i32
          %dma_start3A_228 = tpu.memref_slice %arg3[%add3A, %add3A_221, %dma_start3A_226, %dma_start3A_227] : memref<32x80x2x125xi32, #tpu.memory_space<hbm>> -> memref<1x1x2x125xi32, #tpu.memory_space<hbm>>
          %dma_start3A_229 = tpu.memref_squeeze %dma_start3A_228 : memref<1x1x2x125xi32, #tpu.memory_space<hbm>> -> memref<2x125xi32, #tpu.memory_space<hbm>>
          tpu.enqueue_dma source(%dma_start3A_229 : memref<2x125xi32, #tpu.memory_space<hbm>>) target(%arg6 : memref<2x125xi32, #tpu.memory_space<vmem>>) target_semaphore(%arg16 : memref<!tpu.dma_semaphore, #tpu.memory_space<semaphore_mem>>)
        } else {
        }
        %add3A_201 = arith.constant 2 : i32
        %add3A_202 = arith.addi %add3A_93, %add3A_201 : i32
        %dma_wait3A_203 = arith.constant 0 : i32
        %dma_wait3A_204 = arith.constant 0 : i32
        %dma_wait3A_205 = tpu.memref_slice %arg3[%add3A, %add3A_202, %dma_wait3A_203, %dma_wait3A_204] : memref<32x80x2x125xi32, #tpu.memory_space<hbm>> -> memref<1x1x2x125xi32, #tpu.memory_space<hbm>>
        %dma_wait3A_206 = tpu.memref_squeeze %dma_wait3A_205 : memref<1x1x2x125xi32, #tpu.memory_space<hbm>> -> memref<2x125xi32, #tpu.memory_space<hbm>>
        %dma_wait3A_207 = arith.constant 0 : i32
        %dma_wait3A_208 = arith.constant 0 : i32
        %dma_wait3A_209 = tpu.memref_slice %arg3[%add3A, %add3A_202, %dma_wait3A_207, %dma_wait3A_208] : memref<32x80x2x125xi32, #tpu.memory_space<hbm>> -> memref<1x1x2x125xi32, #tpu.memory_space<hbm>>
        %dma_wait3A_210 = tpu.memref_squeeze %dma_wait3A_209 : memref<1x1x2x125xi32, #tpu.memory_space<hbm>> -> memref<2x125xi32, #tpu.memory_space<hbm>>
        tpu.wait_dma2 semaphore(%arg18 : memref<!tpu.dma_semaphore, #tpu.memory_space<semaphore_mem>>) src(%dma_wait3A_210 : memref<2x125xi32, #tpu.memory_space<hbm>>) dst(%arg8 : memref<2x125xi32, #tpu.memory_space<vmem>>)
        %add3A_211 = arith.constant 2 : i32
        %add3A_212 = arith.addi %add3A_93, %add3A_211 : i32
        %dma_start3A_213 = arith.constant 0 : i32
        %dma_start3A_214 = arith.constant 0 : i32
        %dma_start3A_215 = tpu.memref_slice %arg8[%dma_start3A_213, %dma_start3A_214] : memref<2x125xi32, #tpu.memory_space<vmem>> -> memref<1x125xi32, #tpu.memory_space<vmem>>
        %dma_start3A_216 = tpu.memref_squeeze %dma_start3A_215 : memref<1x125xi32, #tpu.memory_space<vmem>> -> memref<125xi32, #tpu.memory_space<vmem>>
        %dma_start3A_217 = arith.constant 0 : i32
        %dma_start3A_218 = arith.constant 0 : i32
        %dma_start3A_219 = tpu.memref_slice %arg2[%dma_start3A_217, %dma_start3A_218] : memref<10240x128xf32, #tpu.memory_space<hbm>> -> memref<10240x128xf32, #tpu.memory_space<hbm>>
        tpu.enqueue_indirect_dma source(%dma_start3A_219 : memref<10240x128xf32, #tpu.memory_space<hbm>>) target(%arg10 : memref<125x128xf32, #tpu.memory_space<vmem>>) offsets(%dma_start3A_216 : memref<125xi32, #tpu.memory_space<vmem>>) semaphore(%arg12 : memref<!tpu.dma_semaphore, #tpu.memory_space<semaphore_mem>>)
      } else {
      }
      %mul3A_112 = arith.constant 4 : i32
      %mul3A_113 = arith.muli %mul3A_112, %scan3A_89 : i32
      %add3A_114 = arith.constant 1 : i32
      %add3A_115 = arith.addi %mul3A_113, %add3A_114 : i32
      %dma_wait3A_116 = arith.constant 0 : i32
      %dma_wait3A_117 = arith.constant 0 : i32
      %dma_wait3A_118 = tpu.memref_slice %arg7[%dma_wait3A_116, %dma_wait3A_117] : memref<2x125xi32, #tpu.memory_space<vmem>> -> memref<1x125xi32, #tpu.memory_space<vmem>>
      %dma_wait3A_119 = tpu.memref_squeeze %dma_wait3A_118 : memref<1x125xi32, #tpu.memory_space<vmem>> -> memref<125xi32, #tpu.memory_space<vmem>>
      %dma_wait3A_120 = arith.constant 0 : i32
      %dma_wait3A_121 = arith.constant 0 : i32
      %dma_wait3A_122 = tpu.memref_slice %arg2[%dma_wait3A_120, %dma_wait3A_121] : memref<10240x128xf32, #tpu.memory_space<hbm>> -> memref<10240x128xf32, #tpu.memory_space<hbm>>
      tpu.wait_indirect_dma semaphore(%arg13 : memref<!tpu.dma_semaphore, #tpu.memory_space<semaphore_mem>>) src(%dma_wait3A_122 : memref<10240x128xf32, #tpu.memory_space<hbm>>) dst(%arg11 : memref<125x128xf32, #tpu.memory_space<vmem>>)
      %dma_start3A_123 = arith.constant 1 : i32
      %dma_start3A_124 = arith.constant 0 : i32
      %dma_start3A_125 = tpu.memref_slice %arg7[%dma_start3A_123, %dma_start3A_124] : memref<2x125xi32, #tpu.memory_space<vmem>> -> memref<1x125xi32, #tpu.memory_space<vmem>>
      %dma_start3A_126 = tpu.memref_squeeze %dma_start3A_125 : memref<1x125xi32, #tpu.memory_space<vmem>> -> memref<125xi32, #tpu.memory_space<vmem>>
      %dma_start3A_127 = arith.constant 0 : i32
      %dma_start3A_128 = arith.constant 0 : i32
      %dma_start3A_129 = tpu.memref_slice %arg20[%dma_start3A_127, %dma_start3A_128] : memref<10240x128xf32, #tpu.memory_space<vmem_shared>> -> memref<10240x128xf32, #tpu.memory_space<vmem_shared>>
      tpu.enqueue_indirect_dma source(%arg11 : memref<125x128xf32, #tpu.memory_space<vmem>>) target(%dma_start3A_129 : memref<10240x128xf32, #tpu.memory_space<vmem_shared>>) offsets(%dma_start3A_126 : memref<125xi32, #tpu.memory_space<vmem>>) semaphore(%arg15 : memref<!tpu.dma_semaphore, #tpu.memory_space<semaphore_mem>>) {add = true}
      %add3A_130 = arith.constant 2 : i32
      %add3A_131 = arith.addi %add3A_115, %add3A_130 : i32
      %lt3A_132 = arith.constant 80 : i32
      %lt3A_133 = arith.cmpi slt, %add3A_131, %lt3A_132 : i32
      %convert_element_type3A_134 = arith.extui %lt3A_133 : i1 to i32
      %cond3A_135 = arith.constant 0 : i32
      %cond3A_136 = arith.cmpi ne, %convert_element_type3A_134, %cond3A_135 : i32
      scf.if %cond3A_136 {
        %dma_wait3A_187 = arith.constant 1 : i32
        %dma_wait3A_188 = arith.constant 0 : i32
        %dma_wait3A_189 = tpu.memref_slice %arg7[%dma_wait3A_187, %dma_wait3A_188] : memref<2x125xi32, #tpu.memory_space<vmem>> -> memref<1x125xi32, #tpu.memory_space<vmem>>
        %dma_wait3A_190 = tpu.memref_squeeze %dma_wait3A_189 : memref<1x125xi32, #tpu.memory_space<vmem>> -> memref<125xi32, #tpu.memory_space<vmem>>
        %dma_wait3A_191 = arith.constant 0 : i32
        %dma_wait3A_192 = arith.constant 0 : i32
        %dma_wait3A_193 = tpu.memref_slice %arg20[%dma_wait3A_191, %dma_wait3A_192] : memref<10240x128xf32, #tpu.memory_space<vmem_shared>> -> memref<10240x128xf32, #tpu.memory_space<vmem_shared>>
        tpu.wait_indirect_dma semaphore(%arg15 : memref<!tpu.dma_semaphore, #tpu.memory_space<semaphore_mem>>) src(%arg11 : memref<125x128xf32, #tpu.memory_space<vmem>>) dst(%dma_wait3A_193 : memref<10240x128xf32, #tpu.memory_space<vmem_shared>>)
        %add3A_194 = arith.constant 4 : i32
        %add3A_195 = arith.addi %add3A_115, %add3A_194 : i32
        %lt3A_196 = arith.constant 80 : i32
        %lt3A_197 = arith.cmpi slt, %add3A_195, %lt3A_196 : i32
        %convert_element_type3A_198 = arith.extui %lt3A_197 : i1 to i32
        %cond3A_199 = arith.constant 0 : i32
        %cond3A_200 = arith.cmpi ne, %convert_element_type3A_198, %cond3A_199 : i32
        scf.if %cond3A_200 {
          %add3A_220 = arith.constant 4 : i32
          %add3A_221 = arith.addi %add3A_115, %add3A_220 : i32
          %dma_start3A_222 = arith.constant 0 : i32
          %dma_start3A_223 = arith.constant 0 : i32
          %dma_start3A_224 = tpu.memref_slice %arg3[%add3A, %add3A_221, %dma_start3A_222, %dma_start3A_223] : memref<32x80x2x125xi32, #tpu.memory_space<hbm>> -> memref<1x1x2x125xi32, #tpu.memory_space<hbm>>
          %dma_start3A_225 = tpu.memref_squeeze %dma_start3A_224 : memref<1x1x2x125xi32, #tpu.memory_space<hbm>> -> memref<2x125xi32, #tpu.memory_space<hbm>>
          %dma_start3A_226 = arith.constant 0 : i32
          %dma_start3A_227 = arith.constant 0 : i32
          %dma_start3A_228 = tpu.memref_slice %arg3[%add3A, %add3A_221, %dma_start3A_226, %dma_start3A_227] : memref<32x80x2x125xi32, #tpu.memory_space<hbm>> -> memref<1x1x2x125xi32, #tpu.memory_space<hbm>>
          %dma_start3A_229 = tpu.memref_squeeze %dma_start3A_228 : memref<1x1x2x125xi32, #tpu.memory_space<hbm>> -> memref<2x125xi32, #tpu.memory_space<hbm>>
          tpu.enqueue_dma source(%dma_start3A_229 : memref<2x125xi32, #tpu.memory_space<hbm>>) target(%arg7 : memref<2x125xi32, #tpu.memory_space<vmem>>) target_semaphore(%arg17 : memref<!tpu.dma_semaphore, #tpu.memory_space<semaphore_mem>>)
        } else {
        }
        %add3A_201 = arith.constant 2 : i32
        %add3A_202 = arith.addi %add3A_115, %add3A_201 : i32
        %dma_wait3A_203 = arith.constant 0 : i32
        %dma_wait3A_204 = arith.constant 0 : i32
        %dma_wait3A_205 = tpu.memref_slice %arg3[%add3A, %add3A_202, %dma_wait3A_203, %dma_wait3A_204] : memref<32x80x2x125xi32, #tpu.memory_space<hbm>> -> memref<1x1x2x125xi32, #tpu.memory_space<hbm>>
        %dma_wait3A_206 = tpu.memref_squeeze %dma_wait3A_205 : memref<1x1x2x125xi32, #tpu.memory_space<hbm>> -> memref<2x125xi32, #tpu.memory_space<hbm>>
        %dma_wait3A_207 = arith.constant 0 : i32
        %dma_wait3A_208 = arith.constant 0 : i32
        %dma_wait3A_209 = tpu.memref_slice %arg3[%add3A, %add3A_202, %dma_wait3A_207, %dma_wait3A_208] : memref<32x80x2x125xi32, #tpu.memory_space<hbm>> -> memref<1x1x2x125xi32, #tpu.memory_space<hbm>>
        %dma_wait3A_210 = tpu.memref_squeeze %dma_wait3A_209 : memref<1x1x2x125xi32, #tpu.memory_space<hbm>> -> memref<2x125xi32, #tpu.memory_space<hbm>>
        tpu.wait_dma2 semaphore(%arg19 : memref<!tpu.dma_semaphore, #tpu.memory_space<semaphore_mem>>) src(%dma_wait3A_210 : memref<2x125xi32, #tpu.memory_space<hbm>>) dst(%arg9 : memref<2x125xi32, #tpu.memory_space<vmem>>)
        %add3A_211 = arith.constant 2 : i32
        %add3A_212 = arith.addi %add3A_115, %add3A_211 : i32
        %dma_start3A_213 = arith.constant 0 : i32
        %dma_start3A_214 = arith.constant 0 : i32
        %dma_start3A_215 = tpu.memref_slice %arg9[%dma_start3A_213, %dma_start3A_214] : memref<2x125xi32, #tpu.memory_space<vmem>> -> memref<1x125xi32, #tpu.memory_space<vmem>>
        %dma_start3A_216 = tpu.memref_squeeze %dma_start3A_215 : memref<1x125xi32, #tpu.memory_space<vmem>> -> memref<125xi32, #tpu.memory_space<vmem>>
        %dma_start3A_217 = arith.constant 0 : i32
        %dma_start3A_218 = arith.constant 0 : i32
        %dma_start3A_219 = tpu.memref_slice %arg2[%dma_start3A_217, %dma_start3A_218] : memref<10240x128xf32, #tpu.memory_space<hbm>> -> memref<10240x128xf32, #tpu.memory_space<hbm>>
        tpu.enqueue_indirect_dma source(%dma_start3A_219 : memref<10240x128xf32, #tpu.memory_space<hbm>>) target(%arg11 : memref<125x128xf32, #tpu.memory_space<vmem>>) offsets(%dma_start3A_216 : memref<125xi32, #tpu.memory_space<vmem>>) semaphore(%arg13 : memref<!tpu.dma_semaphore, #tpu.memory_space<semaphore_mem>>)
      } else {
      }
      %mul3A_137 = arith.constant 4 : i32
      %mul3A_138 = arith.muli %mul3A_137, %scan3A_89 : i32
      %add3A_139 = arith.constant 2 : i32
      %add3A_140 = arith.addi %mul3A_138, %add3A_139 : i32
      %dma_wait3A_141 = arith.constant 0 : i32
      %dma_wait3A_142 = arith.constant 0 : i32
      %dma_wait3A_143 = tpu.memref_slice %arg8[%dma_wait3A_141, %dma_wait3A_142] : memref<2x125xi32, #tpu.memory_space<vmem>> -> memref<1x125xi32, #tpu.memory_space<vmem>>
      %dma_wait3A_144 = tpu.memref_squeeze %dma_wait3A_143 : memref<1x125xi32, #tpu.memory_space<vmem>> -> memref<125xi32, #tpu.memory_space<vmem>>
      %dma_wait3A_145 = arith.constant 0 : i32
      %dma_wait3A_146 = arith.constant 0 : i32
      %dma_wait3A_147 = tpu.memref_slice %arg2[%dma_wait3A_145, %dma_wait3A_146] : memref<10240x128xf32, #tpu.memory_space<hbm>> -> memref<10240x128xf32, #tpu.memory_space<hbm>>
      tpu.wait_indirect_dma semaphore(%arg12 : memref<!tpu.dma_semaphore, #tpu.memory_space<semaphore_mem>>) src(%dma_wait3A_147 : memref<10240x128xf32, #tpu.memory_space<hbm>>) dst(%arg10 : memref<125x128xf32, #tpu.memory_space<vmem>>)
      %dma_start3A_148 = arith.constant 1 : i32
      %dma_start3A_149 = arith.constant 0 : i32
      %dma_start3A_150 = tpu.memref_slice %arg8[%dma_start3A_148, %dma_start3A_149] : memref<2x125xi32, #tpu.memory_space<vmem>> -> memref<1x125xi32, #tpu.memory_space<vmem>>
      %dma_start3A_151 = tpu.memref_squeeze %dma_start3A_150 : memref<1x125xi32, #tpu.memory_space<vmem>> -> memref<125xi32, #tpu.memory_space<vmem>>
      %dma_start3A_152 = arith.constant 0 : i32
      %dma_start3A_153 = arith.constant 0 : i32
      %dma_start3A_154 = tpu.memref_slice %arg20[%dma_start3A_152, %dma_start3A_153] : memref<10240x128xf32, #tpu.memory_space<vmem_shared>> -> memref<10240x128xf32, #tpu.memory_space<vmem_shared>>
      tpu.enqueue_indirect_dma source(%arg10 : memref<125x128xf32, #tpu.memory_space<vmem>>) target(%dma_start3A_154 : memref<10240x128xf32, #tpu.memory_space<vmem_shared>>) offsets(%dma_start3A_151 : memref<125xi32, #tpu.memory_space<vmem>>) semaphore(%arg14 : memref<!tpu.dma_semaphore, #tpu.memory_space<semaphore_mem>>) {add = true}
      %add3A_155 = arith.constant 2 : i32
      %add3A_156 = arith.addi %add3A_140, %add3A_155 : i32
      %lt3A_157 = arith.constant 80 : i32
      %lt3A_158 = arith.cmpi slt, %add3A_156, %lt3A_157 : i32
      %convert_element_type3A_159 = arith.extui %lt3A_158 : i1 to i32
      %cond3A_160 = arith.constant 0 : i32
      %cond3A_161 = arith.cmpi ne, %convert_element_type3A_159, %cond3A_160 : i32
      scf.if %cond3A_161 {
        %dma_wait3A_187 = arith.constant 1 : i32
        %dma_wait3A_188 = arith.constant 0 : i32
        %dma_wait3A_189 = tpu.memref_slice %arg8[%dma_wait3A_187, %dma_wait3A_188] : memref<2x125xi32, #tpu.memory_space<vmem>> -> memref<1x125xi32, #tpu.memory_space<vmem>>
        %dma_wait3A_190 = tpu.memref_squeeze %dma_wait3A_189 : memref<1x125xi32, #tpu.memory_space<vmem>> -> memref<125xi32, #tpu.memory_space<vmem>>
        %dma_wait3A_191 = arith.constant 0 : i32
        %dma_wait3A_192 = arith.constant 0 : i32
        %dma_wait3A_193 = tpu.memref_slice %arg20[%dma_wait3A_191, %dma_wait3A_192] : memref<10240x128xf32, #tpu.memory_space<vmem_shared>> -> memref<10240x128xf32, #tpu.memory_space<vmem_shared>>
        tpu.wait_indirect_dma semaphore(%arg14 : memref<!tpu.dma_semaphore, #tpu.memory_space<semaphore_mem>>) src(%arg10 : memref<125x128xf32, #tpu.memory_space<vmem>>) dst(%dma_wait3A_193 : memref<10240x128xf32, #tpu.memory_space<vmem_shared>>)
        %add3A_194 = arith.constant 4 : i32
        %add3A_195 = arith.addi %add3A_140, %add3A_194 : i32
        %lt3A_196 = arith.constant 80 : i32
        %lt3A_197 = arith.cmpi slt, %add3A_195, %lt3A_196 : i32
        %convert_element_type3A_198 = arith.extui %lt3A_197 : i1 to i32
        %cond3A_199 = arith.constant 0 : i32
        %cond3A_200 = arith.cmpi ne, %convert_element_type3A_198, %cond3A_199 : i32
        scf.if %cond3A_200 {
          %add3A_220 = arith.constant 4 : i32
          %add3A_221 = arith.addi %add3A_140, %add3A_220 : i32
          %dma_start3A_222 = arith.constant 0 : i32
          %dma_start3A_223 = arith.constant 0 : i32
          %dma_start3A_224 = tpu.memref_slice %arg3[%add3A, %add3A_221, %dma_start3A_222, %dma_start3A_223] : memref<32x80x2x125xi32, #tpu.memory_space<hbm>> -> memref<1x1x2x125xi32, #tpu.memory_space<hbm>>
          %dma_start3A_225 = tpu.memref_squeeze %dma_start3A_224 : memref<1x1x2x125xi32, #tpu.memory_space<hbm>> -> memref<2x125xi32, #tpu.memory_space<hbm>>
          %dma_start3A_226 = arith.constant 0 : i32
          %dma_start3A_227 = arith.constant 0 : i32
          %dma_start3A_228 = tpu.memref_slice %arg3[%add3A, %add3A_221, %dma_start3A_226, %dma_start3A_227] : memref<32x80x2x125xi32, #tpu.memory_space<hbm>> -> memref<1x1x2x125xi32, #tpu.memory_space<hbm>>
          %dma_start3A_229 = tpu.memref_squeeze %dma_start3A_228 : memref<1x1x2x125xi32, #tpu.memory_space<hbm>> -> memref<2x125xi32, #tpu.memory_space<hbm>>
          tpu.enqueue_dma source(%dma_start3A_229 : memref<2x125xi32, #tpu.memory_space<hbm>>) target(%arg8 : memref<2x125xi32, #tpu.memory_space<vmem>>) target_semaphore(%arg18 : memref<!tpu.dma_semaphore, #tpu.memory_space<semaphore_mem>>)
        } else {
        }
        %add3A_201 = arith.constant 2 : i32
        %add3A_202 = arith.addi %add3A_140, %add3A_201 : i32
        %dma_wait3A_203 = arith.constant 0 : i32
        %dma_wait3A_204 = arith.constant 0 : i32
        %dma_wait3A_205 = tpu.memref_slice %arg3[%add3A, %add3A_202, %dma_wait3A_203, %dma_wait3A_204] : memref<32x80x2x125xi32, #tpu.memory_space<hbm>> -> memref<1x1x2x125xi32, #tpu.memory_space<hbm>>
        %dma_wait3A_206 = tpu.memref_squeeze %dma_wait3A_205 : memref<1x1x2x125xi32, #tpu.memory_space<hbm>> -> memref<2x125xi32, #tpu.memory_space<hbm>>
        %dma_wait3A_207 = arith.constant 0 : i32
        %dma_wait3A_208 = arith.constant 0 : i32
        %dma_wait3A_209 = tpu.memref_slice %arg3[%add3A, %add3A_202, %dma_wait3A_207, %dma_wait3A_208] : memref<32x80x2x125xi32, #tpu.memory_space<hbm>> -> memref<1x1x2x125xi32, #tpu.memory_space<hbm>>
        %dma_wait3A_210 = tpu.memref_squeeze %dma_wait3A_209 : memref<1x1x2x125xi32, #tpu.memory_space<hbm>> -> memref<2x125xi32, #tpu.memory_space<hbm>>
        tpu.wait_dma2 semaphore(%arg16 : memref<!tpu.dma_semaphore, #tpu.memory_space<semaphore_mem>>) src(%dma_wait3A_210 : memref<2x125xi32, #tpu.memory_space<hbm>>) dst(%arg6 : memref<2x125xi32, #tpu.memory_space<vmem>>)
        %add3A_211 = arith.constant 2 : i32
        %add3A_212 = arith.addi %add3A_140, %add3A_211 : i32
        %dma_start3A_213 = arith.constant 0 : i32
        %dma_start3A_214 = arith.constant 0 : i32
        %dma_start3A_215 = tpu.memref_slice %arg6[%dma_start3A_213, %dma_start3A_214] : memref<2x125xi32, #tpu.memory_space<vmem>> -> memref<1x125xi32, #tpu.memory_space<vmem>>
        %dma_start3A_216 = tpu.memref_squeeze %dma_start3A_215 : memref<1x125xi32, #tpu.memory_space<vmem>> -> memref<125xi32, #tpu.memory_space<vmem>>
        %dma_start3A_217 = arith.constant 0 : i32
        %dma_start3A_218 = arith.constant 0 : i32
        %dma_start3A_219 = tpu.memref_slice %arg2[%dma_start3A_217, %dma_start3A_218] : memref<10240x128xf32, #tpu.memory_space<hbm>> -> memref<10240x128xf32, #tpu.memory_space<hbm>>
        tpu.enqueue_indirect_dma source(%dma_start3A_219 : memref<10240x128xf32, #tpu.memory_space<hbm>>) target(%arg10 : memref<125x128xf32, #tpu.memory_space<vmem>>) offsets(%dma_start3A_216 : memref<125xi32, #tpu.memory_space<vmem>>) semaphore(%arg12 : memref<!tpu.dma_semaphore, #tpu.memory_space<semaphore_mem>>)
      } else {
      }
      %mul3A_162 = arith.constant 4 : i32
      %mul3A_163 = arith.muli %mul3A_162, %scan3A_89 : i32
      %add3A_164 = arith.constant 3 : i32
      %add3A_165 = arith.addi %mul3A_163, %add3A_164 : i32
      %dma_wait3A_166 = arith.constant 0 : i32
      %dma_wait3A_167 = arith.constant 0 : i32
      %dma_wait3A_168 = tpu.memref_slice %arg9[%dma_wait3A_166, %dma_wait3A_167] : memref<2x125xi32, #tpu.memory_space<vmem>> -> memref<1x125xi32, #tpu.memory_space<vmem>>
      %dma_wait3A_169 = tpu.memref_squeeze %dma_wait3A_168 : memref<1x125xi32, #tpu.memory_space<vmem>> -> memref<125xi32, #tpu.memory_space<vmem>>
      %dma_wait3A_170 = arith.constant 0 : i32
      %dma_wait3A_171 = arith.constant 0 : i32
      %dma_wait3A_172 = tpu.memref_slice %arg2[%dma_wait3A_170, %dma_wait3A_171] : memref<10240x128xf32, #tpu.memory_space<hbm>> -> memref<10240x128xf32, #tpu.memory_space<hbm>>
      tpu.wait_indirect_dma semaphore(%arg13 : memref<!tpu.dma_semaphore, #tpu.memory_space<semaphore_mem>>) src(%dma_wait3A_172 : memref<10240x128xf32, #tpu.memory_space<hbm>>) dst(%arg11 : memref<125x128xf32, #tpu.memory_space<vmem>>)
      %dma_start3A_173 = arith.constant 1 : i32
      %dma_start3A_174 = arith.constant 0 : i32
      %dma_start3A_175 = tpu.memref_slice %arg9[%dma_start3A_173, %dma_start3A_174] : memref<2x125xi32, #tpu.memory_space<vmem>> -> memref<1x125xi32, #tpu.memory_space<vmem>>
      %dma_start3A_176 = tpu.memref_squeeze %dma_start3A_175 : memref<1x125xi32, #tpu.memory_space<vmem>> -> memref<125xi32, #tpu.memory_space<vmem>>
      %dma_start3A_177 = arith.constant 0 : i32
      %dma_start3A_178 = arith.constant 0 : i32
      %dma_start3A_179 = tpu.memref_slice %arg20[%dma_start3A_177, %dma_start3A_178] : memref<10240x128xf32, #tpu.memory_space<vmem_shared>> -> memref<10240x128xf32, #tpu.memory_space<vmem_shared>>
      tpu.enqueue_indirect_dma source(%arg11 : memref<125x128xf32, #tpu.memory_space<vmem>>) target(%dma_start3A_179 : memref<10240x128xf32, #tpu.memory_space<vmem_shared>>) offsets(%dma_start3A_176 : memref<125xi32, #tpu.memory_space<vmem>>) semaphore(%arg15 : memref<!tpu.dma_semaphore, #tpu.memory_space<semaphore_mem>>) {add = true}
      %add3A_180 = arith.constant 2 : i32
      %add3A_181 = arith.addi %add3A_165, %add3A_180 : i32
      %lt3A_182 = arith.constant 80 : i32
      %lt3A_183 = arith.cmpi slt, %add3A_181, %lt3A_182 : i32
      %convert_element_type3A_184 = arith.extui %lt3A_183 : i1 to i32
      %cond3A_185 = arith.constant 0 : i32
      %cond3A_186 = arith.cmpi ne, %convert_element_type3A_184, %cond3A_185 : i32
      scf.if %cond3A_186 {
        %dma_wait3A_187 = arith.constant 1 : i32
        %dma_wait3A_188 = arith.constant 0 : i32
        %dma_wait3A_189 = tpu.memref_slice %arg9[%dma_wait3A_187, %dma_wait3A_188] : memref<2x125xi32, #tpu.memory_space<vmem>> -> memref<1x125xi32, #tpu.memory_space<vmem>>
        %dma_wait3A_190 = tpu.memref_squeeze %dma_wait3A_189 : memref<1x125xi32, #tpu.memory_space<vmem>> -> memref<125xi32, #tpu.memory_space<vmem>>
        %dma_wait3A_191 = arith.constant 0 : i32
        %dma_wait3A_192 = arith.constant 0 : i32
        %dma_wait3A_193 = tpu.memref_slice %arg20[%dma_wait3A_191, %dma_wait3A_192] : memref<10240x128xf32, #tpu.memory_space<vmem_shared>> -> memref<10240x128xf32, #tpu.memory_space<vmem_shared>>
        tpu.wait_indirect_dma semaphore(%arg15 : memref<!tpu.dma_semaphore, #tpu.memory_space<semaphore_mem>>) src(%arg11 : memref<125x128xf32, #tpu.memory_space<vmem>>) dst(%dma_wait3A_193 : memref<10240x128xf32, #tpu.memory_space<vmem_shared>>)
        %add3A_194 = arith.constant 4 : i32
        %add3A_195 = arith.addi %add3A_165, %add3A_194 : i32
        %lt3A_196 = arith.constant 80 : i32
        %lt3A_197 = arith.cmpi slt, %add3A_195, %lt3A_196 : i32
        %convert_element_type3A_198 = arith.extui %lt3A_197 : i1 to i32
        %cond3A_199 = arith.constant 0 : i32
        %cond3A_200 = arith.cmpi ne, %convert_element_type3A_198, %cond3A_199 : i32
        scf.if %cond3A_200 {
          %add3A_220 = arith.constant 4 : i32
          %add3A_221 = arith.addi %add3A_165, %add3A_220 : i32
          %dma_start3A_222 = arith.constant 0 : i32
          %dma_start3A_223 = arith.constant 0 : i32
          %dma_start3A_224 = tpu.memref_slice %arg3[%add3A, %add3A_221, %dma_start3A_222, %dma_start3A_223] : memref<32x80x2x125xi32, #tpu.memory_space<hbm>> -> memref<1x1x2x125xi32, #tpu.memory_space<hbm>>
          %dma_start3A_225 = tpu.memref_squeeze %dma_start3A_224 : memref<1x1x2x125xi32, #tpu.memory_space<hbm>> -> memref<2x125xi32, #tpu.memory_space<hbm>>
          %dma_start3A_226 = arith.constant 0 : i32
          %dma_start3A_227 = arith.constant 0 : i32
          %dma_start3A_228 = tpu.memref_slice %arg3[%add3A, %add3A_221, %dma_start3A_226, %dma_start3A_227] : memref<32x80x2x125xi32, #tpu.memory_space<hbm>> -> memref<1x1x2x125xi32, #tpu.memory_space<hbm>>
          %dma_start3A_229 = tpu.memref_squeeze %dma_start3A_228 : memref<1x1x2x125xi32, #tpu.memory_space<hbm>> -> memref<2x125xi32, #tpu.memory_space<hbm>>
          tpu.enqueue_dma source(%dma_start3A_229 : memref<2x125xi32, #tpu.memory_space<hbm>>) target(%arg9 : memref<2x125xi32, #tpu.memory_space<vmem>>) target_semaphore(%arg19 : memref<!tpu.dma_semaphore, #tpu.memory_space<semaphore_mem>>)
        } else {
        }
        %add3A_201 = arith.constant 2 : i32
        %add3A_202 = arith.addi %add3A_165, %add3A_201 : i32
        %dma_wait3A_203 = arith.constant 0 : i32
        %dma_wait3A_204 = arith.constant 0 : i32
        %dma_wait3A_205 = tpu.memref_slice %arg3[%add3A, %add3A_202, %dma_wait3A_203, %dma_wait3A_204] : memref<32x80x2x125xi32, #tpu.memory_space<hbm>> -> memref<1x1x2x125xi32, #tpu.memory_space<hbm>>
        %dma_wait3A_206 = tpu.memref_squeeze %dma_wait3A_205 : memref<1x1x2x125xi32, #tpu.memory_space<hbm>> -> memref<2x125xi32, #tpu.memory_space<hbm>>
        %dma_wait3A_207 = arith.constant 0 : i32
        %dma_wait3A_208 = arith.constant 0 : i32
        %dma_wait3A_209 = tpu.memref_slice %arg3[%add3A, %add3A_202, %dma_wait3A_207, %dma_wait3A_208] : memref<32x80x2x125xi32, #tpu.memory_space<hbm>> -> memref<1x1x2x125xi32, #tpu.memory_space<hbm>>
        %dma_wait3A_210 = tpu.memref_squeeze %dma_wait3A_209 : memref<1x1x2x125xi32, #tpu.memory_space<hbm>> -> memref<2x125xi32, #tpu.memory_space<hbm>>
        tpu.wait_dma2 semaphore(%arg17 : memref<!tpu.dma_semaphore, #tpu.memory_space<semaphore_mem>>) src(%dma_wait3A_210 : memref<2x125xi32, #tpu.memory_space<hbm>>) dst(%arg7 : memref<2x125xi32, #tpu.memory_space<vmem>>)
        %add3A_211 = arith.constant 2 : i32
        %add3A_212 = arith.addi %add3A_165, %add3A_211 : i32
        %dma_start3A_213 = arith.constant 0 : i32
        %dma_start3A_214 = arith.constant 0 : i32
        %dma_start3A_215 = tpu.memref_slice %arg7[%dma_start3A_213, %dma_start3A_214] : memref<2x125xi32, #tpu.memory_space<vmem>> -> memref<1x125xi32, #tpu.memory_space<vmem>>
        %dma_start3A_216 = tpu.memref_squeeze %dma_start3A_215 : memref<1x125xi32, #tpu.memory_space<vmem>> -> memref<125xi32, #tpu.memory_space<vmem>>
        %dma_start3A_217 = arith.constant 0 : i32
        %dma_start3A_218 = arith.constant 0 : i32
        %dma_start3A_219 = tpu.memref_slice %arg2[%dma_start3A_217, %dma_start3A_218] : memref<10240x128xf32, #tpu.memory_space<hbm>> -> memref<10240x128xf32, #tpu.memory_space<hbm>>
        tpu.enqueue_indirect_dma source(%dma_start3A_219 : memref<10240x128xf32, #tpu.memory_space<hbm>>) target(%arg11 : memref<125x128xf32, #tpu.memory_space<vmem>>) offsets(%dma_start3A_216 : memref<125xi32, #tpu.memory_space<vmem>>) semaphore(%arg13 : memref<!tpu.dma_semaphore, #tpu.memory_space<semaphore_mem>>)
      } else {
      }
    }
    %scan3A_73 = arith.constant 20 : i32
    %dma_wait3A_74 = arith.constant 1 : i32
    %dma_wait3A_75 = arith.constant 0 : i32
    %dma_wait3A_76 = tpu.memref_slice %arg8[%dma_wait3A_74, %dma_wait3A_75] : memref<2x125xi32, #tpu.memory_space<vmem>> -> memref<1x125xi32, #tpu.memory_space<vmem>>
    %dma_wait3A_77 = tpu.memref_squeeze %dma_wait3A_76 : memref<1x125xi32, #tpu.memory_space<vmem>> -> memref<125xi32, #tpu.memory_space<vmem>>
    %dma_wait3A_78 = arith.constant 0 : i32
    %dma_wait3A_79 = arith.constant 0 : i32
    %dma_wait3A_80 = tpu.memref_slice %arg20[%dma_wait3A_78, %dma_wait3A_79] : memref<10240x128xf32, #tpu.memory_space<vmem_shared>> -> memref<10240x128xf32, #tpu.memory_space<vmem_shared>>
    tpu.wait_indirect_dma semaphore(%arg14 : memref<!tpu.dma_semaphore, #tpu.memory_space<semaphore_mem>>) src(%arg10 : memref<125x128xf32, #tpu.memory_space<vmem>>) dst(%dma_wait3A_80 : memref<10240x128xf32, #tpu.memory_space<vmem_shared>>)
    %dma_wait3A_81 = arith.constant 1 : i32
    %dma_wait3A_82 = arith.constant 0 : i32
    %dma_wait3A_83 = tpu.memref_slice %arg9[%dma_wait3A_81, %dma_wait3A_82] : memref<2x125xi32, #tpu.memory_space<vmem>> -> memref<1x125xi32, #tpu.memory_space<vmem>>
    %dma_wait3A_84 = tpu.memref_squeeze %dma_wait3A_83 : memref<1x125xi32, #tpu.memory_space<vmem>> -> memref<125xi32, #tpu.memory_space<vmem>>
    %dma_wait3A_85 = arith.constant 0 : i32
    %dma_wait3A_86 = arith.constant 0 : i32
    %dma_wait3A_87 = tpu.memref_slice %arg20[%dma_wait3A_85, %dma_wait3A_86] : memref<10240x128xf32, #tpu.memory_space<vmem_shared>> -> memref<10240x128xf32, #tpu.memory_space<vmem_shared>>
    tpu.wait_indirect_dma semaphore(%arg15 : memref<!tpu.dma_semaphore, #tpu.memory_space<semaphore_mem>>) src(%arg11 : memref<125x128xf32, #tpu.memory_space<vmem>>) dst(%dma_wait3A_87 : memref<10240x128xf32, #tpu.memory_space<vmem_shared>>)
    %barrier3A_88 = arith.constant 0 : index
    tpu.barrier barrier_id(%barrier3A_88)
    "tpu.region"() ({
      %run_scoped3A = tpu.sem_alloc : memref<!tpu.dma_semaphore, #tpu.memory_space<semaphore_mem>>
      %dma_start3A_89 = arith.constant 0 : i32
      %dma_start3A_90 = tpu.memref_slice %arg5[%arg0, %mul3A_2, %dma_start3A_89] : memref<2x10240x128xf32, #tpu.memory_space<hbm>> -> memref<1x640x128xf32, #tpu.memory_space<hbm>>
      %dma_start3A_91 = tpu.memref_squeeze %dma_start3A_90 : memref<1x640x128xf32, #tpu.memory_space<hbm>> -> memref<640x128xf32, #tpu.memory_space<hbm>>
      %dma_start3A_92 = arith.constant 0 : i32
      %dma_start3A_93 = tpu.memref_slice %arg20[%mul3A_2, %dma_start3A_92] : memref<10240x128xf32, #tpu.memory_space<vmem_shared>> -> memref<640x128xf32, #tpu.memory_space<vmem_shared>>
      tpu.enqueue_dma source(%dma_start3A_93 : memref<640x128xf32, #tpu.memory_space<vmem_shared>>) target(%dma_start3A_91 : memref<640x128xf32, #tpu.memory_space<hbm>>) target_semaphore(%run_scoped3A : memref<!tpu.dma_semaphore, #tpu.memory_space<semaphore_mem>>)
      %dma_wait3A_94 = arith.constant 0 : i32
      %dma_wait3A_95 = tpu.memref_slice %arg5[%arg0, %mul3A_2, %dma_wait3A_94] : memref<2x10240x128xf32, #tpu.memory_space<hbm>> -> memref<1x640x128xf32, #tpu.memory_space<hbm>>
      %dma_wait3A_96 = tpu.memref_squeeze %dma_wait3A_95 : memref<1x640x128xf32, #tpu.memory_space<hbm>> -> memref<640x128xf32, #tpu.memory_space<hbm>>
      %dma_wait3A_97 = arith.constant 0 : i32
      %dma_wait3A_98 = tpu.memref_slice %arg20[%mul3A_2, %dma_wait3A_97] : memref<10240x128xf32, #tpu.memory_space<vmem_shared>> -> memref<640x128xf32, #tpu.memory_space<vmem_shared>>
      tpu.wait_dma2 semaphore(%run_scoped3A : memref<!tpu.dma_semaphore, #tpu.memory_space<semaphore_mem>>) src(%dma_wait3A_98 : memref<640x128xf32, #tpu.memory_space<vmem_shared>>) dst(%dma_wait3A_96 : memref<640x128xf32, #tpu.memory_space<hbm>>)
      tpu.yield
    }) : () -> ()
    return
  }
}

#map = affine_map<(d0, d1) -> (0, 0)>
#map1 = affine_map<(d0, d1) -> (0, 0, 0, 0)>
#map2 = affine_map<(d0, d1) -> (0, 0, 0)>
module attributes {stable_mosaic.version = 14 : i64} {
  func.func @_sc_segsum_body(%arg0: i32, %arg1: i32, %arg2: memref<10240x128xf32, #tpu.memory_space<hbm>>, %arg3: memref<32x80x2x125xi32, #tpu.memory_space<hbm>>, %arg4: memref<640x128xf32, #tpu.memory_space<hbm>>, %arg5: memref<2x10240x128xf32, #tpu.memory_space<hbm>>, %arg6: memref<2x125xi32, #tpu.memory_space<vmem>>, %arg7: memref<2x125xi32, #tpu.memory_space<vmem>>, %arg8: memref<2x125xi32, #tpu.memory_space<vmem>>, %arg9: memref<2x125xi32, #tpu.memory_space<vmem>>, %arg10: memref<125x128xf32, #tpu.memory_space<vmem>>, %arg11: memref<125x128xf32, #tpu.memory_space<vmem>>, %arg12: memref<!tpu.dma_semaphore, #tpu.memory_space<semaphore_mem>>, %arg13: memref<!tpu.dma_semaphore, #tpu.memory_space<semaphore_mem>>, %arg14: memref<!tpu.dma_semaphore, #tpu.memory_space<semaphore_mem>>, %arg15: memref<!tpu.dma_semaphore, #tpu.memory_space<semaphore_mem>>, %arg16: memref<!tpu.dma_semaphore, #tpu.memory_space<semaphore_mem>>, %arg17: memref<!tpu.dma_semaphore, #tpu.memory_space<semaphore_mem>>, %arg18: memref<!tpu.dma_semaphore, #tpu.memory_space<semaphore_mem>>, %arg19: memref<!tpu.dma_semaphore, #tpu.memory_space<semaphore_mem>>, %arg20: memref<10240x128xf32, #tpu.memory_space<vmem_shared>>) attributes {dimension_semantics = [#tpu.dimension_semantics<core_parallel>, #tpu.dimension_semantics<subcore_parallel>], iteration_bounds = array<i64: 2, 16>, scalar_prefetch = 0 : i64, scratch_operands = 15 : i64, tpu.core_type = #tpu.core_type<sc_vector_subcore>, window_params = [{transform_indices = #map}, {transform_indices = #map1}, {transform_indices = #map}, {transform_indices = #map2}]} {
    %mul3A = arith.constant 16 : i32
    %mul3A_0 = arith.muli %arg0, %mul3A : i32
    %add3A = arith.addi %mul3A_0, %arg1 : i32
    %mul3A_1 = arith.constant 640 : i32
    %mul3A_2 = arith.muli %arg1, %mul3A_1 : i32
    "tpu.region"() ({
      %run_scoped3A = tpu.sem_alloc : memref<!tpu.dma_semaphore, #tpu.memory_space<semaphore_mem>>
      %dma_start3A_89 = arith.constant 0 : i32
      %dma_start3A_90 = tpu.memref_slice %arg20[%mul3A_2, %dma_start3A_89] : memref<10240x128xf32, #tpu.memory_space<vmem_shared>> -> memref<640x128xf32, #tpu.memory_space<vmem_shared>>
      tpu.enqueue_dma source(%arg4 : memref<640x128xf32, #tpu.memory_space<hbm>>) target(%dma_start3A_90 : memref<640x128xf32, #tpu.memory_space<vmem_shared>>) target_semaphore(%run_scoped3A : memref<!tpu.dma_semaphore, #tpu.memory_space<semaphore_mem>>)
      %dma_wait3A_91 = arith.constant 0 : i32
      %dma_wait3A_92 = tpu.memref_slice %arg20[%mul3A_2, %dma_wait3A_91] : memref<10240x128xf32, #tpu.memory_space<vmem_shared>> -> memref<640x128xf32, #tpu.memory_space<vmem_shared>>
      tpu.wait_dma2 semaphore(%run_scoped3A : memref<!tpu.dma_semaphore, #tpu.memory_space<semaphore_mem>>) src(%arg4 : memref<640x128xf32, #tpu.memory_space<hbm>>) dst(%dma_wait3A_92 : memref<640x128xf32, #tpu.memory_space<vmem_shared>>)
      tpu.yield
    }) : () -> ()
    %barrier3A = arith.constant 0 : index
    tpu.barrier barrier_id(%barrier3A)
    %dma_start3A = arith.constant 0 : i32
    %dma_start3A_3 = arith.constant 0 : i32
    %dma_start3A_4 = arith.constant 0 : i32
    %dma_start3A_5 = tpu.memref_slice %arg3[%add3A, %dma_start3A, %dma_start3A_3, %dma_start3A_4] : memref<32x80x2x125xi32, #tpu.memory_space<hbm>> -> memref<1x1x2x125xi32, #tpu.memory_space<hbm>>
    %dma_start3A_6 = tpu.memref_squeeze %dma_start3A_5 : memref<1x1x2x125xi32, #tpu.memory_space<hbm>> -> memref<2x125xi32, #tpu.memory_space<hbm>>
    %dma_start3A_7 = arith.constant 0 : i32
    %dma_start3A_8 = arith.constant 0 : i32
    %dma_start3A_9 = tpu.memref_slice %arg3[%add3A, %dma_start3A, %dma_start3A_7, %dma_start3A_8] : memref<32x80x2x125xi32, #tpu.memory_space<hbm>> -> memref<1x1x2x125xi32, #tpu.memory_space<hbm>>
    %dma_start3A_10 = tpu.memref_squeeze %dma_start3A_9 : memref<1x1x2x125xi32, #tpu.memory_space<hbm>> -> memref<2x125xi32, #tpu.memory_space<hbm>>
    tpu.enqueue_dma source(%dma_start3A_10 : memref<2x125xi32, #tpu.memory_space<hbm>>) target(%arg6 : memref<2x125xi32, #tpu.memory_space<vmem>>) target_semaphore(%arg16 : memref<!tpu.dma_semaphore, #tpu.memory_space<semaphore_mem>>)
    %dma_start3A_11 = arith.constant 1 : i32
    %dma_start3A_12 = arith.constant 0 : i32
    %dma_start3A_13 = arith.constant 0 : i32
    %dma_start3A_14 = tpu.memref_slice %arg3[%add3A, %dma_start3A_11, %dma_start3A_12, %dma_start3A_13] : memref<32x80x2x125xi32, #tpu.memory_space<hbm>> -> memref<1x1x2x125xi32, #tpu.memory_space<hbm>>
    %dma_start3A_15 = tpu.memref_squeeze %dma_start3A_14 : memref<1x1x2x125xi32, #tpu.memory_space<hbm>> -> memref<2x125xi32, #tpu.memory_space<hbm>>
    %dma_start3A_16 = arith.constant 0 : i32
    %dma_start3A_17 = arith.constant 0 : i32
    %dma_start3A_18 = tpu.memref_slice %arg3[%add3A, %dma_start3A_11, %dma_start3A_16, %dma_start3A_17] : memref<32x80x2x125xi32, #tpu.memory_space<hbm>> -> memref<1x1x2x125xi32, #tpu.memory_space<hbm>>
    %dma_start3A_19 = tpu.memref_squeeze %dma_start3A_18 : memref<1x1x2x125xi32, #tpu.memory_space<hbm>> -> memref<2x125xi32, #tpu.memory_space<hbm>>
    tpu.enqueue_dma source(%dma_start3A_19 : memref<2x125xi32, #tpu.memory_space<hbm>>) target(%arg7 : memref<2x125xi32, #tpu.memory_space<vmem>>) target_semaphore(%arg17 : memref<!tpu.dma_semaphore, #tpu.memory_space<semaphore_mem>>)
    %dma_start3A_20 = arith.constant 2 : i32
    %dma_start3A_21 = arith.constant 0 : i32
    %dma_start3A_22 = arith.constant 0 : i32
    %dma_start3A_23 = tpu.memref_slice %arg3[%add3A, %dma_start3A_20, %dma_start3A_21, %dma_start3A_22] : memref<32x80x2x125xi32, #tpu.memory_space<hbm>> -> memref<1x1x2x125xi32, #tpu.memory_space<hbm>>
    %dma_start3A_24 = tpu.memref_squeeze %dma_start3A_23 : memref<1x1x2x125xi32, #tpu.memory_space<hbm>> -> memref<2x125xi32, #tpu.memory_space<hbm>>
    %dma_start3A_25 = arith.constant 0 : i32
    %dma_start3A_26 = arith.constant 0 : i32
    %dma_start3A_27 = tpu.memref_slice %arg3[%add3A, %dma_start3A_20, %dma_start3A_25, %dma_start3A_26] : memref<32x80x2x125xi32, #tpu.memory_space<hbm>> -> memref<1x1x2x125xi32, #tpu.memory_space<hbm>>
    %dma_start3A_28 = tpu.memref_squeeze %dma_start3A_27 : memref<1x1x2x125xi32, #tpu.memory_space<hbm>> -> memref<2x125xi32, #tpu.memory_space<hbm>>
    tpu.enqueue_dma source(%dma_start3A_28 : memref<2x125xi32, #tpu.memory_space<hbm>>) target(%arg8 : memref<2x125xi32, #tpu.memory_space<vmem>>) target_semaphore(%arg18 : memref<!tpu.dma_semaphore, #tpu.memory_space<semaphore_mem>>)
    %dma_start3A_29 = arith.constant 3 : i32
    %dma_start3A_30 = arith.constant 0 : i32
    %dma_start3A_31 = arith.constant 0 : i32
    %dma_start3A_32 = tpu.memref_slice %arg3[%add3A, %dma_start3A_29, %dma_start3A_30, %dma_start3A_31] : memref<32x80x2x125xi32, #tpu.memory_space<hbm>> -> memref<1x1x2x125xi32, #tpu.memory_space<hbm>>
    %dma_start3A_33 = tpu.memref_squeeze %dma_start3A_32 : memref<1x1x2x125xi32, #tpu.memory_space<hbm>> -> memref<2x125xi32, #tpu.memory_space<hbm>>
    %dma_start3A_34 = arith.constant 0 : i32
    %dma_start3A_35 = arith.constant 0 : i32
    %dma_start3A_36 = tpu.memref_slice %arg3[%add3A, %dma_start3A_29, %dma_start3A_34, %dma_start3A_35] : memref<32x80x2x125xi32, #tpu.memory_space<hbm>> -> memref<1x1x2x125xi32, #tpu.memory_space<hbm>>
    %dma_start3A_37 = tpu.memref_squeeze %dma_start3A_36 : memref<1x1x2x125xi32, #tpu.memory_space<hbm>> -> memref<2x125xi32, #tpu.memory_space<hbm>>
    tpu.enqueue_dma source(%dma_start3A_37 : memref<2x125xi32, #tpu.memory_space<hbm>>) target(%arg9 : memref<2x125xi32, #tpu.memory_space<vmem>>) target_semaphore(%arg19 : memref<!tpu.dma_semaphore, #tpu.memory_space<semaphore_mem>>)
    %dma_wait3A = arith.constant 0 : i32
    %dma_wait3A_38 = arith.constant 0 : i32
    %dma_wait3A_39 = arith.constant 0 : i32
    %dma_wait3A_40 = tpu.memref_slice %arg3[%add3A, %dma_wait3A, %dma_wait3A_38, %dma_wait3A_39] : memref<32x80x2x125xi32, #tpu.memory_space<hbm>> -> memref<1x1x2x125xi32, #tpu.memory_space<hbm>>
    %dma_wait3A_41 = tpu.memref_squeeze %dma_wait3A_40 : memref<1x1x2x125xi32, #tpu.memory_space<hbm>> -> memref<2x125xi32, #tpu.memory_space<hbm>>
    %dma_wait3A_42 = arith.constant 0 : i32
    %dma_wait3A_43 = arith.constant 0 : i32
    %dma_wait3A_44 = tpu.memref_slice %arg3[%add3A, %dma_wait3A, %dma_wait3A_42, %dma_wait3A_43] : memref<32x80x2x125xi32, #tpu.memory_space<hbm>> -> memref<1x1x2x125xi32, #tpu.memory_space<hbm>>
    %dma_wait3A_45 = tpu.memref_squeeze %dma_wait3A_44 : memref<1x1x2x125xi32, #tpu.memory_space<hbm>> -> memref<2x125xi32, #tpu.memory_space<hbm>>
    tpu.wait_dma2 semaphore(%arg16 : memref<!tpu.dma_semaphore, #tpu.memory_space<semaphore_mem>>) src(%dma_wait3A_45 : memref<2x125xi32, #tpu.memory_space<hbm>>) dst(%arg6 : memref<2x125xi32, #tpu.memory_space<vmem>>)
    %dma_start3A_46 = arith.constant 0 : i32
    %dma_start3A_47 = arith.constant 0 : i32
    %dma_start3A_48 = tpu.memref_slice %arg6[%dma_start3A_46, %dma_start3A_47] : memref<2x125xi32, #tpu.memory_space<vmem>> -> memref<1x125xi32, #tpu.memory_space<vmem>>
    %dma_start3A_49 = tpu.memref_squeeze %dma_start3A_48 : memref<1x125xi32, #tpu.memory_space<vmem>> -> memref<125xi32, #tpu.memory_space<vmem>>
    %dma_start3A_50 = arith.constant 0 : i32
    %dma_start3A_51 = arith.constant 0 : i32
    %dma_start3A_52 = tpu.memref_slice %arg2[%dma_start3A_50, %dma_start3A_51] : memref<10240x128xf32, #tpu.memory_space<hbm>> -> memref<10240x128xf32, #tpu.memory_space<hbm>>
    tpu.enqueue_indirect_dma source(%dma_start3A_52 : memref<10240x128xf32, #tpu.memory_space<hbm>>) target(%arg10 : memref<125x128xf32, #tpu.memory_space<vmem>>) offsets(%dma_start3A_49 : memref<125xi32, #tpu.memory_space<vmem>>) semaphore(%arg12 : memref<!tpu.dma_semaphore, #tpu.memory_space<semaphore_mem>>)
    %dma_wait3A_53 = arith.constant 1 : i32
    %dma_wait3A_54 = arith.constant 0 : i32
    %dma_wait3A_55 = arith.constant 0 : i32
    %dma_wait3A_56 = tpu.memref_slice %arg3[%add3A, %dma_wait3A_53, %dma_wait3A_54, %dma_wait3A_55] : memref<32x80x2x125xi32, #tpu.memory_space<hbm>> -> memref<1x1x2x125xi32, #tpu.memory_space<hbm>>
    %dma_wait3A_57 = tpu.memref_squeeze %dma_wait3A_56 : memref<1x1x2x125xi32, #tpu.memory_space<hbm>> -> memref<2x125xi32, #tpu.memory_space<hbm>>
    %dma_wait3A_58 = arith.constant 0 : i32
    %dma_wait3A_59 = arith.constant 0 : i32
    %dma_wait3A_60 = tpu.memref_slice %arg3[%add3A, %dma_wait3A_53, %dma_wait3A_58, %dma_wait3A_59] : memref<32x80x2x125xi32, #tpu.memory_space<hbm>> -> memref<1x1x2x125xi32, #tpu.memory_space<hbm>>
    %dma_wait3A_61 = tpu.memref_squeeze %dma_wait3A_60 : memref<1x1x2x125xi32, #tpu.memory_space<hbm>> -> memref<2x125xi32, #tpu.memory_space<hbm>>
    tpu.wait_dma2 semaphore(%arg17 : memref<!tpu.dma_semaphore, #tpu.memory_space<semaphore_mem>>) src(%dma_wait3A_61 : memref<2x125xi32, #tpu.memory_space<hbm>>) dst(%arg7 : memref<2x125xi32, #tpu.memory_space<vmem>>)
    %dma_start3A_62 = arith.constant 0 : i32
    %dma_start3A_63 = arith.constant 0 : i32
    %dma_start3A_64 = tpu.memref_slice %arg7[%dma_start3A_62, %dma_start3A_63] : memref<2x125xi32, #tpu.memory_space<vmem>> -> memref<1x125xi32, #tpu.memory_space<vmem>>
    %dma_start3A_65 = tpu.memref_squeeze %dma_start3A_64 : memref<1x125xi32, #tpu.memory_space<vmem>> -> memref<125xi32, #tpu.memory_space<vmem>>
    %dma_start3A_66 = arith.constant 0 : i32
    %dma_start3A_67 = arith.constant 0 : i32
    %dma_start3A_68 = tpu.memref_slice %arg2[%dma_start3A_66, %dma_start3A_67] : memref<10240x128xf32, #tpu.memory_space<hbm>> -> memref<10240x128xf32, #tpu.memory_space<hbm>>
    tpu.enqueue_indirect_dma source(%dma_start3A_68 : memref<10240x128xf32, #tpu.memory_space<hbm>>) target(%arg11 : memref<125x128xf32, #tpu.memory_space<vmem>>) offsets(%dma_start3A_65 : memref<125xi32, #tpu.memory_space<vmem>>) semaphore(%arg13 : memref<!tpu.dma_semaphore, #tpu.memory_space<semaphore_mem>>)
    %scan3A = arith.constant 0 : i32
    %scan3A_69 = arith.constant 0 : i32
    %scan3A_70 = arith.constant 20 : i32
    %scan3A_71 = arith.addi %scan3A_69, %scan3A_70 : i32
    %scan3A_72 = arith.constant 1 : i32
    scf.for %scan3A_89 = %scan3A_69 to %scan3A_71 step %scan3A_72  : i32 {
      %mul3A_90 = arith.constant 4 : i32
      %mul3A_91 = arith.muli %mul3A_90, %scan3A_89 : i32
      %add3A_92 = arith.constant 0 : i32
      %add3A_93 = arith.addi %mul3A_91, %add3A_92 : i32
      %dma_wait3A_94 = arith.constant 0 : i32
      %dma_wait3A_95 = arith.constant 0 : i32
      %dma_wait3A_96 = tpu.memref_slice %arg6[%dma_wait3A_94, %dma_wait3A_95] : memref<2x125xi32, #tpu.memory_space<vmem>> -> memref<1x125xi32, #tpu.memory_space<vmem>>
      %dma_wait3A_97 = tpu.memref_squeeze %dma_wait3A_96 : memref<1x125xi32, #tpu.memory_space<vmem>> -> memref<125xi32, #tpu.memory_space<vmem>>
      %dma_wait3A_98 = arith.constant 0 : i32
      %dma_wait3A_99 = arith.constant 0 : i32
      %dma_wait3A_100 = tpu.memref_slice %arg2[%dma_wait3A_98, %dma_wait3A_99] : memref<10240x128xf32, #tpu.memory_space<hbm>> -> memref<10240x128xf32, #tpu.memory_space<hbm>>
      tpu.wait_indirect_dma semaphore(%arg12 : memref<!tpu.dma_semaphore, #tpu.memory_space<semaphore_mem>>) src(%dma_wait3A_100 : memref<10240x128xf32, #tpu.memory_space<hbm>>) dst(%arg10 : memref<125x128xf32, #tpu.memory_space<vmem>>)
      %dma_start3A_101 = arith.constant 1 : i32
      %dma_start3A_102 = arith.constant 0 : i32
      %dma_start3A_103 = tpu.memref_slice %arg6[%dma_start3A_101, %dma_start3A_102] : memref<2x125xi32, #tpu.memory_space<vmem>> -> memref<1x125xi32, #tpu.memory_space<vmem>>
      %dma_start3A_104 = tpu.memref_squeeze %dma_start3A_103 : memref<1x125xi32, #tpu.memory_space<vmem>> -> memref<125xi32, #tpu.memory_space<vmem>>
      %dma_start3A_105 = arith.constant 0 : i32
      %dma_start3A_106 = arith.constant 0 : i32
      %dma_start3A_107 = tpu.memref_slice %arg20[%dma_start3A_105, %dma_start3A_106] : memref<10240x128xf32, #tpu.memory_space<vmem_shared>> -> memref<10240x128xf32, #tpu.memory_space<vmem_shared>>
      tpu.enqueue_indirect_dma source(%arg10 : memref<125x128xf32, #tpu.memory_space<vmem>>) target(%dma_start3A_107 : memref<10240x128xf32, #tpu.memory_space<vmem_shared>>) offsets(%dma_start3A_104 : memref<125xi32, #tpu.memory_space<vmem>>) semaphore(%arg14 : memref<!tpu.dma_semaphore, #tpu.memory_space<semaphore_mem>>) {add = true}
      %add3A_108 = arith.constant 2 : i32
      %add3A_109 = arith.addi %add3A_93, %add3A_108 : i32
      %lt3A = arith.constant 80 : i32
      %lt3A_110 = arith.cmpi slt, %add3A_109, %lt3A : i32
      %convert_element_type3A = arith.extui %lt3A_110 : i1 to i32
      %cond3A = arith.constant 0 : i32
      %cond3A_111 = arith.cmpi ne, %convert_element_type3A, %cond3A : i32
      scf.if %cond3A_111 {
        %dma_wait3A_187 = arith.constant 1 : i32
        %dma_wait3A_188 = arith.constant 0 : i32
        %dma_wait3A_189 = tpu.memref_slice %arg6[%dma_wait3A_187, %dma_wait3A_188] : memref<2x125xi32, #tpu.memory_space<vmem>> -> memref<1x125xi32, #tpu.memory_space<vmem>>
        %dma_wait3A_190 = tpu.memref_squeeze %dma_wait3A_189 : memref<1x125xi32, #tpu.memory_space<vmem>> -> memref<125xi32, #tpu.memory_space<vmem>>
        %dma_wait3A_191 = arith.constant 0 : i32
        %dma_wait3A_192 = arith.constant 0 : i32
        %dma_wait3A_193 = tpu.memref_slice %arg20[%dma_wait3A_191, %dma_wait3A_192] : memref<10240x128xf32, #tpu.memory_space<vmem_shared>> -> memref<10240x128xf32, #tpu.memory_space<vmem_shared>>
        tpu.wait_indirect_dma semaphore(%arg14 : memref<!tpu.dma_semaphore, #tpu.memory_space<semaphore_mem>>) src(%arg10 : memref<125x128xf32, #tpu.memory_space<vmem>>) dst(%dma_wait3A_193 : memref<10240x128xf32, #tpu.memory_space<vmem_shared>>)
        %add3A_194 = arith.constant 4 : i32
        %add3A_195 = arith.addi %add3A_93, %add3A_194 : i32
        %lt3A_196 = arith.constant 80 : i32
        %lt3A_197 = arith.cmpi slt, %add3A_195, %lt3A_196 : i32
        %convert_element_type3A_198 = arith.extui %lt3A_197 : i1 to i32
        %cond3A_199 = arith.constant 0 : i32
        %cond3A_200 = arith.cmpi ne, %convert_element_type3A_198, %cond3A_199 : i32
        scf.if %cond3A_200 {
          %add3A_220 = arith.constant 4 : i32
          %add3A_221 = arith.addi %add3A_93, %add3A_220 : i32
          %dma_start3A_222 = arith.constant 0 : i32
          %dma_start3A_223 = arith.constant 0 : i32
          %dma_start3A_224 = tpu.memref_slice %arg3[%add3A, %add3A_221, %dma_start3A_222, %dma_start3A_223] : memref<32x80x2x125xi32, #tpu.memory_space<hbm>> -> memref<1x1x2x125xi32, #tpu.memory_space<hbm>>
          %dma_start3A_225 = tpu.memref_squeeze %dma_start3A_224 : memref<1x1x2x125xi32, #tpu.memory_space<hbm>> -> memref<2x125xi32, #tpu.memory_space<hbm>>
          %dma_start3A_226 = arith.constant 0 : i32
          %dma_start3A_227 = arith.constant 0 : i32
          %dma_start3A_228 = tpu.memref_slice %arg3[%add3A, %add3A_221, %dma_start3A_226, %dma_start3A_227] : memref<32x80x2x125xi32, #tpu.memory_space<hbm>> -> memref<1x1x2x125xi32, #tpu.memory_space<hbm>>
          %dma_start3A_229 = tpu.memref_squeeze %dma_start3A_228 : memref<1x1x2x125xi32, #tpu.memory_space<hbm>> -> memref<2x125xi32, #tpu.memory_space<hbm>>
          tpu.enqueue_dma source(%dma_start3A_229 : memref<2x125xi32, #tpu.memory_space<hbm>>) target(%arg6 : memref<2x125xi32, #tpu.memory_space<vmem>>) target_semaphore(%arg16 : memref<!tpu.dma_semaphore, #tpu.memory_space<semaphore_mem>>)
        } else {
        }
        %add3A_201 = arith.constant 2 : i32
        %add3A_202 = arith.addi %add3A_93, %add3A_201 : i32
        %dma_wait3A_203 = arith.constant 0 : i32
        %dma_wait3A_204 = arith.constant 0 : i32
        %dma_wait3A_205 = tpu.memref_slice %arg3[%add3A, %add3A_202, %dma_wait3A_203, %dma_wait3A_204] : memref<32x80x2x125xi32, #tpu.memory_space<hbm>> -> memref<1x1x2x125xi32, #tpu.memory_space<hbm>>
        %dma_wait3A_206 = tpu.memref_squeeze %dma_wait3A_205 : memref<1x1x2x125xi32, #tpu.memory_space<hbm>> -> memref<2x125xi32, #tpu.memory_space<hbm>>
        %dma_wait3A_207 = arith.constant 0 : i32
        %dma_wait3A_208 = arith.constant 0 : i32
        %dma_wait3A_209 = tpu.memref_slice %arg3[%add3A, %add3A_202, %dma_wait3A_207, %dma_wait3A_208] : memref<32x80x2x125xi32, #tpu.memory_space<hbm>> -> memref<1x1x2x125xi32, #tpu.memory_space<hbm>>
        %dma_wait3A_210 = tpu.memref_squeeze %dma_wait3A_209 : memref<1x1x2x125xi32, #tpu.memory_space<hbm>> -> memref<2x125xi32, #tpu.memory_space<hbm>>
        tpu.wait_dma2 semaphore(%arg18 : memref<!tpu.dma_semaphore, #tpu.memory_space<semaphore_mem>>) src(%dma_wait3A_210 : memref<2x125xi32, #tpu.memory_space<hbm>>) dst(%arg8 : memref<2x125xi32, #tpu.memory_space<vmem>>)
        %add3A_211 = arith.constant 2 : i32
        %add3A_212 = arith.addi %add3A_93, %add3A_211 : i32
        %dma_start3A_213 = arith.constant 0 : i32
        %dma_start3A_214 = arith.constant 0 : i32
        %dma_start3A_215 = tpu.memref_slice %arg8[%dma_start3A_213, %dma_start3A_214] : memref<2x125xi32, #tpu.memory_space<vmem>> -> memref<1x125xi32, #tpu.memory_space<vmem>>
        %dma_start3A_216 = tpu.memref_squeeze %dma_start3A_215 : memref<1x125xi32, #tpu.memory_space<vmem>> -> memref<125xi32, #tpu.memory_space<vmem>>
        %dma_start3A_217 = arith.constant 0 : i32
        %dma_start3A_218 = arith.constant 0 : i32
        %dma_start3A_219 = tpu.memref_slice %arg2[%dma_start3A_217, %dma_start3A_218] : memref<10240x128xf32, #tpu.memory_space<hbm>> -> memref<10240x128xf32, #tpu.memory_space<hbm>>
        tpu.enqueue_indirect_dma source(%dma_start3A_219 : memref<10240x128xf32, #tpu.memory_space<hbm>>) target(%arg10 : memref<125x128xf32, #tpu.memory_space<vmem>>) offsets(%dma_start3A_216 : memref<125xi32, #tpu.memory_space<vmem>>) semaphore(%arg12 : memref<!tpu.dma_semaphore, #tpu.memory_space<semaphore_mem>>)
      } else {
      }
      %mul3A_112 = arith.constant 4 : i32
      %mul3A_113 = arith.muli %mul3A_112, %scan3A_89 : i32
      %add3A_114 = arith.constant 1 : i32
      %add3A_115 = arith.addi %mul3A_113, %add3A_114 : i32
      %dma_wait3A_116 = arith.constant 0 : i32
      %dma_wait3A_117 = arith.constant 0 : i32
      %dma_wait3A_118 = tpu.memref_slice %arg7[%dma_wait3A_116, %dma_wait3A_117] : memref<2x125xi32, #tpu.memory_space<vmem>> -> memref<1x125xi32, #tpu.memory_space<vmem>>
      %dma_wait3A_119 = tpu.memref_squeeze %dma_wait3A_118 : memref<1x125xi32, #tpu.memory_space<vmem>> -> memref<125xi32, #tpu.memory_space<vmem>>
      %dma_wait3A_120 = arith.constant 0 : i32
      %dma_wait3A_121 = arith.constant 0 : i32
      %dma_wait3A_122 = tpu.memref_slice %arg2[%dma_wait3A_120, %dma_wait3A_121] : memref<10240x128xf32, #tpu.memory_space<hbm>> -> memref<10240x128xf32, #tpu.memory_space<hbm>>
      tpu.wait_indirect_dma semaphore(%arg13 : memref<!tpu.dma_semaphore, #tpu.memory_space<semaphore_mem>>) src(%dma_wait3A_122 : memref<10240x128xf32, #tpu.memory_space<hbm>>) dst(%arg11 : memref<125x128xf32, #tpu.memory_space<vmem>>)
      %dma_start3A_123 = arith.constant 1 : i32
      %dma_start3A_124 = arith.constant 0 : i32
      %dma_start3A_125 = tpu.memref_slice %arg7[%dma_start3A_123, %dma_start3A_124] : memref<2x125xi32, #tpu.memory_space<vmem>> -> memref<1x125xi32, #tpu.memory_space<vmem>>
      %dma_start3A_126 = tpu.memref_squeeze %dma_start3A_125 : memref<1x125xi32, #tpu.memory_space<vmem>> -> memref<125xi32, #tpu.memory_space<vmem>>
      %dma_start3A_127 = arith.constant 0 : i32
      %dma_start3A_128 = arith.constant 0 : i32
      %dma_start3A_129 = tpu.memref_slice %arg20[%dma_start3A_127, %dma_start3A_128] : memref<10240x128xf32, #tpu.memory_space<vmem_shared>> -> memref<10240x128xf32, #tpu.memory_space<vmem_shared>>
      tpu.enqueue_indirect_dma source(%arg11 : memref<125x128xf32, #tpu.memory_space<vmem>>) target(%dma_start3A_129 : memref<10240x128xf32, #tpu.memory_space<vmem_shared>>) offsets(%dma_start3A_126 : memref<125xi32, #tpu.memory_space<vmem>>) semaphore(%arg15 : memref<!tpu.dma_semaphore, #tpu.memory_space<semaphore_mem>>) {add = true}
      %add3A_130 = arith.constant 2 : i32
      %add3A_131 = arith.addi %add3A_115, %add3A_130 : i32
      %lt3A_132 = arith.constant 80 : i32
      %lt3A_133 = arith.cmpi slt, %add3A_131, %lt3A_132 : i32
      %convert_element_type3A_134 = arith.extui %lt3A_133 : i1 to i32
      %cond3A_135 = arith.constant 0 : i32
      %cond3A_136 = arith.cmpi ne, %convert_element_type3A_134, %cond3A_135 : i32
      scf.if %cond3A_136 {
        %dma_wait3A_187 = arith.constant 1 : i32
        %dma_wait3A_188 = arith.constant 0 : i32
        %dma_wait3A_189 = tpu.memref_slice %arg7[%dma_wait3A_187, %dma_wait3A_188] : memref<2x125xi32, #tpu.memory_space<vmem>> -> memref<1x125xi32, #tpu.memory_space<vmem>>
        %dma_wait3A_190 = tpu.memref_squeeze %dma_wait3A_189 : memref<1x125xi32, #tpu.memory_space<vmem>> -> memref<125xi32, #tpu.memory_space<vmem>>
        %dma_wait3A_191 = arith.constant 0 : i32
        %dma_wait3A_192 = arith.constant 0 : i32
        %dma_wait3A_193 = tpu.memref_slice %arg20[%dma_wait3A_191, %dma_wait3A_192] : memref<10240x128xf32, #tpu.memory_space<vmem_shared>> -> memref<10240x128xf32, #tpu.memory_space<vmem_shared>>
        tpu.wait_indirect_dma semaphore(%arg15 : memref<!tpu.dma_semaphore, #tpu.memory_space<semaphore_mem>>) src(%arg11 : memref<125x128xf32, #tpu.memory_space<vmem>>) dst(%dma_wait3A_193 : memref<10240x128xf32, #tpu.memory_space<vmem_shared>>)
        %add3A_194 = arith.constant 4 : i32
        %add3A_195 = arith.addi %add3A_115, %add3A_194 : i32
        %lt3A_196 = arith.constant 80 : i32
        %lt3A_197 = arith.cmpi slt, %add3A_195, %lt3A_196 : i32
        %convert_element_type3A_198 = arith.extui %lt3A_197 : i1 to i32
        %cond3A_199 = arith.constant 0 : i32
        %cond3A_200 = arith.cmpi ne, %convert_element_type3A_198, %cond3A_199 : i32
        scf.if %cond3A_200 {
          %add3A_220 = arith.constant 4 : i32
          %add3A_221 = arith.addi %add3A_115, %add3A_220 : i32
          %dma_start3A_222 = arith.constant 0 : i32
          %dma_start3A_223 = arith.constant 0 : i32
          %dma_start3A_224 = tpu.memref_slice %arg3[%add3A, %add3A_221, %dma_start3A_222, %dma_start3A_223] : memref<32x80x2x125xi32, #tpu.memory_space<hbm>> -> memref<1x1x2x125xi32, #tpu.memory_space<hbm>>
          %dma_start3A_225 = tpu.memref_squeeze %dma_start3A_224 : memref<1x1x2x125xi32, #tpu.memory_space<hbm>> -> memref<2x125xi32, #tpu.memory_space<hbm>>
          %dma_start3A_226 = arith.constant 0 : i32
          %dma_start3A_227 = arith.constant 0 : i32
          %dma_start3A_228 = tpu.memref_slice %arg3[%add3A, %add3A_221, %dma_start3A_226, %dma_start3A_227] : memref<32x80x2x125xi32, #tpu.memory_space<hbm>> -> memref<1x1x2x125xi32, #tpu.memory_space<hbm>>
          %dma_start3A_229 = tpu.memref_squeeze %dma_start3A_228 : memref<1x1x2x125xi32, #tpu.memory_space<hbm>> -> memref<2x125xi32, #tpu.memory_space<hbm>>
          tpu.enqueue_dma source(%dma_start3A_229 : memref<2x125xi32, #tpu.memory_space<hbm>>) target(%arg7 : memref<2x125xi32, #tpu.memory_space<vmem>>) target_semaphore(%arg17 : memref<!tpu.dma_semaphore, #tpu.memory_space<semaphore_mem>>)
        } else {
        }
        %add3A_201 = arith.constant 2 : i32
        %add3A_202 = arith.addi %add3A_115, %add3A_201 : i32
        %dma_wait3A_203 = arith.constant 0 : i32
        %dma_wait3A_204 = arith.constant 0 : i32
        %dma_wait3A_205 = tpu.memref_slice %arg3[%add3A, %add3A_202, %dma_wait3A_203, %dma_wait3A_204] : memref<32x80x2x125xi32, #tpu.memory_space<hbm>> -> memref<1x1x2x125xi32, #tpu.memory_space<hbm>>
        %dma_wait3A_206 = tpu.memref_squeeze %dma_wait3A_205 : memref<1x1x2x125xi32, #tpu.memory_space<hbm>> -> memref<2x125xi32, #tpu.memory_space<hbm>>
        %dma_wait3A_207 = arith.constant 0 : i32
        %dma_wait3A_208 = arith.constant 0 : i32
        %dma_wait3A_209 = tpu.memref_slice %arg3[%add3A, %add3A_202, %dma_wait3A_207, %dma_wait3A_208] : memref<32x80x2x125xi32, #tpu.memory_space<hbm>> -> memref<1x1x2x125xi32, #tpu.memory_space<hbm>>
        %dma_wait3A_210 = tpu.memref_squeeze %dma_wait3A_209 : memref<1x1x2x125xi32, #tpu.memory_space<hbm>> -> memref<2x125xi32, #tpu.memory_space<hbm>>
        tpu.wait_dma2 semaphore(%arg19 : memref<!tpu.dma_semaphore, #tpu.memory_space<semaphore_mem>>) src(%dma_wait3A_210 : memref<2x125xi32, #tpu.memory_space<hbm>>) dst(%arg9 : memref<2x125xi32, #tpu.memory_space<vmem>>)
        %add3A_211 = arith.constant 2 : i32
        %add3A_212 = arith.addi %add3A_115, %add3A_211 : i32
        %dma_start3A_213 = arith.constant 0 : i32
        %dma_start3A_214 = arith.constant 0 : i32
        %dma_start3A_215 = tpu.memref_slice %arg9[%dma_start3A_213, %dma_start3A_214] : memref<2x125xi32, #tpu.memory_space<vmem>> -> memref<1x125xi32, #tpu.memory_space<vmem>>
        %dma_start3A_216 = tpu.memref_squeeze %dma_start3A_215 : memref<1x125xi32, #tpu.memory_space<vmem>> -> memref<125xi32, #tpu.memory_space<vmem>>
        %dma_start3A_217 = arith.constant 0 : i32
        %dma_start3A_218 = arith.constant 0 : i32
        %dma_start3A_219 = tpu.memref_slice %arg2[%dma_start3A_217, %dma_start3A_218] : memref<10240x128xf32, #tpu.memory_space<hbm>> -> memref<10240x128xf32, #tpu.memory_space<hbm>>
        tpu.enqueue_indirect_dma source(%dma_start3A_219 : memref<10240x128xf32, #tpu.memory_space<hbm>>) target(%arg11 : memref<125x128xf32, #tpu.memory_space<vmem>>) offsets(%dma_start3A_216 : memref<125xi32, #tpu.memory_space<vmem>>) semaphore(%arg13 : memref<!tpu.dma_semaphore, #tpu.memory_space<semaphore_mem>>)
      } else {
      }
      %mul3A_137 = arith.constant 4 : i32
      %mul3A_138 = arith.muli %mul3A_137, %scan3A_89 : i32
      %add3A_139 = arith.constant 2 : i32
      %add3A_140 = arith.addi %mul3A_138, %add3A_139 : i32
      %dma_wait3A_141 = arith.constant 0 : i32
      %dma_wait3A_142 = arith.constant 0 : i32
      %dma_wait3A_143 = tpu.memref_slice %arg8[%dma_wait3A_141, %dma_wait3A_142] : memref<2x125xi32, #tpu.memory_space<vmem>> -> memref<1x125xi32, #tpu.memory_space<vmem>>
      %dma_wait3A_144 = tpu.memref_squeeze %dma_wait3A_143 : memref<1x125xi32, #tpu.memory_space<vmem>> -> memref<125xi32, #tpu.memory_space<vmem>>
      %dma_wait3A_145 = arith.constant 0 : i32
      %dma_wait3A_146 = arith.constant 0 : i32
      %dma_wait3A_147 = tpu.memref_slice %arg2[%dma_wait3A_145, %dma_wait3A_146] : memref<10240x128xf32, #tpu.memory_space<hbm>> -> memref<10240x128xf32, #tpu.memory_space<hbm>>
      tpu.wait_indirect_dma semaphore(%arg12 : memref<!tpu.dma_semaphore, #tpu.memory_space<semaphore_mem>>) src(%dma_wait3A_147 : memref<10240x128xf32, #tpu.memory_space<hbm>>) dst(%arg10 : memref<125x128xf32, #tpu.memory_space<vmem>>)
      %dma_start3A_148 = arith.constant 1 : i32
      %dma_start3A_149 = arith.constant 0 : i32
      %dma_start3A_150 = tpu.memref_slice %arg8[%dma_start3A_148, %dma_start3A_149] : memref<2x125xi32, #tpu.memory_space<vmem>> -> memref<1x125xi32, #tpu.memory_space<vmem>>
      %dma_start3A_151 = tpu.memref_squeeze %dma_start3A_150 : memref<1x125xi32, #tpu.memory_space<vmem>> -> memref<125xi32, #tpu.memory_space<vmem>>
      %dma_start3A_152 = arith.constant 0 : i32
      %dma_start3A_153 = arith.constant 0 : i32
      %dma_start3A_154 = tpu.memref_slice %arg20[%dma_start3A_152, %dma_start3A_153] : memref<10240x128xf32, #tpu.memory_space<vmem_shared>> -> memref<10240x128xf32, #tpu.memory_space<vmem_shared>>
      tpu.enqueue_indirect_dma source(%arg10 : memref<125x128xf32, #tpu.memory_space<vmem>>) target(%dma_start3A_154 : memref<10240x128xf32, #tpu.memory_space<vmem_shared>>) offsets(%dma_start3A_151 : memref<125xi32, #tpu.memory_space<vmem>>) semaphore(%arg14 : memref<!tpu.dma_semaphore, #tpu.memory_space<semaphore_mem>>) {add = true}
      %add3A_155 = arith.constant 2 : i32
      %add3A_156 = arith.addi %add3A_140, %add3A_155 : i32
      %lt3A_157 = arith.constant 80 : i32
      %lt3A_158 = arith.cmpi slt, %add3A_156, %lt3A_157 : i32
      %convert_element_type3A_159 = arith.extui %lt3A_158 : i1 to i32
      %cond3A_160 = arith.constant 0 : i32
      %cond3A_161 = arith.cmpi ne, %convert_element_type3A_159, %cond3A_160 : i32
      scf.if %cond3A_161 {
        %dma_wait3A_187 = arith.constant 1 : i32
        %dma_wait3A_188 = arith.constant 0 : i32
        %dma_wait3A_189 = tpu.memref_slice %arg8[%dma_wait3A_187, %dma_wait3A_188] : memref<2x125xi32, #tpu.memory_space<vmem>> -> memref<1x125xi32, #tpu.memory_space<vmem>>
        %dma_wait3A_190 = tpu.memref_squeeze %dma_wait3A_189 : memref<1x125xi32, #tpu.memory_space<vmem>> -> memref<125xi32, #tpu.memory_space<vmem>>
        %dma_wait3A_191 = arith.constant 0 : i32
        %dma_wait3A_192 = arith.constant 0 : i32
        %dma_wait3A_193 = tpu.memref_slice %arg20[%dma_wait3A_191, %dma_wait3A_192] : memref<10240x128xf32, #tpu.memory_space<vmem_shared>> -> memref<10240x128xf32, #tpu.memory_space<vmem_shared>>
        tpu.wait_indirect_dma semaphore(%arg14 : memref<!tpu.dma_semaphore, #tpu.memory_space<semaphore_mem>>) src(%arg10 : memref<125x128xf32, #tpu.memory_space<vmem>>) dst(%dma_wait3A_193 : memref<10240x128xf32, #tpu.memory_space<vmem_shared>>)
        %add3A_194 = arith.constant 4 : i32
        %add3A_195 = arith.addi %add3A_140, %add3A_194 : i32
        %lt3A_196 = arith.constant 80 : i32
        %lt3A_197 = arith.cmpi slt, %add3A_195, %lt3A_196 : i32
        %convert_element_type3A_198 = arith.extui %lt3A_197 : i1 to i32
        %cond3A_199 = arith.constant 0 : i32
        %cond3A_200 = arith.cmpi ne, %convert_element_type3A_198, %cond3A_199 : i32
        scf.if %cond3A_200 {
          %add3A_220 = arith.constant 4 : i32
          %add3A_221 = arith.addi %add3A_140, %add3A_220 : i32
          %dma_start3A_222 = arith.constant 0 : i32
          %dma_start3A_223 = arith.constant 0 : i32
          %dma_start3A_224 = tpu.memref_slice %arg3[%add3A, %add3A_221, %dma_start3A_222, %dma_start3A_223] : memref<32x80x2x125xi32, #tpu.memory_space<hbm>> -> memref<1x1x2x125xi32, #tpu.memory_space<hbm>>
          %dma_start3A_225 = tpu.memref_squeeze %dma_start3A_224 : memref<1x1x2x125xi32, #tpu.memory_space<hbm>> -> memref<2x125xi32, #tpu.memory_space<hbm>>
          %dma_start3A_226 = arith.constant 0 : i32
          %dma_start3A_227 = arith.constant 0 : i32
          %dma_start3A_228 = tpu.memref_slice %arg3[%add3A, %add3A_221, %dma_start3A_226, %dma_start3A_227] : memref<32x80x2x125xi32, #tpu.memory_space<hbm>> -> memref<1x1x2x125xi32, #tpu.memory_space<hbm>>
          %dma_start3A_229 = tpu.memref_squeeze %dma_start3A_228 : memref<1x1x2x125xi32, #tpu.memory_space<hbm>> -> memref<2x125xi32, #tpu.memory_space<hbm>>
          tpu.enqueue_dma source(%dma_start3A_229 : memref<2x125xi32, #tpu.memory_space<hbm>>) target(%arg8 : memref<2x125xi32, #tpu.memory_space<vmem>>) target_semaphore(%arg18 : memref<!tpu.dma_semaphore, #tpu.memory_space<semaphore_mem>>)
        } else {
        }
        %add3A_201 = arith.constant 2 : i32
        %add3A_202 = arith.addi %add3A_140, %add3A_201 : i32
        %dma_wait3A_203 = arith.constant 0 : i32
        %dma_wait3A_204 = arith.constant 0 : i32
        %dma_wait3A_205 = tpu.memref_slice %arg3[%add3A, %add3A_202, %dma_wait3A_203, %dma_wait3A_204] : memref<32x80x2x125xi32, #tpu.memory_space<hbm>> -> memref<1x1x2x125xi32, #tpu.memory_space<hbm>>
        %dma_wait3A_206 = tpu.memref_squeeze %dma_wait3A_205 : memref<1x1x2x125xi32, #tpu.memory_space<hbm>> -> memref<2x125xi32, #tpu.memory_space<hbm>>
        %dma_wait3A_207 = arith.constant 0 : i32
        %dma_wait3A_208 = arith.constant 0 : i32
        %dma_wait3A_209 = tpu.memref_slice %arg3[%add3A, %add3A_202, %dma_wait3A_207, %dma_wait3A_208] : memref<32x80x2x125xi32, #tpu.memory_space<hbm>> -> memref<1x1x2x125xi32, #tpu.memory_space<hbm>>
        %dma_wait3A_210 = tpu.memref_squeeze %dma_wait3A_209 : memref<1x1x2x125xi32, #tpu.memory_space<hbm>> -> memref<2x125xi32, #tpu.memory_space<hbm>>
        tpu.wait_dma2 semaphore(%arg16 : memref<!tpu.dma_semaphore, #tpu.memory_space<semaphore_mem>>) src(%dma_wait3A_210 : memref<2x125xi32, #tpu.memory_space<hbm>>) dst(%arg6 : memref<2x125xi32, #tpu.memory_space<vmem>>)
        %add3A_211 = arith.constant 2 : i32
        %add3A_212 = arith.addi %add3A_140, %add3A_211 : i32
        %dma_start3A_213 = arith.constant 0 : i32
        %dma_start3A_214 = arith.constant 0 : i32
        %dma_start3A_215 = tpu.memref_slice %arg6[%dma_start3A_213, %dma_start3A_214] : memref<2x125xi32, #tpu.memory_space<vmem>> -> memref<1x125xi32, #tpu.memory_space<vmem>>
        %dma_start3A_216 = tpu.memref_squeeze %dma_start3A_215 : memref<1x125xi32, #tpu.memory_space<vmem>> -> memref<125xi32, #tpu.memory_space<vmem>>
        %dma_start3A_217 = arith.constant 0 : i32
        %dma_start3A_218 = arith.constant 0 : i32
        %dma_start3A_219 = tpu.memref_slice %arg2[%dma_start3A_217, %dma_start3A_218] : memref<10240x128xf32, #tpu.memory_space<hbm>> -> memref<10240x128xf32, #tpu.memory_space<hbm>>
        tpu.enqueue_indirect_dma source(%dma_start3A_219 : memref<10240x128xf32, #tpu.memory_space<hbm>>) target(%arg10 : memref<125x128xf32, #tpu.memory_space<vmem>>) offsets(%dma_start3A_216 : memref<125xi32, #tpu.memory_space<vmem>>) semaphore(%arg12 : memref<!tpu.dma_semaphore, #tpu.memory_space<semaphore_mem>>)
      } else {
      }
      %mul3A_162 = arith.constant 4 : i32
      %mul3A_163 = arith.muli %mul3A_162, %scan3A_89 : i32
      %add3A_164 = arith.constant 3 : i32
      %add3A_165 = arith.addi %mul3A_163, %add3A_164 : i32
      %dma_wait3A_166 = arith.constant 0 : i32
      %dma_wait3A_167 = arith.constant 0 : i32
      %dma_wait3A_168 = tpu.memref_slice %arg9[%dma_wait3A_166, %dma_wait3A_167] : memref<2x125xi32, #tpu.memory_space<vmem>> -> memref<1x125xi32, #tpu.memory_space<vmem>>
      %dma_wait3A_169 = tpu.memref_squeeze %dma_wait3A_168 : memref<1x125xi32, #tpu.memory_space<vmem>> -> memref<125xi32, #tpu.memory_space<vmem>>
      %dma_wait3A_170 = arith.constant 0 : i32
      %dma_wait3A_171 = arith.constant 0 : i32
      %dma_wait3A_172 = tpu.memref_slice %arg2[%dma_wait3A_170, %dma_wait3A_171] : memref<10240x128xf32, #tpu.memory_space<hbm>> -> memref<10240x128xf32, #tpu.memory_space<hbm>>
      tpu.wait_indirect_dma semaphore(%arg13 : memref<!tpu.dma_semaphore, #tpu.memory_space<semaphore_mem>>) src(%dma_wait3A_172 : memref<10240x128xf32, #tpu.memory_space<hbm>>) dst(%arg11 : memref<125x128xf32, #tpu.memory_space<vmem>>)
      %dma_start3A_173 = arith.constant 1 : i32
      %dma_start3A_174 = arith.constant 0 : i32
      %dma_start3A_175 = tpu.memref_slice %arg9[%dma_start3A_173, %dma_start3A_174] : memref<2x125xi32, #tpu.memory_space<vmem>> -> memref<1x125xi32, #tpu.memory_space<vmem>>
      %dma_start3A_176 = tpu.memref_squeeze %dma_start3A_175 : memref<1x125xi32, #tpu.memory_space<vmem>> -> memref<125xi32, #tpu.memory_space<vmem>>
      %dma_start3A_177 = arith.constant 0 : i32
      %dma_start3A_178 = arith.constant 0 : i32
      %dma_start3A_179 = tpu.memref_slice %arg20[%dma_start3A_177, %dma_start3A_178] : memref<10240x128xf32, #tpu.memory_space<vmem_shared>> -> memref<10240x128xf32, #tpu.memory_space<vmem_shared>>
      tpu.enqueue_indirect_dma source(%arg11 : memref<125x128xf32, #tpu.memory_space<vmem>>) target(%dma_start3A_179 : memref<10240x128xf32, #tpu.memory_space<vmem_shared>>) offsets(%dma_start3A_176 : memref<125xi32, #tpu.memory_space<vmem>>) semaphore(%arg15 : memref<!tpu.dma_semaphore, #tpu.memory_space<semaphore_mem>>) {add = true}
      %add3A_180 = arith.constant 2 : i32
      %add3A_181 = arith.addi %add3A_165, %add3A_180 : i32
      %lt3A_182 = arith.constant 80 : i32
      %lt3A_183 = arith.cmpi slt, %add3A_181, %lt3A_182 : i32
      %convert_element_type3A_184 = arith.extui %lt3A_183 : i1 to i32
      %cond3A_185 = arith.constant 0 : i32
      %cond3A_186 = arith.cmpi ne, %convert_element_type3A_184, %cond3A_185 : i32
      scf.if %cond3A_186 {
        %dma_wait3A_187 = arith.constant 1 : i32
        %dma_wait3A_188 = arith.constant 0 : i32
        %dma_wait3A_189 = tpu.memref_slice %arg9[%dma_wait3A_187, %dma_wait3A_188] : memref<2x125xi32, #tpu.memory_space<vmem>> -> memref<1x125xi32, #tpu.memory_space<vmem>>
        %dma_wait3A_190 = tpu.memref_squeeze %dma_wait3A_189 : memref<1x125xi32, #tpu.memory_space<vmem>> -> memref<125xi32, #tpu.memory_space<vmem>>
        %dma_wait3A_191 = arith.constant 0 : i32
        %dma_wait3A_192 = arith.constant 0 : i32
        %dma_wait3A_193 = tpu.memref_slice %arg20[%dma_wait3A_191, %dma_wait3A_192] : memref<10240x128xf32, #tpu.memory_space<vmem_shared>> -> memref<10240x128xf32, #tpu.memory_space<vmem_shared>>
        tpu.wait_indirect_dma semaphore(%arg15 : memref<!tpu.dma_semaphore, #tpu.memory_space<semaphore_mem>>) src(%arg11 : memref<125x128xf32, #tpu.memory_space<vmem>>) dst(%dma_wait3A_193 : memref<10240x128xf32, #tpu.memory_space<vmem_shared>>)
        %add3A_194 = arith.constant 4 : i32
        %add3A_195 = arith.addi %add3A_165, %add3A_194 : i32
        %lt3A_196 = arith.constant 80 : i32
        %lt3A_197 = arith.cmpi slt, %add3A_195, %lt3A_196 : i32
        %convert_element_type3A_198 = arith.extui %lt3A_197 : i1 to i32
        %cond3A_199 = arith.constant 0 : i32
        %cond3A_200 = arith.cmpi ne, %convert_element_type3A_198, %cond3A_199 : i32
        scf.if %cond3A_200 {
          %add3A_220 = arith.constant 4 : i32
          %add3A_221 = arith.addi %add3A_165, %add3A_220 : i32
          %dma_start3A_222 = arith.constant 0 : i32
          %dma_start3A_223 = arith.constant 0 : i32
          %dma_start3A_224 = tpu.memref_slice %arg3[%add3A, %add3A_221, %dma_start3A_222, %dma_start3A_223] : memref<32x80x2x125xi32, #tpu.memory_space<hbm>> -> memref<1x1x2x125xi32, #tpu.memory_space<hbm>>
          %dma_start3A_225 = tpu.memref_squeeze %dma_start3A_224 : memref<1x1x2x125xi32, #tpu.memory_space<hbm>> -> memref<2x125xi32, #tpu.memory_space<hbm>>
          %dma_start3A_226 = arith.constant 0 : i32
          %dma_start3A_227 = arith.constant 0 : i32
          %dma_start3A_228 = tpu.memref_slice %arg3[%add3A, %add3A_221, %dma_start3A_226, %dma_start3A_227] : memref<32x80x2x125xi32, #tpu.memory_space<hbm>> -> memref<1x1x2x125xi32, #tpu.memory_space<hbm>>
          %dma_start3A_229 = tpu.memref_squeeze %dma_start3A_228 : memref<1x1x2x125xi32, #tpu.memory_space<hbm>> -> memref<2x125xi32, #tpu.memory_space<hbm>>
          tpu.enqueue_dma source(%dma_start3A_229 : memref<2x125xi32, #tpu.memory_space<hbm>>) target(%arg9 : memref<2x125xi32, #tpu.memory_space<vmem>>) target_semaphore(%arg19 : memref<!tpu.dma_semaphore, #tpu.memory_space<semaphore_mem>>)
        } else {
        }
        %add3A_201 = arith.constant 2 : i32
        %add3A_202 = arith.addi %add3A_165, %add3A_201 : i32
        %dma_wait3A_203 = arith.constant 0 : i32
        %dma_wait3A_204 = arith.constant 0 : i32
        %dma_wait3A_205 = tpu.memref_slice %arg3[%add3A, %add3A_202, %dma_wait3A_203, %dma_wait3A_204] : memref<32x80x2x125xi32, #tpu.memory_space<hbm>> -> memref<1x1x2x125xi32, #tpu.memory_space<hbm>>
        %dma_wait3A_206 = tpu.memref_squeeze %dma_wait3A_205 : memref<1x1x2x125xi32, #tpu.memory_space<hbm>> -> memref<2x125xi32, #tpu.memory_space<hbm>>
        %dma_wait3A_207 = arith.constant 0 : i32
        %dma_wait3A_208 = arith.constant 0 : i32
        %dma_wait3A_209 = tpu.memref_slice %arg3[%add3A, %add3A_202, %dma_wait3A_207, %dma_wait3A_208] : memref<32x80x2x125xi32, #tpu.memory_space<hbm>> -> memref<1x1x2x125xi32, #tpu.memory_space<hbm>>
        %dma_wait3A_210 = tpu.memref_squeeze %dma_wait3A_209 : memref<1x1x2x125xi32, #tpu.memory_space<hbm>> -> memref<2x125xi32, #tpu.memory_space<hbm>>
        tpu.wait_dma2 semaphore(%arg17 : memref<!tpu.dma_semaphore, #tpu.memory_space<semaphore_mem>>) src(%dma_wait3A_210 : memref<2x125xi32, #tpu.memory_space<hbm>>) dst(%arg7 : memref<2x125xi32, #tpu.memory_space<vmem>>)
        %add3A_211 = arith.constant 2 : i32
        %add3A_212 = arith.addi %add3A_165, %add3A_211 : i32
        %dma_start3A_213 = arith.constant 0 : i32
        %dma_start3A_214 = arith.constant 0 : i32
        %dma_start3A_215 = tpu.memref_slice %arg7[%dma_start3A_213, %dma_start3A_214] : memref<2x125xi32, #tpu.memory_space<vmem>> -> memref<1x125xi32, #tpu.memory_space<vmem>>
        %dma_start3A_216 = tpu.memref_squeeze %dma_start3A_215 : memref<1x125xi32, #tpu.memory_space<vmem>> -> memref<125xi32, #tpu.memory_space<vmem>>
        %dma_start3A_217 = arith.constant 0 : i32
        %dma_start3A_218 = arith.constant 0 : i32
        %dma_start3A_219 = tpu.memref_slice %arg2[%dma_start3A_217, %dma_start3A_218] : memref<10240x128xf32, #tpu.memory_space<hbm>> -> memref<10240x128xf32, #tpu.memory_space<hbm>>
        tpu.enqueue_indirect_dma source(%dma_start3A_219 : memref<10240x128xf32, #tpu.memory_space<hbm>>) target(%arg11 : memref<125x128xf32, #tpu.memory_space<vmem>>) offsets(%dma_start3A_216 : memref<125xi32, #tpu.memory_space<vmem>>) semaphore(%arg13 : memref<!tpu.dma_semaphore, #tpu.memory_space<semaphore_mem>>)
      } else {
      }
    }
    %scan3A_73 = arith.constant 20 : i32
    %dma_wait3A_74 = arith.constant 1 : i32
    %dma_wait3A_75 = arith.constant 0 : i32
    %dma_wait3A_76 = tpu.memref_slice %arg8[%dma_wait3A_74, %dma_wait3A_75] : memref<2x125xi32, #tpu.memory_space<vmem>> -> memref<1x125xi32, #tpu.memory_space<vmem>>
    %dma_wait3A_77 = tpu.memref_squeeze %dma_wait3A_76 : memref<1x125xi32, #tpu.memory_space<vmem>> -> memref<125xi32, #tpu.memory_space<vmem>>
    %dma_wait3A_78 = arith.constant 0 : i32
    %dma_wait3A_79 = arith.constant 0 : i32
    %dma_wait3A_80 = tpu.memref_slice %arg20[%dma_wait3A_78, %dma_wait3A_79] : memref<10240x128xf32, #tpu.memory_space<vmem_shared>> -> memref<10240x128xf32, #tpu.memory_space<vmem_shared>>
    tpu.wait_indirect_dma semaphore(%arg14 : memref<!tpu.dma_semaphore, #tpu.memory_space<semaphore_mem>>) src(%arg10 : memref<125x128xf32, #tpu.memory_space<vmem>>) dst(%dma_wait3A_80 : memref<10240x128xf32, #tpu.memory_space<vmem_shared>>)
    %dma_wait3A_81 = arith.constant 1 : i32
    %dma_wait3A_82 = arith.constant 0 : i32
    %dma_wait3A_83 = tpu.memref_slice %arg9[%dma_wait3A_81, %dma_wait3A_82] : memref<2x125xi32, #tpu.memory_space<vmem>> -> memref<1x125xi32, #tpu.memory_space<vmem>>
    %dma_wait3A_84 = tpu.memref_squeeze %dma_wait3A_83 : memref<1x125xi32, #tpu.memory_space<vmem>> -> memref<125xi32, #tpu.memory_space<vmem>>
    %dma_wait3A_85 = arith.constant 0 : i32
    %dma_wait3A_86 = arith.constant 0 : i32
    %dma_wait3A_87 = tpu.memref_slice %arg20[%dma_wait3A_85, %dma_wait3A_86] : memref<10240x128xf32, #tpu.memory_space<vmem_shared>> -> memref<10240x128xf32, #tpu.memory_space<vmem_shared>>
    tpu.wait_indirect_dma semaphore(%arg15 : memref<!tpu.dma_semaphore, #tpu.memory_space<semaphore_mem>>) src(%arg11 : memref<125x128xf32, #tpu.memory_space<vmem>>) dst(%dma_wait3A_87 : memref<10240x128xf32, #tpu.memory_space<vmem_shared>>)
    %barrier3A_88 = arith.constant 0 : index
    tpu.barrier barrier_id(%barrier3A_88)
    "tpu.region"() ({
      %run_scoped3A = tpu.sem_alloc : memref<!tpu.dma_semaphore, #tpu.memory_space<semaphore_mem>>
      %dma_start3A_89 = arith.constant 0 : i32
      %dma_start3A_90 = tpu.memref_slice %arg5[%arg0, %mul3A_2, %dma_start3A_89] : memref<2x10240x128xf32, #tpu.memory_space<hbm>> -> memref<1x640x128xf32, #tpu.memory_space<hbm>>
      %dma_start3A_91 = tpu.memref_squeeze %dma_start3A_90 : memref<1x640x128xf32, #tpu.memory_space<hbm>> -> memref<640x128xf32, #tpu.memory_space<hbm>>
      %dma_start3A_92 = arith.constant 0 : i32
      %dma_start3A_93 = tpu.memref_slice %arg20[%mul3A_2, %dma_start3A_92] : memref<10240x128xf32, #tpu.memory_space<vmem_shared>> -> memref<640x128xf32, #tpu.memory_space<vmem_shared>>
      tpu.enqueue_dma source(%dma_start3A_93 : memref<640x128xf32, #tpu.memory_space<vmem_shared>>) target(%dma_start3A_91 : memref<640x128xf32, #tpu.memory_space<hbm>>) target_semaphore(%run_scoped3A : memref<!tpu.dma_semaphore, #tpu.memory_space<semaphore_mem>>)
      %dma_wait3A_94 = arith.constant 0 : i32
      %dma_wait3A_95 = tpu.memref_slice %arg5[%arg0, %mul3A_2, %dma_wait3A_94] : memref<2x10240x128xf32, #tpu.memory_space<hbm>> -> memref<1x640x128xf32, #tpu.memory_space<hbm>>
      %dma_wait3A_96 = tpu.memref_squeeze %dma_wait3A_95 : memref<1x640x128xf32, #tpu.memory_space<hbm>> -> memref<640x128xf32, #tpu.memory_space<hbm>>
      %dma_wait3A_97 = arith.constant 0 : i32
      %dma_wait3A_98 = tpu.memref_slice %arg20[%mul3A_2, %dma_wait3A_97] : memref<10240x128xf32, #tpu.memory_space<vmem_shared>> -> memref<640x128xf32, #tpu.memory_space<vmem_shared>>
      tpu.wait_dma2 semaphore(%run_scoped3A : memref<!tpu.dma_semaphore, #tpu.memory_space<semaphore_mem>>) src(%dma_wait3A_98 : memref<640x128xf32, #tpu.memory_space<vmem_shared>>) dst(%dma_wait3A_96 : memref<640x128xf32, #tpu.memory_space<hbm>>)
      tpu.yield
    }) : () -> ()
    return
  }
}

#map = affine_map<(d0, d1) -> (0, 0)>
#map1 = affine_map<(d0, d1) -> (0, 0, 0, 0)>
#map2 = affine_map<(d0, d1) -> (0, 0, 0)>
module attributes {stable_mosaic.version = 14 : i64} {
  func.func @_sc_segsum_body(%arg0: i32, %arg1: i32, %arg2: memref<10240x128xf32, #tpu.memory_space<hbm>>, %arg3: memref<32x80x2x125xi32, #tpu.memory_space<hbm>>, %arg4: memref<640x128xf32, #tpu.memory_space<hbm>>, %arg5: memref<2x10240x128xf32, #tpu.memory_space<hbm>>, %arg6: memref<2x125xi32, #tpu.memory_space<vmem>>, %arg7: memref<2x125xi32, #tpu.memory_space<vmem>>, %arg8: memref<2x125xi32, #tpu.memory_space<vmem>>, %arg9: memref<2x125xi32, #tpu.memory_space<vmem>>, %arg10: memref<125x128xf32, #tpu.memory_space<vmem>>, %arg11: memref<125x128xf32, #tpu.memory_space<vmem>>, %arg12: memref<!tpu.dma_semaphore, #tpu.memory_space<semaphore_mem>>, %arg13: memref<!tpu.dma_semaphore, #tpu.memory_space<semaphore_mem>>, %arg14: memref<!tpu.dma_semaphore, #tpu.memory_space<semaphore_mem>>, %arg15: memref<!tpu.dma_semaphore, #tpu.memory_space<semaphore_mem>>, %arg16: memref<!tpu.dma_semaphore, #tpu.memory_space<semaphore_mem>>, %arg17: memref<!tpu.dma_semaphore, #tpu.memory_space<semaphore_mem>>, %arg18: memref<!tpu.dma_semaphore, #tpu.memory_space<semaphore_mem>>, %arg19: memref<!tpu.dma_semaphore, #tpu.memory_space<semaphore_mem>>, %arg20: memref<10240x128xf32, #tpu.memory_space<vmem_shared>>) attributes {dimension_semantics = [#tpu.dimension_semantics<core_parallel>, #tpu.dimension_semantics<subcore_parallel>], iteration_bounds = array<i64: 2, 16>, scalar_prefetch = 0 : i64, scratch_operands = 15 : i64, tpu.core_type = #tpu.core_type<sc_vector_subcore>, window_params = [{transform_indices = #map}, {transform_indices = #map1}, {transform_indices = #map}, {transform_indices = #map2}]} {
    %mul3A = arith.constant 16 : i32
    %mul3A_0 = arith.muli %arg0, %mul3A : i32
    %add3A = arith.addi %mul3A_0, %arg1 : i32
    %mul3A_1 = arith.constant 640 : i32
    %mul3A_2 = arith.muli %arg1, %mul3A_1 : i32
    "tpu.region"() ({
      %run_scoped3A = tpu.sem_alloc : memref<!tpu.dma_semaphore, #tpu.memory_space<semaphore_mem>>
      %dma_start3A_89 = arith.constant 0 : i32
      %dma_start3A_90 = tpu.memref_slice %arg20[%mul3A_2, %dma_start3A_89] : memref<10240x128xf32, #tpu.memory_space<vmem_shared>> -> memref<640x128xf32, #tpu.memory_space<vmem_shared>>
      tpu.enqueue_dma source(%arg4 : memref<640x128xf32, #tpu.memory_space<hbm>>) target(%dma_start3A_90 : memref<640x128xf32, #tpu.memory_space<vmem_shared>>) target_semaphore(%run_scoped3A : memref<!tpu.dma_semaphore, #tpu.memory_space<semaphore_mem>>)
      %dma_wait3A_91 = arith.constant 0 : i32
      %dma_wait3A_92 = tpu.memref_slice %arg20[%mul3A_2, %dma_wait3A_91] : memref<10240x128xf32, #tpu.memory_space<vmem_shared>> -> memref<640x128xf32, #tpu.memory_space<vmem_shared>>
      tpu.wait_dma2 semaphore(%run_scoped3A : memref<!tpu.dma_semaphore, #tpu.memory_space<semaphore_mem>>) src(%arg4 : memref<640x128xf32, #tpu.memory_space<hbm>>) dst(%dma_wait3A_92 : memref<640x128xf32, #tpu.memory_space<vmem_shared>>)
      tpu.yield
    }) : () -> ()
    %barrier3A = arith.constant 0 : index
    tpu.barrier barrier_id(%barrier3A)
    %dma_start3A = arith.constant 0 : i32
    %dma_start3A_3 = arith.constant 0 : i32
    %dma_start3A_4 = arith.constant 0 : i32
    %dma_start3A_5 = tpu.memref_slice %arg3[%add3A, %dma_start3A, %dma_start3A_3, %dma_start3A_4] : memref<32x80x2x125xi32, #tpu.memory_space<hbm>> -> memref<1x1x2x125xi32, #tpu.memory_space<hbm>>
    %dma_start3A_6 = tpu.memref_squeeze %dma_start3A_5 : memref<1x1x2x125xi32, #tpu.memory_space<hbm>> -> memref<2x125xi32, #tpu.memory_space<hbm>>
    %dma_start3A_7 = arith.constant 0 : i32
    %dma_start3A_8 = arith.constant 0 : i32
    %dma_start3A_9 = tpu.memref_slice %arg3[%add3A, %dma_start3A, %dma_start3A_7, %dma_start3A_8] : memref<32x80x2x125xi32, #tpu.memory_space<hbm>> -> memref<1x1x2x125xi32, #tpu.memory_space<hbm>>
    %dma_start3A_10 = tpu.memref_squeeze %dma_start3A_9 : memref<1x1x2x125xi32, #tpu.memory_space<hbm>> -> memref<2x125xi32, #tpu.memory_space<hbm>>
    tpu.enqueue_dma source(%dma_start3A_10 : memref<2x125xi32, #tpu.memory_space<hbm>>) target(%arg6 : memref<2x125xi32, #tpu.memory_space<vmem>>) target_semaphore(%arg16 : memref<!tpu.dma_semaphore, #tpu.memory_space<semaphore_mem>>)
    %dma_start3A_11 = arith.constant 1 : i32
    %dma_start3A_12 = arith.constant 0 : i32
    %dma_start3A_13 = arith.constant 0 : i32
    %dma_start3A_14 = tpu.memref_slice %arg3[%add3A, %dma_start3A_11, %dma_start3A_12, %dma_start3A_13] : memref<32x80x2x125xi32, #tpu.memory_space<hbm>> -> memref<1x1x2x125xi32, #tpu.memory_space<hbm>>
    %dma_start3A_15 = tpu.memref_squeeze %dma_start3A_14 : memref<1x1x2x125xi32, #tpu.memory_space<hbm>> -> memref<2x125xi32, #tpu.memory_space<hbm>>
    %dma_start3A_16 = arith.constant 0 : i32
    %dma_start3A_17 = arith.constant 0 : i32
    %dma_start3A_18 = tpu.memref_slice %arg3[%add3A, %dma_start3A_11, %dma_start3A_16, %dma_start3A_17] : memref<32x80x2x125xi32, #tpu.memory_space<hbm>> -> memref<1x1x2x125xi32, #tpu.memory_space<hbm>>
    %dma_start3A_19 = tpu.memref_squeeze %dma_start3A_18 : memref<1x1x2x125xi32, #tpu.memory_space<hbm>> -> memref<2x125xi32, #tpu.memory_space<hbm>>
    tpu.enqueue_dma source(%dma_start3A_19 : memref<2x125xi32, #tpu.memory_space<hbm>>) target(%arg7 : memref<2x125xi32, #tpu.memory_space<vmem>>) target_semaphore(%arg17 : memref<!tpu.dma_semaphore, #tpu.memory_space<semaphore_mem>>)
    %dma_start3A_20 = arith.constant 2 : i32
    %dma_start3A_21 = arith.constant 0 : i32
    %dma_start3A_22 = arith.constant 0 : i32
    %dma_start3A_23 = tpu.memref_slice %arg3[%add3A, %dma_start3A_20, %dma_start3A_21, %dma_start3A_22] : memref<32x80x2x125xi32, #tpu.memory_space<hbm>> -> memref<1x1x2x125xi32, #tpu.memory_space<hbm>>
    %dma_start3A_24 = tpu.memref_squeeze %dma_start3A_23 : memref<1x1x2x125xi32, #tpu.memory_space<hbm>> -> memref<2x125xi32, #tpu.memory_space<hbm>>
    %dma_start3A_25 = arith.constant 0 : i32
    %dma_start3A_26 = arith.constant 0 : i32
    %dma_start3A_27 = tpu.memref_slice %arg3[%add3A, %dma_start3A_20, %dma_start3A_25, %dma_start3A_26] : memref<32x80x2x125xi32, #tpu.memory_space<hbm>> -> memref<1x1x2x125xi32, #tpu.memory_space<hbm>>
    %dma_start3A_28 = tpu.memref_squeeze %dma_start3A_27 : memref<1x1x2x125xi32, #tpu.memory_space<hbm>> -> memref<2x125xi32, #tpu.memory_space<hbm>>
    tpu.enqueue_dma source(%dma_start3A_28 : memref<2x125xi32, #tpu.memory_space<hbm>>) target(%arg8 : memref<2x125xi32, #tpu.memory_space<vmem>>) target_semaphore(%arg18 : memref<!tpu.dma_semaphore, #tpu.memory_space<semaphore_mem>>)
    %dma_start3A_29 = arith.constant 3 : i32
    %dma_start3A_30 = arith.constant 0 : i32
    %dma_start3A_31 = arith.constant 0 : i32
    %dma_start3A_32 = tpu.memref_slice %arg3[%add3A, %dma_start3A_29, %dma_start3A_30, %dma_start3A_31] : memref<32x80x2x125xi32, #tpu.memory_space<hbm>> -> memref<1x1x2x125xi32, #tpu.memory_space<hbm>>
    %dma_start3A_33 = tpu.memref_squeeze %dma_start3A_32 : memref<1x1x2x125xi32, #tpu.memory_space<hbm>> -> memref<2x125xi32, #tpu.memory_space<hbm>>
    %dma_start3A_34 = arith.constant 0 : i32
    %dma_start3A_35 = arith.constant 0 : i32
    %dma_start3A_36 = tpu.memref_slice %arg3[%add3A, %dma_start3A_29, %dma_start3A_34, %dma_start3A_35] : memref<32x80x2x125xi32, #tpu.memory_space<hbm>> -> memref<1x1x2x125xi32, #tpu.memory_space<hbm>>
    %dma_start3A_37 = tpu.memref_squeeze %dma_start3A_36 : memref<1x1x2x125xi32, #tpu.memory_space<hbm>> -> memref<2x125xi32, #tpu.memory_space<hbm>>
    tpu.enqueue_dma source(%dma_start3A_37 : memref<2x125xi32, #tpu.memory_space<hbm>>) target(%arg9 : memref<2x125xi32, #tpu.memory_space<vmem>>) target_semaphore(%arg19 : memref<!tpu.dma_semaphore, #tpu.memory_space<semaphore_mem>>)
    %dma_wait3A = arith.constant 0 : i32
    %dma_wait3A_38 = arith.constant 0 : i32
    %dma_wait3A_39 = arith.constant 0 : i32
    %dma_wait3A_40 = tpu.memref_slice %arg3[%add3A, %dma_wait3A, %dma_wait3A_38, %dma_wait3A_39] : memref<32x80x2x125xi32, #tpu.memory_space<hbm>> -> memref<1x1x2x125xi32, #tpu.memory_space<hbm>>
    %dma_wait3A_41 = tpu.memref_squeeze %dma_wait3A_40 : memref<1x1x2x125xi32, #tpu.memory_space<hbm>> -> memref<2x125xi32, #tpu.memory_space<hbm>>
    %dma_wait3A_42 = arith.constant 0 : i32
    %dma_wait3A_43 = arith.constant 0 : i32
    %dma_wait3A_44 = tpu.memref_slice %arg3[%add3A, %dma_wait3A, %dma_wait3A_42, %dma_wait3A_43] : memref<32x80x2x125xi32, #tpu.memory_space<hbm>> -> memref<1x1x2x125xi32, #tpu.memory_space<hbm>>
    %dma_wait3A_45 = tpu.memref_squeeze %dma_wait3A_44 : memref<1x1x2x125xi32, #tpu.memory_space<hbm>> -> memref<2x125xi32, #tpu.memory_space<hbm>>
    tpu.wait_dma2 semaphore(%arg16 : memref<!tpu.dma_semaphore, #tpu.memory_space<semaphore_mem>>) src(%dma_wait3A_45 : memref<2x125xi32, #tpu.memory_space<hbm>>) dst(%arg6 : memref<2x125xi32, #tpu.memory_space<vmem>>)
    %dma_start3A_46 = arith.constant 0 : i32
    %dma_start3A_47 = arith.constant 0 : i32
    %dma_start3A_48 = tpu.memref_slice %arg6[%dma_start3A_46, %dma_start3A_47] : memref<2x125xi32, #tpu.memory_space<vmem>> -> memref<1x125xi32, #tpu.memory_space<vmem>>
    %dma_start3A_49 = tpu.memref_squeeze %dma_start3A_48 : memref<1x125xi32, #tpu.memory_space<vmem>> -> memref<125xi32, #tpu.memory_space<vmem>>
    %dma_start3A_50 = arith.constant 0 : i32
    %dma_start3A_51 = arith.constant 0 : i32
    %dma_start3A_52 = tpu.memref_slice %arg2[%dma_start3A_50, %dma_start3A_51] : memref<10240x128xf32, #tpu.memory_space<hbm>> -> memref<10240x128xf32, #tpu.memory_space<hbm>>
    tpu.enqueue_indirect_dma source(%dma_start3A_52 : memref<10240x128xf32, #tpu.memory_space<hbm>>) target(%arg10 : memref<125x128xf32, #tpu.memory_space<vmem>>) offsets(%dma_start3A_49 : memref<125xi32, #tpu.memory_space<vmem>>) semaphore(%arg12 : memref<!tpu.dma_semaphore, #tpu.memory_space<semaphore_mem>>)
    %dma_wait3A_53 = arith.constant 1 : i32
    %dma_wait3A_54 = arith.constant 0 : i32
    %dma_wait3A_55 = arith.constant 0 : i32
    %dma_wait3A_56 = tpu.memref_slice %arg3[%add3A, %dma_wait3A_53, %dma_wait3A_54, %dma_wait3A_55] : memref<32x80x2x125xi32, #tpu.memory_space<hbm>> -> memref<1x1x2x125xi32, #tpu.memory_space<hbm>>
    %dma_wait3A_57 = tpu.memref_squeeze %dma_wait3A_56 : memref<1x1x2x125xi32, #tpu.memory_space<hbm>> -> memref<2x125xi32, #tpu.memory_space<hbm>>
    %dma_wait3A_58 = arith.constant 0 : i32
    %dma_wait3A_59 = arith.constant 0 : i32
    %dma_wait3A_60 = tpu.memref_slice %arg3[%add3A, %dma_wait3A_53, %dma_wait3A_58, %dma_wait3A_59] : memref<32x80x2x125xi32, #tpu.memory_space<hbm>> -> memref<1x1x2x125xi32, #tpu.memory_space<hbm>>
    %dma_wait3A_61 = tpu.memref_squeeze %dma_wait3A_60 : memref<1x1x2x125xi32, #tpu.memory_space<hbm>> -> memref<2x125xi32, #tpu.memory_space<hbm>>
    tpu.wait_dma2 semaphore(%arg17 : memref<!tpu.dma_semaphore, #tpu.memory_space<semaphore_mem>>) src(%dma_wait3A_61 : memref<2x125xi32, #tpu.memory_space<hbm>>) dst(%arg7 : memref<2x125xi32, #tpu.memory_space<vmem>>)
    %dma_start3A_62 = arith.constant 0 : i32
    %dma_start3A_63 = arith.constant 0 : i32
    %dma_start3A_64 = tpu.memref_slice %arg7[%dma_start3A_62, %dma_start3A_63] : memref<2x125xi32, #tpu.memory_space<vmem>> -> memref<1x125xi32, #tpu.memory_space<vmem>>
    %dma_start3A_65 = tpu.memref_squeeze %dma_start3A_64 : memref<1x125xi32, #tpu.memory_space<vmem>> -> memref<125xi32, #tpu.memory_space<vmem>>
    %dma_start3A_66 = arith.constant 0 : i32
    %dma_start3A_67 = arith.constant 0 : i32
    %dma_start3A_68 = tpu.memref_slice %arg2[%dma_start3A_66, %dma_start3A_67] : memref<10240x128xf32, #tpu.memory_space<hbm>> -> memref<10240x128xf32, #tpu.memory_space<hbm>>
    tpu.enqueue_indirect_dma source(%dma_start3A_68 : memref<10240x128xf32, #tpu.memory_space<hbm>>) target(%arg11 : memref<125x128xf32, #tpu.memory_space<vmem>>) offsets(%dma_start3A_65 : memref<125xi32, #tpu.memory_space<vmem>>) semaphore(%arg13 : memref<!tpu.dma_semaphore, #tpu.memory_space<semaphore_mem>>)
    %scan3A = arith.constant 0 : i32
    %scan3A_69 = arith.constant 0 : i32
    %scan3A_70 = arith.constant 20 : i32
    %scan3A_71 = arith.addi %scan3A_69, %scan3A_70 : i32
    %scan3A_72 = arith.constant 1 : i32
    scf.for %scan3A_89 = %scan3A_69 to %scan3A_71 step %scan3A_72  : i32 {
      %mul3A_90 = arith.constant 4 : i32
      %mul3A_91 = arith.muli %mul3A_90, %scan3A_89 : i32
      %add3A_92 = arith.constant 0 : i32
      %add3A_93 = arith.addi %mul3A_91, %add3A_92 : i32
      %dma_wait3A_94 = arith.constant 0 : i32
      %dma_wait3A_95 = arith.constant 0 : i32
      %dma_wait3A_96 = tpu.memref_slice %arg6[%dma_wait3A_94, %dma_wait3A_95] : memref<2x125xi32, #tpu.memory_space<vmem>> -> memref<1x125xi32, #tpu.memory_space<vmem>>
      %dma_wait3A_97 = tpu.memref_squeeze %dma_wait3A_96 : memref<1x125xi32, #tpu.memory_space<vmem>> -> memref<125xi32, #tpu.memory_space<vmem>>
      %dma_wait3A_98 = arith.constant 0 : i32
      %dma_wait3A_99 = arith.constant 0 : i32
      %dma_wait3A_100 = tpu.memref_slice %arg2[%dma_wait3A_98, %dma_wait3A_99] : memref<10240x128xf32, #tpu.memory_space<hbm>> -> memref<10240x128xf32, #tpu.memory_space<hbm>>
      tpu.wait_indirect_dma semaphore(%arg12 : memref<!tpu.dma_semaphore, #tpu.memory_space<semaphore_mem>>) src(%dma_wait3A_100 : memref<10240x128xf32, #tpu.memory_space<hbm>>) dst(%arg10 : memref<125x128xf32, #tpu.memory_space<vmem>>)
      %dma_start3A_101 = arith.constant 1 : i32
      %dma_start3A_102 = arith.constant 0 : i32
      %dma_start3A_103 = tpu.memref_slice %arg6[%dma_start3A_101, %dma_start3A_102] : memref<2x125xi32, #tpu.memory_space<vmem>> -> memref<1x125xi32, #tpu.memory_space<vmem>>
      %dma_start3A_104 = tpu.memref_squeeze %dma_start3A_103 : memref<1x125xi32, #tpu.memory_space<vmem>> -> memref<125xi32, #tpu.memory_space<vmem>>
      %dma_start3A_105 = arith.constant 0 : i32
      %dma_start3A_106 = arith.constant 0 : i32
      %dma_start3A_107 = tpu.memref_slice %arg20[%dma_start3A_105, %dma_start3A_106] : memref<10240x128xf32, #tpu.memory_space<vmem_shared>> -> memref<10240x128xf32, #tpu.memory_space<vmem_shared>>
      tpu.enqueue_indirect_dma source(%arg10 : memref<125x128xf32, #tpu.memory_space<vmem>>) target(%dma_start3A_107 : memref<10240x128xf32, #tpu.memory_space<vmem_shared>>) offsets(%dma_start3A_104 : memref<125xi32, #tpu.memory_space<vmem>>) semaphore(%arg14 : memref<!tpu.dma_semaphore, #tpu.memory_space<semaphore_mem>>) {add = true}
      %add3A_108 = arith.constant 2 : i32
      %add3A_109 = arith.addi %add3A_93, %add3A_108 : i32
      %lt3A = arith.constant 80 : i32
      %lt3A_110 = arith.cmpi slt, %add3A_109, %lt3A : i32
      %convert_element_type3A = arith.extui %lt3A_110 : i1 to i32
      %cond3A = arith.constant 0 : i32
      %cond3A_111 = arith.cmpi ne, %convert_element_type3A, %cond3A : i32
      scf.if %cond3A_111 {
        %dma_wait3A_187 = arith.constant 1 : i32
        %dma_wait3A_188 = arith.constant 0 : i32
        %dma_wait3A_189 = tpu.memref_slice %arg6[%dma_wait3A_187, %dma_wait3A_188] : memref<2x125xi32, #tpu.memory_space<vmem>> -> memref<1x125xi32, #tpu.memory_space<vmem>>
        %dma_wait3A_190 = tpu.memref_squeeze %dma_wait3A_189 : memref<1x125xi32, #tpu.memory_space<vmem>> -> memref<125xi32, #tpu.memory_space<vmem>>
        %dma_wait3A_191 = arith.constant 0 : i32
        %dma_wait3A_192 = arith.constant 0 : i32
        %dma_wait3A_193 = tpu.memref_slice %arg20[%dma_wait3A_191, %dma_wait3A_192] : memref<10240x128xf32, #tpu.memory_space<vmem_shared>> -> memref<10240x128xf32, #tpu.memory_space<vmem_shared>>
        tpu.wait_indirect_dma semaphore(%arg14 : memref<!tpu.dma_semaphore, #tpu.memory_space<semaphore_mem>>) src(%arg10 : memref<125x128xf32, #tpu.memory_space<vmem>>) dst(%dma_wait3A_193 : memref<10240x128xf32, #tpu.memory_space<vmem_shared>>)
        %add3A_194 = arith.constant 4 : i32
        %add3A_195 = arith.addi %add3A_93, %add3A_194 : i32
        %lt3A_196 = arith.constant 80 : i32
        %lt3A_197 = arith.cmpi slt, %add3A_195, %lt3A_196 : i32
        %convert_element_type3A_198 = arith.extui %lt3A_197 : i1 to i32
        %cond3A_199 = arith.constant 0 : i32
        %cond3A_200 = arith.cmpi ne, %convert_element_type3A_198, %cond3A_199 : i32
        scf.if %cond3A_200 {
          %add3A_220 = arith.constant 4 : i32
          %add3A_221 = arith.addi %add3A_93, %add3A_220 : i32
          %dma_start3A_222 = arith.constant 0 : i32
          %dma_start3A_223 = arith.constant 0 : i32
          %dma_start3A_224 = tpu.memref_slice %arg3[%add3A, %add3A_221, %dma_start3A_222, %dma_start3A_223] : memref<32x80x2x125xi32, #tpu.memory_space<hbm>> -> memref<1x1x2x125xi32, #tpu.memory_space<hbm>>
          %dma_start3A_225 = tpu.memref_squeeze %dma_start3A_224 : memref<1x1x2x125xi32, #tpu.memory_space<hbm>> -> memref<2x125xi32, #tpu.memory_space<hbm>>
          %dma_start3A_226 = arith.constant 0 : i32
          %dma_start3A_227 = arith.constant 0 : i32
          %dma_start3A_228 = tpu.memref_slice %arg3[%add3A, %add3A_221, %dma_start3A_226, %dma_start3A_227] : memref<32x80x2x125xi32, #tpu.memory_space<hbm>> -> memref<1x1x2x125xi32, #tpu.memory_space<hbm>>
          %dma_start3A_229 = tpu.memref_squeeze %dma_start3A_228 : memref<1x1x2x125xi32, #tpu.memory_space<hbm>> -> memref<2x125xi32, #tpu.memory_space<hbm>>
          tpu.enqueue_dma source(%dma_start3A_229 : memref<2x125xi32, #tpu.memory_space<hbm>>) target(%arg6 : memref<2x125xi32, #tpu.memory_space<vmem>>) target_semaphore(%arg16 : memref<!tpu.dma_semaphore, #tpu.memory_space<semaphore_mem>>)
        } else {
        }
        %add3A_201 = arith.constant 2 : i32
        %add3A_202 = arith.addi %add3A_93, %add3A_201 : i32
        %dma_wait3A_203 = arith.constant 0 : i32
        %dma_wait3A_204 = arith.constant 0 : i32
        %dma_wait3A_205 = tpu.memref_slice %arg3[%add3A, %add3A_202, %dma_wait3A_203, %dma_wait3A_204] : memref<32x80x2x125xi32, #tpu.memory_space<hbm>> -> memref<1x1x2x125xi32, #tpu.memory_space<hbm>>
        %dma_wait3A_206 = tpu.memref_squeeze %dma_wait3A_205 : memref<1x1x2x125xi32, #tpu.memory_space<hbm>> -> memref<2x125xi32, #tpu.memory_space<hbm>>
        %dma_wait3A_207 = arith.constant 0 : i32
        %dma_wait3A_208 = arith.constant 0 : i32
        %dma_wait3A_209 = tpu.memref_slice %arg3[%add3A, %add3A_202, %dma_wait3A_207, %dma_wait3A_208] : memref<32x80x2x125xi32, #tpu.memory_space<hbm>> -> memref<1x1x2x125xi32, #tpu.memory_space<hbm>>
        %dma_wait3A_210 = tpu.memref_squeeze %dma_wait3A_209 : memref<1x1x2x125xi32, #tpu.memory_space<hbm>> -> memref<2x125xi32, #tpu.memory_space<hbm>>
        tpu.wait_dma2 semaphore(%arg18 : memref<!tpu.dma_semaphore, #tpu.memory_space<semaphore_mem>>) src(%dma_wait3A_210 : memref<2x125xi32, #tpu.memory_space<hbm>>) dst(%arg8 : memref<2x125xi32, #tpu.memory_space<vmem>>)
        %add3A_211 = arith.constant 2 : i32
        %add3A_212 = arith.addi %add3A_93, %add3A_211 : i32
        %dma_start3A_213 = arith.constant 0 : i32
        %dma_start3A_214 = arith.constant 0 : i32
        %dma_start3A_215 = tpu.memref_slice %arg8[%dma_start3A_213, %dma_start3A_214] : memref<2x125xi32, #tpu.memory_space<vmem>> -> memref<1x125xi32, #tpu.memory_space<vmem>>
        %dma_start3A_216 = tpu.memref_squeeze %dma_start3A_215 : memref<1x125xi32, #tpu.memory_space<vmem>> -> memref<125xi32, #tpu.memory_space<vmem>>
        %dma_start3A_217 = arith.constant 0 : i32
        %dma_start3A_218 = arith.constant 0 : i32
        %dma_start3A_219 = tpu.memref_slice %arg2[%dma_start3A_217, %dma_start3A_218] : memref<10240x128xf32, #tpu.memory_space<hbm>> -> memref<10240x128xf32, #tpu.memory_space<hbm>>
        tpu.enqueue_indirect_dma source(%dma_start3A_219 : memref<10240x128xf32, #tpu.memory_space<hbm>>) target(%arg10 : memref<125x128xf32, #tpu.memory_space<vmem>>) offsets(%dma_start3A_216 : memref<125xi32, #tpu.memory_space<vmem>>) semaphore(%arg12 : memref<!tpu.dma_semaphore, #tpu.memory_space<semaphore_mem>>)
      } else {
      }
      %mul3A_112 = arith.constant 4 : i32
      %mul3A_113 = arith.muli %mul3A_112, %scan3A_89 : i32
      %add3A_114 = arith.constant 1 : i32
      %add3A_115 = arith.addi %mul3A_113, %add3A_114 : i32
      %dma_wait3A_116 = arith.constant 0 : i32
      %dma_wait3A_117 = arith.constant 0 : i32
      %dma_wait3A_118 = tpu.memref_slice %arg7[%dma_wait3A_116, %dma_wait3A_117] : memref<2x125xi32, #tpu.memory_space<vmem>> -> memref<1x125xi32, #tpu.memory_space<vmem>>
      %dma_wait3A_119 = tpu.memref_squeeze %dma_wait3A_118 : memref<1x125xi32, #tpu.memory_space<vmem>> -> memref<125xi32, #tpu.memory_space<vmem>>
      %dma_wait3A_120 = arith.constant 0 : i32
      %dma_wait3A_121 = arith.constant 0 : i32
      %dma_wait3A_122 = tpu.memref_slice %arg2[%dma_wait3A_120, %dma_wait3A_121] : memref<10240x128xf32, #tpu.memory_space<hbm>> -> memref<10240x128xf32, #tpu.memory_space<hbm>>
      tpu.wait_indirect_dma semaphore(%arg13 : memref<!tpu.dma_semaphore, #tpu.memory_space<semaphore_mem>>) src(%dma_wait3A_122 : memref<10240x128xf32, #tpu.memory_space<hbm>>) dst(%arg11 : memref<125x128xf32, #tpu.memory_space<vmem>>)
      %dma_start3A_123 = arith.constant 1 : i32
      %dma_start3A_124 = arith.constant 0 : i32
      %dma_start3A_125 = tpu.memref_slice %arg7[%dma_start3A_123, %dma_start3A_124] : memref<2x125xi32, #tpu.memory_space<vmem>> -> memref<1x125xi32, #tpu.memory_space<vmem>>
      %dma_start3A_126 = tpu.memref_squeeze %dma_start3A_125 : memref<1x125xi32, #tpu.memory_space<vmem>> -> memref<125xi32, #tpu.memory_space<vmem>>
      %dma_start3A_127 = arith.constant 0 : i32
      %dma_start3A_128 = arith.constant 0 : i32
      %dma_start3A_129 = tpu.memref_slice %arg20[%dma_start3A_127, %dma_start3A_128] : memref<10240x128xf32, #tpu.memory_space<vmem_shared>> -> memref<10240x128xf32, #tpu.memory_space<vmem_shared>>
      tpu.enqueue_indirect_dma source(%arg11 : memref<125x128xf32, #tpu.memory_space<vmem>>) target(%dma_start3A_129 : memref<10240x128xf32, #tpu.memory_space<vmem_shared>>) offsets(%dma_start3A_126 : memref<125xi32, #tpu.memory_space<vmem>>) semaphore(%arg15 : memref<!tpu.dma_semaphore, #tpu.memory_space<semaphore_mem>>) {add = true}
      %add3A_130 = arith.constant 2 : i32
      %add3A_131 = arith.addi %add3A_115, %add3A_130 : i32
      %lt3A_132 = arith.constant 80 : i32
      %lt3A_133 = arith.cmpi slt, %add3A_131, %lt3A_132 : i32
      %convert_element_type3A_134 = arith.extui %lt3A_133 : i1 to i32
      %cond3A_135 = arith.constant 0 : i32
      %cond3A_136 = arith.cmpi ne, %convert_element_type3A_134, %cond3A_135 : i32
      scf.if %cond3A_136 {
        %dma_wait3A_187 = arith.constant 1 : i32
        %dma_wait3A_188 = arith.constant 0 : i32
        %dma_wait3A_189 = tpu.memref_slice %arg7[%dma_wait3A_187, %dma_wait3A_188] : memref<2x125xi32, #tpu.memory_space<vmem>> -> memref<1x125xi32, #tpu.memory_space<vmem>>
        %dma_wait3A_190 = tpu.memref_squeeze %dma_wait3A_189 : memref<1x125xi32, #tpu.memory_space<vmem>> -> memref<125xi32, #tpu.memory_space<vmem>>
        %dma_wait3A_191 = arith.constant 0 : i32
        %dma_wait3A_192 = arith.constant 0 : i32
        %dma_wait3A_193 = tpu.memref_slice %arg20[%dma_wait3A_191, %dma_wait3A_192] : memref<10240x128xf32, #tpu.memory_space<vmem_shared>> -> memref<10240x128xf32, #tpu.memory_space<vmem_shared>>
        tpu.wait_indirect_dma semaphore(%arg15 : memref<!tpu.dma_semaphore, #tpu.memory_space<semaphore_mem>>) src(%arg11 : memref<125x128xf32, #tpu.memory_space<vmem>>) dst(%dma_wait3A_193 : memref<10240x128xf32, #tpu.memory_space<vmem_shared>>)
        %add3A_194 = arith.constant 4 : i32
        %add3A_195 = arith.addi %add3A_115, %add3A_194 : i32
        %lt3A_196 = arith.constant 80 : i32
        %lt3A_197 = arith.cmpi slt, %add3A_195, %lt3A_196 : i32
        %convert_element_type3A_198 = arith.extui %lt3A_197 : i1 to i32
        %cond3A_199 = arith.constant 0 : i32
        %cond3A_200 = arith.cmpi ne, %convert_element_type3A_198, %cond3A_199 : i32
        scf.if %cond3A_200 {
          %add3A_220 = arith.constant 4 : i32
          %add3A_221 = arith.addi %add3A_115, %add3A_220 : i32
          %dma_start3A_222 = arith.constant 0 : i32
          %dma_start3A_223 = arith.constant 0 : i32
          %dma_start3A_224 = tpu.memref_slice %arg3[%add3A, %add3A_221, %dma_start3A_222, %dma_start3A_223] : memref<32x80x2x125xi32, #tpu.memory_space<hbm>> -> memref<1x1x2x125xi32, #tpu.memory_space<hbm>>
          %dma_start3A_225 = tpu.memref_squeeze %dma_start3A_224 : memref<1x1x2x125xi32, #tpu.memory_space<hbm>> -> memref<2x125xi32, #tpu.memory_space<hbm>>
          %dma_start3A_226 = arith.constant 0 : i32
          %dma_start3A_227 = arith.constant 0 : i32
          %dma_start3A_228 = tpu.memref_slice %arg3[%add3A, %add3A_221, %dma_start3A_226, %dma_start3A_227] : memref<32x80x2x125xi32, #tpu.memory_space<hbm>> -> memref<1x1x2x125xi32, #tpu.memory_space<hbm>>
          %dma_start3A_229 = tpu.memref_squeeze %dma_start3A_228 : memref<1x1x2x125xi32, #tpu.memory_space<hbm>> -> memref<2x125xi32, #tpu.memory_space<hbm>>
          tpu.enqueue_dma source(%dma_start3A_229 : memref<2x125xi32, #tpu.memory_space<hbm>>) target(%arg7 : memref<2x125xi32, #tpu.memory_space<vmem>>) target_semaphore(%arg17 : memref<!tpu.dma_semaphore, #tpu.memory_space<semaphore_mem>>)
        } else {
        }
        %add3A_201 = arith.constant 2 : i32
        %add3A_202 = arith.addi %add3A_115, %add3A_201 : i32
        %dma_wait3A_203 = arith.constant 0 : i32
        %dma_wait3A_204 = arith.constant 0 : i32
        %dma_wait3A_205 = tpu.memref_slice %arg3[%add3A, %add3A_202, %dma_wait3A_203, %dma_wait3A_204] : memref<32x80x2x125xi32, #tpu.memory_space<hbm>> -> memref<1x1x2x125xi32, #tpu.memory_space<hbm>>
        %dma_wait3A_206 = tpu.memref_squeeze %dma_wait3A_205 : memref<1x1x2x125xi32, #tpu.memory_space<hbm>> -> memref<2x125xi32, #tpu.memory_space<hbm>>
        %dma_wait3A_207 = arith.constant 0 : i32
        %dma_wait3A_208 = arith.constant 0 : i32
        %dma_wait3A_209 = tpu.memref_slice %arg3[%add3A, %add3A_202, %dma_wait3A_207, %dma_wait3A_208] : memref<32x80x2x125xi32, #tpu.memory_space<hbm>> -> memref<1x1x2x125xi32, #tpu.memory_space<hbm>>
        %dma_wait3A_210 = tpu.memref_squeeze %dma_wait3A_209 : memref<1x1x2x125xi32, #tpu.memory_space<hbm>> -> memref<2x125xi32, #tpu.memory_space<hbm>>
        tpu.wait_dma2 semaphore(%arg19 : memref<!tpu.dma_semaphore, #tpu.memory_space<semaphore_mem>>) src(%dma_wait3A_210 : memref<2x125xi32, #tpu.memory_space<hbm>>) dst(%arg9 : memref<2x125xi32, #tpu.memory_space<vmem>>)
        %add3A_211 = arith.constant 2 : i32
        %add3A_212 = arith.addi %add3A_115, %add3A_211 : i32
        %dma_start3A_213 = arith.constant 0 : i32
        %dma_start3A_214 = arith.constant 0 : i32
        %dma_start3A_215 = tpu.memref_slice %arg9[%dma_start3A_213, %dma_start3A_214] : memref<2x125xi32, #tpu.memory_space<vmem>> -> memref<1x125xi32, #tpu.memory_space<vmem>>
        %dma_start3A_216 = tpu.memref_squeeze %dma_start3A_215 : memref<1x125xi32, #tpu.memory_space<vmem>> -> memref<125xi32, #tpu.memory_space<vmem>>
        %dma_start3A_217 = arith.constant 0 : i32
        %dma_start3A_218 = arith.constant 0 : i32
        %dma_start3A_219 = tpu.memref_slice %arg2[%dma_start3A_217, %dma_start3A_218] : memref<10240x128xf32, #tpu.memory_space<hbm>> -> memref<10240x128xf32, #tpu.memory_space<hbm>>
        tpu.enqueue_indirect_dma source(%dma_start3A_219 : memref<10240x128xf32, #tpu.memory_space<hbm>>) target(%arg11 : memref<125x128xf32, #tpu.memory_space<vmem>>) offsets(%dma_start3A_216 : memref<125xi32, #tpu.memory_space<vmem>>) semaphore(%arg13 : memref<!tpu.dma_semaphore, #tpu.memory_space<semaphore_mem>>)
      } else {
      }
      %mul3A_137 = arith.constant 4 : i32
      %mul3A_138 = arith.muli %mul3A_137, %scan3A_89 : i32
      %add3A_139 = arith.constant 2 : i32
      %add3A_140 = arith.addi %mul3A_138, %add3A_139 : i32
      %dma_wait3A_141 = arith.constant 0 : i32
      %dma_wait3A_142 = arith.constant 0 : i32
      %dma_wait3A_143 = tpu.memref_slice %arg8[%dma_wait3A_141, %dma_wait3A_142] : memref<2x125xi32, #tpu.memory_space<vmem>> -> memref<1x125xi32, #tpu.memory_space<vmem>>
      %dma_wait3A_144 = tpu.memref_squeeze %dma_wait3A_143 : memref<1x125xi32, #tpu.memory_space<vmem>> -> memref<125xi32, #tpu.memory_space<vmem>>
      %dma_wait3A_145 = arith.constant 0 : i32
      %dma_wait3A_146 = arith.constant 0 : i32
      %dma_wait3A_147 = tpu.memref_slice %arg2[%dma_wait3A_145, %dma_wait3A_146] : memref<10240x128xf32, #tpu.memory_space<hbm>> -> memref<10240x128xf32, #tpu.memory_space<hbm>>
      tpu.wait_indirect_dma semaphore(%arg12 : memref<!tpu.dma_semaphore, #tpu.memory_space<semaphore_mem>>) src(%dma_wait3A_147 : memref<10240x128xf32, #tpu.memory_space<hbm>>) dst(%arg10 : memref<125x128xf32, #tpu.memory_space<vmem>>)
      %dma_start3A_148 = arith.constant 1 : i32
      %dma_start3A_149 = arith.constant 0 : i32
      %dma_start3A_150 = tpu.memref_slice %arg8[%dma_start3A_148, %dma_start3A_149] : memref<2x125xi32, #tpu.memory_space<vmem>> -> memref<1x125xi32, #tpu.memory_space<vmem>>
      %dma_start3A_151 = tpu.memref_squeeze %dma_start3A_150 : memref<1x125xi32, #tpu.memory_space<vmem>> -> memref<125xi32, #tpu.memory_space<vmem>>
      %dma_start3A_152 = arith.constant 0 : i32
      %dma_start3A_153 = arith.constant 0 : i32
      %dma_start3A_154 = tpu.memref_slice %arg20[%dma_start3A_152, %dma_start3A_153] : memref<10240x128xf32, #tpu.memory_space<vmem_shared>> -> memref<10240x128xf32, #tpu.memory_space<vmem_shared>>
      tpu.enqueue_indirect_dma source(%arg10 : memref<125x128xf32, #tpu.memory_space<vmem>>) target(%dma_start3A_154 : memref<10240x128xf32, #tpu.memory_space<vmem_shared>>) offsets(%dma_start3A_151 : memref<125xi32, #tpu.memory_space<vmem>>) semaphore(%arg14 : memref<!tpu.dma_semaphore, #tpu.memory_space<semaphore_mem>>) {add = true}
      %add3A_155 = arith.constant 2 : i32
      %add3A_156 = arith.addi %add3A_140, %add3A_155 : i32
      %lt3A_157 = arith.constant 80 : i32
      %lt3A_158 = arith.cmpi slt, %add3A_156, %lt3A_157 : i32
      %convert_element_type3A_159 = arith.extui %lt3A_158 : i1 to i32
      %cond3A_160 = arith.constant 0 : i32
      %cond3A_161 = arith.cmpi ne, %convert_element_type3A_159, %cond3A_160 : i32
      scf.if %cond3A_161 {
        %dma_wait3A_187 = arith.constant 1 : i32
        %dma_wait3A_188 = arith.constant 0 : i32
        %dma_wait3A_189 = tpu.memref_slice %arg8[%dma_wait3A_187, %dma_wait3A_188] : memref<2x125xi32, #tpu.memory_space<vmem>> -> memref<1x125xi32, #tpu.memory_space<vmem>>
        %dma_wait3A_190 = tpu.memref_squeeze %dma_wait3A_189 : memref<1x125xi32, #tpu.memory_space<vmem>> -> memref<125xi32, #tpu.memory_space<vmem>>
        %dma_wait3A_191 = arith.constant 0 : i32
        %dma_wait3A_192 = arith.constant 0 : i32
        %dma_wait3A_193 = tpu.memref_slice %arg20[%dma_wait3A_191, %dma_wait3A_192] : memref<10240x128xf32, #tpu.memory_space<vmem_shared>> -> memref<10240x128xf32, #tpu.memory_space<vmem_shared>>
        tpu.wait_indirect_dma semaphore(%arg14 : memref<!tpu.dma_semaphore, #tpu.memory_space<semaphore_mem>>) src(%arg10 : memref<125x128xf32, #tpu.memory_space<vmem>>) dst(%dma_wait3A_193 : memref<10240x128xf32, #tpu.memory_space<vmem_shared>>)
        %add3A_194 = arith.constant 4 : i32
        %add3A_195 = arith.addi %add3A_140, %add3A_194 : i32
        %lt3A_196 = arith.constant 80 : i32
        %lt3A_197 = arith.cmpi slt, %add3A_195, %lt3A_196 : i32
        %convert_element_type3A_198 = arith.extui %lt3A_197 : i1 to i32
        %cond3A_199 = arith.constant 0 : i32
        %cond3A_200 = arith.cmpi ne, %convert_element_type3A_198, %cond3A_199 : i32
        scf.if %cond3A_200 {
          %add3A_220 = arith.constant 4 : i32
          %add3A_221 = arith.addi %add3A_140, %add3A_220 : i32
          %dma_start3A_222 = arith.constant 0 : i32
          %dma_start3A_223 = arith.constant 0 : i32
          %dma_start3A_224 = tpu.memref_slice %arg3[%add3A, %add3A_221, %dma_start3A_222, %dma_start3A_223] : memref<32x80x2x125xi32, #tpu.memory_space<hbm>> -> memref<1x1x2x125xi32, #tpu.memory_space<hbm>>
          %dma_start3A_225 = tpu.memref_squeeze %dma_start3A_224 : memref<1x1x2x125xi32, #tpu.memory_space<hbm>> -> memref<2x125xi32, #tpu.memory_space<hbm>>
          %dma_start3A_226 = arith.constant 0 : i32
          %dma_start3A_227 = arith.constant 0 : i32
          %dma_start3A_228 = tpu.memref_slice %arg3[%add3A, %add3A_221, %dma_start3A_226, %dma_start3A_227] : memref<32x80x2x125xi32, #tpu.memory_space<hbm>> -> memref<1x1x2x125xi32, #tpu.memory_space<hbm>>
          %dma_start3A_229 = tpu.memref_squeeze %dma_start3A_228 : memref<1x1x2x125xi32, #tpu.memory_space<hbm>> -> memref<2x125xi32, #tpu.memory_space<hbm>>
          tpu.enqueue_dma source(%dma_start3A_229 : memref<2x125xi32, #tpu.memory_space<hbm>>) target(%arg8 : memref<2x125xi32, #tpu.memory_space<vmem>>) target_semaphore(%arg18 : memref<!tpu.dma_semaphore, #tpu.memory_space<semaphore_mem>>)
        } else {
        }
        %add3A_201 = arith.constant 2 : i32
        %add3A_202 = arith.addi %add3A_140, %add3A_201 : i32
        %dma_wait3A_203 = arith.constant 0 : i32
        %dma_wait3A_204 = arith.constant 0 : i32
        %dma_wait3A_205 = tpu.memref_slice %arg3[%add3A, %add3A_202, %dma_wait3A_203, %dma_wait3A_204] : memref<32x80x2x125xi32, #tpu.memory_space<hbm>> -> memref<1x1x2x125xi32, #tpu.memory_space<hbm>>
        %dma_wait3A_206 = tpu.memref_squeeze %dma_wait3A_205 : memref<1x1x2x125xi32, #tpu.memory_space<hbm>> -> memref<2x125xi32, #tpu.memory_space<hbm>>
        %dma_wait3A_207 = arith.constant 0 : i32
        %dma_wait3A_208 = arith.constant 0 : i32
        %dma_wait3A_209 = tpu.memref_slice %arg3[%add3A, %add3A_202, %dma_wait3A_207, %dma_wait3A_208] : memref<32x80x2x125xi32, #tpu.memory_space<hbm>> -> memref<1x1x2x125xi32, #tpu.memory_space<hbm>>
        %dma_wait3A_210 = tpu.memref_squeeze %dma_wait3A_209 : memref<1x1x2x125xi32, #tpu.memory_space<hbm>> -> memref<2x125xi32, #tpu.memory_space<hbm>>
        tpu.wait_dma2 semaphore(%arg16 : memref<!tpu.dma_semaphore, #tpu.memory_space<semaphore_mem>>) src(%dma_wait3A_210 : memref<2x125xi32, #tpu.memory_space<hbm>>) dst(%arg6 : memref<2x125xi32, #tpu.memory_space<vmem>>)
        %add3A_211 = arith.constant 2 : i32
        %add3A_212 = arith.addi %add3A_140, %add3A_211 : i32
        %dma_start3A_213 = arith.constant 0 : i32
        %dma_start3A_214 = arith.constant 0 : i32
        %dma_start3A_215 = tpu.memref_slice %arg6[%dma_start3A_213, %dma_start3A_214] : memref<2x125xi32, #tpu.memory_space<vmem>> -> memref<1x125xi32, #tpu.memory_space<vmem>>
        %dma_start3A_216 = tpu.memref_squeeze %dma_start3A_215 : memref<1x125xi32, #tpu.memory_space<vmem>> -> memref<125xi32, #tpu.memory_space<vmem>>
        %dma_start3A_217 = arith.constant 0 : i32
        %dma_start3A_218 = arith.constant 0 : i32
        %dma_start3A_219 = tpu.memref_slice %arg2[%dma_start3A_217, %dma_start3A_218] : memref<10240x128xf32, #tpu.memory_space<hbm>> -> memref<10240x128xf32, #tpu.memory_space<hbm>>
        tpu.enqueue_indirect_dma source(%dma_start3A_219 : memref<10240x128xf32, #tpu.memory_space<hbm>>) target(%arg10 : memref<125x128xf32, #tpu.memory_space<vmem>>) offsets(%dma_start3A_216 : memref<125xi32, #tpu.memory_space<vmem>>) semaphore(%arg12 : memref<!tpu.dma_semaphore, #tpu.memory_space<semaphore_mem>>)
      } else {
      }
      %mul3A_162 = arith.constant 4 : i32
      %mul3A_163 = arith.muli %mul3A_162, %scan3A_89 : i32
      %add3A_164 = arith.constant 3 : i32
      %add3A_165 = arith.addi %mul3A_163, %add3A_164 : i32
      %dma_wait3A_166 = arith.constant 0 : i32
      %dma_wait3A_167 = arith.constant 0 : i32
      %dma_wait3A_168 = tpu.memref_slice %arg9[%dma_wait3A_166, %dma_wait3A_167] : memref<2x125xi32, #tpu.memory_space<vmem>> -> memref<1x125xi32, #tpu.memory_space<vmem>>
      %dma_wait3A_169 = tpu.memref_squeeze %dma_wait3A_168 : memref<1x125xi32, #tpu.memory_space<vmem>> -> memref<125xi32, #tpu.memory_space<vmem>>
      %dma_wait3A_170 = arith.constant 0 : i32
      %dma_wait3A_171 = arith.constant 0 : i32
      %dma_wait3A_172 = tpu.memref_slice %arg2[%dma_wait3A_170, %dma_wait3A_171] : memref<10240x128xf32, #tpu.memory_space<hbm>> -> memref<10240x128xf32, #tpu.memory_space<hbm>>
      tpu.wait_indirect_dma semaphore(%arg13 : memref<!tpu.dma_semaphore, #tpu.memory_space<semaphore_mem>>) src(%dma_wait3A_172 : memref<10240x128xf32, #tpu.memory_space<hbm>>) dst(%arg11 : memref<125x128xf32, #tpu.memory_space<vmem>>)
      %dma_start3A_173 = arith.constant 1 : i32
      %dma_start3A_174 = arith.constant 0 : i32
      %dma_start3A_175 = tpu.memref_slice %arg9[%dma_start3A_173, %dma_start3A_174] : memref<2x125xi32, #tpu.memory_space<vmem>> -> memref<1x125xi32, #tpu.memory_space<vmem>>
      %dma_start3A_176 = tpu.memref_squeeze %dma_start3A_175 : memref<1x125xi32, #tpu.memory_space<vmem>> -> memref<125xi32, #tpu.memory_space<vmem>>
      %dma_start3A_177 = arith.constant 0 : i32
      %dma_start3A_178 = arith.constant 0 : i32
      %dma_start3A_179 = tpu.memref_slice %arg20[%dma_start3A_177, %dma_start3A_178] : memref<10240x128xf32, #tpu.memory_space<vmem_shared>> -> memref<10240x128xf32, #tpu.memory_space<vmem_shared>>
      tpu.enqueue_indirect_dma source(%arg11 : memref<125x128xf32, #tpu.memory_space<vmem>>) target(%dma_start3A_179 : memref<10240x128xf32, #tpu.memory_space<vmem_shared>>) offsets(%dma_start3A_176 : memref<125xi32, #tpu.memory_space<vmem>>) semaphore(%arg15 : memref<!tpu.dma_semaphore, #tpu.memory_space<semaphore_mem>>) {add = true}
      %add3A_180 = arith.constant 2 : i32
      %add3A_181 = arith.addi %add3A_165, %add3A_180 : i32
      %lt3A_182 = arith.constant 80 : i32
      %lt3A_183 = arith.cmpi slt, %add3A_181, %lt3A_182 : i32
      %convert_element_type3A_184 = arith.extui %lt3A_183 : i1 to i32
      %cond3A_185 = arith.constant 0 : i32
      %cond3A_186 = arith.cmpi ne, %convert_element_type3A_184, %cond3A_185 : i32
      scf.if %cond3A_186 {
        %dma_wait3A_187 = arith.constant 1 : i32
        %dma_wait3A_188 = arith.constant 0 : i32
        %dma_wait3A_189 = tpu.memref_slice %arg9[%dma_wait3A_187, %dma_wait3A_188] : memref<2x125xi32, #tpu.memory_space<vmem>> -> memref<1x125xi32, #tpu.memory_space<vmem>>
        %dma_wait3A_190 = tpu.memref_squeeze %dma_wait3A_189 : memref<1x125xi32, #tpu.memory_space<vmem>> -> memref<125xi32, #tpu.memory_space<vmem>>
        %dma_wait3A_191 = arith.constant 0 : i32
        %dma_wait3A_192 = arith.constant 0 : i32
        %dma_wait3A_193 = tpu.memref_slice %arg20[%dma_wait3A_191, %dma_wait3A_192] : memref<10240x128xf32, #tpu.memory_space<vmem_shared>> -> memref<10240x128xf32, #tpu.memory_space<vmem_shared>>
        tpu.wait_indirect_dma semaphore(%arg15 : memref<!tpu.dma_semaphore, #tpu.memory_space<semaphore_mem>>) src(%arg11 : memref<125x128xf32, #tpu.memory_space<vmem>>) dst(%dma_wait3A_193 : memref<10240x128xf32, #tpu.memory_space<vmem_shared>>)
        %add3A_194 = arith.constant 4 : i32
        %add3A_195 = arith.addi %add3A_165, %add3A_194 : i32
        %lt3A_196 = arith.constant 80 : i32
        %lt3A_197 = arith.cmpi slt, %add3A_195, %lt3A_196 : i32
        %convert_element_type3A_198 = arith.extui %lt3A_197 : i1 to i32
        %cond3A_199 = arith.constant 0 : i32
        %cond3A_200 = arith.cmpi ne, %convert_element_type3A_198, %cond3A_199 : i32
        scf.if %cond3A_200 {
          %add3A_220 = arith.constant 4 : i32
          %add3A_221 = arith.addi %add3A_165, %add3A_220 : i32
          %dma_start3A_222 = arith.constant 0 : i32
          %dma_start3A_223 = arith.constant 0 : i32
          %dma_start3A_224 = tpu.memref_slice %arg3[%add3A, %add3A_221, %dma_start3A_222, %dma_start3A_223] : memref<32x80x2x125xi32, #tpu.memory_space<hbm>> -> memref<1x1x2x125xi32, #tpu.memory_space<hbm>>
          %dma_start3A_225 = tpu.memref_squeeze %dma_start3A_224 : memref<1x1x2x125xi32, #tpu.memory_space<hbm>> -> memref<2x125xi32, #tpu.memory_space<hbm>>
          %dma_start3A_226 = arith.constant 0 : i32
          %dma_start3A_227 = arith.constant 0 : i32
          %dma_start3A_228 = tpu.memref_slice %arg3[%add3A, %add3A_221, %dma_start3A_226, %dma_start3A_227] : memref<32x80x2x125xi32, #tpu.memory_space<hbm>> -> memref<1x1x2x125xi32, #tpu.memory_space<hbm>>
          %dma_start3A_229 = tpu.memref_squeeze %dma_start3A_228 : memref<1x1x2x125xi32, #tpu.memory_space<hbm>> -> memref<2x125xi32, #tpu.memory_space<hbm>>
          tpu.enqueue_dma source(%dma_start3A_229 : memref<2x125xi32, #tpu.memory_space<hbm>>) target(%arg9 : memref<2x125xi32, #tpu.memory_space<vmem>>) target_semaphore(%arg19 : memref<!tpu.dma_semaphore, #tpu.memory_space<semaphore_mem>>)
        } else {
        }
        %add3A_201 = arith.constant 2 : i32
        %add3A_202 = arith.addi %add3A_165, %add3A_201 : i32
        %dma_wait3A_203 = arith.constant 0 : i32
        %dma_wait3A_204 = arith.constant 0 : i32
        %dma_wait3A_205 = tpu.memref_slice %arg3[%add3A, %add3A_202, %dma_wait3A_203, %dma_wait3A_204] : memref<32x80x2x125xi32, #tpu.memory_space<hbm>> -> memref<1x1x2x125xi32, #tpu.memory_space<hbm>>
        %dma_wait3A_206 = tpu.memref_squeeze %dma_wait3A_205 : memref<1x1x2x125xi32, #tpu.memory_space<hbm>> -> memref<2x125xi32, #tpu.memory_space<hbm>>
        %dma_wait3A_207 = arith.constant 0 : i32
        %dma_wait3A_208 = arith.constant 0 : i32
        %dma_wait3A_209 = tpu.memref_slice %arg3[%add3A, %add3A_202, %dma_wait3A_207, %dma_wait3A_208] : memref<32x80x2x125xi32, #tpu.memory_space<hbm>> -> memref<1x1x2x125xi32, #tpu.memory_space<hbm>>
        %dma_wait3A_210 = tpu.memref_squeeze %dma_wait3A_209 : memref<1x1x2x125xi32, #tpu.memory_space<hbm>> -> memref<2x125xi32, #tpu.memory_space<hbm>>
        tpu.wait_dma2 semaphore(%arg17 : memref<!tpu.dma_semaphore, #tpu.memory_space<semaphore_mem>>) src(%dma_wait3A_210 : memref<2x125xi32, #tpu.memory_space<hbm>>) dst(%arg7 : memref<2x125xi32, #tpu.memory_space<vmem>>)
        %add3A_211 = arith.constant 2 : i32
        %add3A_212 = arith.addi %add3A_165, %add3A_211 : i32
        %dma_start3A_213 = arith.constant 0 : i32
        %dma_start3A_214 = arith.constant 0 : i32
        %dma_start3A_215 = tpu.memref_slice %arg7[%dma_start3A_213, %dma_start3A_214] : memref<2x125xi32, #tpu.memory_space<vmem>> -> memref<1x125xi32, #tpu.memory_space<vmem>>
        %dma_start3A_216 = tpu.memref_squeeze %dma_start3A_215 : memref<1x125xi32, #tpu.memory_space<vmem>> -> memref<125xi32, #tpu.memory_space<vmem>>
        %dma_start3A_217 = arith.constant 0 : i32
        %dma_start3A_218 = arith.constant 0 : i32
        %dma_start3A_219 = tpu.memref_slice %arg2[%dma_start3A_217, %dma_start3A_218] : memref<10240x128xf32, #tpu.memory_space<hbm>> -> memref<10240x128xf32, #tpu.memory_space<hbm>>
        tpu.enqueue_indirect_dma source(%dma_start3A_219 : memref<10240x128xf32, #tpu.memory_space<hbm>>) target(%arg11 : memref<125x128xf32, #tpu.memory_space<vmem>>) offsets(%dma_start3A_216 : memref<125xi32, #tpu.memory_space<vmem>>) semaphore(%arg13 : memref<!tpu.dma_semaphore, #tpu.memory_space<semaphore_mem>>)
      } else {
      }
    }
    %scan3A_73 = arith.constant 20 : i32
    %dma_wait3A_74 = arith.constant 1 : i32
    %dma_wait3A_75 = arith.constant 0 : i32
    %dma_wait3A_76 = tpu.memref_slice %arg8[%dma_wait3A_74, %dma_wait3A_75] : memref<2x125xi32, #tpu.memory_space<vmem>> -> memref<1x125xi32, #tpu.memory_space<vmem>>
    %dma_wait3A_77 = tpu.memref_squeeze %dma_wait3A_76 : memref<1x125xi32, #tpu.memory_space<vmem>> -> memref<125xi32, #tpu.memory_space<vmem>>
    %dma_wait3A_78 = arith.constant 0 : i32
    %dma_wait3A_79 = arith.constant 0 : i32
    %dma_wait3A_80 = tpu.memref_slice %arg20[%dma_wait3A_78, %dma_wait3A_79] : memref<10240x128xf32, #tpu.memory_space<vmem_shared>> -> memref<10240x128xf32, #tpu.memory_space<vmem_shared>>
    tpu.wait_indirect_dma semaphore(%arg14 : memref<!tpu.dma_semaphore, #tpu.memory_space<semaphore_mem>>) src(%arg10 : memref<125x128xf32, #tpu.memory_space<vmem>>) dst(%dma_wait3A_80 : memref<10240x128xf32, #tpu.memory_space<vmem_shared>>)
    %dma_wait3A_81 = arith.constant 1 : i32
    %dma_wait3A_82 = arith.constant 0 : i32
    %dma_wait3A_83 = tpu.memref_slice %arg9[%dma_wait3A_81, %dma_wait3A_82] : memref<2x125xi32, #tpu.memory_space<vmem>> -> memref<1x125xi32, #tpu.memory_space<vmem>>
    %dma_wait3A_84 = tpu.memref_squeeze %dma_wait3A_83 : memref<1x125xi32, #tpu.memory_space<vmem>> -> memref<125xi32, #tpu.memory_space<vmem>>
    %dma_wait3A_85 = arith.constant 0 : i32
    %dma_wait3A_86 = arith.constant 0 : i32
    %dma_wait3A_87 = tpu.memref_slice %arg20[%dma_wait3A_85, %dma_wait3A_86] : memref<10240x128xf32, #tpu.memory_space<vmem_shared>> -> memref<10240x128xf32, #tpu.memory_space<vmem_shared>>
    tpu.wait_indirect_dma semaphore(%arg15 : memref<!tpu.dma_semaphore, #tpu.memory_space<semaphore_mem>>) src(%arg11 : memref<125x128xf32, #tpu.memory_space<vmem>>) dst(%dma_wait3A_87 : memref<10240x128xf32, #tpu.memory_space<vmem_shared>>)
    %barrier3A_88 = arith.constant 0 : index
    tpu.barrier barrier_id(%barrier3A_88)
    "tpu.region"() ({
      %run_scoped3A = tpu.sem_alloc : memref<!tpu.dma_semaphore, #tpu.memory_space<semaphore_mem>>
      %dma_start3A_89 = arith.constant 0 : i32
      %dma_start3A_90 = tpu.memref_slice %arg5[%arg0, %mul3A_2, %dma_start3A_89] : memref<2x10240x128xf32, #tpu.memory_space<hbm>> -> memref<1x640x128xf32, #tpu.memory_space<hbm>>
      %dma_start3A_91 = tpu.memref_squeeze %dma_start3A_90 : memref<1x640x128xf32, #tpu.memory_space<hbm>> -> memref<640x128xf32, #tpu.memory_space<hbm>>
      %dma_start3A_92 = arith.constant 0 : i32
      %dma_start3A_93 = tpu.memref_slice %arg20[%mul3A_2, %dma_start3A_92] : memref<10240x128xf32, #tpu.memory_space<vmem_shared>> -> memref<640x128xf32, #tpu.memory_space<vmem_shared>>
      tpu.enqueue_dma source(%dma_start3A_93 : memref<640x128xf32, #tpu.memory_space<vmem_shared>>) target(%dma_start3A_91 : memref<640x128xf32, #tpu.memory_space<hbm>>) target_semaphore(%run_scoped3A : memref<!tpu.dma_semaphore, #tpu.memory_space<semaphore_mem>>)
      %dma_wait3A_94 = arith.constant 0 : i32
      %dma_wait3A_95 = tpu.memref_slice %arg5[%arg0, %mul3A_2, %dma_wait3A_94] : memref<2x10240x128xf32, #tpu.memory_space<hbm>> -> memref<1x640x128xf32, #tpu.memory_space<hbm>>
      %dma_wait3A_96 = tpu.memref_squeeze %dma_wait3A_95 : memref<1x640x128xf32, #tpu.memory_space<hbm>> -> memref<640x128xf32, #tpu.memory_space<hbm>>
      %dma_wait3A_97 = arith.constant 0 : i32
      %dma_wait3A_98 = tpu.memref_slice %arg20[%mul3A_2, %dma_wait3A_97] : memref<10240x128xf32, #tpu.memory_space<vmem_shared>> -> memref<640x128xf32, #tpu.memory_space<vmem_shared>>
      tpu.wait_dma2 semaphore(%run_scoped3A : memref<!tpu.dma_semaphore, #tpu.memory_space<semaphore_mem>>) src(%dma_wait3A_98 : memref<640x128xf32, #tpu.memory_space<vmem_shared>>) dst(%dma_wait3A_96 : memref<640x128xf32, #tpu.memory_space<hbm>>)
      tpu.yield
    }) : () -> ()
    return
  }
}

module attributes {stable_mosaic.version = 14 : i64} {
  func.func @_a0_body(%arg0: i32, %arg1: memref<2x1024x128xf32, #tpu.memory_space<vmem>>, %arg2: memref<1024x128xf32, #tpu.memory_space<vmem>>, %arg3: memref<128x128xf32, #tpu.memory_space<vmem>>, %arg4: memref<1x128xf32, #tpu.memory_space<vmem>>, %arg5: memref<128x128xf32, #tpu.memory_space<vmem>>, %arg6: memref<1x128xf32, #tpu.memory_space<vmem>>, %arg7: memref<1x128xf32, #tpu.memory_space<vmem>>, %arg8: memref<1x128xf32, #tpu.memory_space<vmem>>, %arg9: memref<128x128xf32, #tpu.memory_space<vmem>>, %arg10: memref<1x128xf32, #tpu.memory_space<vmem>>, %arg11: memref<1x128xf32, #tpu.memory_space<vmem>>, %arg12: memref<1024x128xf32, #tpu.memory_space<vmem>>, %arg13: memref<8x128xf32, #tpu.memory_space<vmem>>, %arg14: memref<1024x128xf32, #tpu.memory_space<vmem>>) attributes {dimension_semantics = [#tpu.dimension_semantics<arbitrary>], iteration_bounds = array<i64: 10>, scalar_prefetch = 0 : i64, scratch_operands = 0 : i64, tpu.core_type = #tpu.core_type<tc>, window_params = [{transform_indices = @transform_0, window_bounds = array<i64: 2, 1024, 128>}, {transform_indices = @transform_1, window_bounds = array<i64: 1024, 128>}, {pipeline_mode = #tpu.pipeline_mode<synchronous>, transform_indices = @transform_2, window_bounds = array<i64: 128, 128>}, {pipeline_mode = #tpu.pipeline_mode<synchronous>, transform_indices = @transform_3, window_bounds = array<i64: 1, 128>}, {pipeline_mode = #tpu.pipeline_mode<synchronous>, transform_indices = @transform_4, window_bounds = array<i64: 128, 128>}, {pipeline_mode = #tpu.pipeline_mode<synchronous>, transform_indices = @transform_5, window_bounds = array<i64: 1, 128>}, {pipeline_mode = #tpu.pipeline_mode<synchronous>, transform_indices = @transform_6, window_bounds = array<i64: 1, 128>}, {pipeline_mode = #tpu.pipeline_mode<synchronous>, transform_indices = @transform_7, window_bounds = array<i64: 1, 128>}, {pipeline_mode = #tpu.pipeline_mode<synchronous>, transform_indices = @transform_8, window_bounds = array<i64: 128, 128>}, {pipeline_mode = #tpu.pipeline_mode<synchronous>, transform_indices = @transform_9, window_bounds = array<i64: 1, 128>}, {pipeline_mode = #tpu.pipeline_mode<synchronous>, transform_indices = @transform_10, window_bounds = array<i64: 1, 128>}, {transform_indices = @transform_11, window_bounds = array<i64: 1024, 128>}, {pipeline_mode = #tpu.pipeline_mode<synchronous>, transform_indices = @transform_12, window_bounds = array<i64: 8, 128>}, {transform_indices = @transform_13, window_bounds = array<i64: 1024, 128>}]} {
    %get3A = arith.constant 0 : index
    %get3A_0 = arith.constant 0 : index
    %get3A_1 = arith.constant 0 : index
    %get3A_2 = vector.load %arg1[%get3A, %get3A_0, %get3A_1] : memref<2x1024x128xf32, #tpu.memory_space<vmem>>, vector<1x1024x128xf32>
    %get3A_3 = vector.shape_cast %get3A_2 : vector<1x1024x128xf32> to vector<1024x128xf32>
    %get3A_4 = arith.constant 1 : index
    %get3A_5 = arith.constant 0 : index
    %get3A_6 = arith.constant 0 : index
    %get3A_7 = vector.load %arg1[%get3A_4, %get3A_5, %get3A_6] : memref<2x1024x128xf32, #tpu.memory_space<vmem>>, vector<1x1024x128xf32>
    %get3A_8 = vector.shape_cast %get3A_7 : vector<1x1024x128xf32> to vector<1024x128xf32>
    %add3A = arith.addf %get3A_3, %get3A_8 : vector<1024x128xf32>
    %get3A_9 = arith.constant 0 : index
    %get3A_10 = arith.constant 0 : index
    %get3A_11 = vector.load %arg2[%get3A_9, %get3A_10] : memref<1024x128xf32, #tpu.memory_space<vmem>>, vector<1024x128xf32>
    %add3A_12 = arith.addf %add3A, %get3A_11 : vector<1024x128xf32>
    %get3A_13 = arith.constant 0 : index
    %get3A_14 = arith.constant 0 : index
    %get3A_15 = vector.load %arg3[%get3A_13, %get3A_14] : memref<128x128xf32, #tpu.memory_space<vmem>>, vector<128x128xf32>
    %get3A_16 = arith.constant 0 : index
    %get3A_17 = arith.constant 0 : index
    %get3A_18 = vector.load %arg4[%get3A_16, %get3A_17] : memref<1x128xf32, #tpu.memory_space<vmem>>, vector<1x128xf32>
    %get3A_19 = arith.constant 0 : index
    %get3A_20 = arith.constant 0 : index
    %get3A_21 = vector.load %arg5[%get3A_19, %get3A_20] : memref<128x128xf32, #tpu.memory_space<vmem>>, vector<128x128xf32>
    %get3A_22 = arith.constant 0 : index
    %get3A_23 = arith.constant 0 : index
    %get3A_24 = vector.load %arg6[%get3A_22, %get3A_23] : memref<1x128xf32, #tpu.memory_space<vmem>>, vector<1x128xf32>
    %dot_general3A = arith.constant dense<0.000000e+00> : vector<1024x128xf32>
    %dot_general3A_25 = tpu.matmul %add3A_12, %get3A_15, %dot_general3A {dimension_numbers = #tpu.dot_dimension_numbers<[1], [0], [0], [1], [0, 0, 1, 1], [], []>, transpose_lhs_hint = false} : vector<1024x128xf32>, vector<128x128xf32>, vector<1024x128xf32> -> vector<1024x128xf32>
    %add3A_26 = vector.broadcast %get3A_18 : vector<1x128xf32> to vector<1024x128xf32>
    %add3A_27 = arith.addf %dot_general3A_25, %add3A_26 : vector<1024x128xf32>
    %max3A = arith.constant 0.000000e+00 : f32
    %max3A_28 = vector.broadcast %max3A : f32 to vector<1024x128xf32>
    %max3A_29 = arith.maximumf %add3A_27, %max3A_28 : vector<1024x128xf32>
    %dot_general3A_30 = arith.constant dense<0.000000e+00> : vector<1024x128xf32>
    %dot_general3A_31 = tpu.matmul %max3A_29, %get3A_21, %dot_general3A_30 {dimension_numbers = #tpu.dot_dimension_numbers<[1], [0], [0], [1], [0, 0, 1, 1], [], []>, transpose_lhs_hint = false} : vector<1024x128xf32>, vector<128x128xf32>, vector<1024x128xf32> -> vector<1024x128xf32>
    %add3A_32 = vector.broadcast %get3A_24 : vector<1x128xf32> to vector<1024x128xf32>
    %add3A_33 = arith.addf %dot_general3A_31, %add3A_32 : vector<1024x128xf32>
    %swap3A = arith.constant 0 : index
    %swap3A_34 = arith.constant 0 : index
    %swap3A_35 = vector.load %arg12[%swap3A, %swap3A_34] : memref<1024x128xf32, #tpu.memory_space<vmem>>, vector<1024x128xf32>
    tpu.vector_store %arg12[%swap3A, %swap3A_34], %add3A_33 {strides = array<i32>} : memref<1024x128xf32, #tpu.memory_space<vmem>>, vector<1024x128xf32>,
    %iota3A = tpu.iota {dimensions = array<i32: 0>} : vector<1024x1xi32>
    %mul3A = arith.constant 1024 : i32
    %mul3A_36 = arith.muli %arg0, %mul3A : i32
    %add3A_37 = vector.broadcast %mul3A_36 : i32 to vector<1024x1xi32>
    %add3A_38 = arith.addi %iota3A, %add3A_37 : vector<1024x1xi32>
    %lt3A = arith.constant 10000 : i32
    %lt3A_39 = vector.broadcast %lt3A : i32 to vector<1024x1xi32>
    %lt3A_40 = arith.cmpi slt, %add3A_38, %lt3A_39 : vector<1024x1xi32>
    %convert_element_type3A = arith.extui %lt3A_40 : vector<1024x1xi1> to vector<1024x1xi32>
    %convert_element_type3A_41 = arith.sitofp %convert_element_type3A : vector<1024x1xi32> to vector<1024x1xf32>
    %mul3A_42 = vector.broadcast %convert_element_type3A_41 : vector<1024x1xf32> to vector<1024x128xf32>
    %mul3A_43 = arith.mulf %add3A_33, %mul3A_42 : vector<1024x128xf32>
    %reduce_sum3A = arith.constant dense<0.000000e+00> : vector<128xf32>
    %reduce_sum3A_44 = vector.multi_reduction <add>, %mul3A_43, %reduce_sum3A [0] : vector<1024x128xf32> to vector<128xf32>
    %broadcast_in_dim3A = vector.shape_cast %reduce_sum3A_44 : vector<128xf32> to vector<1x128xf32>
    %mul3A_45 = arith.mulf %mul3A_43, %add3A_33 : vector<1024x128xf32>
    %reduce_sum3A_46 = arith.constant dense<0.000000e+00> : vector<128xf32>
    %reduce_sum3A_47 = vector.multi_reduction <add>, %mul3A_45, %reduce_sum3A_46 [0] : vector<1024x128xf32> to vector<128xf32>
    %broadcast_in_dim3A_48 = vector.shape_cast %reduce_sum3A_47 : vector<128xf32> to vector<1x128xf32>
    %broadcast_in_dim3A_49 = arith.constant 0.000000e+00 : f32
    %broadcast_in_dim3A_50 = vector.broadcast %broadcast_in_dim3A_49 : f32 to vector<6x128xf32>
    %concatenate3A = tpu.concatenate %broadcast_in_dim3A, %broadcast_in_dim3A_48, %broadcast_in_dim3A_50 in 0 : vector<1x128xf32>, vector<1x128xf32>, vector<6x128xf32> -> vector<8x128xf32>
    %eq3A = arith.constant 0 : i32
    %eq3A_51 = arith.cmpi eq, %arg0, %eq3A : i32
    %convert_element_type3A_52 = arith.extui %eq3A_51 : i1 to i32
    %cond3A = arith.constant 0 : i32
    %cond3A_53 = arith.cmpi ne, %convert_element_type3A_52, %cond3A : i32
    scf.if %cond3A_53 {
      %swap3A_94 = arith.constant 0 : index
      %swap3A_95 = arith.constant 0 : index
      %swap3A_96 = vector.load %arg13[%swap3A_94, %swap3A_95] : memref<8x128xf32, #tpu.memory_space<vmem>>, vector<8x128xf32>
      tpu.vector_store %arg13[%swap3A_94, %swap3A_95], %concatenate3A {strides = array<i32>} : memref<8x128xf32, #tpu.memory_space<vmem>>, vector<8x128xf32>,
    } else {
    }
    %ne3A = arith.constant 0 : i32
    %ne3A_54 = arith.cmpi ne, %arg0, %ne3A : i32
    %convert_element_type3A_55 = arith.extui %ne3A_54 : i1 to i32
    %cond3A_56 = arith.constant 0 : i32
    %cond3A_57 = arith.cmpi ne, %convert_element_type3A_55, %cond3A_56 : i32
    scf.if %cond3A_57 {
      %get3A_94 = arith.constant 0 : index
      %get3A_95 = arith.constant 0 : index
      %get3A_96 = vector.load %arg13[%get3A_94, %get3A_95] : memref<8x128xf32, #tpu.memory_space<vmem>>, vector<8x128xf32>
      %add3A_97 = arith.addf %get3A_96, %concatenate3A : vector<8x128xf32>
      %swap3A_98 = arith.constant 0 : index
      %swap3A_99 = arith.constant 0 : index
      %swap3A_100 = vector.load %arg13[%swap3A_98, %swap3A_99] : memref<8x128xf32, #tpu.memory_space<vmem>>, vector<8x128xf32>
      tpu.vector_store %arg13[%swap3A_98, %swap3A_99], %add3A_97 {strides = array<i32>} : memref<8x128xf32, #tpu.memory_space<vmem>>, vector<8x128xf32>,
    } else {
    }
    %slice3A = vector.extract_strided_slice %add3A_12 {offsets = [0, 0], sizes = [1024, 1], strides = [1, 1]} : vector<1024x128xf32> to vector<1024x1xf32>
    %get3A_58 = arith.constant 0 : index
    %get3A_59 = arith.constant 0 : index
    %get3A_60 = vector.load %arg11[%get3A_58, %get3A_59] : memref<1x128xf32, #tpu.memory_space<vmem>>, vector<1x1xf32>
    %get3A_61 = arith.constant 0 : index
    %get3A_62 = arith.constant 0 : index
    %get3A_63 = vector.load %arg2[%get3A_61, %get3A_62] : memref<1024x128xf32, #tpu.memory_space<vmem>>, vector<1024x1xf32>
    %mul3A_64 = vector.broadcast %get3A_60 : vector<1x1xf32> to vector<1024x1xf32>
    %mul3A_65 = arith.mulf %mul3A_64, %get3A_63 : vector<1024x1xf32>
    %add3A_66 = arith.addf %slice3A, %mul3A_65 : vector<1024x1xf32>
    %get3A_67 = arith.constant 0 : index
    %get3A_68 = arith.constant 0 : index
    %get3A_69 = vector.load %arg7[%get3A_67, %get3A_68] : memref<1x128xf32, #tpu.memory_space<vmem>>, vector<1x128xf32>
    %mul3A_70 = vector.broadcast %add3A_66 : vector<1024x1xf32> to vector<1024x128xf32>
    %mul3A_71 = vector.broadcast %get3A_69 : vector<1x128xf32> to vector<1024x128xf32>
    %mul3A_72 = arith.mulf %mul3A_70, %mul3A_71 : vector<1024x128xf32>
    %get3A_73 = arith.constant 0 : index
    %get3A_74 = arith.constant 0 : index
    %get3A_75 = vector.load %arg8[%get3A_73, %get3A_74] : memref<1x128xf32, #tpu.memory_space<vmem>>, vector<1x128xf32>
    %add3A_76 = vector.broadcast %get3A_75 : vector<1x128xf32> to vector<1024x128xf32>
    %add3A_77 = arith.addf %mul3A_72, %add3A_76 : vector<1024x128xf32>
    %max3A_78 = arith.constant 0.000000e+00 : f32
    %max3A_79 = vector.broadcast %max3A_78 : f32 to vector<1024x128xf32>
    %max3A_80 = arith.maximumf %add3A_77, %max3A_79 : vector<1024x128xf32>
    %get3A_81 = arith.constant 0 : index
    %get3A_82 = arith.constant 0 : index
    %get3A_83 = vector.load %arg9[%get3A_81, %get3A_82] : memref<128x128xf32, #tpu.memory_space<vmem>>, vector<128x128xf32>
    %dot_general3A_84 = arith.constant dense<0.000000e+00> : vector<1024x128xf32>
    %dot_general3A_85 = tpu.matmul %max3A_80, %get3A_83, %dot_general3A_84 {dimension_numbers = #tpu.dot_dimension_numbers<[1], [0], [0], [1], [0, 0, 1, 1], [], []>, transpose_lhs_hint = false} : vector<1024x128xf32>, vector<128x128xf32>, vector<1024x128xf32> -> vector<1024x128xf32>
    %get3A_86 = arith.constant 0 : index
    %get3A_87 = arith.constant 0 : index
    %get3A_88 = vector.load %arg10[%get3A_86, %get3A_87] : memref<1x128xf32, #tpu.memory_space<vmem>>, vector<1x128xf32>
    %add3A_89 = vector.broadcast %get3A_88 : vector<1x128xf32> to vector<1024x128xf32>
    %add3A_90 = arith.addf %dot_general3A_85, %add3A_89 : vector<1024x128xf32>
    %swap3A_91 = arith.constant 0 : index
    %swap3A_92 = arith.constant 0 : index
    %swap3A_93 = vector.load %arg14[%swap3A_91, %swap3A_92] : memref<1024x128xf32, #tpu.memory_space<vmem>>, vector<1024x128xf32>
    tpu.vector_store %arg14[%swap3A_91, %swap3A_92], %add3A_90 {strides = array<i32>} : memref<1024x128xf32, #tpu.memory_space<vmem>>, vector<1024x128xf32>,
    return
  }
  func.func @transform_0(%arg0: i32) -> (i32, i32, i32) {
    %c0_i32 = arith.constant 0 : i32
    %c0_i32_0 = arith.constant 0 : i32
    %c0_i32_1 = arith.constant 0 : i32
    return %c0_i32, %arg0, %c0_i32_0 : i32, i32, i32
  }
  func.func @transform_1(%arg0: i32) -> (i32, i32) {
    %c0_i32 = arith.constant 0 : i32
    %c0_i32_0 = arith.constant 0 : i32
    return %arg0, %c0_i32 : i32, i32
  }
  func.func @transform_2(%arg0: i32) -> (i32, i32) {
    %c0_i32 = arith.constant 0 : i32
    %c0_i32_0 = arith.constant 0 : i32
    %c0_i32_1 = arith.constant 0 : i32
    return %c0_i32, %c0_i32_0 : i32, i32
  }
  func.func @transform_3(%arg0: i32) -> (i32, i32) {
    %c0_i32 = arith.constant 0 : i32
    %c0_i32_0 = arith.constant 0 : i32
    %c0_i32_1 = arith.constant 0 : i32
    return %c0_i32, %c0_i32_0 : i32, i32
  }
  func.func @transform_4(%arg0: i32) -> (i32, i32) {
    %c0_i32 = arith.constant 0 : i32
    %c0_i32_0 = arith.constant 0 : i32
    %c0_i32_1 = arith.constant 0 : i32
    return %c0_i32, %c0_i32_0 : i32, i32
  }
  func.func @transform_5(%arg0: i32) -> (i32, i32) {
    %c0_i32 = arith.constant 0 : i32
    %c0_i32_0 = arith.constant 0 : i32
    %c0_i32_1 = arith.constant 0 : i32
    return %c0_i32, %c0_i32_0 : i32, i32
  }
  func.func @transform_6(%arg0: i32) -> (i32, i32) {
    %c0_i32 = arith.constant 0 : i32
    %c0_i32_0 = arith.constant 0 : i32
    %c0_i32_1 = arith.constant 0 : i32
    return %c0_i32, %c0_i32_0 : i32, i32
  }
  func.func @transform_7(%arg0: i32) -> (i32, i32) {
    %c0_i32 = arith.constant 0 : i32
    %c0_i32_0 = arith.constant 0 : i32
    %c0_i32_1 = arith.constant 0 : i32
    return %c0_i32, %c0_i32_0 : i32, i32
  }
  func.func @transform_8(%arg0: i32) -> (i32, i32) {
    %c0_i32 = arith.constant 0 : i32
    %c0_i32_0 = arith.constant 0 : i32
    %c0_i32_1 = arith.constant 0 : i32
    return %c0_i32, %c0_i32_0 : i32, i32
  }
  func.func @transform_9(%arg0: i32) -> (i32, i32) {
    %c0_i32 = arith.constant 0 : i32
    %c0_i32_0 = arith.constant 0 : i32
    %c0_i32_1 = arith.constant 0 : i32
    return %c0_i32, %c0_i32_0 : i32, i32
  }
  func.func @transform_10(%arg0: i32) -> (i32, i32) {
    %c0_i32 = arith.constant 0 : i32
    %c0_i32_0 = arith.constant 0 : i32
    %c0_i32_1 = arith.constant 0 : i32
    return %c0_i32, %c0_i32_0 : i32, i32
  }
  func.func @transform_11(%arg0: i32) -> (i32, i32) {
    %c0_i32 = arith.constant 0 : i32
    %c0_i32_0 = arith.constant 0 : i32
    return %arg0, %c0_i32 : i32, i32
  }
  func.func @transform_12(%arg0: i32) -> (i32, i32) {
    %c0_i32 = arith.constant 0 : i32
    %c0_i32_0 = arith.constant 0 : i32
    %c0_i32_1 = arith.constant 0 : i32
    return %c0_i32, %c0_i32_0 : i32, i32
  }
  func.func @transform_13(%arg0: i32) -> (i32, i32) {
    %c0_i32 = arith.constant 0 : i32
    %c0_i32_0 = arith.constant 0 : i32
    return %arg0, %c0_i32 : i32, i32
  }
}

module attributes {stable_mosaic.version = 14 : i64} {
  func.func @_b_body(%arg0: i32, %arg1: memref<1024x128xf32, #tpu.memory_space<vmem>>, %arg2: memref<8x128xf32, #tpu.memory_space<vmem>>, %arg3: memref<1x128xf32, #tpu.memory_space<vmem>>, %arg4: memref<1x128xf32, #tpu.memory_space<vmem>>, %arg5: memref<1024x128xf32, #tpu.memory_space<vmem>>) attributes {dimension_semantics = [#tpu.dimension_semantics<arbitrary>], iteration_bounds = array<i64: 10>, scalar_prefetch = 0 : i64, scratch_operands = 0 : i64, tpu.core_type = #tpu.core_type<tc>, window_params = [{transform_indices = @transform_0, window_bounds = array<i64: 1024, 128>}, {pipeline_mode = #tpu.pipeline_mode<synchronous>, transform_indices = @transform_1, window_bounds = array<i64: 8, 128>}, {pipeline_mode = #tpu.pipeline_mode<synchronous>, transform_indices = @transform_2, window_bounds = array<i64: 1, 128>}, {pipeline_mode = #tpu.pipeline_mode<synchronous>, transform_indices = @transform_3, window_bounds = array<i64: 1, 128>}, {transform_indices = @transform_4, window_bounds = array<i64: 1024, 128>}]} {
    %get3A = arith.constant 0 : index
    %get3A_0 = arith.constant 0 : index
    %get3A_1 = vector.load %arg2[%get3A, %get3A_0] : memref<8x128xf32, #tpu.memory_space<vmem>>, vector<1x128xf32>
    %mul3A = arith.constant 9.99999974E-5 : f32
    %mul3A_2 = vector.broadcast %mul3A : f32 to vector<1x128xf32>
    %mul3A_3 = arith.mulf %get3A_1, %mul3A_2 : vector<1x128xf32>
    %get3A_4 = arith.constant 1 : index
    %get3A_5 = arith.constant 0 : index
    %get3A_6 = vector.load %arg2[%get3A_4, %get3A_5] : memref<8x128xf32, #tpu.memory_space<vmem>>, vector<1x128xf32>
    %mul3A_7 = arith.constant 9.99999974E-5 : f32
    %mul3A_8 = vector.broadcast %mul3A_7 : f32 to vector<1x128xf32>
    %mul3A_9 = arith.mulf %get3A_6, %mul3A_8 : vector<1x128xf32>
    %mul3A_10 = arith.mulf %mul3A_3, %mul3A_3 : vector<1x128xf32>
    %sub3A = arith.subf %mul3A_9, %mul3A_10 : vector<1x128xf32>
    %get3A_11 = arith.constant 0 : index
    %get3A_12 = arith.constant 0 : index
    %get3A_13 = vector.load %arg3[%get3A_11, %get3A_12] : memref<1x128xf32, #tpu.memory_space<vmem>>, vector<1x128xf32>
    %add3A = arith.constant 9.99999974E-6 : f32
    %add3A_14 = vector.broadcast %add3A : f32 to vector<1x128xf32>
    %add3A_15 = arith.addf %sub3A, %add3A_14 : vector<1x128xf32>
    %rsqrt3A = math.rsqrt %add3A_15 : vector<1x128xf32>
    %mul3A_16 = arith.mulf %get3A_13, %rsqrt3A : vector<1x128xf32>
    %get3A_17 = arith.constant 0 : index
    %get3A_18 = arith.constant 0 : index
    %get3A_19 = vector.load %arg1[%get3A_17, %get3A_18] : memref<1024x128xf32, #tpu.memory_space<vmem>>, vector<1024x128xf32>
    %mul3A_20 = vector.broadcast %mul3A_16 : vector<1x128xf32> to vector<1024x128xf32>
    %mul3A_21 = arith.mulf %get3A_19, %mul3A_20 : vector<1024x128xf32>
    %get3A_22 = arith.constant 0 : index
    %get3A_23 = arith.constant 0 : index
    %get3A_24 = vector.load %arg4[%get3A_22, %get3A_23] : memref<1x128xf32, #tpu.memory_space<vmem>>, vector<1x128xf32>
    %mul3A_25 = arith.mulf %mul3A_3, %mul3A_16 : vector<1x128xf32>
    %sub3A_26 = arith.subf %get3A_24, %mul3A_25 : vector<1x128xf32>
    %add3A_27 = vector.broadcast %sub3A_26 : vector<1x128xf32> to vector<1024x128xf32>
    %add3A_28 = arith.addf %mul3A_21, %add3A_27 : vector<1024x128xf32>
    %swap3A = arith.constant 0 : index
    %swap3A_29 = arith.constant 0 : index
    %swap3A_30 = vector.load %arg5[%swap3A, %swap3A_29] : memref<1024x128xf32, #tpu.memory_space<vmem>>, vector<1024x128xf32>
    tpu.vector_store %arg5[%swap3A, %swap3A_29], %add3A_28 {strides = array<i32>} : memref<1024x128xf32, #tpu.memory_space<vmem>>, vector<1024x128xf32>,
    return
  }
  func.func @transform_0(%arg0: i32) -> (i32, i32) {
    %c0_i32 = arith.constant 0 : i32
    %c0_i32_0 = arith.constant 0 : i32
    return %arg0, %c0_i32 : i32, i32
  }
  func.func @transform_1(%arg0: i32) -> (i32, i32) {
    %c0_i32 = arith.constant 0 : i32
    %c0_i32_0 = arith.constant 0 : i32
    %c0_i32_1 = arith.constant 0 : i32
    return %c0_i32, %c0_i32_0 : i32, i32
  }
  func.func @transform_2(%arg0: i32) -> (i32, i32) {
    %c0_i32 = arith.constant 0 : i32
    %c0_i32_0 = arith.constant 0 : i32
    %c0_i32_1 = arith.constant 0 : i32
    return %c0_i32, %c0_i32_0 : i32, i32
  }
  func.func @transform_3(%arg0: i32) -> (i32, i32) {
    %c0_i32 = arith.constant 0 : i32
    %c0_i32_0 = arith.constant 0 : i32
    %c0_i32_1 = arith.constant 0 : i32
    return %c0_i32, %c0_i32_0 : i32, i32
  }
  func.func @transform_4(%arg0: i32) -> (i32, i32) {
    %c0_i32 = arith.constant 0 : i32
    %c0_i32_0 = arith.constant 0 : i32
    return %arg0, %c0_i32 : i32, i32
  }
}

module attributes {stable_mosaic.version = 14 : i64} {
  func.func @_a_body(%arg0: i32, %arg1: memref<2x1024x128xf32, #tpu.memory_space<vmem>>, %arg2: memref<1024x128xf32, #tpu.memory_space<vmem>>, %arg3: memref<128x128xf32, #tpu.memory_space<vmem>>, %arg4: memref<1x128xf32, #tpu.memory_space<vmem>>, %arg5: memref<128x128xf32, #tpu.memory_space<vmem>>, %arg6: memref<1x128xf32, #tpu.memory_space<vmem>>, %arg7: memref<1024x128xf32, #tpu.memory_space<vmem>>, %arg8: memref<8x128xf32, #tpu.memory_space<vmem>>) attributes {dimension_semantics = [#tpu.dimension_semantics<arbitrary>], iteration_bounds = array<i64: 10>, scalar_prefetch = 0 : i64, scratch_operands = 0 : i64, tpu.core_type = #tpu.core_type<tc>, window_params = [{transform_indices = @transform_0, window_bounds = array<i64: 2, 1024, 128>}, {transform_indices = @transform_1, window_bounds = array<i64: 1024, 128>}, {pipeline_mode = #tpu.pipeline_mode<synchronous>, transform_indices = @transform_2, window_bounds = array<i64: 128, 128>}, {pipeline_mode = #tpu.pipeline_mode<synchronous>, transform_indices = @transform_3, window_bounds = array<i64: 1, 128>}, {pipeline_mode = #tpu.pipeline_mode<synchronous>, transform_indices = @transform_4, window_bounds = array<i64: 128, 128>}, {pipeline_mode = #tpu.pipeline_mode<synchronous>, transform_indices = @transform_5, window_bounds = array<i64: 1, 128>}, {transform_indices = @transform_6, window_bounds = array<i64: 1024, 128>}, {pipeline_mode = #tpu.pipeline_mode<synchronous>, transform_indices = @transform_7, window_bounds = array<i64: 8, 128>}]} {
    %get3A = arith.constant 0 : index
    %get3A_0 = arith.constant 0 : index
    %get3A_1 = arith.constant 0 : index
    %get3A_2 = vector.load %arg1[%get3A, %get3A_0, %get3A_1] : memref<2x1024x128xf32, #tpu.memory_space<vmem>>, vector<1x1024x128xf32>
    %get3A_3 = vector.shape_cast %get3A_2 : vector<1x1024x128xf32> to vector<1024x128xf32>
    %get3A_4 = arith.constant 1 : index
    %get3A_5 = arith.constant 0 : index
    %get3A_6 = arith.constant 0 : index
    %get3A_7 = vector.load %arg1[%get3A_4, %get3A_5, %get3A_6] : memref<2x1024x128xf32, #tpu.memory_space<vmem>>, vector<1x1024x128xf32>
    %get3A_8 = vector.shape_cast %get3A_7 : vector<1x1024x128xf32> to vector<1024x128xf32>
    %add3A = arith.addf %get3A_3, %get3A_8 : vector<1024x128xf32>
    %get3A_9 = arith.constant 0 : index
    %get3A_10 = arith.constant 0 : index
    %get3A_11 = vector.load %arg2[%get3A_9, %get3A_10] : memref<1024x128xf32, #tpu.memory_space<vmem>>, vector<1024x128xf32>
    %add3A_12 = arith.addf %add3A, %get3A_11 : vector<1024x128xf32>
    %get3A_13 = arith.constant 0 : index
    %get3A_14 = arith.constant 0 : index
    %get3A_15 = vector.load %arg3[%get3A_13, %get3A_14] : memref<128x128xf32, #tpu.memory_space<vmem>>, vector<128x128xf32>
    %get3A_16 = arith.constant 0 : index
    %get3A_17 = arith.constant 0 : index
    %get3A_18 = vector.load %arg4[%get3A_16, %get3A_17] : memref<1x128xf32, #tpu.memory_space<vmem>>, vector<1x128xf32>
    %get3A_19 = arith.constant 0 : index
    %get3A_20 = arith.constant 0 : index
    %get3A_21 = vector.load %arg5[%get3A_19, %get3A_20] : memref<128x128xf32, #tpu.memory_space<vmem>>, vector<128x128xf32>
    %get3A_22 = arith.constant 0 : index
    %get3A_23 = arith.constant 0 : index
    %get3A_24 = vector.load %arg6[%get3A_22, %get3A_23] : memref<1x128xf32, #tpu.memory_space<vmem>>, vector<1x128xf32>
    %dot_general3A = arith.constant dense<0.000000e+00> : vector<1024x128xf32>
    %dot_general3A_25 = tpu.matmul %add3A_12, %get3A_15, %dot_general3A {dimension_numbers = #tpu.dot_dimension_numbers<[1], [0], [0], [1], [0, 0, 1, 1], [], []>, transpose_lhs_hint = false} : vector<1024x128xf32>, vector<128x128xf32>, vector<1024x128xf32> -> vector<1024x128xf32>
    %add3A_26 = vector.broadcast %get3A_18 : vector<1x128xf32> to vector<1024x128xf32>
    %add3A_27 = arith.addf %dot_general3A_25, %add3A_26 : vector<1024x128xf32>
    %max3A = arith.constant 0.000000e+00 : f32
    %max3A_28 = vector.broadcast %max3A : f32 to vector<1024x128xf32>
    %max3A_29 = arith.maximumf %add3A_27, %max3A_28 : vector<1024x128xf32>
    %dot_general3A_30 = arith.constant dense<0.000000e+00> : vector<1024x128xf32>
    %dot_general3A_31 = tpu.matmul %max3A_29, %get3A_21, %dot_general3A_30 {dimension_numbers = #tpu.dot_dimension_numbers<[1], [0], [0], [1], [0, 0, 1, 1], [], []>, transpose_lhs_hint = false} : vector<1024x128xf32>, vector<128x128xf32>, vector<1024x128xf32> -> vector<1024x128xf32>
    %add3A_32 = vector.broadcast %get3A_24 : vector<1x128xf32> to vector<1024x128xf32>
    %add3A_33 = arith.addf %dot_general3A_31, %add3A_32 : vector<1024x128xf32>
    %swap3A = arith.constant 0 : index
    %swap3A_34 = arith.constant 0 : index
    %swap3A_35 = vector.load %arg7[%swap3A, %swap3A_34] : memref<1024x128xf32, #tpu.memory_space<vmem>>, vector<1024x128xf32>
    tpu.vector_store %arg7[%swap3A, %swap3A_34], %add3A_33 {strides = array<i32>} : memref<1024x128xf32, #tpu.memory_space<vmem>>, vector<1024x128xf32>,
    %iota3A = tpu.iota {dimensions = array<i32: 0>} : vector<1024x1xi32>
    %mul3A = arith.constant 1024 : i32
    %mul3A_36 = arith.muli %arg0, %mul3A : i32
    %add3A_37 = vector.broadcast %mul3A_36 : i32 to vector<1024x1xi32>
    %add3A_38 = arith.addi %iota3A, %add3A_37 : vector<1024x1xi32>
    %lt3A = arith.constant 10000 : i32
    %lt3A_39 = vector.broadcast %lt3A : i32 to vector<1024x1xi32>
    %lt3A_40 = arith.cmpi slt, %add3A_38, %lt3A_39 : vector<1024x1xi32>
    %convert_element_type3A = arith.extui %lt3A_40 : vector<1024x1xi1> to vector<1024x1xi32>
    %convert_element_type3A_41 = arith.sitofp %convert_element_type3A : vector<1024x1xi32> to vector<1024x1xf32>
    %mul3A_42 = vector.broadcast %convert_element_type3A_41 : vector<1024x1xf32> to vector<1024x128xf32>
    %mul3A_43 = arith.mulf %add3A_33, %mul3A_42 : vector<1024x128xf32>
    %reduce_sum3A = arith.constant dense<0.000000e+00> : vector<128xf32>
    %reduce_sum3A_44 = vector.multi_reduction <add>, %mul3A_43, %reduce_sum3A [0] : vector<1024x128xf32> to vector<128xf32>
    %broadcast_in_dim3A = vector.shape_cast %reduce_sum3A_44 : vector<128xf32> to vector<1x128xf32>
    %mul3A_45 = arith.mulf %mul3A_43, %add3A_33 : vector<1024x128xf32>
    %reduce_sum3A_46 = arith.constant dense<0.000000e+00> : vector<128xf32>
    %reduce_sum3A_47 = vector.multi_reduction <add>, %mul3A_45, %reduce_sum3A_46 [0] : vector<1024x128xf32> to vector<128xf32>
    %broadcast_in_dim3A_48 = vector.shape_cast %reduce_sum3A_47 : vector<128xf32> to vector<1x128xf32>
    %broadcast_in_dim3A_49 = arith.constant 0.000000e+00 : f32
    %broadcast_in_dim3A_50 = vector.broadcast %broadcast_in_dim3A_49 : f32 to vector<6x128xf32>
    %concatenate3A = tpu.concatenate %broadcast_in_dim3A, %broadcast_in_dim3A_48, %broadcast_in_dim3A_50 in 0 : vector<1x128xf32>, vector<1x128xf32>, vector<6x128xf32> -> vector<8x128xf32>
    %eq3A = arith.constant 0 : i32
    %eq3A_51 = arith.cmpi eq, %arg0, %eq3A : i32
    %convert_element_type3A_52 = arith.extui %eq3A_51 : i1 to i32
    %cond3A = arith.constant 0 : i32
    %cond3A_53 = arith.cmpi ne, %convert_element_type3A_52, %cond3A : i32
    scf.if %cond3A_53 {
      %swap3A_58 = arith.constant 0 : index
      %swap3A_59 = arith.constant 0 : index
      %swap3A_60 = vector.load %arg8[%swap3A_58, %swap3A_59] : memref<8x128xf32, #tpu.memory_space<vmem>>, vector<8x128xf32>
      tpu.vector_store %arg8[%swap3A_58, %swap3A_59], %concatenate3A {strides = array<i32>} : memref<8x128xf32, #tpu.memory_space<vmem>>, vector<8x128xf32>,
    } else {
    }
    %ne3A = arith.constant 0 : i32
    %ne3A_54 = arith.cmpi ne, %arg0, %ne3A : i32
    %convert_element_type3A_55 = arith.extui %ne3A_54 : i1 to i32
    %cond3A_56 = arith.constant 0 : i32
    %cond3A_57 = arith.cmpi ne, %convert_element_type3A_55, %cond3A_56 : i32
    scf.if %cond3A_57 {
      %get3A_58 = arith.constant 0 : index
      %get3A_59 = arith.constant 0 : index
      %get3A_60 = vector.load %arg8[%get3A_58, %get3A_59] : memref<8x128xf32, #tpu.memory_space<vmem>>, vector<8x128xf32>
      %add3A_61 = arith.addf %get3A_60, %concatenate3A : vector<8x128xf32>
      %swap3A_62 = arith.constant 0 : index
      %swap3A_63 = arith.constant 0 : index
      %swap3A_64 = vector.load %arg8[%swap3A_62, %swap3A_63] : memref<8x128xf32, #tpu.memory_space<vmem>>, vector<8x128xf32>
      tpu.vector_store %arg8[%swap3A_62, %swap3A_63], %add3A_61 {strides = array<i32>} : memref<8x128xf32, #tpu.memory_space<vmem>>, vector<8x128xf32>,
    } else {
    }
    return
  }
  func.func @transform_0(%arg0: i32) -> (i32, i32, i32) {
    %c0_i32 = arith.constant 0 : i32
    %c0_i32_0 = arith.constant 0 : i32
    %c0_i32_1 = arith.constant 0 : i32
    return %c0_i32, %arg0, %c0_i32_0 : i32, i32, i32
  }
  func.func @transform_1(%arg0: i32) -> (i32, i32) {
    %c0_i32 = arith.constant 0 : i32
    %c0_i32_0 = arith.constant 0 : i32
    return %arg0, %c0_i32 : i32, i32
  }
  func.func @transform_2(%arg0: i32) -> (i32, i32) {
    %c0_i32 = arith.constant 0 : i32
    %c0_i32_0 = arith.constant 0 : i32
    %c0_i32_1 = arith.constant 0 : i32
    return %c0_i32, %c0_i32_0 : i32, i32
  }
  func.func @transform_3(%arg0: i32) -> (i32, i32) {
    %c0_i32 = arith.constant 0 : i32
    %c0_i32_0 = arith.constant 0 : i32
    %c0_i32_1 = arith.constant 0 : i32
    return %c0_i32, %c0_i32_0 : i32, i32
  }
  func.func @transform_4(%arg0: i32) -> (i32, i32) {
    %c0_i32 = arith.constant 0 : i32
    %c0_i32_0 = arith.constant 0 : i32
    %c0_i32_1 = arith.constant 0 : i32
    return %c0_i32, %c0_i32_0 : i32, i32
  }
  func.func @transform_5(%arg0: i32) -> (i32, i32) {
    %c0_i32 = arith.constant 0 : i32
    %c0_i32_0 = arith.constant 0 : i32
    %c0_i32_1 = arith.constant 0 : i32
    return %c0_i32, %c0_i32_0 : i32, i32
  }
  func.func @transform_6(%arg0: i32) -> (i32, i32) {
    %c0_i32 = arith.constant 0 : i32
    %c0_i32_0 = arith.constant 0 : i32
    return %arg0, %c0_i32 : i32, i32
  }
  func.func @transform_7(%arg0: i32) -> (i32, i32) {
    %c0_i32 = arith.constant 0 : i32
    %c0_i32_0 = arith.constant 0 : i32
    %c0_i32_1 = arith.constant 0 : i32
    return %c0_i32, %c0_i32_0 : i32, i32
  }
}

module attributes {stable_mosaic.version = 14 : i64} {
  func.func @_g1_body(%arg0: i32, %arg1: memref<2x1024x128xf32, #tpu.memory_space<vmem>>, %arg2: memref<1024x128xf32, #tpu.memory_space<vmem>>, %arg3: memref<128x128xf32, #tpu.memory_space<vmem>>, %arg4: memref<1x128xf32, #tpu.memory_space<vmem>>, %arg5: memref<128x128xf32, #tpu.memory_space<vmem>>, %arg6: memref<1x128xf32, #tpu.memory_space<vmem>>, %arg7: memref<1x128xf32, #tpu.memory_space<vmem>>, %arg8: memref<1024x128xf32, #tpu.memory_space<vmem>>) attributes {dimension_semantics = [#tpu.dimension_semantics<arbitrary>], iteration_bounds = array<i64: 10>, scalar_prefetch = 0 : i64, scratch_operands = 0 : i64, tpu.core_type = #tpu.core_type<tc>, window_params = [{transform_indices = @transform_0, window_bounds = array<i64: 2, 1024, 128>}, {transform_indices = @transform_1, window_bounds = array<i64: 1024, 128>}, {pipeline_mode = #tpu.pipeline_mode<synchronous>, transform_indices = @transform_2, window_bounds = array<i64: 128, 128>}, {pipeline_mode = #tpu.pipeline_mode<synchronous>, transform_indices = @transform_3, window_bounds = array<i64: 1, 128>}, {pipeline_mode = #tpu.pipeline_mode<synchronous>, transform_indices = @transform_4, window_bounds = array<i64: 128, 128>}, {pipeline_mode = #tpu.pipeline_mode<synchronous>, transform_indices = @transform_5, window_bounds = array<i64: 1, 128>}, {pipeline_mode = #tpu.pipeline_mode<synchronous>, transform_indices = @transform_6, window_bounds = array<i64: 1, 128>}, {transform_indices = @transform_7, window_bounds = array<i64: 1024, 128>}]} {
    %get3A = arith.constant 0 : index
    %get3A_0 = arith.constant 0 : index
    %get3A_1 = arith.constant 0 : index
    %get3A_2 = vector.load %arg1[%get3A, %get3A_0, %get3A_1] : memref<2x1024x128xf32, #tpu.memory_space<vmem>>, vector<1x1024x128xf32>
    %get3A_3 = vector.shape_cast %get3A_2 : vector<1x1024x128xf32> to vector<1024x128xf32>
    %get3A_4 = arith.constant 1 : index
    %get3A_5 = arith.constant 0 : index
    %get3A_6 = arith.constant 0 : index
    %get3A_7 = vector.load %arg1[%get3A_4, %get3A_5, %get3A_6] : memref<2x1024x128xf32, #tpu.memory_space<vmem>>, vector<1x1024x128xf32>
    %get3A_8 = vector.shape_cast %get3A_7 : vector<1x1024x128xf32> to vector<1024x128xf32>
    %add3A = arith.addf %get3A_3, %get3A_8 : vector<1024x128xf32>
    %get3A_9 = arith.constant 0 : index
    %get3A_10 = arith.constant 0 : index
    %get3A_11 = vector.load %arg7[%get3A_9, %get3A_10] : memref<1x128xf32, #tpu.memory_space<vmem>>, vector<1x128xf32>
    %add3A_12 = arith.constant 1.000000e+00 : f32
    %add3A_13 = vector.broadcast %add3A_12 : f32 to vector<1x128xf32>
    %add3A_14 = arith.addf %add3A_13, %get3A_11 : vector<1x128xf32>
    %get3A_15 = arith.constant 0 : index
    %get3A_16 = arith.constant 0 : index
    %get3A_17 = vector.load %arg2[%get3A_15, %get3A_16] : memref<1024x128xf32, #tpu.memory_space<vmem>>, vector<1024x128xf32>
    %mul3A = vector.broadcast %add3A_14 : vector<1x128xf32> to vector<1024x128xf32>
    %mul3A_18 = arith.mulf %mul3A, %get3A_17 : vector<1024x128xf32>
    %add3A_19 = arith.addf %add3A, %mul3A_18 : vector<1024x128xf32>
    %get3A_20 = arith.constant 0 : index
    %get3A_21 = arith.constant 0 : index
    %get3A_22 = vector.load %arg3[%get3A_20, %get3A_21] : memref<128x128xf32, #tpu.memory_space<vmem>>, vector<128x128xf32>
    %get3A_23 = arith.constant 0 : index
    %get3A_24 = arith.constant 0 : index
    %get3A_25 = vector.load %arg4[%get3A_23, %get3A_24] : memref<1x128xf32, #tpu.memory_space<vmem>>, vector<1x128xf32>
    %get3A_26 = arith.constant 0 : index
    %get3A_27 = arith.constant 0 : index
    %get3A_28 = vector.load %arg5[%get3A_26, %get3A_27] : memref<128x128xf32, #tpu.memory_space<vmem>>, vector<128x128xf32>
    %get3A_29 = arith.constant 0 : index
    %get3A_30 = arith.constant 0 : index
    %get3A_31 = vector.load %arg6[%get3A_29, %get3A_30] : memref<1x128xf32, #tpu.memory_space<vmem>>, vector<1x128xf32>
    %dot_general3A = arith.constant dense<0.000000e+00> : vector<1024x128xf32>
    %dot_general3A_32 = tpu.matmul %add3A_19, %get3A_22, %dot_general3A {dimension_numbers = #tpu.dot_dimension_numbers<[1], [0], [0], [1], [0, 0, 1, 1], [], []>, transpose_lhs_hint = false} : vector<1024x128xf32>, vector<128x128xf32>, vector<1024x128xf32> -> vector<1024x128xf32>
    %add3A_33 = vector.broadcast %get3A_25 : vector<1x128xf32> to vector<1024x128xf32>
    %add3A_34 = arith.addf %dot_general3A_32, %add3A_33 : vector<1024x128xf32>
    %max3A = arith.constant 0.000000e+00 : f32
    %max3A_35 = vector.broadcast %max3A : f32 to vector<1024x128xf32>
    %max3A_36 = arith.maximumf %add3A_34, %max3A_35 : vector<1024x128xf32>
    %dot_general3A_37 = arith.constant dense<0.000000e+00> : vector<1024x128xf32>
    %dot_general3A_38 = tpu.matmul %max3A_36, %get3A_28, %dot_general3A_37 {dimension_numbers = #tpu.dot_dimension_numbers<[1], [0], [0], [1], [0, 0, 1, 1], [], []>, transpose_lhs_hint = false} : vector<1024x128xf32>, vector<128x128xf32>, vector<1024x128xf32> -> vector<1024x128xf32>
    %add3A_39 = vector.broadcast %get3A_31 : vector<1x128xf32> to vector<1024x128xf32>
    %add3A_40 = arith.addf %dot_general3A_38, %add3A_39 : vector<1024x128xf32>
    %swap3A = arith.constant 0 : index
    %swap3A_41 = arith.constant 0 : index
    %swap3A_42 = vector.load %arg8[%swap3A, %swap3A_41] : memref<1024x128xf32, #tpu.memory_space<vmem>>, vector<1024x128xf32>
    tpu.vector_store %arg8[%swap3A, %swap3A_41], %add3A_40 {strides = array<i32>} : memref<1024x128xf32, #tpu.memory_space<vmem>>, vector<1024x128xf32>,
    return
  }
  func.func @transform_0(%arg0: i32) -> (i32, i32, i32) {
    %c0_i32 = arith.constant 0 : i32
    %c0_i32_0 = arith.constant 0 : i32
    %c0_i32_1 = arith.constant 0 : i32
    return %c0_i32, %arg0, %c0_i32_0 : i32, i32, i32
  }
  func.func @transform_1(%arg0: i32) -> (i32, i32) {
    %c0_i32 = arith.constant 0 : i32
    %c0_i32_0 = arith.constant 0 : i32
    return %arg0, %c0_i32 : i32, i32
  }
  func.func @transform_2(%arg0: i32) -> (i32, i32) {
    %c0_i32 = arith.constant 0 : i32
    %c0_i32_0 = arith.constant 0 : i32
    %c0_i32_1 = arith.constant 0 : i32
    return %c0_i32, %c0_i32_0 : i32, i32
  }
  func.func @transform_3(%arg0: i32) -> (i32, i32) {
    %c0_i32 = arith.constant 0 : i32
    %c0_i32_0 = arith.constant 0 : i32
    %c0_i32_1 = arith.constant 0 : i32
    return %c0_i32, %c0_i32_0 : i32, i32
  }
  func.func @transform_4(%arg0: i32) -> (i32, i32) {
    %c0_i32 = arith.constant 0 : i32
    %c0_i32_0 = arith.constant 0 : i32
    %c0_i32_1 = arith.constant 0 : i32
    return %c0_i32, %c0_i32_0 : i32, i32
  }
  func.func @transform_5(%arg0: i32) -> (i32, i32) {
    %c0_i32 = arith.constant 0 : i32
    %c0_i32_0 = arith.constant 0 : i32
    %c0_i32_1 = arith.constant 0 : i32
    return %c0_i32, %c0_i32_0 : i32, i32
  }
  func.func @transform_6(%arg0: i32) -> (i32, i32) {
    %c0_i32 = arith.constant 0 : i32
    %c0_i32_0 = arith.constant 0 : i32
    %c0_i32_1 = arith.constant 0 : i32
    return %c0_i32, %c0_i32_0 : i32, i32
  }
  func.func @transform_7(%arg0: i32) -> (i32, i32) {
    %c0_i32 = arith.constant 0 : i32
    %c0_i32_0 = arith.constant 0 : i32
    return %arg0, %c0_i32 : i32, i32
  }
}

module attributes {stable_mosaic.version = 14 : i64} {
  func.func @_pool_body(%arg0: i32, %arg1: memref<1024x128xf32, #tpu.memory_space<vmem>>, %arg2: memref<1024x128xf32, #tpu.memory_space<vmem>>, %arg3: memref<1024x128xf32, #tpu.memory_space<vmem>>, %arg4: memref<1024x128xf32, #tpu.memory_space<vmem>>, %arg5: memref<1024x128xf32, #tpu.memory_space<vmem>>, %arg6: memref<1024x1xf32, #tpu.memory_space<vmem>>, %arg7: memref<640x256xf32, #tpu.memory_space<vmem>>, %arg8: memref<1x256xf32, #tpu.memory_space<vmem>>, %arg9: memref<256x128xf32, #tpu.memory_space<vmem>>, %arg10: memref<1x128xf32, #tpu.memory_space<vmem>>, %arg11: memref<16x128xf32, #tpu.memory_space<vmem>>, %arg12: memref<16x640xf32, #tpu.memory_space<vmem>>, %arg13: memref<16x128xf32, #tpu.memory_space<vmem>>) attributes {dimension_semantics = [#tpu.dimension_semantics<arbitrary>], iteration_bounds = array<i64: 10>, scalar_prefetch = 0 : i64, scratch_operands = 2 : i64, tpu.core_type = #tpu.core_type<tc>, window_params = [{transform_indices = @transform_0, window_bounds = array<i64: 1024, 128>}, {transform_indices = @transform_1, window_bounds = array<i64: 1024, 128>}, {transform_indices = @transform_2, window_bounds = array<i64: 1024, 128>}, {transform_indices = @transform_3, window_bounds = array<i64: 1024, 128>}, {transform_indices = @transform_4, window_bounds = array<i64: 1024, 128>}, {transform_indices = @transform_5, window_bounds = array<i64: 1024, 1>}, {pipeline_mode = #tpu.pipeline_mode<synchronous>, transform_indices = @transform_6, window_bounds = array<i64: 640, 256>}, {pipeline_mode = #tpu.pipeline_mode<synchronous>, transform_indices = @transform_7, window_bounds = array<i64: 1, 256>}, {pipeline_mode = #tpu.pipeline_mode<synchronous>, transform_indices = @transform_8, window_bounds = array<i64: 256, 128>}, {pipeline_mode = #tpu.pipeline_mode<synchronous>, transform_indices = @transform_9, window_bounds = array<i64: 1, 128>}, {pipeline_mode = #tpu.pipeline_mode<synchronous>, transform_indices = @transform_10, window_bounds = array<i64: 16, 128>}]} {
    %get3A = arith.constant 0 : index
    %get3A_0 = arith.constant 0 : index
    %get3A_1 = vector.load %arg1[%get3A, %get3A_0] : memref<1024x128xf32, #tpu.memory_space<vmem>>, vector<1024x128xf32>
    %get3A_2 = arith.constant 0 : index
    %get3A_3 = arith.constant 0 : index
    %get3A_4 = vector.load %arg2[%get3A_2, %get3A_3] : memref<1024x128xf32, #tpu.memory_space<vmem>>, vector<1024x128xf32>
    %get3A_5 = arith.constant 0 : index
    %get3A_6 = arith.constant 0 : index
    %get3A_7 = vector.load %arg3[%get3A_5, %get3A_6] : memref<1024x128xf32, #tpu.memory_space<vmem>>, vector<1024x128xf32>
    %get3A_8 = arith.constant 0 : index
    %get3A_9 = arith.constant 0 : index
    %get3A_10 = vector.load %arg4[%get3A_8, %get3A_9] : memref<1024x128xf32, #tpu.memory_space<vmem>>, vector<1024x128xf32>
    %get3A_11 = arith.constant 0 : index
    %get3A_12 = arith.constant 0 : index
    %get3A_13 = vector.load %arg5[%get3A_11, %get3A_12] : memref<1024x128xf32, #tpu.memory_space<vmem>>, vector<1024x128xf32>
    %concatenate3A = tpu.concatenate %get3A_1, %get3A_4, %get3A_7, %get3A_10, %get3A_13 in 1 : vector<1024x128xf32>, vector<1024x128xf32>, vector<1024x128xf32>, vector<1024x128xf32>, vector<1024x128xf32> -> vector<1024x640xf32>
    %iota3A = tpu.iota {dimensions = array<i32: 1>} : vector<1x16xi32>
    %convert_element_type3A = arith.sitofp %iota3A : vector<1x16xi32> to vector<1x16xf32>
    %get3A_14 = arith.constant 0 : index
    %get3A_15 = arith.constant 0 : index
    %get3A_16 = vector.load %arg6[%get3A_14, %get3A_15] : memref<1024x1xf32, #tpu.memory_space<vmem>>, vector<1024x1xf32>
    %eq3A = vector.broadcast %get3A_16 : vector<1024x1xf32> to vector<1024x16xf32>
    %eq3A_17 = vector.broadcast %convert_element_type3A : vector<1x16xf32> to vector<1024x16xf32>
    %eq3A_18 = arith.cmpf oeq, %eq3A, %eq3A_17 : vector<1024x16xf32>
    %convert_element_type3A_19 = arith.extui %eq3A_18 : vector<1024x16xi1> to vector<1024x16xi32>
    %convert_element_type3A_20 = arith.sitofp %convert_element_type3A_19 : vector<1024x16xi32> to vector<1024x16xf32>
    %dot_general3A = arith.constant dense<0.000000e+00> : vector<16x640xf32>
    %dot_general3A_21 = tpu.matmul %convert_element_type3A_20, %concatenate3A, %dot_general3A {dimension_numbers = #tpu.dot_dimension_numbers<[0], [0], [1], [1], [0, 1, 1, 1], [], []>, transpose_lhs_hint = false} : vector<1024x16xf32>, vector<1024x640xf32>, vector<16x640xf32> -> vector<16x640xf32>
    %broadcast_in_dim3A = arith.constant 1.000000e+00 : f32
    %broadcast_in_dim3A_22 = vector.broadcast %broadcast_in_dim3A : f32 to vector<1024x128xf32>
    %dot_general3A_23 = arith.constant dense<0.000000e+00> : vector<16x128xf32>
    %dot_general3A_24 = tpu.matmul %convert_element_type3A_20, %broadcast_in_dim3A_22, %dot_general3A_23 {dimension_numbers = #tpu.dot_dimension_numbers<[0], [0], [1], [1], [0, 1, 1, 1], [], []>, transpose_lhs_hint = false} : vector<1024x16xf32>, vector<1024x128xf32>, vector<16x128xf32> -> vector<16x128xf32>
    %eq3A_25 = arith.constant 0 : i32
    %eq3A_26 = arith.cmpi eq, %arg0, %eq3A_25 : i32
    %convert_element_type3A_27 = arith.extui %eq3A_26 : i1 to i32
    %cond3A = arith.constant 0 : i32
    %cond3A_28 = arith.cmpi ne, %convert_element_type3A_27, %cond3A : i32
    scf.if %cond3A_28 {
      %swap3A = arith.constant 0 : index
      %swap3A_38 = arith.constant 0 : index
      %swap3A_39 = vector.load %arg12[%swap3A, %swap3A_38] : memref<16x640xf32, #tpu.memory_space<vmem>>, vector<16x640xf32>
      tpu.vector_store %arg12[%swap3A, %swap3A_38], %dot_general3A_21 {strides = array<i32>} : memref<16x640xf32, #tpu.memory_space<vmem>>, vector<16x640xf32>,
      %swap3A_40 = arith.constant 0 : index
      %swap3A_41 = arith.constant 0 : index
      %swap3A_42 = vector.load %arg13[%swap3A_40, %swap3A_41] : memref<16x128xf32, #tpu.memory_space<vmem>>, vector<16x128xf32>
      tpu.vector_store %arg13[%swap3A_40, %swap3A_41], %dot_general3A_24 {strides = array<i32>} : memref<16x128xf32, #tpu.memory_space<vmem>>, vector<16x128xf32>,
    } else {
    }
    %ne3A = arith.constant 0 : i32
    %ne3A_29 = arith.cmpi ne, %arg0, %ne3A : i32
    %convert_element_type3A_30 = arith.extui %ne3A_29 : i1 to i32
    %cond3A_31 = arith.constant 0 : i32
    %cond3A_32 = arith.cmpi ne, %convert_element_type3A_30, %cond3A_31 : i32
    scf.if %cond3A_32 {
      %get3A_38 = arith.constant 0 : index
      %get3A_39 = arith.constant 0 : index
      %get3A_40 = vector.load %arg12[%get3A_38, %get3A_39] : memref<16x640xf32, #tpu.memory_space<vmem>>, vector<16x640xf32>
      %add3A = arith.addf %get3A_40, %dot_general3A_21 : vector<16x640xf32>
      %swap3A = arith.constant 0 : index
      %swap3A_41 = arith.constant 0 : index
      %swap3A_42 = vector.load %arg12[%swap3A, %swap3A_41] : memref<16x640xf32, #tpu.memory_space<vmem>>, vector<16x640xf32>
      tpu.vector_store %arg12[%swap3A, %swap3A_41], %add3A {strides = array<i32>} : memref<16x640xf32, #tpu.memory_space<vmem>>, vector<16x640xf32>,
      %get3A_43 = arith.constant 0 : index
      %get3A_44 = arith.constant 0 : index
      %get3A_45 = vector.load %arg13[%get3A_43, %get3A_44] : memref<16x128xf32, #tpu.memory_space<vmem>>, vector<16x128xf32>
      %add3A_46 = arith.addf %get3A_45, %dot_general3A_24 : vector<16x128xf32>
      %swap3A_47 = arith.constant 0 : index
      %swap3A_48 = arith.constant 0 : index
      %swap3A_49 = vector.load %arg13[%swap3A_47, %swap3A_48] : memref<16x128xf32, #tpu.memory_space<vmem>>, vector<16x128xf32>
      tpu.vector_store %arg13[%swap3A_47, %swap3A_48], %add3A_46 {strides = array<i32>} : memref<16x128xf32, #tpu.memory_space<vmem>>, vector<16x128xf32>,
    } else {
    }
    %eq3A_33 = arith.constant 9 : i32
    %eq3A_34 = arith.cmpi eq, %arg0, %eq3A_33 : i32
    %convert_element_type3A_35 = arith.extui %eq3A_34 : i1 to i32
    %cond3A_36 = arith.constant 0 : i32
    %cond3A_37 = arith.cmpi ne, %convert_element_type3A_35, %cond3A_36 : i32
    scf.if %cond3A_37 {
      %get3A_38 = arith.constant 0 : index
      %get3A_39 = arith.constant 0 : index
      %get3A_40 = vector.load %arg13[%get3A_38, %get3A_39] : memref<16x128xf32, #tpu.memory_space<vmem>>, vector<16x128xf32>
      %slice3A = vector.extract_strided_slice %get3A_40 {offsets = [0, 0], sizes = [16, 1], strides = [1, 1]} : vector<16x128xf32> to vector<16x1xf32>
      %max3A = arith.constant 1.000000e+00 : f32
      %max3A_41 = vector.broadcast %max3A : f32 to vector<16x1xf32>
      %max3A_42 = arith.maximumf %slice3A, %max3A_41 : vector<16x1xf32>
      %get3A_43 = arith.constant 0 : index
      %get3A_44 = arith.constant 0 : index
      %get3A_45 = vector.load %arg12[%get3A_43, %get3A_44] : memref<16x640xf32, #tpu.memory_space<vmem>>, vector<16x640xf32>
      %div3A = vector.broadcast %max3A_42 : vector<16x1xf32> to vector<16x640xf32>
      %div3A_46 = arith.divf %get3A_45, %div3A : vector<16x640xf32>
      %get3A_47 = arith.constant 0 : index
      %get3A_48 = arith.constant 0 : index
      %get3A_49 = vector.load %arg7[%get3A_47, %get3A_48] : memref<640x256xf32, #tpu.memory_space<vmem>>, vector<640x256xf32>
      %dot_general3A_50 = arith.constant dense<0.000000e+00> : vector<16x256xf32>
      %dot_general3A_51 = tpu.matmul %div3A_46, %get3A_49, %dot_general3A_50 {dimension_numbers = #tpu.dot_dimension_numbers<[1], [0], [0], [1], [0, 0, 1, 1], [], []>, transpose_lhs_hint = false} : vector<16x640xf32>, vector<640x256xf32>, vector<16x256xf32> -> vector<16x256xf32>
      %get3A_52 = arith.constant 0 : index
      %get3A_53 = arith.constant 0 : index
      %get3A_54 = vector.load %arg8[%get3A_52, %get3A_53] : memref<1x256xf32, #tpu.memory_space<vmem>>, vector<1x256xf32>
      %add3A = vector.broadcast %get3A_54 : vector<1x256xf32> to vector<16x256xf32>
      %add3A_55 = arith.addf %dot_general3A_51, %add3A : vector<16x256xf32>
      %max3A_56 = arith.constant 0.000000e+00 : f32
      %max3A_57 = vector.broadcast %max3A_56 : f32 to vector<16x256xf32>
      %max3A_58 = arith.maximumf %add3A_55, %max3A_57 : vector<16x256xf32>
      %get3A_59 = arith.constant 0 : index
      %get3A_60 = arith.constant 0 : index
      %get3A_61 = vector.load %arg9[%get3A_59, %get3A_60] : memref<256x128xf32, #tpu.memory_space<vmem>>, vector<256x128xf32>
      %dot_general3A_62 = arith.constant dense<0.000000e+00> : vector<16x128xf32>
      %dot_general3A_63 = tpu.matmul %max3A_58, %get3A_61, %dot_general3A_62 {dimension_numbers = #tpu.dot_dimension_numbers<[1], [0], [0], [1], [0, 0, 1, 1], [], []>, transpose_lhs_hint = false} : vector<16x256xf32>, vector<256x128xf32>, vector<16x128xf32> -> vector<16x128xf32>
      %get3A_64 = arith.constant 0 : index
      %get3A_65 = arith.constant 0 : index
      %get3A_66 = vector.load %arg10[%get3A_64, %get3A_65] : memref<1x128xf32, #tpu.memory_space<vmem>>, vector<1x128xf32>
      %add3A_67 = vector.broadcast %get3A_66 : vector<1x128xf32> to vector<16x128xf32>
      %add3A_68 = arith.addf %dot_general3A_63, %add3A_67 : vector<16x128xf32>
      %swap3A = arith.constant 0 : index
      %swap3A_69 = arith.constant 0 : index
      %swap3A_70 = vector.load %arg11[%swap3A, %swap3A_69] : memref<16x128xf32, #tpu.memory_space<vmem>>, vector<16x128xf32>
      tpu.vector_store %arg11[%swap3A, %swap3A_69], %add3A_68 {strides = array<i32>} : memref<16x128xf32, #tpu.memory_space<vmem>>, vector<16x128xf32>,
    } else {
    }
    return
  }
  func.func @transform_0(%arg0: i32) -> (i32, i32) {
    %c0_i32 = arith.constant 0 : i32
    %c0_i32_0 = arith.constant 0 : i32
    return %arg0, %c0_i32 : i32, i32
  }
  func.func @transform_1(%arg0: i32) -> (i32, i32) {
    %c0_i32 = arith.constant 0 : i32
    %c0_i32_0 = arith.constant 0 : i32
    return %arg0, %c0_i32 : i32, i32
  }
  func.func @transform_2(%arg0: i32) -> (i32, i32) {
    %c0_i32 = arith.constant 0 : i32
    %c0_i32_0 = arith.constant 0 : i32
    return %arg0, %c0_i32 : i32, i32
  }
  func.func @transform_3(%arg0: i32) -> (i32, i32) {
    %c0_i32 = arith.constant 0 : i32
    %c0_i32_0 = arith.constant 0 : i32
    return %arg0, %c0_i32 : i32, i32
  }
  func.func @transform_4(%arg0: i32) -> (i32, i32) {
    %c0_i32 = arith.constant 0 : i32
    %c0_i32_0 = arith.constant 0 : i32
    return %arg0, %c0_i32 : i32, i32
  }
  func.func @transform_5(%arg0: i32) -> (i32, i32) {
    %c0_i32 = arith.constant 0 : i32
    %c0_i32_0 = arith.constant 0 : i32
    return %arg0, %c0_i32 : i32, i32
  }
  func.func @transform_6(%arg0: i32) -> (i32, i32) {
    %c0_i32 = arith.constant 0 : i32
    %c0_i32_0 = arith.constant 0 : i32
    %c0_i32_1 = arith.constant 0 : i32
    return %c0_i32, %c0_i32_0 : i32, i32
  }
  func.func @transform_7(%arg0: i32) -> (i32, i32) {
    %c0_i32 = arith.constant 0 : i32
    %c0_i32_0 = arith.constant 0 : i32
    %c0_i32_1 = arith.constant 0 : i32
    return %c0_i32, %c0_i32_0 : i32, i32
  }
  func.func @transform_8(%arg0: i32) -> (i32, i32) {
    %c0_i32 = arith.constant 0 : i32
    %c0_i32_0 = arith.constant 0 : i32
    %c0_i32_1 = arith.constant 0 : i32
    return %c0_i32, %c0_i32_0 : i32, i32
  }
  func.func @transform_9(%arg0: i32) -> (i32, i32) {
    %c0_i32 = arith.constant 0 : i32
    %c0_i32_0 = arith.constant 0 : i32
    %c0_i32_1 = arith.constant 0 : i32
    return %c0_i32, %c0_i32_0 : i32, i32
  }
  func.func @transform_10(%arg0: i32) -> (i32, i32) {
    %c0_i32 = arith.constant 0 : i32
    %c0_i32_0 = arith.constant 0 : i32
    %c0_i32_1 = arith.constant 0 : i32
    return %c0_i32, %c0_i32_0 : i32, i32
  }
}

</mosaic_0001>

<sc_bundles>
// kernel: kernel.14.cloned.1.call-start
scs
__scs_entry_jumppad:
0x0: {  	(pc) =	sbr.rel $0x88, $3  }
0x1: {  	(tag) =	ssettag $0x0;
	lr =	simm.s32 $0x1  }
0x2: {  	[smem:$0x3F8A] =	sst lr;
	_ =	strace $0xD0000000  }
0x3: {  	_ = 	snop  }
0x4: {  	_ = 	snop  }
0x5: {  	_ = 	snop  }
0x6: {  	_ = 	snop  }
0x7: {  	_ = 	snop  }
__scs_overlays_trampoline_lowered:
0x8: {  	[smem:$0x3F99] =	sst s0  }
0x9: {  	[smem:$0x3F9A] =	sst s1  }
0xa: {  	[smem:$0x3F9B] =	sst s2  }
0xb: {  	[smem:$0x3F9C] =	sst s3  }
0xc: {  	[smem:$0x3F9D] =	sst s4  }
0xd: {  	[smem:$0x3F9E] =	sst s5  }
0xe: {  	[smem:$0x3F9F] =	sst s6  }
0xf: {  	[smem:$0x3FA0] =	sst s7  }
0x10: {  	[smem:$0x3FA1] =	sst s8  }
0x11: {  	[smem:$0x3FA2] =	sst s9;
	s0 =	simm.s32 @!p0 $0x0  }
0x12: {  	s1 =	sld [smem:$0x3F88];
	s0 =	simm.s32 @p0 $0x1  }
0x13: {  	[smem:$0x3FA3] =	sst s0;
	s0 =	simm.s32 @!p1 $0x0  }
0x14: {  	s2 =	sld [smem:$0x3F87];
	s0 =	simm.s32 @p1 $0x1  }
0x15: {  	[smem:$0x3FA4] =	sst s0;
	s0 =	simm.s32 @!p2 $0x0  }
0x16: {  	s3 =	sld [smem:$0x3FDB];
	s0 =	simm.s32 @p2 $0x1  }
0x17: {  	s4 =	simm.s32 $0x1BF5;
	[smem:$0x3FA6] =	sst s0  }
0x18: {  	s0 =	sld [smem:$0x3F89];
	_ =	swait.ge [sflag:s4], $0x0  }
0x19: {  	s7 =	sld [smem:$0x3F8A]  }
0x1a: {  	s8 =	sadd.s32 $0xFFFFE003, lr  }
0x1b: {  	s9 =	sadd.s32 $0xFFFFFEF7, lr;
	s5 =	simm.s32 $0xFFFFFFFF;
	p2 =	slt.u32 s8, $0xFFFFF086  }
0x1c: {  	p1 =	slt.u32 s9, $0xF7A;
	s5 =	simm.s32 @!p2 $0x0  }
0x1d: {  	s5 =	simm.s32 @p1 $0x1;
	p0 =	seq.s32 s7, s2  }
0x1e: {  	s7 =	smul.u32 @!p0 $0xF7A, s2;
	p2 =	seq.s32 @!p0 s5, $0x0  }
0x1f: {  	s9 =	smul.u32 $0xF7A, s1;
	s8 =	simm.s32 @!p0 $0x1BF5;
	p2 =	por !p2, p0  }
0x20: {  	[sflag:s8] =	ssyncset.s32 @!p0 $0xFFFFF086;
	s6 =	sadd.s32 @!p0 s3, s7;
	s7 =	simm.s32 @!p0 $0x108  }
0x21: {  	s3 =	sadd.s32 s3, s9;
	s6 =	sadd.s32 @!p0 $0x88, s6;
	s7 =	simm.s32 @p2 $0x1082  }
0x22: {  	[simem:s7], [sflag:s8] =	dma.local @!p0 [hbm:s6], $0xF7A  }
0x23: {  	s9 =	sor.u32 $0xD0000000, s2;
	s6 =	simm.s32 $0x108;
	_ =	swait.ge @!p0 [sflag:s8], $0x0  }
0x24: {  	s3 =	sadd.s32 $0x88, s3;
	s6 =	simm.s32 @!p1 $0x1082;
	[sflag:s4] =	ssyncset.s32 $0xFFFFF086  }
0x25: {  	[simem:s6], [sflag:s4] =	dma.local [hbm:s3], $0xF7A  }
0x26: {  	[smem:$0x3F8A] =	sst s1;
	(tag) =	ssettag s2;
	_ =	strace s9  }
0x27: {  	s1 =	sld [smem:$0x3F9A]  }
0x28: {  	s2 =	sld [smem:$0x3F9B]  }
0x29: {  	s4 =	sld [smem:$0x3F9D]  }
0x2a: {  	p0 =	seq.s32 s5, $0x0;
	s5 =	sld [smem:$0x3F9E]  }
0x2b: {  	s6 =	sld [smem:$0x3F9F]  }
0x2c: {  	s7 =	sld [smem:$0x3FA0]  }
0x2d: {  	s3 =	simm.s32 $0x108;
	s8 =	sld [smem:$0x3FA1]  }
0x2e: {  	s3 =	simm.s32 @!p0 $0x1082;
	s9 =	sld [smem:$0x3FA2]  }
0x2f: {  	lr =	sadd.s32 s0, s3;
	s0 =	sld [smem:$0x3F99]  }
0x30: {  	s3 =	sld [smem:$0x3F9C]  }
0x31: {  	[smem:$0x3FA5] =	sst s10  }
0x32: {  	s10 =	sld [smem:$0x3FA3];
	_ =	sdelay $0x3  }
0x33: {  	p0 =	seq.s32 s10, $0x1;
	s10 =	sld [smem:$0x3FA5];
	_ =	sdelay $0x3  }
0x34: {  	[smem:$0x3FA5] =	sst s10  }
0x35: {  	s10 =	sld [smem:$0x3FA4];
	_ =	sdelay $0x3  }
0x36: {  	p1 =	seq.s32 s10, $0x1;
	s10 =	sld [smem:$0x3FA5];
	_ =	sdelay $0x3  }
0x37: {  	[smem:$0x3FA5] =	sst s10  }
0x38: {  	s10 =	sld [smem:$0x3FA6]  }
0x39: {  	_ = 	snop;
	(pc) =	sbr.ind lr, $3  }
0x3a: {  	_ = 	snop  }
0x3b: {  	_ = 	snop  }
0x3c: {  	p2 =	seq.s32 s10, $0x1;
	s10 =	sld [smem:$0x3FA5]  }
0x3d: {  	_ =	shalt  }
0x3e: {  	_ =	shalt  }
0x3f: {  	_ =	shalt  }
0x40: {  	_ =	shalt  }
0x41: {  	_ =	shalt  }
0x42: {  	_ =	shalt  }
0x43: {  	_ =	shalt  }
0x44: {  	_ =	shalt  }
0x45: {  	_ =	shalt  }
0x46: {  	_ =	shalt  }
0x47: {  	_ =	shalt  }
0x48: {  	_ =	shalt  }
0x49: {  	_ =	shalt  }
0x4a: {  	_ =	shalt  }
0x4b: {  	_ =	shalt  }
0x4c: {  	_ =	shalt  }
0x4d: {  	_ =	shalt  }
0x4e: {  	_ =	shalt  }
0x4f: {  	_ =	shalt  }
0x50: {  	_ =	shalt  }
0x51: {  	_ =	shalt  }
0x52: {  	_ =	shalt  }
0x53: {  	_ =	shalt  }
0x54: {  	_ =	shalt  }
0x55: {  	_ =	shalt  }
0x56: {  	_ =	shalt  }
0x57: {  	_ =	shalt  }
0x58: {  	_ =	shalt  }
0x59: {  	_ =	shalt  }
0x5a: {  	_ =	shalt  }
0x5b: {  	_ =	shalt  }
0x5c: {  	_ =	shalt  }
0x5d: {  	_ =	shalt  }
0x5e: {  	_ =	shalt  }
0x5f: {  	_ =	shalt  }
0x60: {  	_ =	shalt  }
0x61: {  	_ =	shalt  }
0x62: {  	_ =	shalt  }
0x63: {  	_ =	shalt  }
0x64: {  	_ =	shalt  }
0x65: {  	_ =	shalt  }
0x66: {  	_ =	shalt  }
0x67: {  	_ =	shalt  }
0x68: {  	_ =	shalt  }
0x69: {  	_ =	shalt  }
0x6a: {  	_ =	shalt  }
0x6b: {  	_ =	shalt  }
0x6c: {  	_ =	shalt  }
0x6d: {  	_ =	shalt  }
0x6e: {  	_ =	shalt  }
0x6f: {  	_ =	shalt  }
0x70: {  	_ =	shalt  }
0x71: {  	_ =	shalt  }
0x72: {  	_ =	shalt  }
0x73: {  	_ =	shalt  }
0x74: {  	_ =	shalt  }
0x75: {  	_ =	shalt  }
0x76: {  	_ =	shalt  }
0x77: {  	_ =	shalt  }
0x78: {  	_ =	shalt  }
0x79: {  	_ =	shalt  }
0x7a: {  	_ =	shalt  }
0x7b: {  	_ =	shalt  }
0x7c: {  	_ =	shalt  }
0x7d: {  	_ =	shalt  }
0x7e: {  	_ =	shalt  }
0x7f: {  	_ =	shalt  }
0x80: {  	_ =	shalt  }
0x81: {  	_ =	shalt  }
0x82: {  	_ =	shalt  }
0x83: {  	_ =	shalt  }
0x84: {  	_ =	shalt  }
0x85: {  	_ =	shalt  }
0x86: {  	_ =	shalt  }
0x87: {  	_ =	shalt  }
.Lfunc_end0:
.L_simem_size_0:
called_computation_lowered:
.L_overlay_start_0:
0x88: {  	s2 =	sld [smem:$0x3FD9]  }
0x89: {  	s3 =	sld [smem:$0x3FFE];
	_ =	sdelay $0x1  }
0x8a: {  	s1 =	srdreg.scid  }
0x8b: {  	s0 =	sand.u32 $0x1, s1  }
0x8c: {  	s16 =	sshll.u32 s0, $0xA;
	s2 =	sadd.s32 s3, s2  }
0x8d: {  	s2 =	sadd.s32 s2, s16  }
0x8e: {  	[smem:$0x3FB1] =	sst s2  }
0x8f: {  	_ = 	snop  }
0x90: {  	(tm) =	ssettm $0x1  }
0x91: {  	s17 =	sld [smem:$0x3FFB];
	_ =	sdelay $0x3  }
0x92: {  	_ =	strace s17  }
0x93: {  	s2 =	sld [smem:$0x3FFC];
	_ =	sdelay $0x3  }
0x94: {  	_ =	strace s2  }
0x95: {  	s2 =	sld [smem:$0x3FFD];
	_ =	sdelay $0x3  }
0x96: {  	_ =	strace s2  }
0x97: {  	_ =	strace $0x8FFFFFFF  }
0x98: {  	s18 =	sld [smem:$0x3FDB];
	_ =	sdelay $0x1  }
0x99: {  	s19 =	simm.s32 $_scs_section_size  }
0x9a: {  	s4 =	simm.s32 $_size__tile_overlayer_lowered;
	s5 =	simm.s32 $_tile_overlayer_lowered  }
0x9b: {  	s22 =	simm.s32 $0x1BFF;
	s21 =	sshll.u32 s5, $0x1;
	s2 =	sadd.s32 s19, s18  }
0x9c: {  	s6 =	simm.s32 $0x0;
	s20 =	sshll.u32 s4, $0x1;
	s4 =	sadd.s32 s21, s2  }
0x9d: {  	[timem:s6], [sflag:s22] =	dma.local [hbm:s4], s20  }
0x9e: {  	_ =	swait.ge [sflag:s22], s20  }
0x9f: {  	s3 =	ssub.s32 $0x0, s20;
	[sflag:s22] =	ssyncset.done $0x0  }
0xa0: {  	[sflag:s22] =	ssyncadd.s32 s3;
	_ =	sdelay $0x1  }
0xa1: {  	s23 =	simm.s32 $0x1B8B  }
0xa2: {  	_ =	swait.ge [sflag:s23], $0x1  }
0xa3: {  	[sflag:s23] =	ssyncset.done $0x0  }
0xa4: {  	s25 =	simm.s32 $0x1B8E;
	s24 =	sld [smem:$0x3FFE];
	[sflag:s23] =	ssyncadd.s32 $0xFFFFFFFF  }
0xa5: {  	s26 =	simm.s32 $execute0_lowered;
	[smem:$0x3FD2] =	sst s25  }
0xa6: {  	s4 =	sshll.u32 s26, $0x1;
	_ =	strace $0x80000046;
	[dreg:$0x1] =	wrdreg $0xFFFFFFFF  }
0xa7: {  	s28 =	simm.s32 $_size_execute0_lowered;
	s2 =	sadd.s32 s2, s4;
	[dreg:$0x0] =	wrdreg $0x0  }
0xa8: {  	s4 =	sshll.u32 s28, $0x1;
	[dreg:$0x2] =	wrdreg s2  }
0xa9: {  	[dreg:$0x3] =	wrdreg s4  }
0xaa: {  	[dreg:$0x4] =	wrdreg $0xC0  }
0xab: {  	_ =	task [dreg:s6], $0x5FFFF  }
0xac: {  	[dreg:$0x1] =	wrdreg $0xFFFFFFFF  }
0xad: {  	[dreg:$0x0] =	wrdreg $0x60  }
0xae: {  	[dreg:$0x2] =	wrdreg s24  }
0xaf: {  	[dreg:$0x3] =	wrdreg $0x84000  }
0xb0: {  	[dreg:$0x4] =	wrdreg $0x9  }
0xb1: {  	_ =	task.clear_ibuf [dreg:s6], $0x5FFFF;
	_ =	strace $0x90000046  }
0xb2: {  	s29 =	simm.s32 $0x9;
	_ =	strace $0x80000048  }
0xb3: {  	_ =	swait.ge [sflag:s29], $0x1  }
0xb4: {  	[sflag:s29] =	ssyncadd.s32 $0xFFFFFFFF  }
0xb5: {  	_ =	strace $0x90000048  }
0xb6: {  	_ =	sfence  }
0xb7: {  	s30 =	sld [smem:$0x0];
	_ =	sdelay $0x2  }
0xb8: {  	s31 =	sshll.u32 s1, $0xD;
	s1 =	sshrl.u32 s1, $0x2  }
0xb9: {  	s3 =	sand.u32 $0x4000, s31;
	s1 =	sadd.s32 s1, s30  }
0xba: {  	s0 =	sor.u32 s3, s0;
	s1 =	sshll.u32 s1, $0x11  }
0xbb: {  	s0 =	sor.u32 s1, s0  }
0xbc: {  	s0 =	sadd.s32 $0x8F2B, s0  }
0xbd: {  	[sflag:s0] =	ssyncadd.remote.s32 $0x1  }
0xbe: {  	_ =	sfence.sel $0xFFFF  }
0xbf: {  	[dreg:$0x0] =	wrdreg $0xFFFFFFFF;
	(pc) =	sbr.abs _section_cstart, $3  }
0xc0: {  	[dreg:$0x1] =	wrdreg $0xFFFFFFFF  }
0xc1: {  	_ =	task.clear_ibuf [dreg:s6], $0x2FFFF;
	_ =	strace $0x9FFFFFFF  }
0xc2: {  	(tm) =	ssettm $0x7FFFFFFF  }
0xc3: {  	_ =	shalt  }
tec
execute0_lowered:
.L_overlay_start_1:
0x0: {  	(tag) =	ssettag $0x1  }
0x1: {  	s0 =	rddreg [dreg:$0x0]  }
0x2: {  	s1 =	rddreg [dreg:$0x1];
	s3 =	simm.s32 $0x0;
	s2 =	srdreg.scid  }
0x3: {  	s11 =	stileid.u32;
	s28 =	simm.s32 $0x1;
	s29 =	simm.s32 $0x80  }
0x4: {  	s30 =	simm.s32 $0x3;
	s31 =	simm.s32 $0x7;
	s6 =	smul.u32 $0x14000, s11  }
0x5: {  	[smem:$0x7FF] =	sst s3;
	s2 =	sand.u32 $0x1, s2;
	s15 =	smul.u32 $0x50000, s11  }
0x6: {  	s4 =	sadd.s32 $0x1A600, s0;
	s8 =	sadd.s32 $0x6600, s0;
	s17 =	smul.u32 $0x5000, s11  }
0x7: {  	s7 =	sadd.s32 $0x42600, s0;
	s18 =	sshll.u32 s11, $0x6;
	s5 =	smul.u32 $0x140000, s2  }
0x8: {  	_ =	strace $0x80000047;
	[dreg:$0x3] =	wrdreg s7;
	s13 =	sshll.u32 s2, $0x4  }
0x9: {  	s9 =	ssub.s32 $0x2, s2;
	s2 =	smul.u32 $0x50000, s2;
	s14 =	sor.u32 s11, s13  }
0xa: {  	s16 =	sshrl.u32 s9, $0x1;
	s7 =	sshrl.u32 s15, $0x2;
	s5 =	sadd.s32 s6, s5  }
0xb: {  	s6 =	smul.u32 $0x5000, s14;
	s10 =	sadd.s32 s7, s1;
	s7 =	sor.u32 $0x1C09, s18  }
0xc: {  	s2 =	sadd.s32 s17, s2;
	s18 =	simm.s32 $0x9;
	s5 =	sshrl.u32 s5, $0x3  }
0xd: {  	s22 =	sor.u32 $0x700, s2;
	s24 =	sor.u32 $0x600, s2;
	s25 =	sor.u32 $0x500, s2  }
0xe: {  	s2 =	sor.u32 $0x400, s2;
	s10 =	sshrl.u32 s10, $0x3;
	s0 =	sadd.s32 s5, s0  }
0xf: {  	s5 =	ssub.s32 s9, s16;
	s19 =	sshrl.u32 s6, $0x3;
	s23 =	sshrl.u32 s22, $0x3  }
0x10: {  	s26 =	sshrl.u32 s25, $0x3;
	s2 =	sshrl.u32 s2, $0x3;
	s25 =	simm.s32 $0x6  }
0x11: {  	s9 =	simm.s32 $0x0;
	[dreg:$0xa] =	wrdreg s10;
	s6 =	sadd.s32 s8, s19  }
0x12: {  	s0 =	sadd.s32 $0x44E00, s0;
	s5 =	smax.u32 s5, $0x1;
	s13 =	sadd.s32 s23, s8  }
0x13: {  	s15 =	sadd.s32 s26, s8;
	s16 =	sadd.s32 s2, s8;
	s19 =	simm.s32 $0x100  }
0x14: {  	s23 =	simm.s32 $0x7D;
	s26 =	simm.s32 $0x4400;
	[dreg:$0x4] =	wrdreg s6  }
0x15: {  	s2 =	simm.s32 $0x180;
	s20 =	sadd.s32 $0x20, s6;
	[dreg:$0x8] =	wrdreg s0  }
.Ltmp0:
0x16: {  	s21 =	sadd.s32 $0x40, s6;
	[dreg:$0x9] =	wrdreg s5;
	(pc) =	sbr.rel .LBB2_1-.Ltmp0, $4  }
0x17: {  	s6 =	sadd.s32 $0x60, s6;
	s0 =	sshrl.u32 s24, $0x3;
	[dreg:$0x5] =	wrdreg s20  }
0x18: {  	s24 =	simm.s32 $0x400;
	s5 =	simm.s32 $0x4;
	[dreg:$0x6] =	wrdreg s21  }
0x19: {  	[dreg:$0x7] =	wrdreg s6;
	s14 =	sadd.s32 s0, s8;
	s20 =	simm.s32 $0x200  }
0x1a: {  	s21 =	simm.s32 $0x300;
	s0 =	simm.s32 $0x2;
	s8 =	simm.s32 $0x380  }
.LBB2_4:
0x1b: {  	_ =	swait.ge [sflag:s30], $0x3E80  }
0x1c: {  	[sflag:s30] =	ssyncset.done $0x0  }
0x1d: {  	[sflag:s30] =	ssyncadd.s32 $0xFFFFC180  }
0x1e: {  	_ =	swait.ge [sflag:s5], $0x3E80  }
0x1f: {  	[sflag:s5] =	ssyncset.done $0x0  }
0x20: {  	[sflag:s5] =	ssyncadd.s32 $0xFFFFC180  }
0x21: {  	[bflag:$0x0] =	sbarrier.arrive $0xFFFF  }
0x22: {  	s6 =	rddreg [dreg:$0x8]  }
0x23: {  	s10 =	rddreg [dreg:$0xa]  }
0x24: {  	[hbm:s6], [sflag:s17] =	dma.local [spmem:s10], $0x2800  }
0x25: {  	_ =	swait.ge [sflag:s18], $0x2800  }
0x26: {  	s9 =	sadd.s32 $0x1, s9;
	s22 =	rddreg [dreg:$0x9]  }
0x27: {  	p0 =	sne.s32 s9, s22  }
.Ltmp1:
0x28: {  	_ = 	snop;
	(pc) =	sbr.rel @!p0 .LBB2_5-.Ltmp1, $3  }
0x29: {  	_ =	sdelay $0x1  }
0x2a: {  	[sflag:s18] =	ssyncset.done $0x0  }
0x2b: {  	s7 =	smov.u32 s17;
	[sflag:s18] =	ssyncadd.s32 $0xFFFFD800  }
.LBB2_1:
0x2c: {  	s6 =	rddreg [dreg:$0x3]  }
0x2d: {  	[spmem:s10], [sflag:s7] =	dma.local [hbm:s6], $0x2800  }
0x2e: {  	_ =	swait.ge [sflag:s18], $0x2800  }
0x2f: {  	[sflag:s18] =	ssyncset.done $0x0  }
0x30: {  	[sflag:s18] =	ssyncadd.s32 $0xFFFFD800  }
0x31: {  	[bflag:$0x0] =	sbarrier.arrive $0xFFFF  }
0x32: {  	s17 =	smov.u32 s7;
	s7 =	rddreg [dreg:$0x4]  }
0x33: {  	[tilespmem:s3], [sflag:$0x5] =	stream.linear.gather [hbm4b:s7+s3], $0x100, $0x38;
	[tilespmem:$0x1C400] =	vst v63  }
0x34: {  	s10 =	rddreg [dreg:$0x5]  }
0x35: {  	[tilespmem:s19], [sflag:$0x6] =	stream.linear.gather [hbm4b:s10+s3], $0x100, $0x38;
	[tilespmem:$0x1C400] =	vst v63  }
0x36: {  	s11 =	rddreg [dreg:$0x6]  }
0x37: {  	[tilespmem:s20], [sflag:$0x7] =	stream.linear.gather [hbm4b:s11+s3], $0x100, $0x38;
	[tilespmem:$0x1C400] =	vst v63  }
0x38: {  	s22 =	simm.s32 $0x5;
	s12 =	rddreg [dreg:$0x7]  }
0x39: {  	[tilespmem:s21], [sflag:$0x8] =	stream.linear.gather [hbm4b:s12+s3], $0x100, $0x38;
	[tilespmem:$0x1C400] =	vst v63  }
0x3a: {  	_ =	swait.ge [sflag:s22], $0x100  }
0x3b: {  	[sflag:s22] =	ssyncset.done $0x0  }
0x3c: {  	[sflag:s22] =	ssyncadd.s32 $0xFFFFFF00  }
0x3d: {  	[tilespmem:s24], [sflag:$0x1] =	stream.indirect.gather [hbm4b:s4+s23], $0x80, s3, s23, $0xb8;
	[tilespmem:$0x1C400] =	vst v63  }
0x3e: {  	_ =	swait.ge [sflag:s25], $0x100  }
0x3f: {  	[sflag:s25] =	ssyncset.done $0x0  }
0x40: {  	s10 =	simm.s32 $0x0;
	[sflag:s25] =	ssyncadd.s32 $0xFFFFFF00  }
0x41: {  	[tilespmem:s26], [sflag:$0x2] =	stream.indirect.gather [hbm4b:s4+s23], $0x80, s19, s23, $0xb8;
	[tilespmem:$0x1C400] =	vst v63  }
.LBB2_2:
0x42: {  	_ =	swait.ge [sflag:s28], $0x3E80  }
0x43: {  	[sflag:s28] =	ssyncset.done $0x0  }
0x44: {  	[sflag:s28] =	ssyncadd.s32 $0xFFFFC180  }
0x45: {  	[spmem:s1] =	stream.indirect.scatter.add.f32 [tilespmem:s24], [sflag:$0x3], $0x80, s29, s23, $0xb8;
	[tilespmem:$0x1C400] =	vst v63  }
0x46: {  	_ =	swait.ge [sflag:s30], $0x3E80  }
0x47: {  	p0 =	seq.s32 s10, $0x980;
	[sflag:s30] =	ssyncset.done $0x0  }
0x48: {  	s11 =	sadd.s32 @!p0 s10, s16;
	s12 =	simm.s32 @!p0 $0x0;
	[sflag:s30] =	ssyncadd.s32 $0xFFFFC180  }
0x49: {  	[tilespmem:s12], [sflag:$0x5] =	stream.linear.gather @!p0 [hbm4b:s11+s12], $0x100, $0x38;
	[tilespmem:$0x1C400] =	vst v63  }
0x4a: {  	_ =	swait.ge [sflag:s31], $0x100  }
0x4b: {  	[sflag:s31] =	ssyncset.done $0x0  }
0x4c: {  	[sflag:s31] =	ssyncadd.s32 $0xFFFFFF00  }
0x4d: {  	[tilespmem:s24], [sflag:$0x1] =	stream.indirect.gather [hbm4b:s4+s23], $0x80, s20, s23, $0xb8;
	[tilespmem:$0x1C400] =	vst v63  }
0x4e: {  	_ =	swait.ge [sflag:s0], $0x3E80  }
0x4f: {  	[sflag:s0] =	ssyncset.done $0x0  }
0x50: {  	[sflag:s0] =	ssyncadd.s32 $0xFFFFC180  }
0x51: {  	[spmem:s1] =	stream.indirect.scatter.add.f32 [tilespmem:s26], [sflag:$0x4], $0x80, s2, s23, $0xb8;
	[tilespmem:$0x1C400] =	vst v63  }
0x52: {  	_ =	swait.ge [sflag:s5], $0x3E80  }
0x53: {  	[sflag:s5] =	ssyncset.done $0x0  }
0x54: {  	s11 =	simm.s32 @p0 $0x8;
	[sflag:s5] =	ssyncadd.s32 $0xFFFFC180  }
0x55: {  	_ =	swait.ge @p0 [sflag:s11], $0x100  }
0x56: {  	s7 =	simm.s32 @p0 $0x300;
	[sflag:s11] =	ssyncset.done @p0 $0x0  }
0x57: {  	s22 =	simm.s32 @p0 $0x4400;
	[sflag:s11] =	ssyncadd.s32 @p0 $0xFFFFFF00;
	s11 =	simm.s32 @p0 $0x7D  }
0x58: {  	[tilespmem:s22], [sflag:$0x2] =	stream.indirect.gather @p0 [hbm4b:s4+s11], $0x80, s7, s11, $0xb8;
	[tilespmem:$0x1C400] =	vst v63  }
0x59: {  	s7 =	simm.s32 @p0 $0x1  }
0x5a: {  	_ =	swait.ge @p0 [sflag:s7], $0x3E80  }
0x5b: {  	[sflag:s7] =	ssyncset.done @p0 $0x0  }
0x5c: {  	s22 =	simm.s32 @p0 $0x400;
	[sflag:s7] =	ssyncadd.s32 @p0 $0xFFFFC180;
	s7 =	simm.s32 @p0 $0x280  }
0x5d: {  	[spmem:s1] =	stream.indirect.scatter.add.f32 @p0 [tilespmem:s22], [sflag:$0x3], $0x80, s7, s11, $0xb8;
	[tilespmem:$0x1C400] =	vst v63  }
0x5e: {  	s7 =	sadd.s32 @!p0 s10, s15;
	s11 =	simm.s32 @!p0 $0x100  }
0x5f: {  	[tilespmem:s11], [sflag:$0x6] =	stream.linear.gather @!p0 [hbm4b:s7+s12], $0x100, $0x38;
	[tilespmem:$0x1C400] =	vst v63  }
0x60: {  	s7 =	simm.s32 @!p0 $0x8  }
0x61: {  	_ =	swait.ge @!p0 [sflag:s7], $0x100  }
0x62: {  	s22 =	simm.s32 @!p0 $0x4400;
	[sflag:s7] =	ssyncset.done @!p0 $0x0  }
0x63: {  	s11 =	simm.s32 @!p0 $0x300;
	[sflag:s7] =	ssyncadd.s32 @!p0 $0xFFFFFF00;
	s7 =	simm.s32 @!p0 $0x7D  }
0x64: {  	[tilespmem:s22], [sflag:$0x2] =	stream.indirect.gather @!p0 [hbm4b:s4+s7], $0x80, s11, s7, $0xb8;
	[tilespmem:$0x1C400] =	vst v63  }
0x65: {  	s11 =	simm.s32 @!p0 $0x1  }
0x66: {  	_ =	swait.ge @!p0 [sflag:s11], $0x3E80  }
0x67: {  	[sflag:s11] =	ssyncset.done @!p0 $0x0  }
0x68: {  	s22 =	simm.s32 @!p0 $0x400;
	[sflag:s11] =	ssyncadd.s32 @!p0 $0xFFFFC180;
	s11 =	simm.s32 @!p0 $0x280  }
0x69: {  	[spmem:s1] =	stream.indirect.scatter.add.f32 @!p0 [tilespmem:s22], [sflag:$0x3], $0x80, s11, s7, $0xb8;
	[tilespmem:$0x1C400] =	vst v63  }
0x6a: {  	s11 =	simm.s32 @!p0 $0x3  }
0x6b: {  	_ =	swait.ge @!p0 [sflag:s11], $0x3E80  }
0x6c: {  	[sflag:s11] =	ssyncset.done @!p0 $0x0  }
0x6d: {  	s6 =	simm.s32 @!p0 $0x200;
	[sflag:s11] =	ssyncadd.s32 @!p0 $0xFFFFC180;
	s11 =	sadd.s32 @!p0 s10, s14  }
0x6e: {  	[tilespmem:s6], [sflag:$0x7] =	stream.linear.gather @!p0 [hbm4b:s11+s12], $0x100, $0x38;
	[tilespmem:$0x1C400] =	vst v63  }
0x6f: {  	s6 =	simm.s32 @!p0 $0x5  }
0x70: {  	_ =	swait.ge @!p0 [sflag:s6], $0x100  }
0x71: {  	[sflag:s6] =	ssyncset.done @!p0 $0x0  }
0x72: {  	[sflag:s6] =	ssyncadd.s32 @!p0 $0xFFFFFF00  }
0x73: {  	[tilespmem:s22], [sflag:$0x1] =	stream.indirect.gather @!p0 [hbm4b:s4+s7], $0x80, s12, s7, $0xb8;
	[tilespmem:$0x1C400] =	vst v63  }
.Ltmp2:
0x74: {  	_ = 	snop;
	(pc) =	sbr.rel @p0 .LBB2_4-.Ltmp2, $4  }
0x75: {  	_ =	swait.ge [sflag:s0], $0x3E80  }
0x76: {  	[sflag:s0] =	ssyncset.done $0x0  }
0x77: {  	[sflag:s0] =	ssyncadd.s32 $0xFFFFC180  }
0x78: {  	[spmem:s1] =	stream.indirect.scatter.add.f32 [tilespmem:s26], [sflag:$0x4], $0x80, s8, s23, $0xb8;
	[tilespmem:$0x1C400] =	vst v63  }
0x79: {  	_ =	swait.ge [sflag:s5], $0x3E80  }
0x7a: {  	[sflag:s5] =	ssyncset.done $0x0  }
0x7b: {  	s6 =	sadd.s32 s10, s13;
	[sflag:s5] =	ssyncadd.s32 $0xFFFFC180  }
0x7c: {  	[tilespmem:s21], [sflag:$0x8] =	stream.linear.gather [hbm4b:s6+s3], $0x100, $0x38;
	[tilespmem:$0x1C400] =	vst v63  }
.Ltmp3:
0x7d: {  	_ = 	snop;
	(pc) =	sbr.rel .LBB2_2-.Ltmp3, $4  }
0x7e: {  	_ =	swait.ge [sflag:s25], $0x100  }
0x7f: {  	[sflag:s25] =	ssyncset.done $0x0  }
0x80: {  	s10 =	sadd.s32 $0x80, s10;
	[sflag:s25] =	ssyncadd.s32 $0xFFFFFF00  }
0x81: {  	[tilespmem:s26], [sflag:$0x2] =	stream.indirect.gather [hbm4b:s4+s23], $0x80, s19, s23, $0xb8;
	[tilespmem:$0x1C400] =	vst v63  }
.LBB2_5:
0x82: {  	_ =	sfence.sel $0x180000  }
0x83: {  	[bflag:$0x0] =	sbarrier.arrive $0xFFFF  }
0x84: {  	_ =	strace $0x90000047  }
0x85: {  	s0 =	stileid.u32;
	[bflag:$0x2] =	sbarrier.arrive $0xFFFF  }
0x86: {  	p0 =	sne.s32 s0, $0x0;
	s0 =	rddreg [dreg:$0x2]  }
0x87: {  	s0 =	sadd.s32 @!p0 $0x100000, s0  }
0x88: {  	[sflag:s0] =	ssyncadd.tile.s32 @!p0 $0x1;
	_ =	shalt  }
.Lfunc_end2:
_tile_overlayer_lowered:
.L_overlay_start_2:
0x89: {  	(tag) =	ssettag $0x2  }
0x8a: {  	s0 =	rddreg [dreg:$0x0];
	s2 =	stileid.u32  }
0x8b: {  	s1 =	rddreg [dreg:$0x1];
	p0 =	sne.s32 s2, $0x0  }
0x8c: {  	s3 =	rddreg [dreg:$0x2];
	[bflag:$0x3] =	sbarrier.arrive $0xFFFF;
	s2 =	simm.s32 @!p0 $0x1C09  }
0x8d: {  	[timem:s3], [sflag:s2] =	dma.local @!p0 [hbm:s0], s1  }
0x8e: {  	s0 =	simm.s32 @!p0 $0x9  }
0x8f: {  	_ =	swait.ge @!p0 [sflag:s0], s1  }
0x90: {  	s1 =	ssub.s32 @!p0 $0x0, s1;
	[sflag:s0] =	ssyncset.done @!p0 $0x0  }
0x91: {  	[sflag:s0] =	ssyncadd.s32 @!p0 s1  }
0x92: {  	[bflag:$0x3] =	sbarrier.arrive $0xFFFF  }
0x93: {  	_ =	shalt  }

// kernel: kernel.17.cloned.1.call-start
scs
__scs_entry_jumppad:
0x0: {  	(pc) =	sbr.rel $0x88, $3  }
0x1: {  	(tag) =	ssettag $0x0;
	lr =	simm.s32 $0x1  }
0x2: {  	[smem:$0x3F8A] =	sst lr;
	_ =	strace $0xD0000000  }
0x3: {  	_ = 	snop  }
0x4: {  	_ = 	snop  }
0x5: {  	_ = 	snop  }
0x6: {  	_ = 	snop  }
0x7: {  	_ = 	snop  }
__scs_overlays_trampoline_lowered:
0x8: {  	[smem:$0x3F99] =	sst s0  }
0x9: {  	[smem:$0x3F9A] =	sst s1  }
0xa: {  	[smem:$0x3F9B] =	sst s2  }
0xb: {  	[smem:$0x3F9C] =	sst s3  }
0xc: {  	[smem:$0x3F9D] =	sst s4  }
0xd: {  	[smem:$0x3F9E] =	sst s5  }
0xe: {  	[smem:$0x3F9F] =	sst s6  }
0xf: {  	[smem:$0x3FA0] =	sst s7  }
0x10: {  	[smem:$0x3FA1] =	sst s8  }
0x11: {  	[smem:$0x3FA2] =	sst s9;
	s0 =	simm.s32 @!p0 $0x0  }
0x12: {  	s1 =	sld [smem:$0x3F88];
	s0 =	simm.s32 @p0 $0x1  }
0x13: {  	[smem:$0x3FA3] =	sst s0;
	s0 =	simm.s32 @!p1 $0x0  }
0x14: {  	s2 =	sld [smem:$0x3F87];
	s0 =	simm.s32 @p1 $0x1  }
0x15: {  	[smem:$0x3FA4] =	sst s0;
	s0 =	simm.s32 @!p2 $0x0  }
0x16: {  	s3 =	sld [smem:$0x3FDB];
	s0 =	simm.s32 @p2 $0x1  }
0x17: {  	s4 =	simm.s32 $0x1BF5;
	[smem:$0x3FA6] =	sst s0  }
0x18: {  	s0 =	sld [smem:$0x3F89];
	_ =	swait.ge [sflag:s4], $0x0  }
0x19: {  	s7 =	sld [smem:$0x3F8A]  }
0x1a: {  	s8 =	sadd.s32 $0xFFFFE003, lr  }
0x1b: {  	s9 =	sadd.s32 $0xFFFFFEF7, lr;
	s5 =	simm.s32 $0xFFFFFFFF;
	p2 =	slt.u32 s8, $0xFFFFF086  }
0x1c: {  	p1 =	slt.u32 s9, $0xF7A;
	s5 =	simm.s32 @!p2 $0x0  }
0x1d: {  	s5 =	simm.s32 @p1 $0x1;
	p0 =	seq.s32 s7, s2  }
0x1e: {  	s7 =	smul.u32 @!p0 $0xF7A, s2;
	p2 =	seq.s32 @!p0 s5, $0x0  }
0x1f: {  	s9 =	smul.u32 $0xF7A, s1;
	s8 =	simm.s32 @!p0 $0x1BF5;
	p2 =	por !p2, p0  }
0x20: {  	[sflag:s8] =	ssyncset.s32 @!p0 $0xFFFFF086;
	s6 =	sadd.s32 @!p0 s3, s7;
	s7 =	simm.s32 @!p0 $0x108  }
0x21: {  	s3 =	sadd.s32 s3, s9;
	s6 =	sadd.s32 @!p0 $0x88, s6;
	s7 =	simm.s32 @p2 $0x1082  }
0x22: {  	[simem:s7], [sflag:s8] =	dma.local @!p0 [hbm:s6], $0xF7A  }
0x23: {  	s9 =	sor.u32 $0xD0000000, s2;
	s6 =	simm.s32 $0x108;
	_ =	swait.ge @!p0 [sflag:s8], $0x0  }
0x24: {  	s3 =	sadd.s32 $0x88, s3;
	s6 =	simm.s32 @!p1 $0x1082;
	[sflag:s4] =	ssyncset.s32 $0xFFFFF086  }
0x25: {  	[simem:s6], [sflag:s4] =	dma.local [hbm:s3], $0xF7A  }
0x26: {  	[smem:$0x3F8A] =	sst s1;
	(tag) =	ssettag s2;
	_ =	strace s9  }
0x27: {  	s1 =	sld [smem:$0x3F9A]  }
0x28: {  	s2 =	sld [smem:$0x3F9B]  }
0x29: {  	s4 =	sld [smem:$0x3F9D]  }
0x2a: {  	p0 =	seq.s32 s5, $0x0;
	s5 =	sld [smem:$0x3F9E]  }
0x2b: {  	s6 =	sld [smem:$0x3F9F]  }
0x2c: {  	s7 =	sld [smem:$0x3FA0]  }
0x2d: {  	s3 =	simm.s32 $0x108;
	s8 =	sld [smem:$0x3FA1]  }
0x2e: {  	s3 =	simm.s32 @!p0 $0x1082;
	s9 =	sld [smem:$0x3FA2]  }
0x2f: {  	lr =	sadd.s32 s0, s3;
	s0 =	sld [smem:$0x3F99]  }
0x30: {  	s3 =	sld [smem:$0x3F9C]  }
0x31: {  	[smem:$0x3FA5] =	sst s10  }
0x32: {  	s10 =	sld [smem:$0x3FA3];
	_ =	sdelay $0x3  }
0x33: {  	p0 =	seq.s32 s10, $0x1;
	s10 =	sld [smem:$0x3FA5];
	_ =	sdelay $0x3  }
0x34: {  	[smem:$0x3FA5] =	sst s10  }
0x35: {  	s10 =	sld [smem:$0x3FA4];
	_ =	sdelay $0x3  }
0x36: {  	p1 =	seq.s32 s10, $0x1;
	s10 =	sld [smem:$0x3FA5];
	_ =	sdelay $0x3  }
0x37: {  	[smem:$0x3FA5] =	sst s10  }
0x38: {  	s10 =	sld [smem:$0x3FA6]  }
0x39: {  	_ = 	snop;
	(pc) =	sbr.ind lr, $3  }
0x3a: {  	_ = 	snop  }
0x3b: {  	_ = 	snop  }
0x3c: {  	p2 =	seq.s32 s10, $0x1;
	s10 =	sld [smem:$0x3FA5]  }
0x3d: {  	_ =	shalt  }
0x3e: {  	_ =	shalt  }
0x3f: {  	_ =	shalt  }
0x40: {  	_ =	shalt  }
0x41: {  	_ =	shalt  }
0x42: {  	_ =	shalt  }
0x43: {  	_ =	shalt  }
0x44: {  	_ =	shalt  }
0x45: {  	_ =	shalt  }
0x46: {  	_ =	shalt  }
0x47: {  	_ =	shalt  }
0x48: {  	_ =	shalt  }
0x49: {  	_ =	shalt  }
0x4a: {  	_ =	shalt  }
0x4b: {  	_ =	shalt  }
0x4c: {  	_ =	shalt  }
0x4d: {  	_ =	shalt  }
0x4e: {  	_ =	shalt  }
0x4f: {  	_ =	shalt  }
0x50: {  	_ =	shalt  }
0x51: {  	_ =	shalt  }
0x52: {  	_ =	shalt  }
0x53: {  	_ =	shalt  }
0x54: {  	_ =	shalt  }
0x55: {  	_ =	shalt  }
0x56: {  	_ =	shalt  }
0x57: {  	_ =	shalt  }
0x58: {  	_ =	shalt  }
0x59: {  	_ =	shalt  }
0x5a: {  	_ =	shalt  }
0x5b: {  	_ =	shalt  }
0x5c: {  	_ =	shalt  }
0x5d: {  	_ =	shalt  }
0x5e: {  	_ =	shalt  }
0x5f: {  	_ =	shalt  }
0x60: {  	_ =	shalt  }
0x61: {  	_ =	shalt  }
0x62: {  	_ =	shalt  }
0x63: {  	_ =	shalt  }
0x64: {  	_ =	shalt  }
0x65: {  	_ =	shalt  }
0x66: {  	_ =	shalt  }
0x67: {  	_ =	shalt  }
0x68: {  	_ =	shalt  }
0x69: {  	_ =	shalt  }
0x6a: {  	_ =	shalt  }
0x6b: {  	_ =	shalt  }
0x6c: {  	_ =	shalt  }
0x6d: {  	_ =	shalt  }
0x6e: {  	_ =	shalt  }
0x6f: {  	_ =	shalt  }
0x70: {  	_ =	shalt  }
0x71: {  	_ =	shalt  }
0x72: {  	_ =	shalt  }
0x73: {  	_ =	shalt  }
0x74: {  	_ =	shalt  }
0x75: {  	_ =	shalt  }
0x76: {  	_ =	shalt  }
0x77: {  	_ =	shalt  }
0x78: {  	_ =	shalt  }
0x79: {  	_ =	shalt  }
0x7a: {  	_ =	shalt  }
0x7b: {  	_ =	shalt  }
0x7c: {  	_ =	shalt  }
0x7d: {  	_ =	shalt  }
0x7e: {  	_ =	shalt  }
0x7f: {  	_ =	shalt  }
0x80: {  	_ =	shalt  }
0x81: {  	_ =	shalt  }
0x82: {  	_ =	shalt  }
0x83: {  	_ =	shalt  }
0x84: {  	_ =	shalt  }
0x85: {  	_ =	shalt  }
0x86: {  	_ =	shalt  }
0x87: {  	_ =	shalt  }
.Lfunc_end0:
.L_simem_size_0:
called_computation.1_lowered:
.L_overlay_start_0:
0x88: {  	s2 =	sld [smem:$0x3FD9]  }
0x89: {  	s3 =	sld [smem:$0x3FFE];
	_ =	sdelay $0x1  }
0x8a: {  	s1 =	srdreg.scid  }
0x8b: {  	s0 =	sand.u32 $0x1, s1  }
0x8c: {  	s17 =	sshll.u32 s0, $0xA;
	s2 =	sadd.s32 s3, s2  }
0x8d: {  	s2 =	sadd.s32 s2, s17  }
0x8e: {  	[smem:$0x3FB1] =	sst s2  }
0x8f: {  	_ = 	snop  }
0x90: {  	(tm) =	ssettm $0x1  }
0x91: {  	s18 =	sld [smem:$0x3FFB];
	_ =	sdelay $0x3  }
0x92: {  	_ =	strace s18  }
0x93: {  	s2 =	sld [smem:$0x3FFC];
	_ =	sdelay $0x3  }
0x94: {  	_ =	strace s2  }
0x95: {  	s2 =	sld [smem:$0x3FFD];
	_ =	sdelay $0x3  }
0x96: {  	_ =	strace s2  }
0x97: {  	_ =	strace $0x8FFFFFFF  }
0x98: {  	s19 =	sld [smem:$0x3FDB];
	_ =	sdelay $0x1  }
0x99: {  	s20 =	simm.s32 $_scs_section_size  }
0x9a: {  	s4 =	simm.s32 $_size__tile_overlayer_lowered;
	s5 =	simm.s32 $_tile_overlayer_lowered  }
0x9b: {  	s6 =	simm.s32 $0x1BFF;
	s21 =	sshll.u32 s5, $0x1;
	s3 =	sadd.s32 s20, s19  }
0x9c: {  	s22 =	simm.s32 $0x0;
	s4 =	sshll.u32 s4, $0x1;
	s5 =	sadd.s32 s21, s3  }
0x9d: {  	[timem:s22], [sflag:s6] =	dma.local [hbm:s5], s4  }
0x9e: {  	_ =	swait.ge [sflag:s6], s4  }
0x9f: {  	s4 =	ssub.s32 $0x0, s4;
	[sflag:s6] =	ssyncset.done $0x0  }
0xa0: {  	[sflag:s6] =	ssyncadd.s32 s4;
	_ =	sdelay $0x1  }
0xa1: {  	s23 =	simm.s32 $0x1B8B  }
0xa2: {  	_ =	swait.ge [sflag:s23], $0x1  }
0xa3: {  	[sflag:s23] =	ssyncset.done $0x0  }
0xa4: {  	[sflag:s23] =	ssyncadd.s32 $0xFFFFFFFF  }
0xa5: {  	s4 =	sld [smem:$0x0]  }
0xa6: {  	s5 =	sand.u32 $0xFFFFFFFE, s1  }
0xa7: {  	p0 =	sne.s32 s1, s5  }
0xa8: {  	s5 =	sshll.u32 @p0 s5, $0xE  }
0xa9: {  	s5 =	sadd.s32 @p0 $0x11B8D, s5;
	s6 =	sshll.u32 @p0 s4, $0x11  }
0xaa: {  	s5 =	sor.u32 @p0 s6, s5  }
0xab: {  	[sflag:s5] =	ssyncadd.remote.s32 @p0 $0x1;
	_ =	sdelay $0x1  }
0xac: {  	s5 =	simm.s32 @p0 $0x1B8D  }
0xad: {  	_ =	swait.eq @p0 [sflag:s5], $0x1  }
0xae: {  	[sflag:s5] =	ssyncadd.s32 @p0 $0xFFFFFFFF  }
0xaf: {  	s6 =	sshll.u32 @!p0 s1, $0xE  }
0xb0: {  	s6 =	sor.u32 @!p0 $0x4000, s6;
	s5 =	simm.s32 @!p0 $0x1B8D  }
0xb1: {  	s4 =	sshll.u32 @!p0 s4, $0x11;
	s6 =	sadd.s32 @!p0 $0x11B8D, s6;
	_ =	swait.eq @!p0 [sflag:s5], $0x1  }
0xb2: {  	s4 =	sor.u32 @!p0 s4, s6;
	[sflag:s5] =	ssyncadd.s32 @!p0 $0xFFFFFFFF  }
0xb3: {  	s25 =	simm.s32 $0x1B8E;
	s24 =	sld [smem:$0x3FFE];
	[sflag:s4] =	ssyncadd.remote.s32 @!p0 $0x1  }
0xb4: {  	s26 =	simm.s32 $execute0_lowered;
	[smem:$0x3FD2] =	sst s25  }
0xb5: {  	s5 =	sshll.u32 s26, $0x1;
	_ =	strace $0x8000004C;
	[dreg:$0x1] =	wrdreg $0xFFFFFFFF  }
0xb6: {  	s28 =	simm.s32 $_size_execute0_lowered;
	s3 =	sadd.s32 s3, s5;
	[dreg:$0x0] =	wrdreg $0x0  }
0xb7: {  	s5 =	sshll.u32 s28, $0x1;
	[dreg:$0x2] =	wrdreg s3  }
0xb8: {  	[dreg:$0x3] =	wrdreg s5  }
0xb9: {  	[dreg:$0x4] =	wrdreg $0xC0  }
0xba: {  	_ =	task [dreg:s22], $0x5FFFF  }
0xbb: {  	[dreg:$0x1] =	wrdreg $0xFFFFFFFF  }
0xbc: {  	[dreg:$0x0] =	wrdreg $0x60  }
0xbd: {  	[dreg:$0x2] =	wrdreg s24  }
0xbe: {  	[dreg:$0x3] =	wrdreg $0x84000  }
0xbf: {  	[dreg:$0x4] =	wrdreg $0x9  }
0xc0: {  	_ =	task.clear_ibuf [dreg:s22], $0x5FFFF;
	_ =	strace $0x9000004C  }
0xc1: {  	s29 =	simm.s32 $0x9;
	_ =	strace $0x8000004E  }
0xc2: {  	_ =	swait.ge [sflag:s29], $0x1  }
0xc3: {  	[sflag:s29] =	ssyncadd.s32 $0xFFFFFFFF  }
0xc4: {  	_ =	strace $0x9000004E  }
0xc5: {  	_ =	sfence  }
0xc6: {  	s30 =	sld [smem:$0x0];
	_ =	sdelay $0x2  }
0xc7: {  	s31 =	sshll.u32 s1, $0xD;
	s1 =	sshrl.u32 s1, $0x2  }
0xc8: {  	s4 =	sand.u32 $0x4000, s31;
	s1 =	sadd.s32 s1, s30  }
0xc9: {  	s0 =	sor.u32 s4, s0;
	s1 =	sshll.u32 s1, $0x11  }
0xca: {  	s0 =	sor.u32 s1, s0  }
0xcb: {  	s0 =	sadd.s32 $0x8F2B, s0  }
0xcc: {  	[sflag:s0] =	ssyncadd.remote.s32 $0x1  }
0xcd: {  	_ =	sfence.sel $0xFFFF  }
0xce: {  	[dreg:$0x0] =	wrdreg $0xFFFFFFFF;
	(pc) =	sbr.abs _section_cstart, $3  }
0xcf: {  	[dreg:$0x1] =	wrdreg $0xFFFFFFFF  }
0xd0: {  	_ =	task.clear_ibuf [dreg:s22], $0x2FFFF;
	_ =	strace $0x9FFFFFFF  }
0xd1: {  	(tm) =	ssettm $0x7FFFFFFF  }
tec
execute0_lowered:
.L_overlay_start_1:
0x0: {  	(tag) =	ssettag $0x1  }
0x1: {  	s0 =	rddreg [dreg:$0x0]  }
0x2: {  	s1 =	rddreg [dreg:$0x1];
	s3 =	simm.s32 $0x0;
	s2 =	srdreg.scid  }
0x3: {  	s11 =	stileid.u32;
	s28 =	simm.s32 $0x1;
	s29 =	simm.s32 $0x80  }
0x4: {  	s30 =	simm.s32 $0x3;
	s31 =	simm.s32 $0x7;
	s6 =	smul.u32 $0x14000, s11  }
0x5: {  	[smem:$0x7FF] =	sst s3;
	s2 =	sand.u32 $0x1, s2;
	s15 =	smul.u32 $0x50000, s11  }
0x6: {  	s4 =	sadd.s32 $0x1A600, s0;
	s8 =	sadd.s32 $0x6600, s0;
	s17 =	smul.u32 $0x5000, s11  }
0x7: {  	s7 =	sadd.s32 $0x42600, s0;
	s18 =	sshll.u32 s11, $0x6;
	s5 =	smul.u32 $0x140000, s2  }
0x8: {  	_ =	strace $0x8000004D;
	[dreg:$0x3] =	wrdreg s7;
	s13 =	sshll.u32 s2, $0x4  }
0x9: {  	s9 =	ssub.s32 $0x2, s2;
	s2 =	smul.u32 $0x50000, s2;
	s14 =	sor.u32 s11, s13  }
0xa: {  	s16 =	sshrl.u32 s9, $0x1;
	s7 =	sshrl.u32 s15, $0x2;
	s5 =	sadd.s32 s6, s5  }
0xb: {  	s6 =	smul.u32 $0x5000, s14;
	s10 =	sadd.s32 s7, s1;
	s7 =	sor.u32 $0x1C09, s18  }
0xc: {  	s2 =	sadd.s32 s17, s2;
	s18 =	simm.s32 $0x9;
	s5 =	sshrl.u32 s5, $0x3  }
0xd: {  	s22 =	sor.u32 $0x700, s2;
	s24 =	sor.u32 $0x600, s2;
	s25 =	sor.u32 $0x500, s2  }
0xe: {  	s2 =	sor.u32 $0x400, s2;
	s10 =	sshrl.u32 s10, $0x3;
	s0 =	sadd.s32 s5, s0  }
0xf: {  	s5 =	ssub.s32 s9, s16;
	s19 =	sshrl.u32 s6, $0x3;
	s23 =	sshrl.u32 s22, $0x3  }
0x10: {  	s26 =	sshrl.u32 s25, $0x3;
	s2 =	sshrl.u32 s2, $0x3;
	s25 =	simm.s32 $0x6  }
0x11: {  	s9 =	simm.s32 $0x0;
	[dreg:$0xa] =	wrdreg s10;
	s6 =	sadd.s32 s8, s19  }
0x12: {  	s0 =	sadd.s32 $0xBCE00, s0;
	s5 =	smax.u32 s5, $0x1;
	s13 =	sadd.s32 s23, s8  }
0x13: {  	s15 =	sadd.s32 s26, s8;
	s16 =	sadd.s32 s2, s8;
	s19 =	simm.s32 $0x100  }
0x14: {  	s23 =	simm.s32 $0x7D;
	s26 =	simm.s32 $0x4400;
	[dreg:$0x4] =	wrdreg s6  }
0x15: {  	s2 =	simm.s32 $0x180;
	s20 =	sadd.s32 $0x20, s6;
	[dreg:$0x8] =	wrdreg s0  }
.Ltmp0:
0x16: {  	s21 =	sadd.s32 $0x40, s6;
	[dreg:$0x9] =	wrdreg s5;
	(pc) =	sbr.rel .LBB2_1-.Ltmp0, $4  }
0x17: {  	s6 =	sadd.s32 $0x60, s6;
	s0 =	sshrl.u32 s24, $0x3;
	[dreg:$0x5] =	wrdreg s20  }
0x18: {  	s24 =	simm.s32 $0x400;
	s5 =	simm.s32 $0x4;
	[dreg:$0x6] =	wrdreg s21  }
0x19: {  	[dreg:$0x7] =	wrdreg s6;
	s14 =	sadd.s32 s0, s8;
	s20 =	simm.s32 $0x200  }
0x1a: {  	s21 =	simm.s32 $0x300;
	s0 =	simm.s32 $0x2;
	s8 =	simm.s32 $0x380  }
.LBB2_4:
0x1b: {  	_ =	swait.ge [sflag:s30], $0x3E80  }
0x1c: {  	[sflag:s30] =	ssyncset.done $0x0  }
0x1d: {  	[sflag:s30] =	ssyncadd.s32 $0xFFFFC180  }
0x1e: {  	_ =	swait.ge [sflag:s5], $0x3E80  }
0x1f: {  	[sflag:s5] =	ssyncset.done $0x0  }
0x20: {  	[sflag:s5] =	ssyncadd.s32 $0xFFFFC180  }
0x21: {  	[bflag:$0x0] =	sbarrier.arrive $0xFFFF  }
0x22: {  	s6 =	rddreg [dreg:$0x8]  }
0x23: {  	s10 =	rddreg [dreg:$0xa]  }
0x24: {  	[hbm:s6], [sflag:s17] =	dma.local [spmem:s10], $0x2800  }
0x25: {  	_ =	swait.ge [sflag:s18], $0x2800  }
0x26: {  	s9 =	sadd.s32 $0x1, s9;
	s22 =	rddreg [dreg:$0x9]  }
0x27: {  	p0 =	sne.s32 s9, s22  }
.Ltmp1:
0x28: {  	_ = 	snop;
	(pc) =	sbr.rel @!p0 .LBB2_5-.Ltmp1, $3  }
0x29: {  	_ =	sdelay $0x1  }
0x2a: {  	[sflag:s18] =	ssyncset.done $0x0  }
0x2b: {  	s7 =	smov.u32 s17;
	[sflag:s18] =	ssyncadd.s32 $0xFFFFD800  }
.LBB2_1:
0x2c: {  	s6 =	rddreg [dreg:$0x3]  }
0x2d: {  	[spmem:s10], [sflag:s7] =	dma.local [hbm:s6], $0x2800  }
0x2e: {  	_ =	swait.ge [sflag:s18], $0x2800  }
0x2f: {  	[sflag:s18] =	ssyncset.done $0x0  }
0x30: {  	[sflag:s18] =	ssyncadd.s32 $0xFFFFD800  }
0x31: {  	[bflag:$0x0] =	sbarrier.arrive $0xFFFF  }
0x32: {  	s17 =	smov.u32 s7;
	s7 =	rddreg [dreg:$0x4]  }
0x33: {  	[tilespmem:s3], [sflag:$0x5] =	stream.linear.gather [hbm4b:s7+s3], $0x100, $0x38;
	[tilespmem:$0x1C400] =	vst v63  }
0x34: {  	s10 =	rddreg [dreg:$0x5]  }
0x35: {  	[tilespmem:s19], [sflag:$0x6] =	stream.linear.gather [hbm4b:s10+s3], $0x100, $0x38;
	[tilespmem:$0x1C400] =	vst v63  }
0x36: {  	s11 =	rddreg [dreg:$0x6]  }
0x37: {  	[tilespmem:s20], [sflag:$0x7] =	stream.linear.gather [hbm4b:s11+s3], $0x100, $0x38;
	[tilespmem:$0x1C400] =	vst v63  }
0x38: {  	s22 =	simm.s32 $0x5;
	s12 =	rddreg [dreg:$0x7]  }
0x39: {  	[tilespmem:s21], [sflag:$0x8] =	stream.linear.gather [hbm4b:s12+s3], $0x100, $0x38;
	[tilespmem:$0x1C400] =	vst v63  }
0x3a: {  	_ =	swait.ge [sflag:s22], $0x100  }
0x3b: {  	[sflag:s22] =	ssyncset.done $0x0  }
0x3c: {  	[sflag:s22] =	ssyncadd.s32 $0xFFFFFF00  }
0x3d: {  	[tilespmem:s24], [sflag:$0x1] =	stream.indirect.gather [hbm4b:s4+s23], $0x80, s3, s23, $0xb8;
	[tilespmem:$0x1C400] =	vst v63  }
0x3e: {  	_ =	swait.ge [sflag:s25], $0x100  }
0x3f: {  	[sflag:s25] =	ssyncset.done $0x0  }
0x40: {  	s10 =	simm.s32 $0x0;
	[sflag:s25] =	ssyncadd.s32 $0xFFFFFF00  }
0x41: {  	[tilespmem:s26], [sflag:$0x2] =	stream.indirect.gather [hbm4b:s4+s23], $0x80, s19, s23, $0xb8;
	[tilespmem:$0x1C400] =	vst v63  }
.LBB2_2:
0x42: {  	_ =	swait.ge [sflag:s28], $0x3E80  }
0x43: {  	[sflag:s28] =	ssyncset.done $0x0  }
0x44: {  	[sflag:s28] =	ssyncadd.s32 $0xFFFFC180  }
0x45: {  	[spmem:s1] =	stream.indirect.scatter.add.f32 [tilespmem:s24], [sflag:$0x3], $0x80, s29, s23, $0xb8;
	[tilespmem:$0x1C400] =	vst v63  }
0x46: {  	_ =	swait.ge [sflag:s30], $0x3E80  }
0x47: {  	p0 =	seq.s32 s10, $0x980;
	[sflag:s30] =	ssyncset.done $0x0  }
0x48: {  	s11 =	sadd.s32 @!p0 s10, s16;
	s12 =	simm.s32 @!p0 $0x0;
	[sflag:s30] =	ssyncadd.s32 $0xFFFFC180  }
0x49: {  	[tilespmem:s12], [sflag:$0x5] =	stream.linear.gather @!p0 [hbm4b:s11+s12], $0x100, $0x38;
	[tilespmem:$0x1C400] =	vst v63  }
0x4a: {  	_ =	swait.ge [sflag:s31], $0x100  }
0x4b: {  	[sflag:s31] =	ssyncset.done $0x0  }
0x4c: {  	[sflag:s31] =	ssyncadd.s32 $0xFFFFFF00  }
0x4d: {  	[tilespmem:s24], [sflag:$0x1] =	stream.indirect.gather [hbm4b:s4+s23], $0x80, s20, s23, $0xb8;
	[tilespmem:$0x1C400] =	vst v63  }
0x4e: {  	_ =	swait.ge [sflag:s0], $0x3E80  }
0x4f: {  	[sflag:s0] =	ssyncset.done $0x0  }
0x50: {  	[sflag:s0] =	ssyncadd.s32 $0xFFFFC180  }
0x51: {  	[spmem:s1] =	stream.indirect.scatter.add.f32 [tilespmem:s26], [sflag:$0x4], $0x80, s2, s23, $0xb8;
	[tilespmem:$0x1C400] =	vst v63  }
0x52: {  	_ =	swait.ge [sflag:s5], $0x3E80  }
0x53: {  	[sflag:s5] =	ssyncset.done $0x0  }
0x54: {  	s11 =	simm.s32 @p0 $0x8;
	[sflag:s5] =	ssyncadd.s32 $0xFFFFC180  }
0x55: {  	_ =	swait.ge @p0 [sflag:s11], $0x100  }
0x56: {  	s7 =	simm.s32 @p0 $0x300;
	[sflag:s11] =	ssyncset.done @p0 $0x0  }
0x57: {  	s22 =	simm.s32 @p0 $0x4400;
	[sflag:s11] =	ssyncadd.s32 @p0 $0xFFFFFF00;
	s11 =	simm.s32 @p0 $0x7D  }
0x58: {  	[tilespmem:s22], [sflag:$0x2] =	stream.indirect.gather @p0 [hbm4b:s4+s11], $0x80, s7, s11, $0xb8;
	[tilespmem:$0x1C400] =	vst v63  }
0x59: {  	s7 =	simm.s32 @p0 $0x1  }
0x5a: {  	_ =	swait.ge @p0 [sflag:s7], $0x3E80  }
0x5b: {  	[sflag:s7] =	ssyncset.done @p0 $0x0  }
0x5c: {  	s22 =	simm.s32 @p0 $0x400;
	[sflag:s7] =	ssyncadd.s32 @p0 $0xFFFFC180;
	s7 =	simm.s32 @p0 $0x280  }
0x5d: {  	[spmem:s1] =	stream.indirect.scatter.add.f32 @p0 [tilespmem:s22], [sflag:$0x3], $0x80, s7, s11, $0xb8;
	[tilespmem:$0x1C400] =	vst v63  }
0x5e: {  	s7 =	sadd.s32 @!p0 s10, s15;
	s11 =	simm.s32 @!p0 $0x100  }
0x5f: {  	[tilespmem:s11], [sflag:$0x6] =	stream.linear.gather @!p0 [hbm4b:s7+s12], $0x100, $0x38;
	[tilespmem:$0x1C400] =	vst v63  }
0x60: {  	s7 =	simm.s32 @!p0 $0x8  }
0x61: {  	_ =	swait.ge @!p0 [sflag:s7], $0x100  }
0x62: {  	s22 =	simm.s32 @!p0 $0x4400;
	[sflag:s7] =	ssyncset.done @!p0 $0x0  }
0x63: {  	s11 =	simm.s32 @!p0 $0x300;
	[sflag:s7] =	ssyncadd.s32 @!p0 $0xFFFFFF00;
	s7 =	simm.s32 @!p0 $0x7D  }
0x64: {  	[tilespmem:s22], [sflag:$0x2] =	stream.indirect.gather @!p0 [hbm4b:s4+s7], $0x80, s11, s7, $0xb8;
	[tilespmem:$0x1C400] =	vst v63  }
0x65: {  	s11 =	simm.s32 @!p0 $0x1  }
0x66: {  	_ =	swait.ge @!p0 [sflag:s11], $0x3E80  }
0x67: {  	[sflag:s11] =	ssyncset.done @!p0 $0x0  }
0x68: {  	s22 =	simm.s32 @!p0 $0x400;
	[sflag:s11] =	ssyncadd.s32 @!p0 $0xFFFFC180;
	s11 =	simm.s32 @!p0 $0x280  }
0x69: {  	[spmem:s1] =	stream.indirect.scatter.add.f32 @!p0 [tilespmem:s22], [sflag:$0x3], $0x80, s11, s7, $0xb8;
	[tilespmem:$0x1C400] =	vst v63  }
0x6a: {  	s11 =	simm.s32 @!p0 $0x3  }
0x6b: {  	_ =	swait.ge @!p0 [sflag:s11], $0x3E80  }
0x6c: {  	[sflag:s11] =	ssyncset.done @!p0 $0x0  }
0x6d: {  	s6 =	simm.s32 @!p0 $0x200;
	[sflag:s11] =	ssyncadd.s32 @!p0 $0xFFFFC180;
	s11 =	sadd.s32 @!p0 s10, s14  }
0x6e: {  	[tilespmem:s6], [sflag:$0x7] =	stream.linear.gather @!p0 [hbm4b:s11+s12], $0x100, $0x38;
	[tilespmem:$0x1C400] =	vst v63  }
0x6f: {  	s6 =	simm.s32 @!p0 $0x5  }
0x70: {  	_ =	swait.ge @!p0 [sflag:s6], $0x100  }
0x71: {  	[sflag:s6] =	ssyncset.done @!p0 $0x0  }
0x72: {  	[sflag:s6] =	ssyncadd.s32 @!p0 $0xFFFFFF00  }
0x73: {  	[tilespmem:s22], [sflag:$0x1] =	stream.indirect.gather @!p0 [hbm4b:s4+s7], $0x80, s12, s7, $0xb8;
	[tilespmem:$0x1C400] =	vst v63  }
.Ltmp2:
0x74: {  	_ = 	snop;
	(pc) =	sbr.rel @p0 .LBB2_4-.Ltmp2, $4  }
0x75: {  	_ =	swait.ge [sflag:s0], $0x3E80  }
0x76: {  	[sflag:s0] =	ssyncset.done $0x0  }
0x77: {  	[sflag:s0] =	ssyncadd.s32 $0xFFFFC180  }
0x78: {  	[spmem:s1] =	stream.indirect.scatter.add.f32 [tilespmem:s26], [sflag:$0x4], $0x80, s8, s23, $0xb8;
	[tilespmem:$0x1C400] =	vst v63  }
0x79: {  	_ =	swait.ge [sflag:s5], $0x3E80  }
0x7a: {  	[sflag:s5] =	ssyncset.done $0x0  }
0x7b: {  	s6 =	sadd.s32 s10, s13;
	[sflag:s5] =	ssyncadd.s32 $0xFFFFC180  }
0x7c: {  	[tilespmem:s21], [sflag:$0x8] =	stream.linear.gather [hbm4b:s6+s3], $0x100, $0x38;
	[tilespmem:$0x1C400] =	vst v63  }
.Ltmp3:
0x7d: {  	_ = 	snop;
	(pc) =	sbr.rel .LBB2_2-.Ltmp3, $4  }
0x7e: {  	_ =	swait.ge [sflag:s25], $0x100  }
0x7f: {  	[sflag:s25] =	ssyncset.done $0x0  }
0x80: {  	s10 =	sadd.s32 $0x80, s10;
	[sflag:s25] =	ssyncadd.s32 $0xFFFFFF00  }
0x81: {  	[tilespmem:s26], [sflag:$0x2] =	stream.indirect.gather [hbm4b:s4+s23], $0x80, s19, s23, $0xb8;
	[tilespmem:$0x1C400] =	vst v63  }
.LBB2_5:
0x82: {  	_ =	sfence.sel $0x180000  }
0x83: {  	[bflag:$0x0] =	sbarrier.arrive $0xFFFF  }
0x84: {  	_ =	strace $0x9000004D  }
0x85: {  	s0 =	stileid.u32;
	[bflag:$0x2] =	sbarrier.arrive $0xFFFF  }
0x86: {  	p0 =	sne.s32 s0, $0x0;
	s0 =	rddreg [dreg:$0x2]  }
0x87: {  	s0 =	sadd.s32 @!p0 $0x100000, s0  }
0x88: {  	[sflag:s0] =	ssyncadd.tile.s32 @!p0 $0x1;
	_ =	shalt  }
.Lfunc_end2:
_tile_overlayer_lowered:
.L_overlay_start_2:
0x89: {  	(tag) =	ssettag $0x2  }
0x8a: {  	s0 =	rddreg [dreg:$0x0];
	s2 =	stileid.u32  }
0x8b: {  	s1 =	rddreg [dreg:$0x1];
	p0 =	sne.s32 s2, $0x0  }
0x8c: {  	s3 =	rddreg [dreg:$0x2];
	[bflag:$0x3] =	sbarrier.arrive $0xFFFF;
	s2 =	simm.s32 @!p0 $0x1C09  }
0x8d: {  	[timem:s3], [sflag:s2] =	dma.local @!p0 [hbm:s0], s1  }
0x8e: {  	s0 =	simm.s32 @!p0 $0x9  }
0x8f: {  	_ =	swait.ge @!p0 [sflag:s0], s1  }
0x90: {  	s1 =	ssub.s32 @!p0 $0x0, s1;
	[sflag:s0] =	ssyncset.done @!p0 $0x0  }
0x91: {  	[sflag:s0] =	ssyncadd.s32 @!p0 s1  }
0x92: {  	[bflag:$0x3] =	sbarrier.arrive $0xFFFF  }
0x93: {  	_ =	shalt  }

// kernel: kernel.20.cloned.1.call-start
scs
__scs_entry_jumppad:
0x0: {  	(pc) =	sbr.rel $0x88, $3  }
0x1: {  	(tag) =	ssettag $0x0;
	lr =	simm.s32 $0x1  }
0x2: {  	[smem:$0x3F8A] =	sst lr;
	_ =	strace $0xD0000000  }
0x3: {  	_ = 	snop  }
0x4: {  	_ = 	snop  }
0x5: {  	_ = 	snop  }
0x6: {  	_ = 	snop  }
0x7: {  	_ = 	snop  }
__scs_overlays_trampoline_lowered:
0x8: {  	[smem:$0x3F99] =	sst s0  }
0x9: {  	[smem:$0x3F9A] =	sst s1  }
0xa: {  	[smem:$0x3F9B] =	sst s2  }
0xb: {  	[smem:$0x3F9C] =	sst s3  }
0xc: {  	[smem:$0x3F9D] =	sst s4  }
0xd: {  	[smem:$0x3F9E] =	sst s5  }
0xe: {  	[smem:$0x3F9F] =	sst s6  }
0xf: {  	[smem:$0x3FA0] =	sst s7  }
0x10: {  	[smem:$0x3FA1] =	sst s8  }
0x11: {  	[smem:$0x3FA2] =	sst s9;
	s0 =	simm.s32 @!p0 $0x0  }
0x12: {  	s1 =	sld [smem:$0x3F88];
	s0 =	simm.s32 @p0 $0x1  }
0x13: {  	[smem:$0x3FA3] =	sst s0;
	s0 =	simm.s32 @!p1 $0x0  }
0x14: {  	s2 =	sld [smem:$0x3F87];
	s0 =	simm.s32 @p1 $0x1  }
0x15: {  	[smem:$0x3FA4] =	sst s0;
	s0 =	simm.s32 @!p2 $0x0  }
0x16: {  	s3 =	sld [smem:$0x3FDB];
	s0 =	simm.s32 @p2 $0x1  }
0x17: {  	s4 =	simm.s32 $0x1BF5;
	[smem:$0x3FA6] =	sst s0  }
0x18: {  	s0 =	sld [smem:$0x3F89];
	_ =	swait.ge [sflag:s4], $0x0  }
0x19: {  	s7 =	sld [smem:$0x3F8A]  }
0x1a: {  	s8 =	sadd.s32 $0xFFFFE003, lr  }
0x1b: {  	s9 =	sadd.s32 $0xFFFFFEF7, lr;
	s5 =	simm.s32 $0xFFFFFFFF;
	p2 =	slt.u32 s8, $0xFFFFF086  }
0x1c: {  	p1 =	slt.u32 s9, $0xF7A;
	s5 =	simm.s32 @!p2 $0x0  }
0x1d: {  	s5 =	simm.s32 @p1 $0x1;
	p0 =	seq.s32 s7, s2  }
0x1e: {  	s7 =	smul.u32 @!p0 $0xF7A, s2;
	p2 =	seq.s32 @!p0 s5, $0x0  }
0x1f: {  	s9 =	smul.u32 $0xF7A, s1;
	s8 =	simm.s32 @!p0 $0x1BF5;
	p2 =	por !p2, p0  }
0x20: {  	[sflag:s8] =	ssyncset.s32 @!p0 $0xFFFFF086;
	s6 =	sadd.s32 @!p0 s3, s7;
	s7 =	simm.s32 @!p0 $0x108  }
0x21: {  	s3 =	sadd.s32 s3, s9;
	s6 =	sadd.s32 @!p0 $0x88, s6;
	s7 =	simm.s32 @p2 $0x1082  }
0x22: {  	[simem:s7], [sflag:s8] =	dma.local @!p0 [hbm:s6], $0xF7A  }
0x23: {  	s9 =	sor.u32 $0xD0000000, s2;
	s6 =	simm.s32 $0x108;
	_ =	swait.ge @!p0 [sflag:s8], $0x0  }
0x24: {  	s3 =	sadd.s32 $0x88, s3;
	s6 =	simm.s32 @!p1 $0x1082;
	[sflag:s4] =	ssyncset.s32 $0xFFFFF086  }
0x25: {  	[simem:s6], [sflag:s4] =	dma.local [hbm:s3], $0xF7A  }
0x26: {  	[smem:$0x3F8A] =	sst s1;
	(tag) =	ssettag s2;
	_ =	strace s9  }
0x27: {  	s1 =	sld [smem:$0x3F9A]  }
0x28: {  	s2 =	sld [smem:$0x3F9B]  }
0x29: {  	s4 =	sld [smem:$0x3F9D]  }
0x2a: {  	p0 =	seq.s32 s5, $0x0;
	s5 =	sld [smem:$0x3F9E]  }
0x2b: {  	s6 =	sld [smem:$0x3F9F]  }
0x2c: {  	s7 =	sld [smem:$0x3FA0]  }
0x2d: {  	s3 =	simm.s32 $0x108;
	s8 =	sld [smem:$0x3FA1]  }
0x2e: {  	s3 =	simm.s32 @!p0 $0x1082;
	s9 =	sld [smem:$0x3FA2]  }
0x2f: {  	lr =	sadd.s32 s0, s3;
	s0 =	sld [smem:$0x3F99]  }
0x30: {  	s3 =	sld [smem:$0x3F9C]  }
0x31: {  	[smem:$0x3FA5] =	sst s10  }
0x32: {  	s10 =	sld [smem:$0x3FA3];
	_ =	sdelay $0x3  }
0x33: {  	p0 =	seq.s32 s10, $0x1;
	s10 =	sld [smem:$0x3FA5];
	_ =	sdelay $0x3  }
0x34: {  	[smem:$0x3FA5] =	sst s10  }
0x35: {  	s10 =	sld [smem:$0x3FA4];
	_ =	sdelay $0x3  }
0x36: {  	p1 =	seq.s32 s10, $0x1;
	s10 =	sld [smem:$0x3FA5];
	_ =	sdelay $0x3  }
0x37: {  	[smem:$0x3FA5] =	sst s10  }
0x38: {  	s10 =	sld [smem:$0x3FA6]  }
0x39: {  	_ = 	snop;
	(pc) =	sbr.ind lr, $3  }
0x3a: {  	_ = 	snop  }
0x3b: {  	_ = 	snop  }
0x3c: {  	p2 =	seq.s32 s10, $0x1;
	s10 =	sld [smem:$0x3FA5]  }
0x3d: {  	_ =	shalt  }
0x3e: {  	_ =	shalt  }
0x3f: {  	_ =	shalt  }
0x40: {  	_ =	shalt  }
0x41: {  	_ =	shalt  }
0x42: {  	_ =	shalt  }
0x43: {  	_ =	shalt  }
0x44: {  	_ =	shalt  }
0x45: {  	_ =	shalt  }
0x46: {  	_ =	shalt  }
0x47: {  	_ =	shalt  }
0x48: {  	_ =	shalt  }
0x49: {  	_ =	shalt  }
0x4a: {  	_ =	shalt  }
0x4b: {  	_ =	shalt  }
0x4c: {  	_ =	shalt  }
0x4d: {  	_ =	shalt  }
0x4e: {  	_ =	shalt  }
0x4f: {  	_ =	shalt  }
0x50: {  	_ =	shalt  }
0x51: {  	_ =	shalt  }
0x52: {  	_ =	shalt  }
0x53: {  	_ =	shalt  }
0x54: {  	_ =	shalt  }
0x55: {  	_ =	shalt  }
0x56: {  	_ =	shalt  }
0x57: {  	_ =	shalt  }
0x58: {  	_ =	shalt  }
0x59: {  	_ =	shalt  }
0x5a: {  	_ =	shalt  }
0x5b: {  	_ =	shalt  }
0x5c: {  	_ =	shalt  }
0x5d: {  	_ =	shalt  }
0x5e: {  	_ =	shalt  }
0x5f: {  	_ =	shalt  }
0x60: {  	_ =	shalt  }
0x61: {  	_ =	shalt  }
0x62: {  	_ =	shalt  }
0x63: {  	_ =	shalt  }
0x64: {  	_ =	shalt  }
0x65: {  	_ =	shalt  }
0x66: {  	_ =	shalt  }
0x67: {  	_ =	shalt  }
0x68: {  	_ =	shalt  }
0x69: {  	_ =	shalt  }
0x6a: {  	_ =	shalt  }
0x6b: {  	_ =	shalt  }
0x6c: {  	_ =	shalt  }
0x6d: {  	_ =	shalt  }
0x6e: {  	_ =	shalt  }
0x6f: {  	_ =	shalt  }
0x70: {  	_ =	shalt  }
0x71: {  	_ =	shalt  }
0x72: {  	_ =	shalt  }
0x73: {  	_ =	shalt  }
0x74: {  	_ =	shalt  }
0x75: {  	_ =	shalt  }
0x76: {  	_ =	shalt  }
0x77: {  	_ =	shalt  }
0x78: {  	_ =	shalt  }
0x79: {  	_ =	shalt  }
0x7a: {  	_ =	shalt  }
0x7b: {  	_ =	shalt  }
0x7c: {  	_ =	shalt  }
0x7d: {  	_ =	shalt  }
0x7e: {  	_ =	shalt  }
0x7f: {  	_ =	shalt  }
0x80: {  	_ =	shalt  }
0x81: {  	_ =	shalt  }
0x82: {  	_ =	shalt  }
0x83: {  	_ =	shalt  }
0x84: {  	_ =	shalt  }
0x85: {  	_ =	shalt  }
0x86: {  	_ =	shalt  }
0x87: {  	_ =	shalt  }
.Lfunc_end0:
.L_simem_size_0:
called_computation.2_lowered:
.L_overlay_start_0:
0x88: {  	s2 =	sld [smem:$0x3FD9]  }
0x89: {  	s3 =	sld [smem:$0x3FFE];
	_ =	sdelay $0x1  }
0x8a: {  	s1 =	srdreg.scid  }
0x8b: {  	s0 =	sand.u32 $0x1, s1  }
0x8c: {  	s16 =	sshll.u32 s0, $0xA;
	s2 =	sadd.s32 s3, s2  }
0x8d: {  	s2 =	sadd.s32 s2, s16  }
0x8e: {  	[smem:$0x3FB1] =	sst s2  }
0x8f: {  	_ = 	snop  }
0x90: {  	(tm) =	ssettm $0x1  }
0x91: {  	s17 =	sld [smem:$0x3FFB];
	_ =	sdelay $0x3  }
0x92: {  	_ =	strace s17  }
0x93: {  	s2 =	sld [smem:$0x3FFC];
	_ =	sdelay $0x3  }
0x94: {  	_ =	strace s2  }
0x95: {  	s2 =	sld [smem:$0x3FFD];
	_ =	sdelay $0x3  }
0x96: {  	_ =	strace s2  }
0x97: {  	_ =	strace $0x8FFFFFFF  }
0x98: {  	s18 =	sld [smem:$0x3FDB];
	_ =	sdelay $0x1  }
0x99: {  	s19 =	simm.s32 $_scs_section_size  }
0x9a: {  	s4 =	simm.s32 $_size__tile_overlayer_lowered;
	s5 =	simm.s32 $_tile_overlayer_lowered  }
0x9b: {  	s22 =	simm.s32 $0x1BFF;
	s21 =	sshll.u32 s5, $0x1;
	s2 =	sadd.s32 s19, s18  }
0x9c: {  	s6 =	simm.s32 $0x0;
	s20 =	sshll.u32 s4, $0x1;
	s4 =	sadd.s32 s21, s2  }
0x9d: {  	[timem:s6], [sflag:s22] =	dma.local [hbm:s4], s20  }
0x9e: {  	_ =	swait.ge [sflag:s22], s20  }
0x9f: {  	s3 =	ssub.s32 $0x0, s20;
	[sflag:s22] =	ssyncset.done $0x0  }
0xa0: {  	[sflag:s22] =	ssyncadd.s32 s3;
	_ =	sdelay $0x1  }
0xa1: {  	s23 =	simm.s32 $0x1B8B  }
0xa2: {  	_ =	swait.ge [sflag:s23], $0x1  }
0xa3: {  	[sflag:s23] =	ssyncset.done $0x0  }
0xa4: {  	s25 =	simm.s32 $0x1B8E;
	s24 =	sld [smem:$0x3FFE];
	[sflag:s23] =	ssyncadd.s32 $0xFFFFFFFF  }
0xa5: {  	s26 =	simm.s32 $execute0_lowered;
	[smem:$0x3FD2] =	sst s25  }
0xa6: {  	s4 =	sshll.u32 s26, $0x1;
	_ =	strace $0x80000049;
	[dreg:$0x1] =	wrdreg $0xFFFFFFFF  }
0xa7: {  	s28 =	simm.s32 $_size_execute0_lowered;
	s2 =	sadd.s32 s2, s4;
	[dreg:$0x0] =	wrdreg $0x0  }
0xa8: {  	s4 =	sshll.u32 s28, $0x1;
	[dreg:$0x2] =	wrdreg s2  }
0xa9: {  	[dreg:$0x3] =	wrdreg s4  }
0xaa: {  	[dreg:$0x4] =	wrdreg $0xC0  }
0xab: {  	_ =	task [dreg:s6], $0x5FFFF  }
0xac: {  	[dreg:$0x1] =	wrdreg $0xFFFFFFFF  }
0xad: {  	[dreg:$0x0] =	wrdreg $0x60  }
0xae: {  	[dreg:$0x2] =	wrdreg s24  }
0xaf: {  	[dreg:$0x3] =	wrdreg $0x84000  }
0xb0: {  	[dreg:$0x4] =	wrdreg $0xA  }
0xb1: {  	_ =	task.clear_ibuf [dreg:s6], $0x5FFFF;
	_ =	strace $0x90000049  }
0xb2: {  	s29 =	simm.s32 $0xA;
	_ =	strace $0x8000004B  }
0xb3: {  	_ =	swait.ge [sflag:s29], $0x1  }
0xb4: {  	[sflag:s29] =	ssyncadd.s32 $0xFFFFFFFF  }
0xb5: {  	_ =	strace $0x9000004B  }
0xb6: {  	_ =	sfence  }
0xb7: {  	s30 =	sld [smem:$0x0];
	_ =	sdelay $0x2  }
0xb8: {  	s31 =	sshll.u32 s1, $0xD;
	s1 =	sshrl.u32 s1, $0x2  }
0xb9: {  	s3 =	sand.u32 $0x4000, s31;
	s1 =	sadd.s32 s1, s30  }
0xba: {  	s0 =	sor.u32 s3, s0;
	s1 =	sshll.u32 s1, $0x11  }
0xbb: {  	s0 =	sor.u32 s1, s0  }
0xbc: {  	s0 =	sadd.s32 $0x8F2B, s0  }
0xbd: {  	[sflag:s0] =	ssyncadd.remote.s32 $0x1  }
0xbe: {  	_ =	sfence.sel $0xFFFF  }
0xbf: {  	[dreg:$0x0] =	wrdreg $0xFFFFFFFF;
	(pc) =	sbr.abs _section_cstart, $3  }
0xc0: {  	[dreg:$0x1] =	wrdreg $0xFFFFFFFF  }
0xc1: {  	_ =	task.clear_ibuf [dreg:s6], $0x2FFFF;
	_ =	strace $0x9FFFFFFF  }
0xc2: {  	(tm) =	ssettm $0x7FFFFFFF  }
0xc3: {  	_ =	shalt  }
tec
execute0_lowered:
.L_overlay_start_1:
0x0: {  	(tag) =	ssettag $0x1  }
0x1: {  	s0 =	rddreg [dreg:$0x0]  }
0x2: {  	s1 =	rddreg [dreg:$0x1];
	s3 =	simm.s32 $0x0;
	s2 =	srdreg.scid  }
0x3: {  	s11 =	stileid.u32;
	s28 =	simm.s32 $0x1;
	s29 =	simm.s32 $0x80  }
0x4: {  	s30 =	simm.s32 $0x3;
	s31 =	simm.s32 $0x7;
	s6 =	smul.u32 $0x14000, s11  }
0x5: {  	[smem:$0x7FF] =	sst s3;
	s2 =	sand.u32 $0x1, s2;
	s15 =	smul.u32 $0x50000, s11  }
0x6: {  	s4 =	sadd.s32 $0x44E00, s0;
	s8 =	sadd.s32 $0x6600, s0;
	s17 =	smul.u32 $0x5000, s11  }
0x7: {  	s7 =	sadd.s32 $0x42600, s0;
	s18 =	sshll.u32 s11, $0x6;
	s5 =	smul.u32 $0x140000, s2  }
0x8: {  	_ =	strace $0x8000004A;
	[dreg:$0x3] =	wrdreg s7;
	s13 =	sshll.u32 s2, $0x4  }
0x9: {  	s9 =	ssub.s32 $0x2, s2;
	s2 =	smul.u32 $0x50000, s2;
	s14 =	sor.u32 s11, s13  }
0xa: {  	s16 =	sshrl.u32 s9, $0x1;
	s7 =	sshrl.u32 s15, $0x2;
	s5 =	sadd.s32 s6, s5  }
0xb: {  	s6 =	smul.u32 $0x5000, s14;
	s10 =	sadd.s32 s7, s1;
	s7 =	sor.u32 $0x1C09, s18  }
0xc: {  	s2 =	sadd.s32 s17, s2;
	s18 =	simm.s32 $0x9;
	s5 =	sshrl.u32 s5, $0x3  }
0xd: {  	s22 =	sor.u32 $0x700, s2;
	s24 =	sor.u32 $0x600, s2;
	s25 =	sor.u32 $0x500, s2  }
0xe: {  	s2 =	sor.u32 $0x400, s2;
	s10 =	sshrl.u32 s10, $0x3;
	s0 =	sadd.s32 s5, s0  }
0xf: {  	s5 =	ssub.s32 s9, s16;
	s19 =	sshrl.u32 s6, $0x3;
	s23 =	sshrl.u32 s22, $0x3  }
0x10: {  	s26 =	sshrl.u32 s25, $0x3;
	s2 =	sshrl.u32 s2, $0x3;
	s25 =	simm.s32 $0x6  }
0x11: {  	s9 =	simm.s32 $0x0;
	[dreg:$0xa] =	wrdreg s10;
	s6 =	sadd.s32 s8, s19  }
0x12: {  	s0 =	sadd.s32 $0x6CE00, s0;
	s5 =	smax.u32 s5, $0x1;
	s13 =	sadd.s32 s23, s8  }
0x13: {  	s15 =	sadd.s32 s26, s8;
	s16 =	sadd.s32 s2, s8;
	s19 =	simm.s32 $0x100  }
0x14: {  	s23 =	simm.s32 $0x7D;
	s26 =	simm.s32 $0x4400;
	[dreg:$0x4] =	wrdreg s6  }
0x15: {  	s2 =	simm.s32 $0x180;
	s20 =	sadd.s32 $0x20, s6;
	[dreg:$0x8] =	wrdreg s0  }
.Ltmp0:
0x16: {  	s21 =	sadd.s32 $0x40, s6;
	[dreg:$0x9] =	wrdreg s5;
	(pc) =	sbr.rel .LBB2_1-.Ltmp0, $4  }
0x17: {  	s6 =	sadd.s32 $0x60, s6;
	s0 =	sshrl.u32 s24, $0x3;
	[dreg:$0x5] =	wrdreg s20  }
0x18: {  	s24 =	simm.s32 $0x400;
	s5 =	simm.s32 $0x4;
	[dreg:$0x6] =	wrdreg s21  }
0x19: {  	[dreg:$0x7] =	wrdreg s6;
	s14 =	sadd.s32 s0, s8;
	s20 =	simm.s32 $0x200  }
0x1a: {  	s21 =	simm.s32 $0x300;
	s0 =	simm.s32 $0x2;
	s8 =	simm.s32 $0x380  }
.LBB2_4:
0x1b: {  	_ =	swait.ge [sflag:s30], $0x3E80  }
0x1c: {  	[sflag:s30] =	ssyncset.done $0x0  }
0x1d: {  	[sflag:s30] =	ssyncadd.s32 $0xFFFFC180  }
0x1e: {  	_ =	swait.ge [sflag:s5], $0x3E80  }
0x1f: {  	[sflag:s5] =	ssyncset.done $0x0  }
0x20: {  	[sflag:s5] =	ssyncadd.s32 $0xFFFFC180  }
0x21: {  	[bflag:$0x0] =	sbarrier.arrive $0xFFFF  }
0x22: {  	s6 =	rddreg [dreg:$0x8]  }
0x23: {  	s10 =	rddreg [dreg:$0xa]  }
0x24: {  	[hbm:s6], [sflag:s17] =	dma.local [spmem:s10], $0x2800  }
0x25: {  	_ =	swait.ge [sflag:s18], $0x2800  }
0x26: {  	s9 =	sadd.s32 $0x1, s9;
	s22 =	rddreg [dreg:$0x9]  }
0x27: {  	p0 =	sne.s32 s9, s22  }
.Ltmp1:
0x28: {  	_ = 	snop;
	(pc) =	sbr.rel @!p0 .LBB2_5-.Ltmp1, $3  }
0x29: {  	_ =	sdelay $0x1  }
0x2a: {  	[sflag:s18] =	ssyncset.done $0x0  }
0x2b: {  	s7 =	smov.u32 s17;
	[sflag:s18] =	ssyncadd.s32 $0xFFFFD800  }
.LBB2_1:
0x2c: {  	s6 =	rddreg [dreg:$0x3]  }
0x2d: {  	[spmem:s10], [sflag:s7] =	dma.local [hbm:s6], $0x2800  }
0x2e: {  	_ =	swait.ge [sflag:s18], $0x2800  }
0x2f: {  	[sflag:s18] =	ssyncset.done $0x0  }
0x30: {  	[sflag:s18] =	ssyncadd.s32 $0xFFFFD800  }
0x31: {  	[bflag:$0x0] =	sbarrier.arrive $0xFFFF  }
0x32: {  	s17 =	smov.u32 s7;
	s7 =	rddreg [dreg:$0x4]  }
0x33: {  	[tilespmem:s3], [sflag:$0x5] =	stream.linear.gather [hbm4b:s7+s3], $0x100, $0x38;
	[tilespmem:$0x1C400] =	vst v63  }
0x34: {  	s10 =	rddreg [dreg:$0x5]  }
0x35: {  	[tilespmem:s19], [sflag:$0x6] =	stream.linear.gather [hbm4b:s10+s3], $0x100, $0x38;
	[tilespmem:$0x1C400] =	vst v63  }
0x36: {  	s11 =	rddreg [dreg:$0x6]  }
0x37: {  	[tilespmem:s20], [sflag:$0x7] =	stream.linear.gather [hbm4b:s11+s3], $0x100, $0x38;
	[tilespmem:$0x1C400] =	vst v63  }
0x38: {  	s22 =	simm.s32 $0x5;
	s12 =	rddreg [dreg:$0x7]  }
0x39: {  	[tilespmem:s21], [sflag:$0x8] =	stream.linear.gather [hbm4b:s12+s3], $0x100, $0x38;
	[tilespmem:$0x1C400] =	vst v63  }
0x3a: {  	_ =	swait.ge [sflag:s22], $0x100  }
0x3b: {  	[sflag:s22] =	ssyncset.done $0x0  }
0x3c: {  	[sflag:s22] =	ssyncadd.s32 $0xFFFFFF00  }
0x3d: {  	[tilespmem:s24], [sflag:$0x1] =	stream.indirect.gather [hbm4b:s4+s23], $0x80, s3, s23, $0xb8;
	[tilespmem:$0x1C400] =	vst v63  }
0x3e: {  	_ =	swait.ge [sflag:s25], $0x100  }
0x3f: {  	[sflag:s25] =	ssyncset.done $0x0  }
0x40: {  	s10 =	simm.s32 $0x0;
	[sflag:s25] =	ssyncadd.s32 $0xFFFFFF00  }
0x41: {  	[tilespmem:s26], [sflag:$0x2] =	stream.indirect.gather [hbm4b:s4+s23], $0x80, s19, s23, $0xb8;
	[tilespmem:$0x1C400] =	vst v63  }
.LBB2_2:
0x42: {  	_ =	swait.ge [sflag:s28], $0x3E80  }
0x43: {  	[sflag:s28] =	ssyncset.done $0x0  }
0x44: {  	[sflag:s28] =	ssyncadd.s32 $0xFFFFC180  }
0x45: {  	[spmem:s1] =	stream.indirect.scatter.add.f32 [tilespmem:s24], [sflag:$0x3], $0x80, s29, s23, $0xb8;
	[tilespmem:$0x1C400] =	vst v63  }
0x46: {  	_ =	swait.ge [sflag:s30], $0x3E80  }
0x47: {  	p0 =	seq.s32 s10, $0x980;
	[sflag:s30] =	ssyncset.done $0x0  }
0x48: {  	s11 =	sadd.s32 @!p0 s10, s16;
	s12 =	simm.s32 @!p0 $0x0;
	[sflag:s30] =	ssyncadd.s32 $0xFFFFC180  }
0x49: {  	[tilespmem:s12], [sflag:$0x5] =	stream.linear.gather @!p0 [hbm4b:s11+s12], $0x100, $0x38;
	[tilespmem:$0x1C400] =	vst v63  }
0x4a: {  	_ =	swait.ge [sflag:s31], $0x100  }
0x4b: {  	[sflag:s31] =	ssyncset.done $0x0  }
0x4c: {  	[sflag:s31] =	ssyncadd.s32 $0xFFFFFF00  }
0x4d: {  	[tilespmem:s24], [sflag:$0x1] =	stream.indirect.gather [hbm4b:s4+s23], $0x80, s20, s23, $0xb8;
	[tilespmem:$0x1C400] =	vst v63  }
0x4e: {  	_ =	swait.ge [sflag:s0], $0x3E80  }
0x4f: {  	[sflag:s0] =	ssyncset.done $0x0  }
0x50: {  	[sflag:s0] =	ssyncadd.s32 $0xFFFFC180  }
0x51: {  	[spmem:s1] =	stream.indirect.scatter.add.f32 [tilespmem:s26], [sflag:$0x4], $0x80, s2, s23, $0xb8;
	[tilespmem:$0x1C400] =	vst v63  }
0x52: {  	_ =	swait.ge [sflag:s5], $0x3E80  }
0x53: {  	[sflag:s5] =	ssyncset.done $0x0  }
0x54: {  	s11 =	simm.s32 @p0 $0x8;
	[sflag:s5] =	ssyncadd.s32 $0xFFFFC180  }
0x55: {  	_ =	swait.ge @p0 [sflag:s11], $0x100  }
0x56: {  	s7 =	simm.s32 @p0 $0x300;
	[sflag:s11] =	ssyncset.done @p0 $0x0  }
0x57: {  	s22 =	simm.s32 @p0 $0x4400;
	[sflag:s11] =	ssyncadd.s32 @p0 $0xFFFFFF00;
	s11 =	simm.s32 @p0 $0x7D  }
0x58: {  	[tilespmem:s22], [sflag:$0x2] =	stream.indirect.gather @p0 [hbm4b:s4+s11], $0x80, s7, s11, $0xb8;
	[tilespmem:$0x1C400] =	vst v63  }
0x59: {  	s7 =	simm.s32 @p0 $0x1  }
0x5a: {  	_ =	swait.ge @p0 [sflag:s7], $0x3E80  }
0x5b: {  	[sflag:s7] =	ssyncset.done @p0 $0x0  }
0x5c: {  	s22 =	simm.s32 @p0 $0x400;
	[sflag:s7] =	ssyncadd.s32 @p0 $0xFFFFC180;
	s7 =	simm.s32 @p0 $0x280  }
0x5d: {  	[spmem:s1] =	stream.indirect.scatter.add.f32 @p0 [tilespmem:s22], [sflag:$0x3], $0x80, s7, s11, $0xb8;
	[tilespmem:$0x1C400] =	vst v63  }
0x5e: {  	s7 =	sadd.s32 @!p0 s10, s15;
	s11 =	simm.s32 @!p0 $0x100  }
0x5f: {  	[tilespmem:s11], [sflag:$0x6] =	stream.linear.gather @!p0 [hbm4b:s7+s12], $0x100, $0x38;
	[tilespmem:$0x1C400] =	vst v63  }
0x60: {  	s7 =	simm.s32 @!p0 $0x8  }
0x61: {  	_ =	swait.ge @!p0 [sflag:s7], $0x100  }
0x62: {  	s22 =	simm.s32 @!p0 $0x4400;
	[sflag:s7] =	ssyncset.done @!p0 $0x0  }
0x63: {  	s11 =	simm.s32 @!p0 $0x300;
	[sflag:s7] =	ssyncadd.s32 @!p0 $0xFFFFFF00;
	s7 =	simm.s32 @!p0 $0x7D  }
0x64: {  	[tilespmem:s22], [sflag:$0x2] =	stream.indirect.gather @!p0 [hbm4b:s4+s7], $0x80, s11, s7, $0xb8;
	[tilespmem:$0x1C400] =	vst v63  }
0x65: {  	s11 =	simm.s32 @!p0 $0x1  }
0x66: {  	_ =	swait.ge @!p0 [sflag:s11], $0x3E80  }
0x67: {  	[sflag:s11] =	ssyncset.done @!p0 $0x0  }
0x68: {  	s22 =	simm.s32 @!p0 $0x400;
	[sflag:s11] =	ssyncadd.s32 @!p0 $0xFFFFC180;
	s11 =	simm.s32 @!p0 $0x280  }
0x69: {  	[spmem:s1] =	stream.indirect.scatter.add.f32 @!p0 [tilespmem:s22], [sflag:$0x3], $0x80, s11, s7, $0xb8;
	[tilespmem:$0x1C400] =	vst v63  }
0x6a: {  	s11 =	simm.s32 @!p0 $0x3  }
0x6b: {  	_ =	swait.ge @!p0 [sflag:s11], $0x3E80  }
0x6c: {  	[sflag:s11] =	ssyncset.done @!p0 $0x0  }
0x6d: {  	s6 =	simm.s32 @!p0 $0x200;
	[sflag:s11] =	ssyncadd.s32 @!p0 $0xFFFFC180;
	s11 =	sadd.s32 @!p0 s10, s14  }
0x6e: {  	[tilespmem:s6], [sflag:$0x7] =	stream.linear.gather @!p0 [hbm4b:s11+s12], $0x100, $0x38;
	[tilespmem:$0x1C400] =	vst v63  }
0x6f: {  	s6 =	simm.s32 @!p0 $0x5  }
0x70: {  	_ =	swait.ge @!p0 [sflag:s6], $0x100  }
0x71: {  	[sflag:s6] =	ssyncset.done @!p0 $0x0  }
0x72: {  	[sflag:s6] =	ssyncadd.s32 @!p0 $0xFFFFFF00  }
0x73: {  	[tilespmem:s22], [sflag:$0x1] =	stream.indirect.gather @!p0 [hbm4b:s4+s7], $0x80, s12, s7, $0xb8;
	[tilespmem:$0x1C400] =	vst v63  }
.Ltmp2:
0x74: {  	_ = 	snop;
	(pc) =	sbr.rel @p0 .LBB2_4-.Ltmp2, $4  }
0x75: {  	_ =	swait.ge [sflag:s0], $0x3E80  }
0x76: {  	[sflag:s0] =	ssyncset.done $0x0  }
0x77: {  	[sflag:s0] =	ssyncadd.s32 $0xFFFFC180  }
0x78: {  	[spmem:s1] =	stream.indirect.scatter.add.f32 [tilespmem:s26], [sflag:$0x4], $0x80, s8, s23, $0xb8;
	[tilespmem:$0x1C400] =	vst v63  }
0x79: {  	_ =	swait.ge [sflag:s5], $0x3E80  }
0x7a: {  	[sflag:s5] =	ssyncset.done $0x0  }
0x7b: {  	s6 =	sadd.s32 s10, s13;
	[sflag:s5] =	ssyncadd.s32 $0xFFFFC180  }
0x7c: {  	[tilespmem:s21], [sflag:$0x8] =	stream.linear.gather [hbm4b:s6+s3], $0x100, $0x38;
	[tilespmem:$0x1C400] =	vst v63  }
.Ltmp3:
0x7d: {  	_ = 	snop;
	(pc) =	sbr.rel .LBB2_2-.Ltmp3, $4  }
0x7e: {  	_ =	swait.ge [sflag:s25], $0x100  }
0x7f: {  	[sflag:s25] =	ssyncset.done $0x0  }
0x80: {  	s10 =	sadd.s32 $0x80, s10;
	[sflag:s25] =	ssyncadd.s32 $0xFFFFFF00  }
0x81: {  	[tilespmem:s26], [sflag:$0x2] =	stream.indirect.gather [hbm4b:s4+s23], $0x80, s19, s23, $0xb8;
	[tilespmem:$0x1C400] =	vst v63  }
.LBB2_5:
0x82: {  	_ =	sfence.sel $0x180000  }
0x83: {  	[bflag:$0x0] =	sbarrier.arrive $0xFFFF  }
0x84: {  	_ =	strace $0x9000004A  }
0x85: {  	s0 =	stileid.u32;
	[bflag:$0x2] =	sbarrier.arrive $0xFFFF  }
0x86: {  	p0 =	sne.s32 s0, $0x0;
	s0 =	rddreg [dreg:$0x2]  }
0x87: {  	s0 =	sadd.s32 @!p0 $0x100000, s0  }
0x88: {  	[sflag:s0] =	ssyncadd.tile.s32 @!p0 $0x1;
	_ =	shalt  }
.Lfunc_end2:
_tile_overlayer_lowered:
.L_overlay_start_2:
0x89: {  	(tag) =	ssettag $0x2  }
0x8a: {  	s0 =	rddreg [dreg:$0x0];
	s2 =	stileid.u32  }
0x8b: {  	s1 =	rddreg [dreg:$0x1];
	p0 =	sne.s32 s2, $0x0  }
0x8c: {  	s3 =	rddreg [dreg:$0x2];
	[bflag:$0x3] =	sbarrier.arrive $0xFFFF;
	s2 =	simm.s32 @!p0 $0x1C09  }
0x8d: {  	[timem:s3], [sflag:s2] =	dma.local @!p0 [hbm:s0], s1  }
0x8e: {  	s0 =	simm.s32 @!p0 $0x9  }
0x8f: {  	_ =	swait.ge @!p0 [sflag:s0], s1  }
0x90: {  	s1 =	ssub.s32 @!p0 $0x0, s1;
	[sflag:s0] =	ssyncset.done @!p0 $0x0  }
0x91: {  	[sflag:s0] =	ssyncadd.s32 @!p0 s1  }
0x92: {  	[bflag:$0x3] =	sbarrier.arrive $0xFFFF  }
0x93: {  	_ =	shalt  }

// kernel: kernel.23.cloned.1.call-start
scs
__scs_entry_jumppad:
0x0: {  	(pc) =	sbr.rel $0x88, $3  }
0x1: {  	(tag) =	ssettag $0x0;
	lr =	simm.s32 $0x1  }
0x2: {  	[smem:$0x3F8A] =	sst lr;
	_ =	strace $0xD0000000  }
0x3: {  	_ = 	snop  }
0x4: {  	_ = 	snop  }
0x5: {  	_ = 	snop  }
0x6: {  	_ = 	snop  }
0x7: {  	_ = 	snop  }
__scs_overlays_trampoline_lowered:
0x8: {  	[smem:$0x3F99] =	sst s0  }
0x9: {  	[smem:$0x3F9A] =	sst s1  }
0xa: {  	[smem:$0x3F9B] =	sst s2  }
0xb: {  	[smem:$0x3F9C] =	sst s3  }
0xc: {  	[smem:$0x3F9D] =	sst s4  }
0xd: {  	[smem:$0x3F9E] =	sst s5  }
0xe: {  	[smem:$0x3F9F] =	sst s6  }
0xf: {  	[smem:$0x3FA0] =	sst s7  }
0x10: {  	[smem:$0x3FA1] =	sst s8  }
0x11: {  	[smem:$0x3FA2] =	sst s9;
	s0 =	simm.s32 @!p0 $0x0  }
0x12: {  	s1 =	sld [smem:$0x3F88];
	s0 =	simm.s32 @p0 $0x1  }
0x13: {  	[smem:$0x3FA3] =	sst s0;
	s0 =	simm.s32 @!p1 $0x0  }
0x14: {  	s2 =	sld [smem:$0x3F87];
	s0 =	simm.s32 @p1 $0x1  }
0x15: {  	[smem:$0x3FA4] =	sst s0;
	s0 =	simm.s32 @!p2 $0x0  }
0x16: {  	s3 =	sld [smem:$0x3FDB];
	s0 =	simm.s32 @p2 $0x1  }
0x17: {  	s4 =	simm.s32 $0x1BF5;
	[smem:$0x3FA6] =	sst s0  }
0x18: {  	s0 =	sld [smem:$0x3F89];
	_ =	swait.ge [sflag:s4], $0x0  }
0x19: {  	s7 =	sld [smem:$0x3F8A]  }
0x1a: {  	s8 =	sadd.s32 $0xFFFFE003, lr  }
0x1b: {  	s9 =	sadd.s32 $0xFFFFFEF7, lr;
	s5 =	simm.s32 $0xFFFFFFFF;
	p2 =	slt.u32 s8, $0xFFFFF086  }
0x1c: {  	p1 =	slt.u32 s9, $0xF7A;
	s5 =	simm.s32 @!p2 $0x0  }
0x1d: {  	s5 =	simm.s32 @p1 $0x1;
	p0 =	seq.s32 s7, s2  }
0x1e: {  	s7 =	smul.u32 @!p0 $0xF7A, s2;
	p2 =	seq.s32 @!p0 s5, $0x0  }
0x1f: {  	s9 =	smul.u32 $0xF7A, s1;
	s8 =	simm.s32 @!p0 $0x1BF5;
	p2 =	por !p2, p0  }
0x20: {  	[sflag:s8] =	ssyncset.s32 @!p0 $0xFFFFF086;
	s6 =	sadd.s32 @!p0 s3, s7;
	s7 =	simm.s32 @!p0 $0x108  }
0x21: {  	s3 =	sadd.s32 s3, s9;
	s6 =	sadd.s32 @!p0 $0x88, s6;
	s7 =	simm.s32 @p2 $0x1082  }
0x22: {  	[simem:s7], [sflag:s8] =	dma.local @!p0 [hbm:s6], $0xF7A  }
0x23: {  	s9 =	sor.u32 $0xD0000000, s2;
	s6 =	simm.s32 $0x108;
	_ =	swait.ge @!p0 [sflag:s8], $0x0  }
0x24: {  	s3 =	sadd.s32 $0x88, s3;
	s6 =	simm.s32 @!p1 $0x1082;
	[sflag:s4] =	ssyncset.s32 $0xFFFFF086  }
0x25: {  	[simem:s6], [sflag:s4] =	dma.local [hbm:s3], $0xF7A  }
0x26: {  	[smem:$0x3F8A] =	sst s1;
	(tag) =	ssettag s2;
	_ =	strace s9  }
0x27: {  	s1 =	sld [smem:$0x3F9A]  }
0x28: {  	s2 =	sld [smem:$0x3F9B]  }
0x29: {  	s4 =	sld [smem:$0x3F9D]  }
0x2a: {  	p0 =	seq.s32 s5, $0x0;
	s5 =	sld [smem:$0x3F9E]  }
0x2b: {  	s6 =	sld [smem:$0x3F9F]  }
0x2c: {  	s7 =	sld [smem:$0x3FA0]  }
0x2d: {  	s3 =	simm.s32 $0x108;
	s8 =	sld [smem:$0x3FA1]  }
0x2e: {  	s3 =	simm.s32 @!p0 $0x1082;
	s9 =	sld [smem:$0x3FA2]  }
0x2f: {  	lr =	sadd.s32 s0, s3;
	s0 =	sld [smem:$0x3F99]  }
0x30: {  	s3 =	sld [smem:$0x3F9C]  }
0x31: {  	[smem:$0x3FA5] =	sst s10  }
0x32: {  	s10 =	sld [smem:$0x3FA3];
	_ =	sdelay $0x3  }
0x33: {  	p0 =	seq.s32 s10, $0x1;
	s10 =	sld [smem:$0x3FA5];
	_ =	sdelay $0x3  }
0x34: {  	[smem:$0x3FA5] =	sst s10  }
0x35: {  	s10 =	sld [smem:$0x3FA4];
	_ =	sdelay $0x3  }
0x36: {  	p1 =	seq.s32 s10, $0x1;
	s10 =	sld [smem:$0x3FA5];
	_ =	sdelay $0x3  }
0x37: {  	[smem:$0x3FA5] =	sst s10  }
0x38: {  	s10 =	sld [smem:$0x3FA6]  }
0x39: {  	_ = 	snop;
	(pc) =	sbr.ind lr, $3  }
0x3a: {  	_ = 	snop  }
0x3b: {  	_ = 	snop  }
0x3c: {  	p2 =	seq.s32 s10, $0x1;
	s10 =	sld [smem:$0x3FA5]  }
0x3d: {  	_ =	shalt  }
0x3e: {  	_ =	shalt  }
0x3f: {  	_ =	shalt  }
0x40: {  	_ =	shalt  }
0x41: {  	_ =	shalt  }
0x42: {  	_ =	shalt  }
0x43: {  	_ =	shalt  }
0x44: {  	_ =	shalt  }
0x45: {  	_ =	shalt  }
0x46: {  	_ =	shalt  }
0x47: {  	_ =	shalt  }
0x48: {  	_ =	shalt  }
0x49: {  	_ =	shalt  }
0x4a: {  	_ =	shalt  }
0x4b: {  	_ =	shalt  }
0x4c: {  	_ =	shalt  }
0x4d: {  	_ =	shalt  }
0x4e: {  	_ =	shalt  }
0x4f: {  	_ =	shalt  }
0x50: {  	_ =	shalt  }
0x51: {  	_ =	shalt  }
0x52: {  	_ =	shalt  }
0x53: {  	_ =	shalt  }
0x54: {  	_ =	shalt  }
0x55: {  	_ =	shalt  }
0x56: {  	_ =	shalt  }
0x57: {  	_ =	shalt  }
0x58: {  	_ =	shalt  }
0x59: {  	_ =	shalt  }
0x5a: {  	_ =	shalt  }
0x5b: {  	_ =	shalt  }
0x5c: {  	_ =	shalt  }
0x5d: {  	_ =	shalt  }
0x5e: {  	_ =	shalt  }
0x5f: {  	_ =	shalt  }
0x60: {  	_ =	shalt  }
0x61: {  	_ =	shalt  }
0x62: {  	_ =	shalt  }
0x63: {  	_ =	shalt  }
0x64: {  	_ =	shalt  }
0x65: {  	_ =	shalt  }
0x66: {  	_ =	shalt  }
0x67: {  	_ =	shalt  }
0x68: {  	_ =	shalt  }
0x69: {  	_ =	shalt  }
0x6a: {  	_ =	shalt  }
0x6b: {  	_ =	shalt  }
0x6c: {  	_ =	shalt  }
0x6d: {  	_ =	shalt  }
0x6e: {  	_ =	shalt  }
0x6f: {  	_ =	shalt  }
0x70: {  	_ =	shalt  }
0x71: {  	_ =	shalt  }
0x72: {  	_ =	shalt  }
0x73: {  	_ =	shalt  }
0x74: {  	_ =	shalt  }
0x75: {  	_ =	shalt  }
0x76: {  	_ =	shalt  }
0x77: {  	_ =	shalt  }
0x78: {  	_ =	shalt  }
0x79: {  	_ =	shalt  }
0x7a: {  	_ =	shalt  }
0x7b: {  	_ =	shalt  }
0x7c: {  	_ =	shalt  }
0x7d: {  	_ =	shalt  }
0x7e: {  	_ =	shalt  }
0x7f: {  	_ =	shalt  }
0x80: {  	_ =	shalt  }
0x81: {  	_ =	shalt  }
0x82: {  	_ =	shalt  }
0x83: {  	_ =	shalt  }
0x84: {  	_ =	shalt  }
0x85: {  	_ =	shalt  }
0x86: {  	_ =	shalt  }
0x87: {  	_ =	shalt  }
.Lfunc_end0:
.L_simem_size_0:
called_computation.3_lowered:
.L_overlay_start_0:
0x88: {  	s2 =	sld [smem:$0x3FD9]  }
0x89: {  	s3 =	sld [smem:$0x3FFE];
	_ =	sdelay $0x1  }
0x8a: {  	s1 =	srdreg.scid  }
0x8b: {  	s0 =	sand.u32 $0x1, s1  }
0x8c: {  	s17 =	sshll.u32 s0, $0xA;
	s2 =	sadd.s32 s3, s2  }
0x8d: {  	s2 =	sadd.s32 s2, s17  }
0x8e: {  	[smem:$0x3FB1] =	sst s2  }
0x8f: {  	_ = 	snop  }
0x90: {  	(tm) =	ssettm $0x1  }
0x91: {  	s18 =	sld [smem:$0x3FFB];
	_ =	sdelay $0x3  }
0x92: {  	_ =	strace s18  }
0x93: {  	s2 =	sld [smem:$0x3FFC];
	_ =	sdelay $0x3  }
0x94: {  	_ =	strace s2  }
0x95: {  	s2 =	sld [smem:$0x3FFD];
	_ =	sdelay $0x3  }
0x96: {  	_ =	strace s2  }
0x97: {  	_ =	strace $0x8FFFFFFF  }
0x98: {  	s19 =	sld [smem:$0x3FDB];
	_ =	sdelay $0x1  }
0x99: {  	s20 =	simm.s32 $_scs_section_size  }
0x9a: {  	s4 =	simm.s32 $_size__tile_overlayer_lowered;
	s5 =	simm.s32 $_tile_overlayer_lowered  }
0x9b: {  	s6 =	simm.s32 $0x1BFF;
	s21 =	sshll.u32 s5, $0x1;
	s3 =	sadd.s32 s20, s19  }
0x9c: {  	s22 =	simm.s32 $0x0;
	s4 =	sshll.u32 s4, $0x1;
	s5 =	sadd.s32 s21, s3  }
0x9d: {  	[timem:s22], [sflag:s6] =	dma.local [hbm:s5], s4  }
0x9e: {  	_ =	swait.ge [sflag:s6], s4  }
0x9f: {  	s4 =	ssub.s32 $0x0, s4;
	[sflag:s6] =	ssyncset.done $0x0  }
0xa0: {  	[sflag:s6] =	ssyncadd.s32 s4;
	_ =	sdelay $0x1  }
0xa1: {  	s23 =	simm.s32 $0x1B8B  }
0xa2: {  	_ =	swait.ge [sflag:s23], $0x1  }
0xa3: {  	[sflag:s23] =	ssyncset.done $0x0  }
0xa4: {  	[sflag:s23] =	ssyncadd.s32 $0xFFFFFFFF  }
0xa5: {  	s4 =	sld [smem:$0x0]  }
0xa6: {  	s5 =	sand.u32 $0xFFFFFFFE, s1  }
0xa7: {  	p0 =	sne.s32 s1, s5  }
0xa8: {  	s5 =	sshll.u32 @p0 s5, $0xE  }
0xa9: {  	s5 =	sadd.s32 @p0 $0x11B8D, s5;
	s6 =	sshll.u32 @p0 s4, $0x11  }
0xaa: {  	s5 =	sor.u32 @p0 s6, s5  }
0xab: {  	[sflag:s5] =	ssyncadd.remote.s32 @p0 $0x1;
	_ =	sdelay $0x1  }
0xac: {  	s5 =	simm.s32 @p0 $0x1B8D  }
0xad: {  	_ =	swait.eq @p0 [sflag:s5], $0x1  }
0xae: {  	[sflag:s5] =	ssyncadd.s32 @p0 $0xFFFFFFFF  }
0xaf: {  	s6 =	sshll.u32 @!p0 s1, $0xE  }
0xb0: {  	s6 =	sor.u32 @!p0 $0x4000, s6;
	s5 =	simm.s32 @!p0 $0x1B8D  }
0xb1: {  	s4 =	sshll.u32 @!p0 s4, $0x11;
	s6 =	sadd.s32 @!p0 $0x11B8D, s6;
	_ =	swait.eq @!p0 [sflag:s5], $0x1  }
0xb2: {  	s4 =	sor.u32 @!p0 s4, s6;
	[sflag:s5] =	ssyncadd.s32 @!p0 $0xFFFFFFFF  }
0xb3: {  	s25 =	simm.s32 $0x1B8E;
	s24 =	sld [smem:$0x3FFE];
	[sflag:s4] =	ssyncadd.remote.s32 @!p0 $0x1  }
0xb4: {  	s26 =	simm.s32 $execute0_lowered;
	[smem:$0x3FD2] =	sst s25  }
0xb5: {  	s5 =	sshll.u32 s26, $0x1;
	_ =	strace $0x8000004F;
	[dreg:$0x1] =	wrdreg $0xFFFFFFFF  }
0xb6: {  	s28 =	simm.s32 $_size_execute0_lowered;
	s3 =	sadd.s32 s3, s5;
	[dreg:$0x0] =	wrdreg $0x0  }
0xb7: {  	s5 =	sshll.u32 s28, $0x1;
	[dreg:$0x2] =	wrdreg s3  }
0xb8: {  	[dreg:$0x3] =	wrdreg s5  }
0xb9: {  	[dreg:$0x4] =	wrdreg $0xC0  }
0xba: {  	_ =	task [dreg:s22], $0x5FFFF  }
0xbb: {  	[dreg:$0x1] =	wrdreg $0xFFFFFFFF  }
0xbc: {  	[dreg:$0x0] =	wrdreg $0x60  }
0xbd: {  	[dreg:$0x2] =	wrdreg s24  }
0xbe: {  	[dreg:$0x3] =	wrdreg $0x84000  }
0xbf: {  	[dreg:$0x4] =	wrdreg $0xA  }
0xc0: {  	_ =	task.clear_ibuf [dreg:s22], $0x5FFFF;
	_ =	strace $0x9000004F  }
0xc1: {  	s29 =	simm.s32 $0xA;
	_ =	strace $0x80000051  }
0xc2: {  	_ =	swait.ge [sflag:s29], $0x1  }
0xc3: {  	[sflag:s29] =	ssyncadd.s32 $0xFFFFFFFF  }
0xc4: {  	_ =	strace $0x90000051  }
0xc5: {  	_ =	sfence  }
0xc6: {  	s30 =	sld [smem:$0x0];
	_ =	sdelay $0x2  }
0xc7: {  	s31 =	sshll.u32 s1, $0xD;
	s1 =	sshrl.u32 s1, $0x2  }
0xc8: {  	s4 =	sand.u32 $0x4000, s31;
	s1 =	sadd.s32 s1, s30  }
0xc9: {  	s0 =	sor.u32 s4, s0;
	s1 =	sshll.u32 s1, $0x11  }
0xca: {  	s0 =	sor.u32 s1, s0  }
0xcb: {  	s0 =	sadd.s32 $0x8F2B, s0  }
0xcc: {  	[sflag:s0] =	ssyncadd.remote.s32 $0x1  }
0xcd: {  	_ =	sfence.sel $0xFFFF  }
0xce: {  	[dreg:$0x0] =	wrdreg $0xFFFFFFFF;
	(pc) =	sbr.abs _section_cstart, $3  }
0xcf: {  	[dreg:$0x1] =	wrdreg $0xFFFFFFFF  }
0xd0: {  	_ =	task.clear_ibuf [dreg:s22], $0x2FFFF;
	_ =	strace $0x9FFFFFFF  }
0xd1: {  	(tm) =	ssettm $0x7FFFFFFF  }
tec
execute0_lowered:
.L_overlay_start_1:
0x0: {  	(tag) =	ssettag $0x1  }
0x1: {  	s0 =	rddreg [dreg:$0x0]  }
0x2: {  	s1 =	rddreg [dreg:$0x1];
	s3 =	simm.s32 $0x0;
	s2 =	srdreg.scid  }
0x3: {  	s11 =	stileid.u32;
	s28 =	simm.s32 $0x1;
	s29 =	simm.s32 $0x80  }
0x4: {  	s30 =	simm.s32 $0x3;
	s31 =	simm.s32 $0x7;
	s6 =	smul.u32 $0x14000, s11  }
0x5: {  	[smem:$0x7FF] =	sst s3;
	s2 =	sand.u32 $0x1, s2;
	s15 =	smul.u32 $0x50000, s11  }
0x6: {  	s4 =	sadd.s32 $0x44E00, s0;
	s8 =	sadd.s32 $0x6600, s0;
	s17 =	smul.u32 $0x5000, s11  }
0x7: {  	s7 =	sadd.s32 $0x42600, s0;
	s18 =	sshll.u32 s11, $0x6;
	s5 =	smul.u32 $0x140000, s2  }
0x8: {  	_ =	strace $0x80000050;
	[dreg:$0x3] =	wrdreg s7;
	s13 =	sshll.u32 s2, $0x4  }
0x9: {  	s9 =	ssub.s32 $0x2, s2;
	s2 =	smul.u32 $0x50000, s2;
	s14 =	sor.u32 s11, s13  }
0xa: {  	s16 =	sshrl.u32 s9, $0x1;
	s7 =	sshrl.u32 s15, $0x2;
	s5 =	sadd.s32 s6, s5  }
0xb: {  	s6 =	smul.u32 $0x5000, s14;
	s10 =	sadd.s32 s7, s1;
	s7 =	sor.u32 $0x1C09, s18  }
0xc: {  	s2 =	sadd.s32 s17, s2;
	s18 =	simm.s32 $0x9;
	s5 =	sshrl.u32 s5, $0x3  }
0xd: {  	s22 =	sor.u32 $0x700, s2;
	s24 =	sor.u32 $0x600, s2;
	s25 =	sor.u32 $0x500, s2  }
0xe: {  	s2 =	sor.u32 $0x400, s2;
	s10 =	sshrl.u32 s10, $0x3;
	s0 =	sadd.s32 s5, s0  }
0xf: {  	s5 =	ssub.s32 s9, s16;
	s19 =	sshrl.u32 s6, $0x3;
	s23 =	sshrl.u32 s22, $0x3  }
0x10: {  	s26 =	sshrl.u32 s25, $0x3;
	s2 =	sshrl.u32 s2, $0x3;
	s25 =	simm.s32 $0x6  }
0x11: {  	s9 =	simm.s32 $0x0;
	[dreg:$0xa] =	wrdreg s10;
	s6 =	sadd.s32 s8, s19  }
0x12: {  	s0 =	sadd.s32 $0x6CE00, s0;
	s5 =	smax.u32 s5, $0x1;
	s13 =	sadd.s32 s23, s8  }
0x13: {  	s15 =	sadd.s32 s26, s8;
	s16 =	sadd.s32 s2, s8;
	s19 =	simm.s32 $0x100  }
0x14: {  	s23 =	simm.s32 $0x7D;
	s26 =	simm.s32 $0x4400;
	[dreg:$0x4] =	wrdreg s6  }
0x15: {  	s2 =	simm.s32 $0x180;
	s20 =	sadd.s32 $0x20, s6;
	[dreg:$0x8] =	wrdreg s0  }
.Ltmp0:
0x16: {  	s21 =	sadd.s32 $0x40, s6;
	[dreg:$0x9] =	wrdreg s5;
	(pc) =	sbr.rel .LBB2_1-.Ltmp0, $4  }
0x17: {  	s6 =	sadd.s32 $0x60, s6;
	s0 =	sshrl.u32 s24, $0x3;
	[dreg:$0x5] =	wrdreg s20  }
0x18: {  	s24 =	simm.s32 $0x400;
	s5 =	simm.s32 $0x4;
	[dreg:$0x6] =	wrdreg s21  }
0x19: {  	[dreg:$0x7] =	wrdreg s6;
	s14 =	sadd.s32 s0, s8;
	s20 =	simm.s32 $0x200  }
0x1a: {  	s21 =	simm.s32 $0x300;
	s0 =	simm.s32 $0x2;
	s8 =	simm.s32 $0x380  }
.LBB2_4:
0x1b: {  	_ =	swait.ge [sflag:s30], $0x3E80  }
0x1c: {  	[sflag:s30] =	ssyncset.done $0x0  }
0x1d: {  	[sflag:s30] =	ssyncadd.s32 $0xFFFFC180  }
0x1e: {  	_ =	swait.ge [sflag:s5], $0x3E80  }
0x1f: {  	[sflag:s5] =	ssyncset.done $0x0  }
0x20: {  	[sflag:s5] =	ssyncadd.s32 $0xFFFFC180  }
0x21: {  	[bflag:$0x0] =	sbarrier.arrive $0xFFFF  }
0x22: {  	s6 =	rddreg [dreg:$0x8]  }
0x23: {  	s10 =	rddreg [dreg:$0xa]  }
0x24: {  	[hbm:s6], [sflag:s17] =	dma.local [spmem:s10], $0x2800  }
0x25: {  	_ =	swait.ge [sflag:s18], $0x2800  }
0x26: {  	s9 =	sadd.s32 $0x1, s9;
	s22 =	rddreg [dreg:$0x9]  }
0x27: {  	p0 =	sne.s32 s9, s22  }
.Ltmp1:
0x28: {  	_ = 	snop;
	(pc) =	sbr.rel @!p0 .LBB2_5-.Ltmp1, $3  }
0x29: {  	_ =	sdelay $0x1  }
0x2a: {  	[sflag:s18] =	ssyncset.done $0x0  }
0x2b: {  	s7 =	smov.u32 s17;
	[sflag:s18] =	ssyncadd.s32 $0xFFFFD800  }
.LBB2_1:
0x2c: {  	s6 =	rddreg [dreg:$0x3]  }
0x2d: {  	[spmem:s10], [sflag:s7] =	dma.local [hbm:s6], $0x2800  }
0x2e: {  	_ =	swait.ge [sflag:s18], $0x2800  }
0x2f: {  	[sflag:s18] =	ssyncset.done $0x0  }
0x30: {  	[sflag:s18] =	ssyncadd.s32 $0xFFFFD800  }
0x31: {  	[bflag:$0x0] =	sbarrier.arrive $0xFFFF  }
0x32: {  	s17 =	smov.u32 s7;
	s7 =	rddreg [dreg:$0x4]  }
0x33: {  	[tilespmem:s3], [sflag:$0x5] =	stream.linear.gather [hbm4b:s7+s3], $0x100, $0x38;
	[tilespmem:$0x1C400] =	vst v63  }
0x34: {  	s10 =	rddreg [dreg:$0x5]  }
0x35: {  	[tilespmem:s19], [sflag:$0x6] =	stream.linear.gather [hbm4b:s10+s3], $0x100, $0x38;
	[tilespmem:$0x1C400] =	vst v63  }
0x36: {  	s11 =	rddreg [dreg:$0x6]  }
0x37: {  	[tilespmem:s20], [sflag:$0x7] =	stream.linear.gather [hbm4b:s11+s3], $0x100, $0x38;
	[tilespmem:$0x1C400] =	vst v63  }
0x38: {  	s22 =	simm.s32 $0x5;
	s12 =	rddreg [dreg:$0x7]  }
0x39: {  	[tilespmem:s21], [sflag:$0x8] =	stream.linear.gather [hbm4b:s12+s3], $0x100, $0x38;
	[tilespmem:$0x1C400] =	vst v63  }
0x3a: {  	_ =	swait.ge [sflag:s22], $0x100  }
0x3b: {  	[sflag:s22] =	ssyncset.done $0x0  }
0x3c: {  	[sflag:s22] =	ssyncadd.s32 $0xFFFFFF00  }
0x3d: {  	[tilespmem:s24], [sflag:$0x1] =	stream.indirect.gather [hbm4b:s4+s23], $0x80, s3, s23, $0xb8;
	[tilespmem:$0x1C400] =	vst v63  }
0x3e: {  	_ =	swait.ge [sflag:s25], $0x100  }
0x3f: {  	[sflag:s25] =	ssyncset.done $0x0  }
0x40: {  	s10 =	simm.s32 $0x0;
	[sflag:s25] =	ssyncadd.s32 $0xFFFFFF00  }
0x41: {  	[tilespmem:s26], [sflag:$0x2] =	stream.indirect.gather [hbm4b:s4+s23], $0x80, s19, s23, $0xb8;
	[tilespmem:$0x1C400] =	vst v63  }
.LBB2_2:
0x42: {  	_ =	swait.ge [sflag:s28], $0x3E80  }
0x43: {  	[sflag:s28] =	ssyncset.done $0x0  }
0x44: {  	[sflag:s28] =	ssyncadd.s32 $0xFFFFC180  }
0x45: {  	[spmem:s1] =	stream.indirect.scatter.add.f32 [tilespmem:s24], [sflag:$0x3], $0x80, s29, s23, $0xb8;
	[tilespmem:$0x1C400] =	vst v63  }
0x46: {  	_ =	swait.ge [sflag:s30], $0x3E80  }
0x47: {  	p0 =	seq.s32 s10, $0x980;
	[sflag:s30] =	ssyncset.done $0x0  }
0x48: {  	s11 =	sadd.s32 @!p0 s10, s16;
	s12 =	simm.s32 @!p0 $0x0;
	[sflag:s30] =	ssyncadd.s32 $0xFFFFC180  }
0x49: {  	[tilespmem:s12], [sflag:$0x5] =	stream.linear.gather @!p0 [hbm4b:s11+s12], $0x100, $0x38;
	[tilespmem:$0x1C400] =	vst v63  }
0x4a: {  	_ =	swait.ge [sflag:s31], $0x100  }
0x4b: {  	[sflag:s31] =	ssyncset.done $0x0  }
0x4c: {  	[sflag:s31] =	ssyncadd.s32 $0xFFFFFF00  }
0x4d: {  	[tilespmem:s24], [sflag:$0x1] =	stream.indirect.gather [hbm4b:s4+s23], $0x80, s20, s23, $0xb8;
	[tilespmem:$0x1C400] =	vst v63  }
0x4e: {  	_ =	swait.ge [sflag:s0], $0x3E80  }
0x4f: {  	[sflag:s0] =	ssyncset.done $0x0  }
0x50: {  	[sflag:s0] =	ssyncadd.s32 $0xFFFFC180  }
0x51: {  	[spmem:s1] =	stream.indirect.scatter.add.f32 [tilespmem:s26], [sflag:$0x4], $0x80, s2, s23, $0xb8;
	[tilespmem:$0x1C400] =	vst v63  }
0x52: {  	_ =	swait.ge [sflag:s5], $0x3E80  }
0x53: {  	[sflag:s5] =	ssyncset.done $0x0  }
0x54: {  	s11 =	simm.s32 @p0 $0x8;
	[sflag:s5] =	ssyncadd.s32 $0xFFFFC180  }
0x55: {  	_ =	swait.ge @p0 [sflag:s11], $0x100  }
0x56: {  	s7 =	simm.s32 @p0 $0x300;
	[sflag:s11] =	ssyncset.done @p0 $0x0  }
0x57: {  	s22 =	simm.s32 @p0 $0x4400;
	[sflag:s11] =	ssyncadd.s32 @p0 $0xFFFFFF00;
	s11 =	simm.s32 @p0 $0x7D  }
0x58: {  	[tilespmem:s22], [sflag:$0x2] =	stream.indirect.gather @p0 [hbm4b:s4+s11], $0x80, s7, s11, $0xb8;
	[tilespmem:$0x1C400] =	vst v63  }
0x59: {  	s7 =	simm.s32 @p0 $0x1  }
0x5a: {  	_ =	swait.ge @p0 [sflag:s7], $0x3E80  }
0x5b: {  	[sflag:s7] =	ssyncset.done @p0 $0x0  }
0x5c: {  	s22 =	simm.s32 @p0 $0x400;
	[sflag:s7] =	ssyncadd.s32 @p0 $0xFFFFC180;
	s7 =	simm.s32 @p0 $0x280  }
0x5d: {  	[spmem:s1] =	stream.indirect.scatter.add.f32 @p0 [tilespmem:s22], [sflag:$0x3], $0x80, s7, s11, $0xb8;
	[tilespmem:$0x1C400] =	vst v63  }
0x5e: {  	s7 =	sadd.s32 @!p0 s10, s15;
	s11 =	simm.s32 @!p0 $0x100  }
0x5f: {  	[tilespmem:s11], [sflag:$0x6] =	stream.linear.gather @!p0 [hbm4b:s7+s12], $0x100, $0x38;
	[tilespmem:$0x1C400] =	vst v63  }
0x60: {  	s7 =	simm.s32 @!p0 $0x8  }
0x61: {  	_ =	swait.ge @!p0 [sflag:s7], $0x100  }
0x62: {  	s22 =	simm.s32 @!p0 $0x4400;
	[sflag:s7] =	ssyncset.done @!p0 $0x0  }
0x63: {  	s11 =	simm.s32 @!p0 $0x300;
	[sflag:s7] =	ssyncadd.s32 @!p0 $0xFFFFFF00;
	s7 =	simm.s32 @!p0 $0x7D  }
0x64: {  	[tilespmem:s22], [sflag:$0x2] =	stream.indirect.gather @!p0 [hbm4b:s4+s7], $0x80, s11, s7, $0xb8;
	[tilespmem:$0x1C400] =	vst v63  }
0x65: {  	s11 =	simm.s32 @!p0 $0x1  }
0x66: {  	_ =	swait.ge @!p0 [sflag:s11], $0x3E80  }
0x67: {  	[sflag:s11] =	ssyncset.done @!p0 $0x0  }
0x68: {  	s22 =	simm.s32 @!p0 $0x400;
	[sflag:s11] =	ssyncadd.s32 @!p0 $0xFFFFC180;
	s11 =	simm.s32 @!p0 $0x280  }
0x69: {  	[spmem:s1] =	stream.indirect.scatter.add.f32 @!p0 [tilespmem:s22], [sflag:$0x3], $0x80, s11, s7, $0xb8;
	[tilespmem:$0x1C400] =	vst v63  }
0x6a: {  	s11 =	simm.s32 @!p0 $0x3  }
0x6b: {  	_ =	swait.ge @!p0 [sflag:s11], $0x3E80  }
0x6c: {  	[sflag:s11] =	ssyncset.done @!p0 $0x0  }
0x6d: {  	s6 =	simm.s32 @!p0 $0x200;
	[sflag:s11] =	ssyncadd.s32 @!p0 $0xFFFFC180;
	s11 =	sadd.s32 @!p0 s10, s14  }
0x6e: {  	[tilespmem:s6], [sflag:$0x7] =	stream.linear.gather @!p0 [hbm4b:s11+s12], $0x100, $0x38;
	[tilespmem:$0x1C400] =	vst v63  }
0x6f: {  	s6 =	simm.s32 @!p0 $0x5  }
0x70: {  	_ =	swait.ge @!p0 [sflag:s6], $0x100  }
0x71: {  	[sflag:s6] =	ssyncset.done @!p0 $0x0  }
0x72: {  	[sflag:s6] =	ssyncadd.s32 @!p0 $0xFFFFFF00  }
0x73: {  	[tilespmem:s22], [sflag:$0x1] =	stream.indirect.gather @!p0 [hbm4b:s4+s7], $0x80, s12, s7, $0xb8;
	[tilespmem:$0x1C400] =	vst v63  }
.Ltmp2:
0x74: {  	_ = 	snop;
	(pc) =	sbr.rel @p0 .LBB2_4-.Ltmp2, $4  }
0x75: {  	_ =	swait.ge [sflag:s0], $0x3E80  }
0x76: {  	[sflag:s0] =	ssyncset.done $0x0  }
0x77: {  	[sflag:s0] =	ssyncadd.s32 $0xFFFFC180  }
0x78: {  	[spmem:s1] =	stream.indirect.scatter.add.f32 [tilespmem:s26], [sflag:$0x4], $0x80, s8, s23, $0xb8;
	[tilespmem:$0x1C400] =	vst v63  }
0x79: {  	_ =	swait.ge [sflag:s5], $0x3E80  }
0x7a: {  	[sflag:s5] =	ssyncset.done $0x0  }
0x7b: {  	s6 =	sadd.s32 s10, s13;
	[sflag:s5] =	ssyncadd.s32 $0xFFFFC180  }
0x7c: {  	[tilespmem:s21], [sflag:$0x8] =	stream.linear.gather [hbm4b:s6+s3], $0x100, $0x38;
	[tilespmem:$0x1C400] =	vst v63  }
.Ltmp3:
0x7d: {  	_ = 	snop;
	(pc) =	sbr.rel .LBB2_2-.Ltmp3, $4  }
0x7e: {  	_ =	swait.ge [sflag:s25], $0x100  }
0x7f: {  	[sflag:s25] =	ssyncset.done $0x0  }
0x80: {  	s10 =	sadd.s32 $0x80, s10;
	[sflag:s25] =	ssyncadd.s32 $0xFFFFFF00  }
0x81: {  	[tilespmem:s26], [sflag:$0x2] =	stream.indirect.gather [hbm4b:s4+s23], $0x80, s19, s23, $0xb8;
	[tilespmem:$0x1C400] =	vst v63  }
.LBB2_5:
0x82: {  	_ =	sfence.sel $0x180000  }
0x83: {  	[bflag:$0x0] =	sbarrier.arrive $0xFFFF  }
0x84: {  	_ =	strace $0x90000050  }
0x85: {  	s0 =	stileid.u32;
	[bflag:$0x2] =	sbarrier.arrive $0xFFFF  }
0x86: {  	p0 =	sne.s32 s0, $0x0;
	s0 =	rddreg [dreg:$0x2]  }
0x87: {  	s0 =	sadd.s32 @!p0 $0x100000, s0  }
0x88: {  	[sflag:s0] =	ssyncadd.tile.s32 @!p0 $0x1;
	_ =	shalt  }
.Lfunc_end2:
_tile_overlayer_lowered:
.L_overlay_start_2:
0x89: {  	(tag) =	ssettag $0x2  }
0x8a: {  	s0 =	rddreg [dreg:$0x0];
	s2 =	stileid.u32  }
0x8b: {  	s1 =	rddreg [dreg:$0x1];
	p0 =	sne.s32 s2, $0x0  }
0x8c: {  	s3 =	rddreg [dreg:$0x2];
	[bflag:$0x3] =	sbarrier.arrive $0xFFFF;
	s2 =	simm.s32 @!p0 $0x1C09  }
0x8d: {  	[timem:s3], [sflag:s2] =	dma.local @!p0 [hbm:s0], s1  }
0x8e: {  	s0 =	simm.s32 @!p0 $0x9  }
0x8f: {  	_ =	swait.ge @!p0 [sflag:s0], s1  }
0x90: {  	s1 =	ssub.s32 @!p0 $0x0, s1;
	[sflag:s0] =	ssyncset.done @!p0 $0x0  }
0x91: {  	[sflag:s0] =	ssyncadd.s32 @!p0 s1  }
0x92: {  	[bflag:$0x3] =	sbarrier.arrive $0xFFFF  }
0x93: {  	_ =	shalt  }

</sc_bundles>
